<compile_context>
chip_gen: v7x
topology: tpu7x:2x2x1
jax: 0.10.2.dev20260603
libtpu: 0.0.44.dev20260713+nightly
codegen_flags: <defaults>
</compile_context>

<pallas_src>
import math

import jax
import jax.numpy as jnp
from jax import lax
from jax.experimental import pallas as pl
from jax.experimental.pallas import tpu as pltpu
from jax.experimental.pallas import tpu_sc as plsc

D = 128
SCALE = math.sqrt(float(D))
NC = 2
NS = 16
NW = NC * NS
GROUP = 64
NBUF = 10
IW = min(GROUP, 128)


@jax.jit
def _embed(idx_grouped, weight):
    nw, n_chunks, _ = idx_grouped.shape
    group = GROUP
    n_groups = n_chunks * IW // group
    b_per_w = n_groups * group
    B = nw * b_per_w
    lookahead = min(NBUF - 1, n_groups)

    mesh = plsc.VectorSubcoreMesh(core_axis_name="c", subcore_axis_name="s")

    @lambda f: pl.kernel(
        f,
        out_type=jax.ShapeDtypeStruct((B, D), jnp.float32),
        mesh=mesh,
        scratch_types=[
            pltpu.VMEM((n_groups * (group // IW), IW), jnp.int32),
            pltpu.VMEM((NBUF, group, D), jnp.float32),
            pltpu.SemaphoreType.DMA((NBUF,)),
            pltpu.SemaphoreType.DMA((NBUF,)),
        ],
    )
    def k(idx_hbm, table_hbm, out_hbm, idx_v, rows_v, gsem, ssem):
        nsub = group // IW
        wid = lax.axis_index("s") * NC + lax.axis_index("c")
        base = wid * b_per_w
        pltpu.sync_copy(idx_hbm.at[wid], idx_v)

        def gather_slot(g, slot):
            for s in range(nsub):
                pltpu.async_copy(
                    table_hbm.at[idx_v.at[g * nsub + s]],
                    rows_v.at[slot, pl.ds(s * IW, IW)],
                    gsem.at[slot])

        def wait_slot(g, slot):
            for s in range(nsub):
                pltpu.make_async_copy(
                    table_hbm.at[idx_v.at[g * nsub + s]],
                    rows_v.at[slot, pl.ds(s * IW, IW)],
                    gsem.at[slot]).wait()

        for g in range(lookahead):
            gather_slot(g, g % NBUF)

        def superstep(i, _):
            for b in range(NBUF):
                h = i * NBUF + b
                rv = rows_v.at[b]

                wait_slot(h, b)

                @plsc.parallel_loop(0, group, unroll=4)
                def _(r):
                    for c in range(D // 16):
                        sl = (r, pl.ds(c * 16, 16))
                        rv[sl] = rv[sl] * SCALE

                pltpu.async_copy(
                    rv, out_hbm.at[pl.ds(base + h * group, group)],
                    ssem.at[b])

                nb = (b + lookahead) % NBUF

                def refill():
                    pltpu.make_async_copy(
                        rows_v.at[nb],
                        out_hbm.at[pl.ds(base, group)], ssem.at[nb]).wait()

                @pl.when(h + lookahead < n_groups)
                def _():
                    if b == 0:
                        pl.when(i >= 1)(refill)
                    else:
                        refill()
                    gather_slot(h + lookahead, nb)

            return 0

        lax.fori_loop(0, n_groups // NBUF, superstep, 0)

        for b in range(min(NBUF, n_groups)):
            pltpu.make_async_copy(
                rows_v.at[b], out_hbm.at[pl.ds(base, group)],
                ssem.at[b]).wait()

    return k(idx_grouped, weight)


def kernel(input_tensor, weight):
    bsz, seq = input_tensor.shape
    B = bsz * seq
    idx = input_tensor.reshape(NW, B // (NW * IW), IW).astype(jnp.int32)
    out = _embed(idx, weight)
    return out.reshape(bsz, seq, D)

# --- scband reference (transcript-rebuilt; emitter-appended) ---
"""Pipeline reference for scband-input-embedding-11304353923287 (READ-ONLY COPY).

The authoritative reference and input builder live on the scoring server;
editing this copy changes nothing except your own understanding.
"""

import jax, jax.numpy as jnp
import numpy as np
import math

VOCAB_SIZE = 100000
EMBEDDING_SIZE = 128
BATCH = 1024
SEQ_LEN = 200

def setup_inputs(seed: int = 0) -> dict:
    key = jax.random.key(seed)
    k1, k2 = jax.random.split(key)
    input_tensor = jax.random.randint(k1, (BATCH, SEQ_LEN), 0, VOCAB_SIZE, dtype=jnp.int64 if jax.config.jax_enable_x64 else jnp.int32)
    weight = jax.random.normal(k2, (VOCAB_SIZE, EMBEDDING_SIZE), dtype=jnp.float32)
    return {"input_tensor": input_tensor, "weight": weight}

def reference(input_tensor, weight):
    # Embedding lookup (gather) followed by sqrt(d) scaling, as in 'Attention is All You Need'
    emb = jnp.take(weight, input_tensor, axis=0)
    return emb * math.sqrt(EMBEDDING_SIZE)

if __name__ == "__main__":
    import jax
    _d = setup_inputs()
    print(jax.jit(kernel)(*tuple(_d.values())))

</pallas_src>

<mosaic_0001>
#map = affine_map<(d0, d1) -> (0, 0, 0)>
#map1 = affine_map<(d0, d1) -> (0, 0)>
module attributes {stable_mosaic.version = 14 : i64} {
  func.func @k(%arg0: i32, %arg1: i32, %arg2: memref<32x100x64xi32, #tpu.memory_space<hbm>>, %arg3: memref<100000x128xf32, #tpu.memory_space<hbm>>, %arg4: memref<204800x128xf32, #tpu.memory_space<hbm>>, %arg5: memref<100x64xi32, #tpu.memory_space<vmem>>, %arg6: memref<10x64x128xf32, #tpu.memory_space<vmem>>, %arg7: memref<10x!tpu.dma_semaphore, #tpu.memory_space<semaphore_mem>>, %arg8: memref<10x!tpu.dma_semaphore, #tpu.memory_space<semaphore_mem>>) attributes {dimension_semantics = [#tpu.dimension_semantics<core_parallel>, #tpu.dimension_semantics<subcore_parallel>], iteration_bounds = array<i64: 2, 16>, scalar_prefetch = 0 : i64, scratch_operands = 4 : i64, tpu.core_type = #tpu.core_type<sc_vector_subcore>, window_params = [{transform_indices = #map}, {transform_indices = #map1}, {transform_indices = #map1}]} {
    %mul3A = arith.constant 2 : i32
    %mul3A_0 = arith.muli %arg1, %mul3A : i32
    %add3A = arith.addi %mul3A_0, %arg0 : i32
    %mul3A_1 = arith.constant 6400 : i32
    %mul3A_2 = arith.muli %add3A, %mul3A_1 : i32
    "tpu.region"() ({
      %run_scoped3A = tpu.sem_alloc : memref<!tpu.dma_semaphore, #tpu.memory_space<semaphore_mem>>
      %dma_start3A_302 = arith.constant 0 : i32
      %dma_start3A_303 = arith.constant 0 : i32
      %dma_start3A_304 = tpu.memref_slice %arg2[%add3A, %dma_start3A_302, %dma_start3A_303] : memref<32x100x64xi32, #tpu.memory_space<hbm>> -> memref<1x100x64xi32, #tpu.memory_space<hbm>>
      %dma_start3A_305 = tpu.memref_squeeze %dma_start3A_304 : memref<1x100x64xi32, #tpu.memory_space<hbm>> -> memref<100x64xi32, #tpu.memory_space<hbm>>
      %dma_start3A_306 = arith.constant 0 : i32
      %dma_start3A_307 = arith.constant 0 : i32
      %dma_start3A_308 = tpu.memref_slice %arg2[%add3A, %dma_start3A_306, %dma_start3A_307] : memref<32x100x64xi32, #tpu.memory_space<hbm>> -> memref<1x100x64xi32, #tpu.memory_space<hbm>>
      %dma_start3A_309 = tpu.memref_squeeze %dma_start3A_308 : memref<1x100x64xi32, #tpu.memory_space<hbm>> -> memref<100x64xi32, #tpu.memory_space<hbm>>
      tpu.enqueue_dma source(%dma_start3A_309 : memref<100x64xi32, #tpu.memory_space<hbm>>) target(%arg5 : memref<100x64xi32, #tpu.memory_space<vmem>>) target_semaphore(%run_scoped3A : memref<!tpu.dma_semaphore, #tpu.memory_space<semaphore_mem>>)
      %dma_wait3A_310 = arith.constant 0 : i32
      %dma_wait3A_311 = arith.constant 0 : i32
      %dma_wait3A_312 = tpu.memref_slice %arg2[%add3A, %dma_wait3A_310, %dma_wait3A_311] : memref<32x100x64xi32, #tpu.memory_space<hbm>> -> memref<1x100x64xi32, #tpu.memory_space<hbm>>
      %dma_wait3A_313 = tpu.memref_squeeze %dma_wait3A_312 : memref<1x100x64xi32, #tpu.memory_space<hbm>> -> memref<100x64xi32, #tpu.memory_space<hbm>>
      %dma_wait3A_314 = arith.constant 0 : i32
      %dma_wait3A_315 = arith.constant 0 : i32
      %dma_wait3A_316 = tpu.memref_slice %arg2[%add3A, %dma_wait3A_314, %dma_wait3A_315] : memref<32x100x64xi32, #tpu.memory_space<hbm>> -> memref<1x100x64xi32, #tpu.memory_space<hbm>>
      %dma_wait3A_317 = tpu.memref_squeeze %dma_wait3A_316 : memref<1x100x64xi32, #tpu.memory_space<hbm>> -> memref<100x64xi32, #tpu.memory_space<hbm>>
      tpu.wait_dma2 semaphore(%run_scoped3A : memref<!tpu.dma_semaphore, #tpu.memory_space<semaphore_mem>>) src(%dma_wait3A_317 : memref<100x64xi32, #tpu.memory_space<hbm>>) dst(%arg5 : memref<100x64xi32, #tpu.memory_space<vmem>>)
      tpu.yield
    }) : () -> ()
    %dma_start3A = arith.constant 0 : i32
    %dma_start3A_3 = arith.constant 0 : i32
    %dma_start3A_4 = arith.constant 0 : i32
    %dma_start3A_5 = arith.constant 0 : i32
    %dma_start3A_6 = arith.constant 0 : i32
    %dma_start3A_7 = tpu.memref_slice %arg6[%dma_start3A_3, %dma_start3A_5, %dma_start3A_6] : memref<10x64x128xf32, #tpu.memory_space<vmem>> -> memref<1x64x128xf32, #tpu.memory_space<vmem>>
    %dma_start3A_8 = tpu.memref_squeeze %dma_start3A_7 : memref<1x64x128xf32, #tpu.memory_space<vmem>> -> memref<64x128xf32, #tpu.memory_space<vmem>>
    %dma_start3A_9 = arith.constant 0 : i32
    %dma_start3A_10 = tpu.memref_slice %arg5[%dma_start3A, %dma_start3A_9] : memref<100x64xi32, #tpu.memory_space<vmem>> -> memref<1x64xi32, #tpu.memory_space<vmem>>
    %dma_start3A_11 = tpu.memref_squeeze %dma_start3A_10 : memref<1x64xi32, #tpu.memory_space<vmem>> -> memref<64xi32, #tpu.memory_space<vmem>>
    %dma_start3A_12 = arith.constant 0 : i32
    %dma_start3A_13 = arith.constant 0 : i32
    %dma_start3A_14 = tpu.memref_slice %arg3[%dma_start3A_12, %dma_start3A_13] : memref<100000x128xf32, #tpu.memory_space<hbm>> -> memref<100000x128xf32, #tpu.memory_space<hbm>>
    %dma_start3A_15 = tpu.memref_slice %arg7[%dma_start3A_4] : memref<10x!tpu.dma_semaphore, #tpu.memory_space<semaphore_mem>> -> memref<1x!tpu.dma_semaphore, #tpu.memory_space<semaphore_mem>>
    %dma_start3A_16 = tpu.memref_squeeze %dma_start3A_15 : memref<1x!tpu.dma_semaphore, #tpu.memory_space<semaphore_mem>> -> memref<!tpu.dma_semaphore, #tpu.memory_space<semaphore_mem>>
    tpu.enqueue_indirect_dma source(%dma_start3A_14 : memref<100000x128xf32, #tpu.memory_space<hbm>>) target(%dma_start3A_8 : memref<64x128xf32, #tpu.memory_space<vmem>>) offsets(%dma_start3A_11 : memref<64xi32, #tpu.memory_space<vmem>>) semaphore(%dma_start3A_16 : memref<!tpu.dma_semaphore, #tpu.memory_space<semaphore_mem>>)
    %dma_start3A_17 = arith.constant 1 : i32
    %dma_start3A_18 = arith.constant 1 : i32
    %dma_start3A_19 = arith.constant 1 : i32
    %dma_start3A_20 = arith.constant 0 : i32
    %dma_start3A_21 = arith.constant 0 : i32
    %dma_start3A_22 = tpu.memref_slice %arg6[%dma_start3A_18, %dma_start3A_20, %dma_start3A_21] : memref<10x64x128xf32, #tpu.memory_space<vmem>> -> memref<1x64x128xf32, #tpu.memory_space<vmem>>
    %dma_start3A_23 = tpu.memref_squeeze %dma_start3A_22 : memref<1x64x128xf32, #tpu.memory_space<vmem>> -> memref<64x128xf32, #tpu.memory_space<vmem>>
    %dma_start3A_24 = arith.constant 0 : i32
    %dma_start3A_25 = tpu.memref_slice %arg5[%dma_start3A_17, %dma_start3A_24] : memref<100x64xi32, #tpu.memory_space<vmem>> -> memref<1x64xi32, #tpu.memory_space<vmem>>
    %dma_start3A_26 = tpu.memref_squeeze %dma_start3A_25 : memref<1x64xi32, #tpu.memory_space<vmem>> -> memref<64xi32, #tpu.memory_space<vmem>>
    %dma_start3A_27 = arith.constant 0 : i32
    %dma_start3A_28 = arith.constant 0 : i32
    %dma_start3A_29 = tpu.memref_slice %arg3[%dma_start3A_27, %dma_start3A_28] : memref<100000x128xf32, #tpu.memory_space<hbm>> -> memref<100000x128xf32, #tpu.memory_space<hbm>>
    %dma_start3A_30 = tpu.memref_slice %arg7[%dma_start3A_19] : memref<10x!tpu.dma_semaphore, #tpu.memory_space<semaphore_mem>> -> memref<1x!tpu.dma_semaphore, #tpu.memory_space<semaphore_mem>>
    %dma_start3A_31 = tpu.memref_squeeze %dma_start3A_30 : memref<1x!tpu.dma_semaphore, #tpu.memory_space<semaphore_mem>> -> memref<!tpu.dma_semaphore, #tpu.memory_space<semaphore_mem>>
    tpu.enqueue_indirect_dma source(%dma_start3A_29 : memref<100000x128xf32, #tpu.memory_space<hbm>>) target(%dma_start3A_23 : memref<64x128xf32, #tpu.memory_space<vmem>>) offsets(%dma_start3A_26 : memref<64xi32, #tpu.memory_space<vmem>>) semaphore(%dma_start3A_31 : memref<!tpu.dma_semaphore, #tpu.memory_space<semaphore_mem>>)
    %dma_start3A_32 = arith.constant 2 : i32
    %dma_start3A_33 = arith.constant 2 : i32
    %dma_start3A_34 = arith.constant 2 : i32
    %dma_start3A_35 = arith.constant 0 : i32
    %dma_start3A_36 = arith.constant 0 : i32
    %dma_start3A_37 = tpu.memref_slice %arg6[%dma_start3A_33, %dma_start3A_35, %dma_start3A_36] : memref<10x64x128xf32, #tpu.memory_space<vmem>> -> memref<1x64x128xf32, #tpu.memory_space<vmem>>
    %dma_start3A_38 = tpu.memref_squeeze %dma_start3A_37 : memref<1x64x128xf32, #tpu.memory_space<vmem>> -> memref<64x128xf32, #tpu.memory_space<vmem>>
    %dma_start3A_39 = arith.constant 0 : i32
    %dma_start3A_40 = tpu.memref_slice %arg5[%dma_start3A_32, %dma_start3A_39] : memref<100x64xi32, #tpu.memory_space<vmem>> -> memref<1x64xi32, #tpu.memory_space<vmem>>
    %dma_start3A_41 = tpu.memref_squeeze %dma_start3A_40 : memref<1x64xi32, #tpu.memory_space<vmem>> -> memref<64xi32, #tpu.memory_space<vmem>>
    %dma_start3A_42 = arith.constant 0 : i32
    %dma_start3A_43 = arith.constant 0 : i32
    %dma_start3A_44 = tpu.memref_slice %arg3[%dma_start3A_42, %dma_start3A_43] : memref<100000x128xf32, #tpu.memory_space<hbm>> -> memref<100000x128xf32, #tpu.memory_space<hbm>>
    %dma_start3A_45 = tpu.memref_slice %arg7[%dma_start3A_34] : memref<10x!tpu.dma_semaphore, #tpu.memory_space<semaphore_mem>> -> memref<1x!tpu.dma_semaphore, #tpu.memory_space<semaphore_mem>>
    %dma_start3A_46 = tpu.memref_squeeze %dma_start3A_45 : memref<1x!tpu.dma_semaphore, #tpu.memory_space<semaphore_mem>> -> memref<!tpu.dma_semaphore, #tpu.memory_space<semaphore_mem>>
    tpu.enqueue_indirect_dma source(%dma_start3A_44 : memref<100000x128xf32, #tpu.memory_space<hbm>>) target(%dma_start3A_38 : memref<64x128xf32, #tpu.memory_space<vmem>>) offsets(%dma_start3A_41 : memref<64xi32, #tpu.memory_space<vmem>>) semaphore(%dma_start3A_46 : memref<!tpu.dma_semaphore, #tpu.memory_space<semaphore_mem>>)
    %dma_start3A_47 = arith.constant 3 : i32
    %dma_start3A_48 = arith.constant 3 : i32
    %dma_start3A_49 = arith.constant 3 : i32
    %dma_start3A_50 = arith.constant 0 : i32
    %dma_start3A_51 = arith.constant 0 : i32
    %dma_start3A_52 = tpu.memref_slice %arg6[%dma_start3A_48, %dma_start3A_50, %dma_start3A_51] : memref<10x64x128xf32, #tpu.memory_space<vmem>> -> memref<1x64x128xf32, #tpu.memory_space<vmem>>
    %dma_start3A_53 = tpu.memref_squeeze %dma_start3A_52 : memref<1x64x128xf32, #tpu.memory_space<vmem>> -> memref<64x128xf32, #tpu.memory_space<vmem>>
    %dma_start3A_54 = arith.constant 0 : i32
    %dma_start3A_55 = tpu.memref_slice %arg5[%dma_start3A_47, %dma_start3A_54] : memref<100x64xi32, #tpu.memory_space<vmem>> -> memref<1x64xi32, #tpu.memory_space<vmem>>
    %dma_start3A_56 = tpu.memref_squeeze %dma_start3A_55 : memref<1x64xi32, #tpu.memory_space<vmem>> -> memref<64xi32, #tpu.memory_space<vmem>>
    %dma_start3A_57 = arith.constant 0 : i32
    %dma_start3A_58 = arith.constant 0 : i32
    %dma_start3A_59 = tpu.memref_slice %arg3[%dma_start3A_57, %dma_start3A_58] : memref<100000x128xf32, #tpu.memory_space<hbm>> -> memref<100000x128xf32, #tpu.memory_space<hbm>>
    %dma_start3A_60 = tpu.memref_slice %arg7[%dma_start3A_49] : memref<10x!tpu.dma_semaphore, #tpu.memory_space<semaphore_mem>> -> memref<1x!tpu.dma_semaphore, #tpu.memory_space<semaphore_mem>>
    %dma_start3A_61 = tpu.memref_squeeze %dma_start3A_60 : memref<1x!tpu.dma_semaphore, #tpu.memory_space<semaphore_mem>> -> memref<!tpu.dma_semaphore, #tpu.memory_space<semaphore_mem>>
    tpu.enqueue_indirect_dma source(%dma_start3A_59 : memref<100000x128xf32, #tpu.memory_space<hbm>>) target(%dma_start3A_53 : memref<64x128xf32, #tpu.memory_space<vmem>>) offsets(%dma_start3A_56 : memref<64xi32, #tpu.memory_space<vmem>>) semaphore(%dma_start3A_61 : memref<!tpu.dma_semaphore, #tpu.memory_space<semaphore_mem>>)
    %dma_start3A_62 = arith.constant 4 : i32
    %dma_start3A_63 = arith.constant 4 : i32
    %dma_start3A_64 = arith.constant 4 : i32
    %dma_start3A_65 = arith.constant 0 : i32
    %dma_start3A_66 = arith.constant 0 : i32
    %dma_start3A_67 = tpu.memref_slice %arg6[%dma_start3A_63, %dma_start3A_65, %dma_start3A_66] : memref<10x64x128xf32, #tpu.memory_space<vmem>> -> memref<1x64x128xf32, #tpu.memory_space<vmem>>
    %dma_start3A_68 = tpu.memref_squeeze %dma_start3A_67 : memref<1x64x128xf32, #tpu.memory_space<vmem>> -> memref<64x128xf32, #tpu.memory_space<vmem>>
    %dma_start3A_69 = arith.constant 0 : i32
    %dma_start3A_70 = tpu.memref_slice %arg5[%dma_start3A_62, %dma_start3A_69] : memref<100x64xi32, #tpu.memory_space<vmem>> -> memref<1x64xi32, #tpu.memory_space<vmem>>
    %dma_start3A_71 = tpu.memref_squeeze %dma_start3A_70 : memref<1x64xi32, #tpu.memory_space<vmem>> -> memref<64xi32, #tpu.memory_space<vmem>>
    %dma_start3A_72 = arith.constant 0 : i32
    %dma_start3A_73 = arith.constant 0 : i32
    %dma_start3A_74 = tpu.memref_slice %arg3[%dma_start3A_72, %dma_start3A_73] : memref<100000x128xf32, #tpu.memory_space<hbm>> -> memref<100000x128xf32, #tpu.memory_space<hbm>>
    %dma_start3A_75 = tpu.memref_slice %arg7[%dma_start3A_64] : memref<10x!tpu.dma_semaphore, #tpu.memory_space<semaphore_mem>> -> memref<1x!tpu.dma_semaphore, #tpu.memory_space<semaphore_mem>>
    %dma_start3A_76 = tpu.memref_squeeze %dma_start3A_75 : memref<1x!tpu.dma_semaphore, #tpu.memory_space<semaphore_mem>> -> memref<!tpu.dma_semaphore, #tpu.memory_space<semaphore_mem>>
    tpu.enqueue_indirect_dma source(%dma_start3A_74 : memref<100000x128xf32, #tpu.memory_space<hbm>>) target(%dma_start3A_68 : memref<64x128xf32, #tpu.memory_space<vmem>>) offsets(%dma_start3A_71 : memref<64xi32, #tpu.memory_space<vmem>>) semaphore(%dma_start3A_76 : memref<!tpu.dma_semaphore, #tpu.memory_space<semaphore_mem>>)
    %dma_start3A_77 = arith.constant 5 : i32
    %dma_start3A_78 = arith.constant 5 : i32
    %dma_start3A_79 = arith.constant 5 : i32
    %dma_start3A_80 = arith.constant 0 : i32
    %dma_start3A_81 = arith.constant 0 : i32
    %dma_start3A_82 = tpu.memref_slice %arg6[%dma_start3A_78, %dma_start3A_80, %dma_start3A_81] : memref<10x64x128xf32, #tpu.memory_space<vmem>> -> memref<1x64x128xf32, #tpu.memory_space<vmem>>
    %dma_start3A_83 = tpu.memref_squeeze %dma_start3A_82 : memref<1x64x128xf32, #tpu.memory_space<vmem>> -> memref<64x128xf32, #tpu.memory_space<vmem>>
    %dma_start3A_84 = arith.constant 0 : i32
    %dma_start3A_85 = tpu.memref_slice %arg5[%dma_start3A_77, %dma_start3A_84] : memref<100x64xi32, #tpu.memory_space<vmem>> -> memref<1x64xi32, #tpu.memory_space<vmem>>
    %dma_start3A_86 = tpu.memref_squeeze %dma_start3A_85 : memref<1x64xi32, #tpu.memory_space<vmem>> -> memref<64xi32, #tpu.memory_space<vmem>>
    %dma_start3A_87 = arith.constant 0 : i32
    %dma_start3A_88 = arith.constant 0 : i32
    %dma_start3A_89 = tpu.memref_slice %arg3[%dma_start3A_87, %dma_start3A_88] : memref<100000x128xf32, #tpu.memory_space<hbm>> -> memref<100000x128xf32, #tpu.memory_space<hbm>>
    %dma_start3A_90 = tpu.memref_slice %arg7[%dma_start3A_79] : memref<10x!tpu.dma_semaphore, #tpu.memory_space<semaphore_mem>> -> memref<1x!tpu.dma_semaphore, #tpu.memory_space<semaphore_mem>>
    %dma_start3A_91 = tpu.memref_squeeze %dma_start3A_90 : memref<1x!tpu.dma_semaphore, #tpu.memory_space<semaphore_mem>> -> memref<!tpu.dma_semaphore, #tpu.memory_space<semaphore_mem>>
    tpu.enqueue_indirect_dma source(%dma_start3A_89 : memref<100000x128xf32, #tpu.memory_space<hbm>>) target(%dma_start3A_83 : memref<64x128xf32, #tpu.memory_space<vmem>>) offsets(%dma_start3A_86 : memref<64xi32, #tpu.memory_space<vmem>>) semaphore(%dma_start3A_91 : memref<!tpu.dma_semaphore, #tpu.memory_space<semaphore_mem>>)
    %dma_start3A_92 = arith.constant 6 : i32
    %dma_start3A_93 = arith.constant 6 : i32
    %dma_start3A_94 = arith.constant 6 : i32
    %dma_start3A_95 = arith.constant 0 : i32
    %dma_start3A_96 = arith.constant 0 : i32
    %dma_start3A_97 = tpu.memref_slice %arg6[%dma_start3A_93, %dma_start3A_95, %dma_start3A_96] : memref<10x64x128xf32, #tpu.memory_space<vmem>> -> memref<1x64x128xf32, #tpu.memory_space<vmem>>
    %dma_start3A_98 = tpu.memref_squeeze %dma_start3A_97 : memref<1x64x128xf32, #tpu.memory_space<vmem>> -> memref<64x128xf32, #tpu.memory_space<vmem>>
    %dma_start3A_99 = arith.constant 0 : i32
    %dma_start3A_100 = tpu.memref_slice %arg5[%dma_start3A_92, %dma_start3A_99] : memref<100x64xi32, #tpu.memory_space<vmem>> -> memref<1x64xi32, #tpu.memory_space<vmem>>
    %dma_start3A_101 = tpu.memref_squeeze %dma_start3A_100 : memref<1x64xi32, #tpu.memory_space<vmem>> -> memref<64xi32, #tpu.memory_space<vmem>>
    %dma_start3A_102 = arith.constant 0 : i32
    %dma_start3A_103 = arith.constant 0 : i32
    %dma_start3A_104 = tpu.memref_slice %arg3[%dma_start3A_102, %dma_start3A_103] : memref<100000x128xf32, #tpu.memory_space<hbm>> -> memref<100000x128xf32, #tpu.memory_space<hbm>>
    %dma_start3A_105 = tpu.memref_slice %arg7[%dma_start3A_94] : memref<10x!tpu.dma_semaphore, #tpu.memory_space<semaphore_mem>> -> memref<1x!tpu.dma_semaphore, #tpu.memory_space<semaphore_mem>>
    %dma_start3A_106 = tpu.memref_squeeze %dma_start3A_105 : memref<1x!tpu.dma_semaphore, #tpu.memory_space<semaphore_mem>> -> memref<!tpu.dma_semaphore, #tpu.memory_space<semaphore_mem>>
    tpu.enqueue_indirect_dma source(%dma_start3A_104 : memref<100000x128xf32, #tpu.memory_space<hbm>>) target(%dma_start3A_98 : memref<64x128xf32, #tpu.memory_space<vmem>>) offsets(%dma_start3A_101 : memref<64xi32, #tpu.memory_space<vmem>>) semaphore(%dma_start3A_106 : memref<!tpu.dma_semaphore, #tpu.memory_space<semaphore_mem>>)
    %dma_start3A_107 = arith.constant 7 : i32
    %dma_start3A_108 = arith.constant 7 : i32
    %dma_start3A_109 = arith.constant 7 : i32
    %dma_start3A_110 = arith.constant 0 : i32
    %dma_start3A_111 = arith.constant 0 : i32
    %dma_start3A_112 = tpu.memref_slice %arg6[%dma_start3A_108, %dma_start3A_110, %dma_start3A_111] : memref<10x64x128xf32, #tpu.memory_space<vmem>> -> memref<1x64x128xf32, #tpu.memory_space<vmem>>
    %dma_start3A_113 = tpu.memref_squeeze %dma_start3A_112 : memref<1x64x128xf32, #tpu.memory_space<vmem>> -> memref<64x128xf32, #tpu.memory_space<vmem>>
    %dma_start3A_114 = arith.constant 0 : i32
    %dma_start3A_115 = tpu.memref_slice %arg5[%dma_start3A_107, %dma_start3A_114] : memref<100x64xi32, #tpu.memory_space<vmem>> -> memref<1x64xi32, #tpu.memory_space<vmem>>
    %dma_start3A_116 = tpu.memref_squeeze %dma_start3A_115 : memref<1x64xi32, #tpu.memory_space<vmem>> -> memref<64xi32, #tpu.memory_space<vmem>>
    %dma_start3A_117 = arith.constant 0 : i32
    %dma_start3A_118 = arith.constant 0 : i32
    %dma_start3A_119 = tpu.memref_slice %arg3[%dma_start3A_117, %dma_start3A_118] : memref<100000x128xf32, #tpu.memory_space<hbm>> -> memref<100000x128xf32, #tpu.memory_space<hbm>>
    %dma_start3A_120 = tpu.memref_slice %arg7[%dma_start3A_109] : memref<10x!tpu.dma_semaphore, #tpu.memory_space<semaphore_mem>> -> memref<1x!tpu.dma_semaphore, #tpu.memory_space<semaphore_mem>>
    %dma_start3A_121 = tpu.memref_squeeze %dma_start3A_120 : memref<1x!tpu.dma_semaphore, #tpu.memory_space<semaphore_mem>> -> memref<!tpu.dma_semaphore, #tpu.memory_space<semaphore_mem>>
    tpu.enqueue_indirect_dma source(%dma_start3A_119 : memref<100000x128xf32, #tpu.memory_space<hbm>>) target(%dma_start3A_113 : memref<64x128xf32, #tpu.memory_space<vmem>>) offsets(%dma_start3A_116 : memref<64xi32, #tpu.memory_space<vmem>>) semaphore(%dma_start3A_121 : memref<!tpu.dma_semaphore, #tpu.memory_space<semaphore_mem>>)
    %dma_start3A_122 = arith.constant 8 : i32
    %dma_start3A_123 = arith.constant 8 : i32
    %dma_start3A_124 = arith.constant 8 : i32
    %dma_start3A_125 = arith.constant 0 : i32
    %dma_start3A_126 = arith.constant 0 : i32
    %dma_start3A_127 = tpu.memref_slice %arg6[%dma_start3A_123, %dma_start3A_125, %dma_start3A_126] : memref<10x64x128xf32, #tpu.memory_space<vmem>> -> memref<1x64x128xf32, #tpu.memory_space<vmem>>
    %dma_start3A_128 = tpu.memref_squeeze %dma_start3A_127 : memref<1x64x128xf32, #tpu.memory_space<vmem>> -> memref<64x128xf32, #tpu.memory_space<vmem>>
    %dma_start3A_129 = arith.constant 0 : i32
    %dma_start3A_130 = tpu.memref_slice %arg5[%dma_start3A_122, %dma_start3A_129] : memref<100x64xi32, #tpu.memory_space<vmem>> -> memref<1x64xi32, #tpu.memory_space<vmem>>
    %dma_start3A_131 = tpu.memref_squeeze %dma_start3A_130 : memref<1x64xi32, #tpu.memory_space<vmem>> -> memref<64xi32, #tpu.memory_space<vmem>>
    %dma_start3A_132 = arith.constant 0 : i32
    %dma_start3A_133 = arith.constant 0 : i32
    %dma_start3A_134 = tpu.memref_slice %arg3[%dma_start3A_132, %dma_start3A_133] : memref<100000x128xf32, #tpu.memory_space<hbm>> -> memref<100000x128xf32, #tpu.memory_space<hbm>>
    %dma_start3A_135 = tpu.memref_slice %arg7[%dma_start3A_124] : memref<10x!tpu.dma_semaphore, #tpu.memory_space<semaphore_mem>> -> memref<1x!tpu.dma_semaphore, #tpu.memory_space<semaphore_mem>>
    %dma_start3A_136 = tpu.memref_squeeze %dma_start3A_135 : memref<1x!tpu.dma_semaphore, #tpu.memory_space<semaphore_mem>> -> memref<!tpu.dma_semaphore, #tpu.memory_space<semaphore_mem>>
    tpu.enqueue_indirect_dma source(%dma_start3A_134 : memref<100000x128xf32, #tpu.memory_space<hbm>>) target(%dma_start3A_128 : memref<64x128xf32, #tpu.memory_space<vmem>>) offsets(%dma_start3A_131 : memref<64xi32, #tpu.memory_space<vmem>>) semaphore(%dma_start3A_136 : memref<!tpu.dma_semaphore, #tpu.memory_space<semaphore_mem>>)
    %scan3A = arith.constant 0 : i32
    %scan3A_137 = arith.constant 0 : i32
    %scan3A_138 = arith.constant 10 : i32
    %scan3A_139 = arith.addi %scan3A_137, %scan3A_138 : i32
    %scan3A_140 = arith.constant 1 : i32
    %scan3A_141 = scf.for %scan3A_302 = %scan3A_137 to %scan3A_139 step %scan3A_140 iter_args(%scan3A_303 = %scan3A) -> (i32)  : i32 {
      %mul3A_304 = arith.constant 10 : i32
      %mul3A_305 = arith.muli %scan3A_302, %mul3A_304 : i32
      %add3A_306 = arith.constant 0 : i32
      %add3A_307 = arith.addi %mul3A_305, %add3A_306 : i32
      %mul3A_308 = arith.constant 1 : i32
      %mul3A_309 = arith.muli %add3A_307, %mul3A_308 : i32
      %add3A_310 = arith.constant 0 : i32
      %add3A_311 = arith.addi %mul3A_309, %add3A_310 : i32
      %dma_wait3A_312 = arith.constant 0 : i32
      %dma_wait3A_313 = arith.constant 0 : i32
      %dma_wait3A_314 = arith.constant 0 : i32
      %dma_wait3A_315 = arith.constant 0 : i32
      %dma_wait3A_316 = tpu.memref_slice %arg6[%dma_wait3A_312, %dma_wait3A_314, %dma_wait3A_315] : memref<10x64x128xf32, #tpu.memory_space<vmem>> -> memref<1x64x128xf32, #tpu.memory_space<vmem>>
      %dma_wait3A_317 = tpu.memref_squeeze %dma_wait3A_316 : memref<1x64x128xf32, #tpu.memory_space<vmem>> -> memref<64x128xf32, #tpu.memory_space<vmem>>
      %dma_wait3A_318 = arith.constant 0 : i32
      %dma_wait3A_319 = tpu.memref_slice %arg5[%add3A_311, %dma_wait3A_318] : memref<100x64xi32, #tpu.memory_space<vmem>> -> memref<1x64xi32, #tpu.memory_space<vmem>>
      %dma_wait3A_320 = tpu.memref_squeeze %dma_wait3A_319 : memref<1x64xi32, #tpu.memory_space<vmem>> -> memref<64xi32, #tpu.memory_space<vmem>>
      %dma_wait3A_321 = arith.constant 0 : i32
      %dma_wait3A_322 = arith.constant 0 : i32
      %dma_wait3A_323 = tpu.memref_slice %arg3[%dma_wait3A_321, %dma_wait3A_322] : memref<100000x128xf32, #tpu.memory_space<hbm>> -> memref<100000x128xf32, #tpu.memory_space<hbm>>
      %dma_wait3A_324 = tpu.memref_slice %arg7[%dma_wait3A_313] : memref<10x!tpu.dma_semaphore, #tpu.memory_space<semaphore_mem>> -> memref<1x!tpu.dma_semaphore, #tpu.memory_space<semaphore_mem>>
      %dma_wait3A_325 = tpu.memref_squeeze %dma_wait3A_324 : memref<1x!tpu.dma_semaphore, #tpu.memory_space<semaphore_mem>> -> memref<!tpu.dma_semaphore, #tpu.memory_space<semaphore_mem>>
      tpu.wait_indirect_dma semaphore(%dma_wait3A_325 : memref<!tpu.dma_semaphore, #tpu.memory_space<semaphore_mem>>) src(%dma_wait3A_323 : memref<100000x128xf32, #tpu.memory_space<hbm>>) dst(%dma_wait3A_317 : memref<64x128xf32, #tpu.memory_space<vmem>>)
      %parallel_loop3A = arith.constant 0 : i32
      %parallel_loop3A_326 = arith.constant 64 : i32
      %parallel_loop3A_327 = arith.constant 1 : i32
      %parallel_loop3A_328 = arith.constant 0 : i32
      scf.for %parallel_loop3A_821 = %parallel_loop3A to %parallel_loop3A_326 step %parallel_loop3A_327  : i32 {
        %parallel_loop3A_822 = arith.constant 0 : i32
        %parallel_loop3A_823 = arith.constant 0 : i32
        %parallel_loop3A_824 = tpu.memref_slice %arg6[%parallel_loop3A_328, %parallel_loop3A_822, %parallel_loop3A_823] : memref<10x64x128xf32, #tpu.memory_space<vmem>> -> memref<1x64x128xf32, #tpu.memory_space<vmem>>
        %parallel_loop3A_825 = tpu.memref_squeeze %parallel_loop3A_824 : memref<1x64x128xf32, #tpu.memory_space<vmem>> -> memref<64x128xf32, #tpu.memory_space<vmem>>
        %parallel_loop3A_826 = arith.index_cast %parallel_loop3A_821 : i32 to index
        %parallel_loop3A_827 = arith.constant 0 : index
        %parallel_loop3A_828 = tpu.vector_load %parallel_loop3A_825[%parallel_loop3A_826, %parallel_loop3A_827] {strides = array<i32>} : memref<64x128xf32, #tpu.memory_space<vmem>>, vector<1x16xf32>,
        %parallel_loop3A_829 = vector.shape_cast %parallel_loop3A_828 : vector<1x16xf32> to vector<16xf32>
        %parallel_loop3A_830 = arith.constant 11.3137083 : f32
        %parallel_loop3A_831 = vector.broadcast %parallel_loop3A_830 : f32 to vector<16xf32>
        %parallel_loop3A_832 = arith.mulf %parallel_loop3A_829, %parallel_loop3A_831 : vector<16xf32>
        %parallel_loop3A_833 = arith.constant 0 : i32
        %parallel_loop3A_834 = arith.constant 0 : i32
        %parallel_loop3A_835 = tpu.memref_slice %arg6[%parallel_loop3A_328, %parallel_loop3A_833, %parallel_loop3A_834] : memref<10x64x128xf32, #tpu.memory_space<vmem>> -> memref<1x64x128xf32, #tpu.memory_space<vmem>>
        %parallel_loop3A_836 = tpu.memref_squeeze %parallel_loop3A_835 : memref<1x64x128xf32, #tpu.memory_space<vmem>> -> memref<64x128xf32, #tpu.memory_space<vmem>>
        %parallel_loop3A_837 = arith.index_cast %parallel_loop3A_821 : i32 to index
        %parallel_loop3A_838 = arith.constant 0 : index
        %parallel_loop3A_839 = tpu.vector_load %parallel_loop3A_836[%parallel_loop3A_837, %parallel_loop3A_838] {strides = array<i32>} : memref<64x128xf32, #tpu.memory_space<vmem>>, vector<1x16xf32>,
        %parallel_loop3A_840 = vector.shape_cast %parallel_loop3A_839 : vector<1x16xf32> to vector<16xf32>
        %parallel_loop3A_841 = vector.shape_cast %parallel_loop3A_832 : vector<16xf32> to vector<1x16xf32>
        tpu.vector_store %parallel_loop3A_836[%parallel_loop3A_837, %parallel_loop3A_838], %parallel_loop3A_841 {strides = array<i32>} : memref<64x128xf32, #tpu.memory_space<vmem>>, vector<1x16xf32>,
        %parallel_loop3A_842 = arith.constant 0 : i32
        %parallel_loop3A_843 = arith.constant 0 : i32
        %parallel_loop3A_844 = tpu.memref_slice %arg6[%parallel_loop3A_328, %parallel_loop3A_842, %parallel_loop3A_843] : memref<10x64x128xf32, #tpu.memory_space<vmem>> -> memref<1x64x128xf32, #tpu.memory_space<vmem>>
        %parallel_loop3A_845 = tpu.memref_squeeze %parallel_loop3A_844 : memref<1x64x128xf32, #tpu.memory_space<vmem>> -> memref<64x128xf32, #tpu.memory_space<vmem>>
        %parallel_loop3A_846 = arith.index_cast %parallel_loop3A_821 : i32 to index
        %parallel_loop3A_847 = arith.constant 16 : index
        %parallel_loop3A_848 = tpu.vector_load %parallel_loop3A_845[%parallel_loop3A_846, %parallel_loop3A_847] {strides = array<i32>} : memref<64x128xf32, #tpu.memory_space<vmem>>, vector<1x16xf32>,
        %parallel_loop3A_849 = vector.shape_cast %parallel_loop3A_848 : vector<1x16xf32> to vector<16xf32>
        %parallel_loop3A_850 = arith.constant 11.3137083 : f32
        %parallel_loop3A_851 = vector.broadcast %parallel_loop3A_850 : f32 to vector<16xf32>
        %parallel_loop3A_852 = arith.mulf %parallel_loop3A_849, %parallel_loop3A_851 : vector<16xf32>
        %parallel_loop3A_853 = arith.constant 0 : i32
        %parallel_loop3A_854 = arith.constant 0 : i32
        %parallel_loop3A_855 = tpu.memref_slice %arg6[%parallel_loop3A_328, %parallel_loop3A_853, %parallel_loop3A_854] : memref<10x64x128xf32, #tpu.memory_space<vmem>> -> memref<1x64x128xf32, #tpu.memory_space<vmem>>
        %parallel_loop3A_856 = tpu.memref_squeeze %parallel_loop3A_855 : memref<1x64x128xf32, #tpu.memory_space<vmem>> -> memref<64x128xf32, #tpu.memory_space<vmem>>
        %parallel_loop3A_857 = arith.index_cast %parallel_loop3A_821 : i32 to index
        %parallel_loop3A_858 = arith.constant 16 : index
        %parallel_loop3A_859 = tpu.vector_load %parallel_loop3A_856[%parallel_loop3A_857, %parallel_loop3A_858] {strides = array<i32>} : memref<64x128xf32, #tpu.memory_space<vmem>>, vector<1x16xf32>,
        %parallel_loop3A_860 = vector.shape_cast %parallel_loop3A_859 : vector<1x16xf32> to vector<16xf32>
        %parallel_loop3A_861 = vector.shape_cast %parallel_loop3A_852 : vector<16xf32> to vector<1x16xf32>
        tpu.vector_store %parallel_loop3A_856[%parallel_loop3A_857, %parallel_loop3A_858], %parallel_loop3A_861 {strides = array<i32>} : memref<64x128xf32, #tpu.memory_space<vmem>>, vector<1x16xf32>,
        %parallel_loop3A_862 = arith.constant 0 : i32
        %parallel_loop3A_863 = arith.constant 0 : i32
        %parallel_loop3A_864 = tpu.memref_slice %arg6[%parallel_loop3A_328, %parallel_loop3A_862, %parallel_loop3A_863] : memref<10x64x128xf32, #tpu.memory_space<vmem>> -> memref<1x64x128xf32, #tpu.memory_space<vmem>>
        %parallel_loop3A_865 = tpu.memref_squeeze %parallel_loop3A_864 : memref<1x64x128xf32, #tpu.memory_space<vmem>> -> memref<64x128xf32, #tpu.memory_space<vmem>>
        %parallel_loop3A_866 = arith.index_cast %parallel_loop3A_821 : i32 to index
        %parallel_loop3A_867 = arith.constant 32 : index
        %parallel_loop3A_868 = tpu.vector_load %parallel_loop3A_865[%parallel_loop3A_866, %parallel_loop3A_867] {strides = array<i32>} : memref<64x128xf32, #tpu.memory_space<vmem>>, vector<1x16xf32>,
        %parallel_loop3A_869 = vector.shape_cast %parallel_loop3A_868 : vector<1x16xf32> to vector<16xf32>
        %parallel_loop3A_870 = arith.constant 11.3137083 : f32
        %parallel_loop3A_871 = vector.broadcast %parallel_loop3A_870 : f32 to vector<16xf32>
        %parallel_loop3A_872 = arith.mulf %parallel_loop3A_869, %parallel_loop3A_871 : vector<16xf32>
        %parallel_loop3A_873 = arith.constant 0 : i32
        %parallel_loop3A_874 = arith.constant 0 : i32
        %parallel_loop3A_875 = tpu.memref_slice %arg6[%parallel_loop3A_328, %parallel_loop3A_873, %parallel_loop3A_874] : memref<10x64x128xf32, #tpu.memory_space<vmem>> -> memref<1x64x128xf32, #tpu.memory_space<vmem>>
        %parallel_loop3A_876 = tpu.memref_squeeze %parallel_loop3A_875 : memref<1x64x128xf32, #tpu.memory_space<vmem>> -> memref<64x128xf32, #tpu.memory_space<vmem>>
        %parallel_loop3A_877 = arith.index_cast %parallel_loop3A_821 : i32 to index
        %parallel_loop3A_878 = arith.constant 32 : index
        %parallel_loop3A_879 = tpu.vector_load %parallel_loop3A_876[%parallel_loop3A_877, %parallel_loop3A_878] {strides = array<i32>} : memref<64x128xf32, #tpu.memory_space<vmem>>, vector<1x16xf32>,
        %parallel_loop3A_880 = vector.shape_cast %parallel_loop3A_879 : vector<1x16xf32> to vector<16xf32>
        %parallel_loop3A_881 = vector.shape_cast %parallel_loop3A_872 : vector<16xf32> to vector<1x16xf32>
        tpu.vector_store %parallel_loop3A_876[%parallel_loop3A_877, %parallel_loop3A_878], %parallel_loop3A_881 {strides = array<i32>} : memref<64x128xf32, #tpu.memory_space<vmem>>, vector<1x16xf32>,
        %parallel_loop3A_882 = arith.constant 0 : i32
        %parallel_loop3A_883 = arith.constant 0 : i32
        %parallel_loop3A_884 = tpu.memref_slice %arg6[%parallel_loop3A_328, %parallel_loop3A_882, %parallel_loop3A_883] : memref<10x64x128xf32, #tpu.memory_space<vmem>> -> memref<1x64x128xf32, #tpu.memory_space<vmem>>
        %parallel_loop3A_885 = tpu.memref_squeeze %parallel_loop3A_884 : memref<1x64x128xf32, #tpu.memory_space<vmem>> -> memref<64x128xf32, #tpu.memory_space<vmem>>
        %parallel_loop3A_886 = arith.index_cast %parallel_loop3A_821 : i32 to index
        %parallel_loop3A_887 = arith.constant 48 : index
        %parallel_loop3A_888 = tpu.vector_load %parallel_loop3A_885[%parallel_loop3A_886, %parallel_loop3A_887] {strides = array<i32>} : memref<64x128xf32, #tpu.memory_space<vmem>>, vector<1x16xf32>,
        %parallel_loop3A_889 = vector.shape_cast %parallel_loop3A_888 : vector<1x16xf32> to vector<16xf32>
        %parallel_loop3A_890 = arith.constant 11.3137083 : f32
        %parallel_loop3A_891 = vector.broadcast %parallel_loop3A_890 : f32 to vector<16xf32>
        %parallel_loop3A_892 = arith.mulf %parallel_loop3A_889, %parallel_loop3A_891 : vector<16xf32>
        %parallel_loop3A_893 = arith.constant 0 : i32
        %parallel_loop3A_894 = arith.constant 0 : i32
        %parallel_loop3A_895 = tpu.memref_slice %arg6[%parallel_loop3A_328, %parallel_loop3A_893, %parallel_loop3A_894] : memref<10x64x128xf32, #tpu.memory_space<vmem>> -> memref<1x64x128xf32, #tpu.memory_space<vmem>>
        %parallel_loop3A_896 = tpu.memref_squeeze %parallel_loop3A_895 : memref<1x64x128xf32, #tpu.memory_space<vmem>> -> memref<64x128xf32, #tpu.memory_space<vmem>>
        %parallel_loop3A_897 = arith.index_cast %parallel_loop3A_821 : i32 to index
        %parallel_loop3A_898 = arith.constant 48 : index
        %parallel_loop3A_899 = tpu.vector_load %parallel_loop3A_896[%parallel_loop3A_897, %parallel_loop3A_898] {strides = array<i32>} : memref<64x128xf32, #tpu.memory_space<vmem>>, vector<1x16xf32>,
        %parallel_loop3A_900 = vector.shape_cast %parallel_loop3A_899 : vector<1x16xf32> to vector<16xf32>
        %parallel_loop3A_901 = vector.shape_cast %parallel_loop3A_892 : vector<16xf32> to vector<1x16xf32>
        tpu.vector_store %parallel_loop3A_896[%parallel_loop3A_897, %parallel_loop3A_898], %parallel_loop3A_901 {strides = array<i32>} : memref<64x128xf32, #tpu.memory_space<vmem>>, vector<1x16xf32>,
        %parallel_loop3A_902 = arith.constant 0 : i32
        %parallel_loop3A_903 = arith.constant 0 : i32
        %parallel_loop3A_904 = tpu.memref_slice %arg6[%parallel_loop3A_328, %parallel_loop3A_902, %parallel_loop3A_903] : memref<10x64x128xf32, #tpu.memory_space<vmem>> -> memref<1x64x128xf32, #tpu.memory_space<vmem>>
        %parallel_loop3A_905 = tpu.memref_squeeze %parallel_loop3A_904 : memref<1x64x128xf32, #tpu.memory_space<vmem>> -> memref<64x128xf32, #tpu.memory_space<vmem>>
        %parallel_loop3A_906 = arith.index_cast %parallel_loop3A_821 : i32 to index
        %parallel_loop3A_907 = arith.constant 64 : index
        %parallel_loop3A_908 = tpu.vector_load %parallel_loop3A_905[%parallel_loop3A_906, %parallel_loop3A_907] {strides = array<i32>} : memref<64x128xf32, #tpu.memory_space<vmem>>, vector<1x16xf32>,
        %parallel_loop3A_909 = vector.shape_cast %parallel_loop3A_908 : vector<1x16xf32> to vector<16xf32>
        %parallel_loop3A_910 = arith.constant 11.3137083 : f32
        %parallel_loop3A_911 = vector.broadcast %parallel_loop3A_910 : f32 to vector<16xf32>
        %parallel_loop3A_912 = arith.mulf %parallel_loop3A_909, %parallel_loop3A_911 : vector<16xf32>
        %parallel_loop3A_913 = arith.constant 0 : i32
        %parallel_loop3A_914 = arith.constant 0 : i32
        %parallel_loop3A_915 = tpu.memref_slice %arg6[%parallel_loop3A_328, %parallel_loop3A_913, %parallel_loop3A_914] : memref<10x64x128xf32, #tpu.memory_space<vmem>> -> memref<1x64x128xf32, #tpu.memory_space<vmem>>
        %parallel_loop3A_916 = tpu.memref_squeeze %parallel_loop3A_915 : memref<1x64x128xf32, #tpu.memory_space<vmem>> -> memref<64x128xf32, #tpu.memory_space<vmem>>
        %parallel_loop3A_917 = arith.index_cast %parallel_loop3A_821 : i32 to index
        %parallel_loop3A_918 = arith.constant 64 : index
        %parallel_loop3A_919 = tpu.vector_load %parallel_loop3A_916[%parallel_loop3A_917, %parallel_loop3A_918] {strides = array<i32>} : memref<64x128xf32, #tpu.memory_space<vmem>>, vector<1x16xf32>,
        %parallel_loop3A_920 = vector.shape_cast %parallel_loop3A_919 : vector<1x16xf32> to vector<16xf32>
        %parallel_loop3A_921 = vector.shape_cast %parallel_loop3A_912 : vector<16xf32> to vector<1x16xf32>
        tpu.vector_store %parallel_loop3A_916[%parallel_loop3A_917, %parallel_loop3A_918], %parallel_loop3A_921 {strides = array<i32>} : memref<64x128xf32, #tpu.memory_space<vmem>>, vector<1x16xf32>,
        %parallel_loop3A_922 = arith.constant 0 : i32
        %parallel_loop3A_923 = arith.constant 0 : i32
        %parallel_loop3A_924 = tpu.memref_slice %arg6[%parallel_loop3A_328, %parallel_loop3A_922, %parallel_loop3A_923] : memref<10x64x128xf32, #tpu.memory_space<vmem>> -> memref<1x64x128xf32, #tpu.memory_space<vmem>>
        %parallel_loop3A_925 = tpu.memref_squeeze %parallel_loop3A_924 : memref<1x64x128xf32, #tpu.memory_space<vmem>> -> memref<64x128xf32, #tpu.memory_space<vmem>>
        %parallel_loop3A_926 = arith.index_cast %parallel_loop3A_821 : i32 to index
        %parallel_loop3A_927 = arith.constant 80 : index
        %parallel_loop3A_928 = tpu.vector_load %parallel_loop3A_925[%parallel_loop3A_926, %parallel_loop3A_927] {strides = array<i32>} : memref<64x128xf32, #tpu.memory_space<vmem>>, vector<1x16xf32>,
        %parallel_loop3A_929 = vector.shape_cast %parallel_loop3A_928 : vector<1x16xf32> to vector<16xf32>
        %parallel_loop3A_930 = arith.constant 11.3137083 : f32
        %parallel_loop3A_931 = vector.broadcast %parallel_loop3A_930 : f32 to vector<16xf32>
        %parallel_loop3A_932 = arith.mulf %parallel_loop3A_929, %parallel_loop3A_931 : vector<16xf32>
        %parallel_loop3A_933 = arith.constant 0 : i32
        %parallel_loop3A_934 = arith.constant 0 : i32
        %parallel_loop3A_935 = tpu.memref_slice %arg6[%parallel_loop3A_328, %parallel_loop3A_933, %parallel_loop3A_934] : memref<10x64x128xf32, #tpu.memory_space<vmem>> -> memref<1x64x128xf32, #tpu.memory_space<vmem>>
        %parallel_loop3A_936 = tpu.memref_squeeze %parallel_loop3A_935 : memref<1x64x128xf32, #tpu.memory_space<vmem>> -> memref<64x128xf32, #tpu.memory_space<vmem>>
        %parallel_loop3A_937 = arith.index_cast %parallel_loop3A_821 : i32 to index
        %parallel_loop3A_938 = arith.constant 80 : index
        %parallel_loop3A_939 = tpu.vector_load %parallel_loop3A_936[%parallel_loop3A_937, %parallel_loop3A_938] {strides = array<i32>} : memref<64x128xf32, #tpu.memory_space<vmem>>, vector<1x16xf32>,
        %parallel_loop3A_940 = vector.shape_cast %parallel_loop3A_939 : vector<1x16xf32> to vector<16xf32>
        %parallel_loop3A_941 = vector.shape_cast %parallel_loop3A_932 : vector<16xf32> to vector<1x16xf32>
        tpu.vector_store %parallel_loop3A_936[%parallel_loop3A_937, %parallel_loop3A_938], %parallel_loop3A_941 {strides = array<i32>} : memref<64x128xf32, #tpu.memory_space<vmem>>, vector<1x16xf32>,
        %parallel_loop3A_942 = arith.constant 0 : i32
        %parallel_loop3A_943 = arith.constant 0 : i32
        %parallel_loop3A_944 = tpu.memref_slice %arg6[%parallel_loop3A_328, %parallel_loop3A_942, %parallel_loop3A_943] : memref<10x64x128xf32, #tpu.memory_space<vmem>> -> memref<1x64x128xf32, #tpu.memory_space<vmem>>
        %parallel_loop3A_945 = tpu.memref_squeeze %parallel_loop3A_944 : memref<1x64x128xf32, #tpu.memory_space<vmem>> -> memref<64x128xf32, #tpu.memory_space<vmem>>
        %parallel_loop3A_946 = arith.index_cast %parallel_loop3A_821 : i32 to index
        %parallel_loop3A_947 = arith.constant 96 : index
        %parallel_loop3A_948 = tpu.vector_load %parallel_loop3A_945[%parallel_loop3A_946, %parallel_loop3A_947] {strides = array<i32>} : memref<64x128xf32, #tpu.memory_space<vmem>>, vector<1x16xf32>,
        %parallel_loop3A_949 = vector.shape_cast %parallel_loop3A_948 : vector<1x16xf32> to vector<16xf32>
        %parallel_loop3A_950 = arith.constant 11.3137083 : f32
        %parallel_loop3A_951 = vector.broadcast %parallel_loop3A_950 : f32 to vector<16xf32>
        %parallel_loop3A_952 = arith.mulf %parallel_loop3A_949, %parallel_loop3A_951 : vector<16xf32>
        %parallel_loop3A_953 = arith.constant 0 : i32
        %parallel_loop3A_954 = arith.constant 0 : i32
        %parallel_loop3A_955 = tpu.memref_slice %arg6[%parallel_loop3A_328, %parallel_loop3A_953, %parallel_loop3A_954] : memref<10x64x128xf32, #tpu.memory_space<vmem>> -> memref<1x64x128xf32, #tpu.memory_space<vmem>>
        %parallel_loop3A_956 = tpu.memref_squeeze %parallel_loop3A_955 : memref<1x64x128xf32, #tpu.memory_space<vmem>> -> memref<64x128xf32, #tpu.memory_space<vmem>>
        %parallel_loop3A_957 = arith.index_cast %parallel_loop3A_821 : i32 to index
        %parallel_loop3A_958 = arith.constant 96 : index
        %parallel_loop3A_959 = tpu.vector_load %parallel_loop3A_956[%parallel_loop3A_957, %parallel_loop3A_958] {strides = array<i32>} : memref<64x128xf32, #tpu.memory_space<vmem>>, vector<1x16xf32>,
        %parallel_loop3A_960 = vector.shape_cast %parallel_loop3A_959 : vector<1x16xf32> to vector<16xf32>
        %parallel_loop3A_961 = vector.shape_cast %parallel_loop3A_952 : vector<16xf32> to vector<1x16xf32>
        tpu.vector_store %parallel_loop3A_956[%parallel_loop3A_957, %parallel_loop3A_958], %parallel_loop3A_961 {strides = array<i32>} : memref<64x128xf32, #tpu.memory_space<vmem>>, vector<1x16xf32>,
        %parallel_loop3A_962 = arith.constant 0 : i32
        %parallel_loop3A_963 = arith.constant 0 : i32
        %parallel_loop3A_964 = tpu.memref_slice %arg6[%parallel_loop3A_328, %parallel_loop3A_962, %parallel_loop3A_963] : memref<10x64x128xf32, #tpu.memory_space<vmem>> -> memref<1x64x128xf32, #tpu.memory_space<vmem>>
        %parallel_loop3A_965 = tpu.memref_squeeze %parallel_loop3A_964 : memref<1x64x128xf32, #tpu.memory_space<vmem>> -> memref<64x128xf32, #tpu.memory_space<vmem>>
        %parallel_loop3A_966 = arith.index_cast %parallel_loop3A_821 : i32 to index
        %parallel_loop3A_967 = arith.constant 112 : index
        %parallel_loop3A_968 = tpu.vector_load %parallel_loop3A_965[%parallel_loop3A_966, %parallel_loop3A_967] {strides = array<i32>} : memref<64x128xf32, #tpu.memory_space<vmem>>, vector<1x16xf32>,
        %parallel_loop3A_969 = vector.shape_cast %parallel_loop3A_968 : vector<1x16xf32> to vector<16xf32>
        %parallel_loop3A_970 = arith.constant 11.3137083 : f32
        %parallel_loop3A_971 = vector.broadcast %parallel_loop3A_970 : f32 to vector<16xf32>
        %parallel_loop3A_972 = arith.mulf %parallel_loop3A_969, %parallel_loop3A_971 : vector<16xf32>
        %parallel_loop3A_973 = arith.constant 0 : i32
        %parallel_loop3A_974 = arith.constant 0 : i32
        %parallel_loop3A_975 = tpu.memref_slice %arg6[%parallel_loop3A_328, %parallel_loop3A_973, %parallel_loop3A_974] : memref<10x64x128xf32, #tpu.memory_space<vmem>> -> memref<1x64x128xf32, #tpu.memory_space<vmem>>
        %parallel_loop3A_976 = tpu.memref_squeeze %parallel_loop3A_975 : memref<1x64x128xf32, #tpu.memory_space<vmem>> -> memref<64x128xf32, #tpu.memory_space<vmem>>
        %parallel_loop3A_977 = arith.index_cast %parallel_loop3A_821 : i32 to index
        %parallel_loop3A_978 = arith.constant 112 : index
        %parallel_loop3A_979 = tpu.vector_load %parallel_loop3A_976[%parallel_loop3A_977, %parallel_loop3A_978] {strides = array<i32>} : memref<64x128xf32, #tpu.memory_space<vmem>>, vector<1x16xf32>,
        %parallel_loop3A_980 = vector.shape_cast %parallel_loop3A_979 : vector<1x16xf32> to vector<16xf32>
        %parallel_loop3A_981 = vector.shape_cast %parallel_loop3A_972 : vector<16xf32> to vector<1x16xf32>
        tpu.vector_store %parallel_loop3A_976[%parallel_loop3A_977, %parallel_loop3A_978], %parallel_loop3A_981 {strides = array<i32>} : memref<64x128xf32, #tpu.memory_space<vmem>>, vector<1x16xf32>,
      } {sc.loop_unroll_factor = 4 : i64, sc.parallel_access}
      %mul3A_329 = arith.constant 64 : i32
      %mul3A_330 = arith.muli %add3A_307, %mul3A_329 : i32
      %add3A_331 = arith.addi %mul3A_2, %mul3A_330 : i32
      %dma_start3A_332 = arith.constant 0 : i32
      %dma_start3A_333 = arith.constant 0 : i32
      %dma_start3A_334 = arith.constant 0 : i32
      %dma_start3A_335 = arith.constant 0 : i32
      %dma_start3A_336 = tpu.memref_slice %arg6[%dma_start3A_332, %dma_start3A_334, %dma_start3A_335] : memref<10x64x128xf32, #tpu.memory_space<vmem>> -> memref<1x64x128xf32, #tpu.memory_space<vmem>>
      %dma_start3A_337 = tpu.memref_squeeze %dma_start3A_336 : memref<1x64x128xf32, #tpu.memory_space<vmem>> -> memref<64x128xf32, #tpu.memory_space<vmem>>
      %dma_start3A_338 = arith.constant 0 : i32
      %dma_start3A_339 = tpu.memref_slice %arg4[%add3A_331, %dma_start3A_338] : memref<204800x128xf32, #tpu.memory_space<hbm>> -> memref<64x128xf32, #tpu.memory_space<hbm>>
      %dma_start3A_340 = tpu.memref_slice %arg8[%dma_start3A_333] : memref<10x!tpu.dma_semaphore, #tpu.memory_space<semaphore_mem>> -> memref<1x!tpu.dma_semaphore, #tpu.memory_space<semaphore_mem>>
      %dma_start3A_341 = tpu.memref_squeeze %dma_start3A_340 : memref<1x!tpu.dma_semaphore, #tpu.memory_space<semaphore_mem>> -> memref<!tpu.dma_semaphore, #tpu.memory_space<semaphore_mem>>
      %dma_start3A_342 = arith.constant 0 : i32
      %dma_start3A_343 = tpu.memref_slice %arg4[%add3A_331, %dma_start3A_342] : memref<204800x128xf32, #tpu.memory_space<hbm>> -> memref<64x128xf32, #tpu.memory_space<hbm>>
      %dma_start3A_344 = arith.constant 0 : i32
      %dma_start3A_345 = arith.constant 0 : i32
      %dma_start3A_346 = tpu.memref_slice %arg6[%dma_start3A_332, %dma_start3A_344, %dma_start3A_345] : memref<10x64x128xf32, #tpu.memory_space<vmem>> -> memref<1x64x128xf32, #tpu.memory_space<vmem>>
      %dma_start3A_347 = tpu.memref_squeeze %dma_start3A_346 : memref<1x64x128xf32, #tpu.memory_space<vmem>> -> memref<64x128xf32, #tpu.memory_space<vmem>>
      tpu.enqueue_dma source(%dma_start3A_347 : memref<64x128xf32, #tpu.memory_space<vmem>>) target(%dma_start3A_343 : memref<64x128xf32, #tpu.memory_space<hbm>>) target_semaphore(%dma_start3A_341 : memref<!tpu.dma_semaphore, #tpu.memory_space<semaphore_mem>>)
      %add3A_348 = arith.constant 9 : i32
      %add3A_349 = arith.addi %add3A_307, %add3A_348 : i32
      %lt3A = arith.constant 100 : i32
      %lt3A_350 = arith.cmpi slt, %add3A_349, %lt3A : i32
      %convert_element_type3A = arith.extui %lt3A_350 : i1 to i32
      %cond3A = arith.constant 0 : i32
      %cond3A_351 = arith.cmpi ne, %convert_element_type3A, %cond3A : i32
      scf.if %cond3A_351 {
        %ge3A = arith.constant 1 : i32
        %ge3A_821 = arith.cmpi sge, %scan3A_302, %ge3A : i32
        %convert_element_type3A_822 = arith.extui %ge3A_821 : i1 to i32
        %cond3A_823 = arith.constant 0 : i32
        %cond3A_824 = arith.cmpi ne, %convert_element_type3A_822, %cond3A_823 : i32
        scf.if %cond3A_824 {
          %dma_wait3A_845 = arith.constant 9 : i32
          %dma_wait3A_846 = arith.constant 9 : i32
          %dma_wait3A_847 = arith.constant 0 : i32
          %dma_wait3A_848 = arith.constant 0 : i32
          %dma_wait3A_849 = tpu.memref_slice %arg6[%dma_wait3A_845, %dma_wait3A_847, %dma_wait3A_848] : memref<10x64x128xf32, #tpu.memory_space<vmem>> -> memref<1x64x128xf32, #tpu.memory_space<vmem>>
          %dma_wait3A_850 = tpu.memref_squeeze %dma_wait3A_849 : memref<1x64x128xf32, #tpu.memory_space<vmem>> -> memref<64x128xf32, #tpu.memory_space<vmem>>
          %dma_wait3A_851 = arith.constant 0 : i32
          %dma_wait3A_852 = tpu.memref_slice %arg4[%mul3A_2, %dma_wait3A_851] : memref<204800x128xf32, #tpu.memory_space<hbm>> -> memref<64x128xf32, #tpu.memory_space<hbm>>
          %dma_wait3A_853 = tpu.memref_slice %arg8[%dma_wait3A_846] : memref<10x!tpu.dma_semaphore, #tpu.memory_space<semaphore_mem>> -> memref<1x!tpu.dma_semaphore, #tpu.memory_space<semaphore_mem>>
          %dma_wait3A_854 = tpu.memref_squeeze %dma_wait3A_853 : memref<1x!tpu.dma_semaphore, #tpu.memory_space<semaphore_mem>> -> memref<!tpu.dma_semaphore, #tpu.memory_space<semaphore_mem>>
          %dma_wait3A_855 = arith.constant 0 : i32
          %dma_wait3A_856 = tpu.memref_slice %arg4[%mul3A_2, %dma_wait3A_855] : memref<204800x128xf32, #tpu.memory_space<hbm>> -> memref<64x128xf32, #tpu.memory_space<hbm>>
          %dma_wait3A_857 = arith.constant 0 : i32
          %dma_wait3A_858 = arith.constant 0 : i32
          %dma_wait3A_859 = tpu.memref_slice %arg6[%dma_wait3A_845, %dma_wait3A_857, %dma_wait3A_858] : memref<10x64x128xf32, #tpu.memory_space<vmem>> -> memref<1x64x128xf32, #tpu.memory_space<vmem>>
          %dma_wait3A_860 = tpu.memref_squeeze %dma_wait3A_859 : memref<1x64x128xf32, #tpu.memory_space<vmem>> -> memref<64x128xf32, #tpu.memory_space<vmem>>
          tpu.wait_dma2 semaphore(%dma_wait3A_854 : memref<!tpu.dma_semaphore, #tpu.memory_space<semaphore_mem>>) src(%dma_wait3A_860 : memref<64x128xf32, #tpu.memory_space<vmem>>) dst(%dma_wait3A_856 : memref<64x128xf32, #tpu.memory_space<hbm>>)
        } else {
        }
        %add3A_825 = arith.constant 9 : i32
        %add3A_826 = arith.addi %add3A_307, %add3A_825 : i32
        %mul3A_827 = arith.constant 1 : i32
        %mul3A_828 = arith.muli %add3A_826, %mul3A_827 : i32
        %add3A_829 = arith.constant 0 : i32
        %add3A_830 = arith.addi %mul3A_828, %add3A_829 : i32
        %dma_start3A_831 = arith.constant 9 : i32
        %dma_start3A_832 = arith.constant 9 : i32
        %dma_start3A_833 = arith.constant 0 : i32
        %dma_start3A_834 = arith.constant 0 : i32
        %dma_start3A_835 = tpu.memref_slice %arg6[%dma_start3A_831, %dma_start3A_833, %dma_start3A_834] : memref<10x64x128xf32, #tpu.memory_space<vmem>> -> memref<1x64x128xf32, #tpu.memory_space<vmem>>
        %dma_start3A_836 = tpu.memref_squeeze %dma_start3A_835 : memref<1x64x128xf32, #tpu.memory_space<vmem>> -> memref<64x128xf32, #tpu.memory_space<vmem>>
        %dma_start3A_837 = arith.constant 0 : i32
        %dma_start3A_838 = tpu.memref_slice %arg5[%add3A_830, %dma_start3A_837] : memref<100x64xi32, #tpu.memory_space<vmem>> -> memref<1x64xi32, #tpu.memory_space<vmem>>
        %dma_start3A_839 = tpu.memref_squeeze %dma_start3A_838 : memref<1x64xi32, #tpu.memory_space<vmem>> -> memref<64xi32, #tpu.memory_space<vmem>>
        %dma_start3A_840 = arith.constant 0 : i32
        %dma_start3A_841 = arith.constant 0 : i32
        %dma_start3A_842 = tpu.memref_slice %arg3[%dma_start3A_840, %dma_start3A_841] : memref<100000x128xf32, #tpu.memory_space<hbm>> -> memref<100000x128xf32, #tpu.memory_space<hbm>>
        %dma_start3A_843 = tpu.memref_slice %arg7[%dma_start3A_832] : memref<10x!tpu.dma_semaphore, #tpu.memory_space<semaphore_mem>> -> memref<1x!tpu.dma_semaphore, #tpu.memory_space<semaphore_mem>>
        %dma_start3A_844 = tpu.memref_squeeze %dma_start3A_843 : memref<1x!tpu.dma_semaphore, #tpu.memory_space<semaphore_mem>> -> memref<!tpu.dma_semaphore, #tpu.memory_space<semaphore_mem>>
        tpu.enqueue_indirect_dma source(%dma_start3A_842 : memref<100000x128xf32, #tpu.memory_space<hbm>>) target(%dma_start3A_836 : memref<64x128xf32, #tpu.memory_space<vmem>>) offsets(%dma_start3A_839 : memref<64xi32, #tpu.memory_space<vmem>>) semaphore(%dma_start3A_844 : memref<!tpu.dma_semaphore, #tpu.memory_space<semaphore_mem>>)
      } else {
      }
      %mul3A_352 = arith.constant 10 : i32
      %mul3A_353 = arith.muli %scan3A_302, %mul3A_352 : i32
      %add3A_354 = arith.constant 1 : i32
      %add3A_355 = arith.addi %mul3A_353, %add3A_354 : i32
      %mul3A_356 = arith.constant 1 : i32
      %mul3A_357 = arith.muli %add3A_355, %mul3A_356 : i32
      %add3A_358 = arith.constant 0 : i32
      %add3A_359 = arith.addi %mul3A_357, %add3A_358 : i32
      %dma_wait3A_360 = arith.constant 1 : i32
      %dma_wait3A_361 = arith.constant 1 : i32
      %dma_wait3A_362 = arith.constant 0 : i32
      %dma_wait3A_363 = arith.constant 0 : i32
      %dma_wait3A_364 = tpu.memref_slice %arg6[%dma_wait3A_360, %dma_wait3A_362, %dma_wait3A_363] : memref<10x64x128xf32, #tpu.memory_space<vmem>> -> memref<1x64x128xf32, #tpu.memory_space<vmem>>
      %dma_wait3A_365 = tpu.memref_squeeze %dma_wait3A_364 : memref<1x64x128xf32, #tpu.memory_space<vmem>> -> memref<64x128xf32, #tpu.memory_space<vmem>>
      %dma_wait3A_366 = arith.constant 0 : i32
      %dma_wait3A_367 = tpu.memref_slice %arg5[%add3A_359, %dma_wait3A_366] : memref<100x64xi32, #tpu.memory_space<vmem>> -> memref<1x64xi32, #tpu.memory_space<vmem>>
      %dma_wait3A_368 = tpu.memref_squeeze %dma_wait3A_367 : memref<1x64xi32, #tpu.memory_space<vmem>> -> memref<64xi32, #tpu.memory_space<vmem>>
      %dma_wait3A_369 = arith.constant 0 : i32
      %dma_wait3A_370 = arith.constant 0 : i32
      %dma_wait3A_371 = tpu.memref_slice %arg3[%dma_wait3A_369, %dma_wait3A_370] : memref<100000x128xf32, #tpu.memory_space<hbm>> -> memref<100000x128xf32, #tpu.memory_space<hbm>>
      %dma_wait3A_372 = tpu.memref_slice %arg7[%dma_wait3A_361] : memref<10x!tpu.dma_semaphore, #tpu.memory_space<semaphore_mem>> -> memref<1x!tpu.dma_semaphore, #tpu.memory_space<semaphore_mem>>
      %dma_wait3A_373 = tpu.memref_squeeze %dma_wait3A_372 : memref<1x!tpu.dma_semaphore, #tpu.memory_space<semaphore_mem>> -> memref<!tpu.dma_semaphore, #tpu.memory_space<semaphore_mem>>
      tpu.wait_indirect_dma semaphore(%dma_wait3A_373 : memref<!tpu.dma_semaphore, #tpu.memory_space<semaphore_mem>>) src(%dma_wait3A_371 : memref<100000x128xf32, #tpu.memory_space<hbm>>) dst(%dma_wait3A_365 : memref<64x128xf32, #tpu.memory_space<vmem>>)
      %parallel_loop3A_374 = arith.constant 0 : i32
      %parallel_loop3A_375 = arith.constant 64 : i32
      %parallel_loop3A_376 = arith.constant 1 : i32
      %parallel_loop3A_377 = arith.constant 1 : i32
      scf.for %parallel_loop3A_821 = %parallel_loop3A_374 to %parallel_loop3A_375 step %parallel_loop3A_376  : i32 {
        %parallel_loop3A_822 = arith.constant 0 : i32
        %parallel_loop3A_823 = arith.constant 0 : i32
        %parallel_loop3A_824 = tpu.memref_slice %arg6[%parallel_loop3A_377, %parallel_loop3A_822, %parallel_loop3A_823] : memref<10x64x128xf32, #tpu.memory_space<vmem>> -> memref<1x64x128xf32, #tpu.memory_space<vmem>>
        %parallel_loop3A_825 = tpu.memref_squeeze %parallel_loop3A_824 : memref<1x64x128xf32, #tpu.memory_space<vmem>> -> memref<64x128xf32, #tpu.memory_space<vmem>>
        %parallel_loop3A_826 = arith.index_cast %parallel_loop3A_821 : i32 to index
        %parallel_loop3A_827 = arith.constant 0 : index
        %parallel_loop3A_828 = tpu.vector_load %parallel_loop3A_825[%parallel_loop3A_826, %parallel_loop3A_827] {strides = array<i32>} : memref<64x128xf32, #tpu.memory_space<vmem>>, vector<1x16xf32>,
        %parallel_loop3A_829 = vector.shape_cast %parallel_loop3A_828 : vector<1x16xf32> to vector<16xf32>
        %parallel_loop3A_830 = arith.constant 11.3137083 : f32
        %parallel_loop3A_831 = vector.broadcast %parallel_loop3A_830 : f32 to vector<16xf32>
        %parallel_loop3A_832 = arith.mulf %parallel_loop3A_829, %parallel_loop3A_831 : vector<16xf32>
        %parallel_loop3A_833 = arith.constant 0 : i32
        %parallel_loop3A_834 = arith.constant 0 : i32
        %parallel_loop3A_835 = tpu.memref_slice %arg6[%parallel_loop3A_377, %parallel_loop3A_833, %parallel_loop3A_834] : memref<10x64x128xf32, #tpu.memory_space<vmem>> -> memref<1x64x128xf32, #tpu.memory_space<vmem>>
        %parallel_loop3A_836 = tpu.memref_squeeze %parallel_loop3A_835 : memref<1x64x128xf32, #tpu.memory_space<vmem>> -> memref<64x128xf32, #tpu.memory_space<vmem>>
        %parallel_loop3A_837 = arith.index_cast %parallel_loop3A_821 : i32 to index
        %parallel_loop3A_838 = arith.constant 0 : index
        %parallel_loop3A_839 = tpu.vector_load %parallel_loop3A_836[%parallel_loop3A_837, %parallel_loop3A_838] {strides = array<i32>} : memref<64x128xf32, #tpu.memory_space<vmem>>, vector<1x16xf32>,
        %parallel_loop3A_840 = vector.shape_cast %parallel_loop3A_839 : vector<1x16xf32> to vector<16xf32>
        %parallel_loop3A_841 = vector.shape_cast %parallel_loop3A_832 : vector<16xf32> to vector<1x16xf32>
        tpu.vector_store %parallel_loop3A_836[%parallel_loop3A_837, %parallel_loop3A_838], %parallel_loop3A_841 {strides = array<i32>} : memref<64x128xf32, #tpu.memory_space<vmem>>, vector<1x16xf32>,
        %parallel_loop3A_842 = arith.constant 0 : i32
        %parallel_loop3A_843 = arith.constant 0 : i32
        %parallel_loop3A_844 = tpu.memref_slice %arg6[%parallel_loop3A_377, %parallel_loop3A_842, %parallel_loop3A_843] : memref<10x64x128xf32, #tpu.memory_space<vmem>> -> memref<1x64x128xf32, #tpu.memory_space<vmem>>
        %parallel_loop3A_845 = tpu.memref_squeeze %parallel_loop3A_844 : memref<1x64x128xf32, #tpu.memory_space<vmem>> -> memref<64x128xf32, #tpu.memory_space<vmem>>
        %parallel_loop3A_846 = arith.index_cast %parallel_loop3A_821 : i32 to index
        %parallel_loop3A_847 = arith.constant 16 : index
        %parallel_loop3A_848 = tpu.vector_load %parallel_loop3A_845[%parallel_loop3A_846, %parallel_loop3A_847] {strides = array<i32>} : memref<64x128xf32, #tpu.memory_space<vmem>>, vector<1x16xf32>,
        %parallel_loop3A_849 = vector.shape_cast %parallel_loop3A_848 : vector<1x16xf32> to vector<16xf32>
        %parallel_loop3A_850 = arith.constant 11.3137083 : f32
        %parallel_loop3A_851 = vector.broadcast %parallel_loop3A_850 : f32 to vector<16xf32>
        %parallel_loop3A_852 = arith.mulf %parallel_loop3A_849, %parallel_loop3A_851 : vector<16xf32>
        %parallel_loop3A_853 = arith.constant 0 : i32
        %parallel_loop3A_854 = arith.constant 0 : i32
        %parallel_loop3A_855 = tpu.memref_slice %arg6[%parallel_loop3A_377, %parallel_loop3A_853, %parallel_loop3A_854] : memref<10x64x128xf32, #tpu.memory_space<vmem>> -> memref<1x64x128xf32, #tpu.memory_space<vmem>>
        %parallel_loop3A_856 = tpu.memref_squeeze %parallel_loop3A_855 : memref<1x64x128xf32, #tpu.memory_space<vmem>> -> memref<64x128xf32, #tpu.memory_space<vmem>>
        %parallel_loop3A_857 = arith.index_cast %parallel_loop3A_821 : i32 to index
        %parallel_loop3A_858 = arith.constant 16 : index
        %parallel_loop3A_859 = tpu.vector_load %parallel_loop3A_856[%parallel_loop3A_857, %parallel_loop3A_858] {strides = array<i32>} : memref<64x128xf32, #tpu.memory_space<vmem>>, vector<1x16xf32>,
        %parallel_loop3A_860 = vector.shape_cast %parallel_loop3A_859 : vector<1x16xf32> to vector<16xf32>
        %parallel_loop3A_861 = vector.shape_cast %parallel_loop3A_852 : vector<16xf32> to vector<1x16xf32>
        tpu.vector_store %parallel_loop3A_856[%parallel_loop3A_857, %parallel_loop3A_858], %parallel_loop3A_861 {strides = array<i32>} : memref<64x128xf32, #tpu.memory_space<vmem>>, vector<1x16xf32>,
        %parallel_loop3A_862 = arith.constant 0 : i32
        %parallel_loop3A_863 = arith.constant 0 : i32
        %parallel_loop3A_864 = tpu.memref_slice %arg6[%parallel_loop3A_377, %parallel_loop3A_862, %parallel_loop3A_863] : memref<10x64x128xf32, #tpu.memory_space<vmem>> -> memref<1x64x128xf32, #tpu.memory_space<vmem>>
        %parallel_loop3A_865 = tpu.memref_squeeze %parallel_loop3A_864 : memref<1x64x128xf32, #tpu.memory_space<vmem>> -> memref<64x128xf32, #tpu.memory_space<vmem>>
        %parallel_loop3A_866 = arith.index_cast %parallel_loop3A_821 : i32 to index
        %parallel_loop3A_867 = arith.constant 32 : index
        %parallel_loop3A_868 = tpu.vector_load %parallel_loop3A_865[%parallel_loop3A_866, %parallel_loop3A_867] {strides = array<i32>} : memref<64x128xf32, #tpu.memory_space<vmem>>, vector<1x16xf32>,
        %parallel_loop3A_869 = vector.shape_cast %parallel_loop3A_868 : vector<1x16xf32> to vector<16xf32>
        %parallel_loop3A_870 = arith.constant 11.3137083 : f32
        %parallel_loop3A_871 = vector.broadcast %parallel_loop3A_870 : f32 to vector<16xf32>
        %parallel_loop3A_872 = arith.mulf %parallel_loop3A_869, %parallel_loop3A_871 : vector<16xf32>
        %parallel_loop3A_873 = arith.constant 0 : i32
        %parallel_loop3A_874 = arith.constant 0 : i32
        %parallel_loop3A_875 = tpu.memref_slice %arg6[%parallel_loop3A_377, %parallel_loop3A_873, %parallel_loop3A_874] : memref<10x64x128xf32, #tpu.memory_space<vmem>> -> memref<1x64x128xf32, #tpu.memory_space<vmem>>
        %parallel_loop3A_876 = tpu.memref_squeeze %parallel_loop3A_875 : memref<1x64x128xf32, #tpu.memory_space<vmem>> -> memref<64x128xf32, #tpu.memory_space<vmem>>
        %parallel_loop3A_877 = arith.index_cast %parallel_loop3A_821 : i32 to index
        %parallel_loop3A_878 = arith.constant 32 : index
        %parallel_loop3A_879 = tpu.vector_load %parallel_loop3A_876[%parallel_loop3A_877, %parallel_loop3A_878] {strides = array<i32>} : memref<64x128xf32, #tpu.memory_space<vmem>>, vector<1x16xf32>,
        %parallel_loop3A_880 = vector.shape_cast %parallel_loop3A_879 : vector<1x16xf32> to vector<16xf32>
        %parallel_loop3A_881 = vector.shape_cast %parallel_loop3A_872 : vector<16xf32> to vector<1x16xf32>
        tpu.vector_store %parallel_loop3A_876[%parallel_loop3A_877, %parallel_loop3A_878], %parallel_loop3A_881 {strides = array<i32>} : memref<64x128xf32, #tpu.memory_space<vmem>>, vector<1x16xf32>,
        %parallel_loop3A_882 = arith.constant 0 : i32
        %parallel_loop3A_883 = arith.constant 0 : i32
        %parallel_loop3A_884 = tpu.memref_slice %arg6[%parallel_loop3A_377, %parallel_loop3A_882, %parallel_loop3A_883] : memref<10x64x128xf32, #tpu.memory_space<vmem>> -> memref<1x64x128xf32, #tpu.memory_space<vmem>>
        %parallel_loop3A_885 = tpu.memref_squeeze %parallel_loop3A_884 : memref<1x64x128xf32, #tpu.memory_space<vmem>> -> memref<64x128xf32, #tpu.memory_space<vmem>>
        %parallel_loop3A_886 = arith.index_cast %parallel_loop3A_821 : i32 to index
        %parallel_loop3A_887 = arith.constant 48 : index
        %parallel_loop3A_888 = tpu.vector_load %parallel_loop3A_885[%parallel_loop3A_886, %parallel_loop3A_887] {strides = array<i32>} : memref<64x128xf32, #tpu.memory_space<vmem>>, vector<1x16xf32>,
        %parallel_loop3A_889 = vector.shape_cast %parallel_loop3A_888 : vector<1x16xf32> to vector<16xf32>
        %parallel_loop3A_890 = arith.constant 11.3137083 : f32
        %parallel_loop3A_891 = vector.broadcast %parallel_loop3A_890 : f32 to vector<16xf32>
        %parallel_loop3A_892 = arith.mulf %parallel_loop3A_889, %parallel_loop3A_891 : vector<16xf32>
        %parallel_loop3A_893 = arith.constant 0 : i32
        %parallel_loop3A_894 = arith.constant 0 : i32
        %parallel_loop3A_895 = tpu.memref_slice %arg6[%parallel_loop3A_377, %parallel_loop3A_893, %parallel_loop3A_894] : memref<10x64x128xf32, #tpu.memory_space<vmem>> -> memref<1x64x128xf32, #tpu.memory_space<vmem>>
        %parallel_loop3A_896 = tpu.memref_squeeze %parallel_loop3A_895 : memref<1x64x128xf32, #tpu.memory_space<vmem>> -> memref<64x128xf32, #tpu.memory_space<vmem>>
        %parallel_loop3A_897 = arith.index_cast %parallel_loop3A_821 : i32 to index
        %parallel_loop3A_898 = arith.constant 48 : index
        %parallel_loop3A_899 = tpu.vector_load %parallel_loop3A_896[%parallel_loop3A_897, %parallel_loop3A_898] {strides = array<i32>} : memref<64x128xf32, #tpu.memory_space<vmem>>, vector<1x16xf32>,
        %parallel_loop3A_900 = vector.shape_cast %parallel_loop3A_899 : vector<1x16xf32> to vector<16xf32>
        %parallel_loop3A_901 = vector.shape_cast %parallel_loop3A_892 : vector<16xf32> to vector<1x16xf32>
        tpu.vector_store %parallel_loop3A_896[%parallel_loop3A_897, %parallel_loop3A_898], %parallel_loop3A_901 {strides = array<i32>} : memref<64x128xf32, #tpu.memory_space<vmem>>, vector<1x16xf32>,
        %parallel_loop3A_902 = arith.constant 0 : i32
        %parallel_loop3A_903 = arith.constant 0 : i32
        %parallel_loop3A_904 = tpu.memref_slice %arg6[%parallel_loop3A_377, %parallel_loop3A_902, %parallel_loop3A_903] : memref<10x64x128xf32, #tpu.memory_space<vmem>> -> memref<1x64x128xf32, #tpu.memory_space<vmem>>
        %parallel_loop3A_905 = tpu.memref_squeeze %parallel_loop3A_904 : memref<1x64x128xf32, #tpu.memory_space<vmem>> -> memref<64x128xf32, #tpu.memory_space<vmem>>
        %parallel_loop3A_906 = arith.index_cast %parallel_loop3A_821 : i32 to index
        %parallel_loop3A_907 = arith.constant 64 : index
        %parallel_loop3A_908 = tpu.vector_load %parallel_loop3A_905[%parallel_loop3A_906, %parallel_loop3A_907] {strides = array<i32>} : memref<64x128xf32, #tpu.memory_space<vmem>>, vector<1x16xf32>,
        %parallel_loop3A_909 = vector.shape_cast %parallel_loop3A_908 : vector<1x16xf32> to vector<16xf32>
        %parallel_loop3A_910 = arith.constant 11.3137083 : f32
        %parallel_loop3A_911 = vector.broadcast %parallel_loop3A_910 : f32 to vector<16xf32>
        %parallel_loop3A_912 = arith.mulf %parallel_loop3A_909, %parallel_loop3A_911 : vector<16xf32>
        %parallel_loop3A_913 = arith.constant 0 : i32
        %parallel_loop3A_914 = arith.constant 0 : i32
        %parallel_loop3A_915 = tpu.memref_slice %arg6[%parallel_loop3A_377, %parallel_loop3A_913, %parallel_loop3A_914] : memref<10x64x128xf32, #tpu.memory_space<vmem>> -> memref<1x64x128xf32, #tpu.memory_space<vmem>>
        %parallel_loop3A_916 = tpu.memref_squeeze %parallel_loop3A_915 : memref<1x64x128xf32, #tpu.memory_space<vmem>> -> memref<64x128xf32, #tpu.memory_space<vmem>>
        %parallel_loop3A_917 = arith.index_cast %parallel_loop3A_821 : i32 to index
        %parallel_loop3A_918 = arith.constant 64 : index
        %parallel_loop3A_919 = tpu.vector_load %parallel_loop3A_916[%parallel_loop3A_917, %parallel_loop3A_918] {strides = array<i32>} : memref<64x128xf32, #tpu.memory_space<vmem>>, vector<1x16xf32>,
        %parallel_loop3A_920 = vector.shape_cast %parallel_loop3A_919 : vector<1x16xf32> to vector<16xf32>
        %parallel_loop3A_921 = vector.shape_cast %parallel_loop3A_912 : vector<16xf32> to vector<1x16xf32>
        tpu.vector_store %parallel_loop3A_916[%parallel_loop3A_917, %parallel_loop3A_918], %parallel_loop3A_921 {strides = array<i32>} : memref<64x128xf32, #tpu.memory_space<vmem>>, vector<1x16xf32>,
        %parallel_loop3A_922 = arith.constant 0 : i32
        %parallel_loop3A_923 = arith.constant 0 : i32
        %parallel_loop3A_924 = tpu.memref_slice %arg6[%parallel_loop3A_377, %parallel_loop3A_922, %parallel_loop3A_923] : memref<10x64x128xf32, #tpu.memory_space<vmem>> -> memref<1x64x128xf32, #tpu.memory_space<vmem>>
        %parallel_loop3A_925 = tpu.memref_squeeze %parallel_loop3A_924 : memref<1x64x128xf32, #tpu.memory_space<vmem>> -> memref<64x128xf32, #tpu.memory_space<vmem>>
        %parallel_loop3A_926 = arith.index_cast %parallel_loop3A_821 : i32 to index
        %parallel_loop3A_927 = arith.constant 80 : index
        %parallel_loop3A_928 = tpu.vector_load %parallel_loop3A_925[%parallel_loop3A_926, %parallel_loop3A_927] {strides = array<i32>} : memref<64x128xf32, #tpu.memory_space<vmem>>, vector<1x16xf32>,
        %parallel_loop3A_929 = vector.shape_cast %parallel_loop3A_928 : vector<1x16xf32> to vector<16xf32>
        %parallel_loop3A_930 = arith.constant 11.3137083 : f32
        %parallel_loop3A_931 = vector.broadcast %parallel_loop3A_930 : f32 to vector<16xf32>
        %parallel_loop3A_932 = arith.mulf %parallel_loop3A_929, %parallel_loop3A_931 : vector<16xf32>
        %parallel_loop3A_933 = arith.constant 0 : i32
        %parallel_loop3A_934 = arith.constant 0 : i32
        %parallel_loop3A_935 = tpu.memref_slice %arg6[%parallel_loop3A_377, %parallel_loop3A_933, %parallel_loop3A_934] : memref<10x64x128xf32, #tpu.memory_space<vmem>> -> memref<1x64x128xf32, #tpu.memory_space<vmem>>
        %parallel_loop3A_936 = tpu.memref_squeeze %parallel_loop3A_935 : memref<1x64x128xf32, #tpu.memory_space<vmem>> -> memref<64x128xf32, #tpu.memory_space<vmem>>
        %parallel_loop3A_937 = arith.index_cast %parallel_loop3A_821 : i32 to index
        %parallel_loop3A_938 = arith.constant 80 : index
        %parallel_loop3A_939 = tpu.vector_load %parallel_loop3A_936[%parallel_loop3A_937, %parallel_loop3A_938] {strides = array<i32>} : memref<64x128xf32, #tpu.memory_space<vmem>>, vector<1x16xf32>,
        %parallel_loop3A_940 = vector.shape_cast %parallel_loop3A_939 : vector<1x16xf32> to vector<16xf32>
        %parallel_loop3A_941 = vector.shape_cast %parallel_loop3A_932 : vector<16xf32> to vector<1x16xf32>
        tpu.vector_store %parallel_loop3A_936[%parallel_loop3A_937, %parallel_loop3A_938], %parallel_loop3A_941 {strides = array<i32>} : memref<64x128xf32, #tpu.memory_space<vmem>>, vector<1x16xf32>,
        %parallel_loop3A_942 = arith.constant 0 : i32
        %parallel_loop3A_943 = arith.constant 0 : i32
        %parallel_loop3A_944 = tpu.memref_slice %arg6[%parallel_loop3A_377, %parallel_loop3A_942, %parallel_loop3A_943] : memref<10x64x128xf32, #tpu.memory_space<vmem>> -> memref<1x64x128xf32, #tpu.memory_space<vmem>>
        %parallel_loop3A_945 = tpu.memref_squeeze %parallel_loop3A_944 : memref<1x64x128xf32, #tpu.memory_space<vmem>> -> memref<64x128xf32, #tpu.memory_space<vmem>>
        %parallel_loop3A_946 = arith.index_cast %parallel_loop3A_821 : i32 to index
        %parallel_loop3A_947 = arith.constant 96 : index
        %parallel_loop3A_948 = tpu.vector_load %parallel_loop3A_945[%parallel_loop3A_946, %parallel_loop3A_947] {strides = array<i32>} : memref<64x128xf32, #tpu.memory_space<vmem>>, vector<1x16xf32>,
        %parallel_loop3A_949 = vector.shape_cast %parallel_loop3A_948 : vector<1x16xf32> to vector<16xf32>
        %parallel_loop3A_950 = arith.constant 11.3137083 : f32
        %parallel_loop3A_951 = vector.broadcast %parallel_loop3A_950 : f32 to vector<16xf32>
        %parallel_loop3A_952 = arith.mulf %parallel_loop3A_949, %parallel_loop3A_951 : vector<16xf32>
        %parallel_loop3A_953 = arith.constant 0 : i32
        %parallel_loop3A_954 = arith.constant 0 : i32
        %parallel_loop3A_955 = tpu.memref_slice %arg6[%parallel_loop3A_377, %parallel_loop3A_953, %parallel_loop3A_954] : memref<10x64x128xf32, #tpu.memory_space<vmem>> -> memref<1x64x128xf32, #tpu.memory_space<vmem>>
        %parallel_loop3A_956 = tpu.memref_squeeze %parallel_loop3A_955 : memref<1x64x128xf32, #tpu.memory_space<vmem>> -> memref<64x128xf32, #tpu.memory_space<vmem>>
        %parallel_loop3A_957 = arith.index_cast %parallel_loop3A_821 : i32 to index
        %parallel_loop3A_958 = arith.constant 96 : index
        %parallel_loop3A_959 = tpu.vector_load %parallel_loop3A_956[%parallel_loop3A_957, %parallel_loop3A_958] {strides = array<i32>} : memref<64x128xf32, #tpu.memory_space<vmem>>, vector<1x16xf32>,
        %parallel_loop3A_960 = vector.shape_cast %parallel_loop3A_959 : vector<1x16xf32> to vector<16xf32>
        %parallel_loop3A_961 = vector.shape_cast %parallel_loop3A_952 : vector<16xf32> to vector<1x16xf32>
        tpu.vector_store %parallel_loop3A_956[%parallel_loop3A_957, %parallel_loop3A_958], %parallel_loop3A_961 {strides = array<i32>} : memref<64x128xf32, #tpu.memory_space<vmem>>, vector<1x16xf32>,
        %parallel_loop3A_962 = arith.constant 0 : i32
        %parallel_loop3A_963 = arith.constant 0 : i32
        %parallel_loop3A_964 = tpu.memref_slice %arg6[%parallel_loop3A_377, %parallel_loop3A_962, %parallel_loop3A_963] : memref<10x64x128xf32, #tpu.memory_space<vmem>> -> memref<1x64x128xf32, #tpu.memory_space<vmem>>
        %parallel_loop3A_965 = tpu.memref_squeeze %parallel_loop3A_964 : memref<1x64x128xf32, #tpu.memory_space<vmem>> -> memref<64x128xf32, #tpu.memory_space<vmem>>
        %parallel_loop3A_966 = arith.index_cast %parallel_loop3A_821 : i32 to index
        %parallel_loop3A_967 = arith.constant 112 : index
        %parallel_loop3A_968 = tpu.vector_load %parallel_loop3A_965[%parallel_loop3A_966, %parallel_loop3A_967] {strides = array<i32>} : memref<64x128xf32, #tpu.memory_space<vmem>>, vector<1x16xf32>,
        %parallel_loop3A_969 = vector.shape_cast %parallel_loop3A_968 : vector<1x16xf32> to vector<16xf32>
        %parallel_loop3A_970 = arith.constant 11.3137083 : f32
        %parallel_loop3A_971 = vector.broadcast %parallel_loop3A_970 : f32 to vector<16xf32>
        %parallel_loop3A_972 = arith.mulf %parallel_loop3A_969, %parallel_loop3A_971 : vector<16xf32>
        %parallel_loop3A_973 = arith.constant 0 : i32
        %parallel_loop3A_974 = arith.constant 0 : i32
        %parallel_loop3A_975 = tpu.memref_slice %arg6[%parallel_loop3A_377, %parallel_loop3A_973, %parallel_loop3A_974] : memref<10x64x128xf32, #tpu.memory_space<vmem>> -> memref<1x64x128xf32, #tpu.memory_space<vmem>>
        %parallel_loop3A_976 = tpu.memref_squeeze %parallel_loop3A_975 : memref<1x64x128xf32, #tpu.memory_space<vmem>> -> memref<64x128xf32, #tpu.memory_space<vmem>>
        %parallel_loop3A_977 = arith.index_cast %parallel_loop3A_821 : i32 to index
        %parallel_loop3A_978 = arith.constant 112 : index
        %parallel_loop3A_979 = tpu.vector_load %parallel_loop3A_976[%parallel_loop3A_977, %parallel_loop3A_978] {strides = array<i32>} : memref<64x128xf32, #tpu.memory_space<vmem>>, vector<1x16xf32>,
        %parallel_loop3A_980 = vector.shape_cast %parallel_loop3A_979 : vector<1x16xf32> to vector<16xf32>
        %parallel_loop3A_981 = vector.shape_cast %parallel_loop3A_972 : vector<16xf32> to vector<1x16xf32>
        tpu.vector_store %parallel_loop3A_976[%parallel_loop3A_977, %parallel_loop3A_978], %parallel_loop3A_981 {strides = array<i32>} : memref<64x128xf32, #tpu.memory_space<vmem>>, vector<1x16xf32>,
      } {sc.loop_unroll_factor = 4 : i64, sc.parallel_access}
      %mul3A_378 = arith.constant 64 : i32
      %mul3A_379 = arith.muli %add3A_355, %mul3A_378 : i32
      %add3A_380 = arith.addi %mul3A_2, %mul3A_379 : i32
      %dma_start3A_381 = arith.constant 1 : i32
      %dma_start3A_382 = arith.constant 1 : i32
      %dma_start3A_383 = arith.constant 0 : i32
      %dma_start3A_384 = arith.constant 0 : i32
      %dma_start3A_385 = tpu.memref_slice %arg6[%dma_start3A_381, %dma_start3A_383, %dma_start3A_384] : memref<10x64x128xf32, #tpu.memory_space<vmem>> -> memref<1x64x128xf32, #tpu.memory_space<vmem>>
      %dma_start3A_386 = tpu.memref_squeeze %dma_start3A_385 : memref<1x64x128xf32, #tpu.memory_space<vmem>> -> memref<64x128xf32, #tpu.memory_space<vmem>>
      %dma_start3A_387 = arith.constant 0 : i32
      %dma_start3A_388 = tpu.memref_slice %arg4[%add3A_380, %dma_start3A_387] : memref<204800x128xf32, #tpu.memory_space<hbm>> -> memref<64x128xf32, #tpu.memory_space<hbm>>
      %dma_start3A_389 = tpu.memref_slice %arg8[%dma_start3A_382] : memref<10x!tpu.dma_semaphore, #tpu.memory_space<semaphore_mem>> -> memref<1x!tpu.dma_semaphore, #tpu.memory_space<semaphore_mem>>
      %dma_start3A_390 = tpu.memref_squeeze %dma_start3A_389 : memref<1x!tpu.dma_semaphore, #tpu.memory_space<semaphore_mem>> -> memref<!tpu.dma_semaphore, #tpu.memory_space<semaphore_mem>>
      %dma_start3A_391 = arith.constant 0 : i32
      %dma_start3A_392 = tpu.memref_slice %arg4[%add3A_380, %dma_start3A_391] : memref<204800x128xf32, #tpu.memory_space<hbm>> -> memref<64x128xf32, #tpu.memory_space<hbm>>
      %dma_start3A_393 = arith.constant 0 : i32
      %dma_start3A_394 = arith.constant 0 : i32
      %dma_start3A_395 = tpu.memref_slice %arg6[%dma_start3A_381, %dma_start3A_393, %dma_start3A_394] : memref<10x64x128xf32, #tpu.memory_space<vmem>> -> memref<1x64x128xf32, #tpu.memory_space<vmem>>
      %dma_start3A_396 = tpu.memref_squeeze %dma_start3A_395 : memref<1x64x128xf32, #tpu.memory_space<vmem>> -> memref<64x128xf32, #tpu.memory_space<vmem>>
      tpu.enqueue_dma source(%dma_start3A_396 : memref<64x128xf32, #tpu.memory_space<vmem>>) target(%dma_start3A_392 : memref<64x128xf32, #tpu.memory_space<hbm>>) target_semaphore(%dma_start3A_390 : memref<!tpu.dma_semaphore, #tpu.memory_space<semaphore_mem>>)
      %add3A_397 = arith.constant 9 : i32
      %add3A_398 = arith.addi %add3A_355, %add3A_397 : i32
      %lt3A_399 = arith.constant 100 : i32
      %lt3A_400 = arith.cmpi slt, %add3A_398, %lt3A_399 : i32
      %convert_element_type3A_401 = arith.extui %lt3A_400 : i1 to i32
      %cond3A_402 = arith.constant 0 : i32
      %cond3A_403 = arith.cmpi ne, %convert_element_type3A_401, %cond3A_402 : i32
      scf.if %cond3A_403 {
        %dma_wait3A_821 = arith.constant 0 : i32
        %dma_wait3A_822 = arith.constant 0 : i32
        %dma_wait3A_823 = arith.constant 0 : i32
        %dma_wait3A_824 = arith.constant 0 : i32
        %dma_wait3A_825 = tpu.memref_slice %arg6[%dma_wait3A_821, %dma_wait3A_823, %dma_wait3A_824] : memref<10x64x128xf32, #tpu.memory_space<vmem>> -> memref<1x64x128xf32, #tpu.memory_space<vmem>>
        %dma_wait3A_826 = tpu.memref_squeeze %dma_wait3A_825 : memref<1x64x128xf32, #tpu.memory_space<vmem>> -> memref<64x128xf32, #tpu.memory_space<vmem>>
        %dma_wait3A_827 = arith.constant 0 : i32
        %dma_wait3A_828 = tpu.memref_slice %arg4[%mul3A_2, %dma_wait3A_827] : memref<204800x128xf32, #tpu.memory_space<hbm>> -> memref<64x128xf32, #tpu.memory_space<hbm>>
        %dma_wait3A_829 = tpu.memref_slice %arg8[%dma_wait3A_822] : memref<10x!tpu.dma_semaphore, #tpu.memory_space<semaphore_mem>> -> memref<1x!tpu.dma_semaphore, #tpu.memory_space<semaphore_mem>>
        %dma_wait3A_830 = tpu.memref_squeeze %dma_wait3A_829 : memref<1x!tpu.dma_semaphore, #tpu.memory_space<semaphore_mem>> -> memref<!tpu.dma_semaphore, #tpu.memory_space<semaphore_mem>>
        %dma_wait3A_831 = arith.constant 0 : i32
        %dma_wait3A_832 = tpu.memref_slice %arg4[%mul3A_2, %dma_wait3A_831] : memref<204800x128xf32, #tpu.memory_space<hbm>> -> memref<64x128xf32, #tpu.memory_space<hbm>>
        %dma_wait3A_833 = arith.constant 0 : i32
        %dma_wait3A_834 = arith.constant 0 : i32
        %dma_wait3A_835 = tpu.memref_slice %arg6[%dma_wait3A_821, %dma_wait3A_833, %dma_wait3A_834] : memref<10x64x128xf32, #tpu.memory_space<vmem>> -> memref<1x64x128xf32, #tpu.memory_space<vmem>>
        %dma_wait3A_836 = tpu.memref_squeeze %dma_wait3A_835 : memref<1x64x128xf32, #tpu.memory_space<vmem>> -> memref<64x128xf32, #tpu.memory_space<vmem>>
        tpu.wait_dma2 semaphore(%dma_wait3A_830 : memref<!tpu.dma_semaphore, #tpu.memory_space<semaphore_mem>>) src(%dma_wait3A_836 : memref<64x128xf32, #tpu.memory_space<vmem>>) dst(%dma_wait3A_832 : memref<64x128xf32, #tpu.memory_space<hbm>>)
        %add3A_837 = arith.constant 9 : i32
        %add3A_838 = arith.addi %add3A_355, %add3A_837 : i32
        %mul3A_839 = arith.constant 1 : i32
        %mul3A_840 = arith.muli %add3A_838, %mul3A_839 : i32
        %add3A_841 = arith.constant 0 : i32
        %add3A_842 = arith.addi %mul3A_840, %add3A_841 : i32
        %dma_start3A_843 = arith.constant 0 : i32
        %dma_start3A_844 = arith.constant 0 : i32
        %dma_start3A_845 = arith.constant 0 : i32
        %dma_start3A_846 = arith.constant 0 : i32
        %dma_start3A_847 = tpu.memref_slice %arg6[%dma_start3A_843, %dma_start3A_845, %dma_start3A_846] : memref<10x64x128xf32, #tpu.memory_space<vmem>> -> memref<1x64x128xf32, #tpu.memory_space<vmem>>
        %dma_start3A_848 = tpu.memref_squeeze %dma_start3A_847 : memref<1x64x128xf32, #tpu.memory_space<vmem>> -> memref<64x128xf32, #tpu.memory_space<vmem>>
        %dma_start3A_849 = arith.constant 0 : i32
        %dma_start3A_850 = tpu.memref_slice %arg5[%add3A_842, %dma_start3A_849] : memref<100x64xi32, #tpu.memory_space<vmem>> -> memref<1x64xi32, #tpu.memory_space<vmem>>
        %dma_start3A_851 = tpu.memref_squeeze %dma_start3A_850 : memref<1x64xi32, #tpu.memory_space<vmem>> -> memref<64xi32, #tpu.memory_space<vmem>>
        %dma_start3A_852 = arith.constant 0 : i32
        %dma_start3A_853 = arith.constant 0 : i32
        %dma_start3A_854 = tpu.memref_slice %arg3[%dma_start3A_852, %dma_start3A_853] : memref<100000x128xf32, #tpu.memory_space<hbm>> -> memref<100000x128xf32, #tpu.memory_space<hbm>>
        %dma_start3A_855 = tpu.memref_slice %arg7[%dma_start3A_844] : memref<10x!tpu.dma_semaphore, #tpu.memory_space<semaphore_mem>> -> memref<1x!tpu.dma_semaphore, #tpu.memory_space<semaphore_mem>>
        %dma_start3A_856 = tpu.memref_squeeze %dma_start3A_855 : memref<1x!tpu.dma_semaphore, #tpu.memory_space<semaphore_mem>> -> memref<!tpu.dma_semaphore, #tpu.memory_space<semaphore_mem>>
        tpu.enqueue_indirect_dma source(%dma_start3A_854 : memref<100000x128xf32, #tpu.memory_space<hbm>>) target(%dma_start3A_848 : memref<64x128xf32, #tpu.memory_space<vmem>>) offsets(%dma_start3A_851 : memref<64xi32, #tpu.memory_space<vmem>>) semaphore(%dma_start3A_856 : memref<!tpu.dma_semaphore, #tpu.memory_space<semaphore_mem>>)
      } else {
      }
      %mul3A_404 = arith.constant 10 : i32
      %mul3A_405 = arith.muli %scan3A_302, %mul3A_404 : i32
      %add3A_406 = arith.constant 2 : i32
      %add3A_407 = arith.addi %mul3A_405, %add3A_406 : i32
      %mul3A_408 = arith.constant 1 : i32
      %mul3A_409 = arith.muli %add3A_407, %mul3A_408 : i32
      %add3A_410 = arith.constant 0 : i32
      %add3A_411 = arith.addi %mul3A_409, %add3A_410 : i32
      %dma_wait3A_412 = arith.constant 2 : i32
      %dma_wait3A_413 = arith.constant 2 : i32
      %dma_wait3A_414 = arith.constant 0 : i32
      %dma_wait3A_415 = arith.constant 0 : i32
      %dma_wait3A_416 = tpu.memref_slice %arg6[%dma_wait3A_412, %dma_wait3A_414, %dma_wait3A_415] : memref<10x64x128xf32, #tpu.memory_space<vmem>> -> memref<1x64x128xf32, #tpu.memory_space<vmem>>
      %dma_wait3A_417 = tpu.memref_squeeze %dma_wait3A_416 : memref<1x64x128xf32, #tpu.memory_space<vmem>> -> memref<64x128xf32, #tpu.memory_space<vmem>>
      %dma_wait3A_418 = arith.constant 0 : i32
      %dma_wait3A_419 = tpu.memref_slice %arg5[%add3A_411, %dma_wait3A_418] : memref<100x64xi32, #tpu.memory_space<vmem>> -> memref<1x64xi32, #tpu.memory_space<vmem>>
      %dma_wait3A_420 = tpu.memref_squeeze %dma_wait3A_419 : memref<1x64xi32, #tpu.memory_space<vmem>> -> memref<64xi32, #tpu.memory_space<vmem>>
      %dma_wait3A_421 = arith.constant 0 : i32
      %dma_wait3A_422 = arith.constant 0 : i32
      %dma_wait3A_423 = tpu.memref_slice %arg3[%dma_wait3A_421, %dma_wait3A_422] : memref<100000x128xf32, #tpu.memory_space<hbm>> -> memref<100000x128xf32, #tpu.memory_space<hbm>>
      %dma_wait3A_424 = tpu.memref_slice %arg7[%dma_wait3A_413] : memref<10x!tpu.dma_semaphore, #tpu.memory_space<semaphore_mem>> -> memref<1x!tpu.dma_semaphore, #tpu.memory_space<semaphore_mem>>
      %dma_wait3A_425 = tpu.memref_squeeze %dma_wait3A_424 : memref<1x!tpu.dma_semaphore, #tpu.memory_space<semaphore_mem>> -> memref<!tpu.dma_semaphore, #tpu.memory_space<semaphore_mem>>
      tpu.wait_indirect_dma semaphore(%dma_wait3A_425 : memref<!tpu.dma_semaphore, #tpu.memory_space<semaphore_mem>>) src(%dma_wait3A_423 : memref<100000x128xf32, #tpu.memory_space<hbm>>) dst(%dma_wait3A_417 : memref<64x128xf32, #tpu.memory_space<vmem>>)
      %parallel_loop3A_426 = arith.constant 0 : i32
      %parallel_loop3A_427 = arith.constant 64 : i32
      %parallel_loop3A_428 = arith.constant 1 : i32
      %parallel_loop3A_429 = arith.constant 2 : i32
      scf.for %parallel_loop3A_821 = %parallel_loop3A_426 to %parallel_loop3A_427 step %parallel_loop3A_428  : i32 {
        %parallel_loop3A_822 = arith.constant 0 : i32
        %parallel_loop3A_823 = arith.constant 0 : i32
        %parallel_loop3A_824 = tpu.memref_slice %arg6[%parallel_loop3A_429, %parallel_loop3A_822, %parallel_loop3A_823] : memref<10x64x128xf32, #tpu.memory_space<vmem>> -> memref<1x64x128xf32, #tpu.memory_space<vmem>>
        %parallel_loop3A_825 = tpu.memref_squeeze %parallel_loop3A_824 : memref<1x64x128xf32, #tpu.memory_space<vmem>> -> memref<64x128xf32, #tpu.memory_space<vmem>>
        %parallel_loop3A_826 = arith.index_cast %parallel_loop3A_821 : i32 to index
        %parallel_loop3A_827 = arith.constant 0 : index
        %parallel_loop3A_828 = tpu.vector_load %parallel_loop3A_825[%parallel_loop3A_826, %parallel_loop3A_827] {strides = array<i32>} : memref<64x128xf32, #tpu.memory_space<vmem>>, vector<1x16xf32>,
        %parallel_loop3A_829 = vector.shape_cast %parallel_loop3A_828 : vector<1x16xf32> to vector<16xf32>
        %parallel_loop3A_830 = arith.constant 11.3137083 : f32
        %parallel_loop3A_831 = vector.broadcast %parallel_loop3A_830 : f32 to vector<16xf32>
        %parallel_loop3A_832 = arith.mulf %parallel_loop3A_829, %parallel_loop3A_831 : vector<16xf32>
        %parallel_loop3A_833 = arith.constant 0 : i32
        %parallel_loop3A_834 = arith.constant 0 : i32
        %parallel_loop3A_835 = tpu.memref_slice %arg6[%parallel_loop3A_429, %parallel_loop3A_833, %parallel_loop3A_834] : memref<10x64x128xf32, #tpu.memory_space<vmem>> -> memref<1x64x128xf32, #tpu.memory_space<vmem>>
        %parallel_loop3A_836 = tpu.memref_squeeze %parallel_loop3A_835 : memref<1x64x128xf32, #tpu.memory_space<vmem>> -> memref<64x128xf32, #tpu.memory_space<vmem>>
        %parallel_loop3A_837 = arith.index_cast %parallel_loop3A_821 : i32 to index
        %parallel_loop3A_838 = arith.constant 0 : index
        %parallel_loop3A_839 = tpu.vector_load %parallel_loop3A_836[%parallel_loop3A_837, %parallel_loop3A_838] {strides = array<i32>} : memref<64x128xf32, #tpu.memory_space<vmem>>, vector<1x16xf32>,
        %parallel_loop3A_840 = vector.shape_cast %parallel_loop3A_839 : vector<1x16xf32> to vector<16xf32>
        %parallel_loop3A_841 = vector.shape_cast %parallel_loop3A_832 : vector<16xf32> to vector<1x16xf32>
        tpu.vector_store %parallel_loop3A_836[%parallel_loop3A_837, %parallel_loop3A_838], %parallel_loop3A_841 {strides = array<i32>} : memref<64x128xf32, #tpu.memory_space<vmem>>, vector<1x16xf32>,
        %parallel_loop3A_842 = arith.constant 0 : i32
        %parallel_loop3A_843 = arith.constant 0 : i32
        %parallel_loop3A_844 = tpu.memref_slice %arg6[%parallel_loop3A_429, %parallel_loop3A_842, %parallel_loop3A_843] : memref<10x64x128xf32, #tpu.memory_space<vmem>> -> memref<1x64x128xf32, #tpu.memory_space<vmem>>
        %parallel_loop3A_845 = tpu.memref_squeeze %parallel_loop3A_844 : memref<1x64x128xf32, #tpu.memory_space<vmem>> -> memref<64x128xf32, #tpu.memory_space<vmem>>
        %parallel_loop3A_846 = arith.index_cast %parallel_loop3A_821 : i32 to index
        %parallel_loop3A_847 = arith.constant 16 : index
        %parallel_loop3A_848 = tpu.vector_load %parallel_loop3A_845[%parallel_loop3A_846, %parallel_loop3A_847] {strides = array<i32>} : memref<64x128xf32, #tpu.memory_space<vmem>>, vector<1x16xf32>,
        %parallel_loop3A_849 = vector.shape_cast %parallel_loop3A_848 : vector<1x16xf32> to vector<16xf32>
        %parallel_loop3A_850 = arith.constant 11.3137083 : f32
        %parallel_loop3A_851 = vector.broadcast %parallel_loop3A_850 : f32 to vector<16xf32>
        %parallel_loop3A_852 = arith.mulf %parallel_loop3A_849, %parallel_loop3A_851 : vector<16xf32>
        %parallel_loop3A_853 = arith.constant 0 : i32
        %parallel_loop3A_854 = arith.constant 0 : i32
        %parallel_loop3A_855 = tpu.memref_slice %arg6[%parallel_loop3A_429, %parallel_loop3A_853, %parallel_loop3A_854] : memref<10x64x128xf32, #tpu.memory_space<vmem>> -> memref<1x64x128xf32, #tpu.memory_space<vmem>>
        %parallel_loop3A_856 = tpu.memref_squeeze %parallel_loop3A_855 : memref<1x64x128xf32, #tpu.memory_space<vmem>> -> memref<64x128xf32, #tpu.memory_space<vmem>>
        %parallel_loop3A_857 = arith.index_cast %parallel_loop3A_821 : i32 to index
        %parallel_loop3A_858 = arith.constant 16 : index
        %parallel_loop3A_859 = tpu.vector_load %parallel_loop3A_856[%parallel_loop3A_857, %parallel_loop3A_858] {strides = array<i32>} : memref<64x128xf32, #tpu.memory_space<vmem>>, vector<1x16xf32>,
        %parallel_loop3A_860 = vector.shape_cast %parallel_loop3A_859 : vector<1x16xf32> to vector<16xf32>
        %parallel_loop3A_861 = vector.shape_cast %parallel_loop3A_852 : vector<16xf32> to vector<1x16xf32>
        tpu.vector_store %parallel_loop3A_856[%parallel_loop3A_857, %parallel_loop3A_858], %parallel_loop3A_861 {strides = array<i32>} : memref<64x128xf32, #tpu.memory_space<vmem>>, vector<1x16xf32>,
        %parallel_loop3A_862 = arith.constant 0 : i32
        %parallel_loop3A_863 = arith.constant 0 : i32
        %parallel_loop3A_864 = tpu.memref_slice %arg6[%parallel_loop3A_429, %parallel_loop3A_862, %parallel_loop3A_863] : memref<10x64x128xf32, #tpu.memory_space<vmem>> -> memref<1x64x128xf32, #tpu.memory_space<vmem>>
        %parallel_loop3A_865 = tpu.memref_squeeze %parallel_loop3A_864 : memref<1x64x128xf32, #tpu.memory_space<vmem>> -> memref<64x128xf32, #tpu.memory_space<vmem>>
        %parallel_loop3A_866 = arith.index_cast %parallel_loop3A_821 : i32 to index
        %parallel_loop3A_867 = arith.constant 32 : index
        %parallel_loop3A_868 = tpu.vector_load %parallel_loop3A_865[%parallel_loop3A_866, %parallel_loop3A_867] {strides = array<i32>} : memref<64x128xf32, #tpu.memory_space<vmem>>, vector<1x16xf32>,
        %parallel_loop3A_869 = vector.shape_cast %parallel_loop3A_868 : vector<1x16xf32> to vector<16xf32>
        %parallel_loop3A_870 = arith.constant 11.3137083 : f32
        %parallel_loop3A_871 = vector.broadcast %parallel_loop3A_870 : f32 to vector<16xf32>
        %parallel_loop3A_872 = arith.mulf %parallel_loop3A_869, %parallel_loop3A_871 : vector<16xf32>
        %parallel_loop3A_873 = arith.constant 0 : i32
        %parallel_loop3A_874 = arith.constant 0 : i32
        %parallel_loop3A_875 = tpu.memref_slice %arg6[%parallel_loop3A_429, %parallel_loop3A_873, %parallel_loop3A_874] : memref<10x64x128xf32, #tpu.memory_space<vmem>> -> memref<1x64x128xf32, #tpu.memory_space<vmem>>
        %parallel_loop3A_876 = tpu.memref_squeeze %parallel_loop3A_875 : memref<1x64x128xf32, #tpu.memory_space<vmem>> -> memref<64x128xf32, #tpu.memory_space<vmem>>
        %parallel_loop3A_877 = arith.index_cast %parallel_loop3A_821 : i32 to index
        %parallel_loop3A_878 = arith.constant 32 : index
        %parallel_loop3A_879 = tpu.vector_load %parallel_loop3A_876[%parallel_loop3A_877, %parallel_loop3A_878] {strides = array<i32>} : memref<64x128xf32, #tpu.memory_space<vmem>>, vector<1x16xf32>,
        %parallel_loop3A_880 = vector.shape_cast %parallel_loop3A_879 : vector<1x16xf32> to vector<16xf32>
        %parallel_loop3A_881 = vector.shape_cast %parallel_loop3A_872 : vector<16xf32> to vector<1x16xf32>
        tpu.vector_store %parallel_loop3A_876[%parallel_loop3A_877, %parallel_loop3A_878], %parallel_loop3A_881 {strides = array<i32>} : memref<64x128xf32, #tpu.memory_space<vmem>>, vector<1x16xf32>,
        %parallel_loop3A_882 = arith.constant 0 : i32
        %parallel_loop3A_883 = arith.constant 0 : i32
        %parallel_loop3A_884 = tpu.memref_slice %arg6[%parallel_loop3A_429, %parallel_loop3A_882, %parallel_loop3A_883] : memref<10x64x128xf32, #tpu.memory_space<vmem>> -> memref<1x64x128xf32, #tpu.memory_space<vmem>>
        %parallel_loop3A_885 = tpu.memref_squeeze %parallel_loop3A_884 : memref<1x64x128xf32, #tpu.memory_space<vmem>> -> memref<64x128xf32, #tpu.memory_space<vmem>>
        %parallel_loop3A_886 = arith.index_cast %parallel_loop3A_821 : i32 to index
        %parallel_loop3A_887 = arith.constant 48 : index
        %parallel_loop3A_888 = tpu.vector_load %parallel_loop3A_885[%parallel_loop3A_886, %parallel_loop3A_887] {strides = array<i32>} : memref<64x128xf32, #tpu.memory_space<vmem>>, vector<1x16xf32>,
        %parallel_loop3A_889 = vector.shape_cast %parallel_loop3A_888 : vector<1x16xf32> to vector<16xf32>
        %parallel_loop3A_890 = arith.constant 11.3137083 : f32
        %parallel_loop3A_891 = vector.broadcast %parallel_loop3A_890 : f32 to vector<16xf32>
        %parallel_loop3A_892 = arith.mulf %parallel_loop3A_889, %parallel_loop3A_891 : vector<16xf32>
        %parallel_loop3A_893 = arith.constant 0 : i32
        %parallel_loop3A_894 = arith.constant 0 : i32
        %parallel_loop3A_895 = tpu.memref_slice %arg6[%parallel_loop3A_429, %parallel_loop3A_893, %parallel_loop3A_894] : memref<10x64x128xf32, #tpu.memory_space<vmem>> -> memref<1x64x128xf32, #tpu.memory_space<vmem>>
        %parallel_loop3A_896 = tpu.memref_squeeze %parallel_loop3A_895 : memref<1x64x128xf32, #tpu.memory_space<vmem>> -> memref<64x128xf32, #tpu.memory_space<vmem>>
        %parallel_loop3A_897 = arith.index_cast %parallel_loop3A_821 : i32 to index
        %parallel_loop3A_898 = arith.constant 48 : index
        %parallel_loop3A_899 = tpu.vector_load %parallel_loop3A_896[%parallel_loop3A_897, %parallel_loop3A_898] {strides = array<i32>} : memref<64x128xf32, #tpu.memory_space<vmem>>, vector<1x16xf32>,
        %parallel_loop3A_900 = vector.shape_cast %parallel_loop3A_899 : vector<1x16xf32> to vector<16xf32>
        %parallel_loop3A_901 = vector.shape_cast %parallel_loop3A_892 : vector<16xf32> to vector<1x16xf32>
        tpu.vector_store %parallel_loop3A_896[%parallel_loop3A_897, %parallel_loop3A_898], %parallel_loop3A_901 {strides = array<i32>} : memref<64x128xf32, #tpu.memory_space<vmem>>, vector<1x16xf32>,
        %parallel_loop3A_902 = arith.constant 0 : i32
        %parallel_loop3A_903 = arith.constant 0 : i32
        %parallel_loop3A_904 = tpu.memref_slice %arg6[%parallel_loop3A_429, %parallel_loop3A_902, %parallel_loop3A_903] : memref<10x64x128xf32, #tpu.memory_space<vmem>> -> memref<1x64x128xf32, #tpu.memory_space<vmem>>
        %parallel_loop3A_905 = tpu.memref_squeeze %parallel_loop3A_904 : memref<1x64x128xf32, #tpu.memory_space<vmem>> -> memref<64x128xf32, #tpu.memory_space<vmem>>
        %parallel_loop3A_906 = arith.index_cast %parallel_loop3A_821 : i32 to index
        %parallel_loop3A_907 = arith.constant 64 : index
        %parallel_loop3A_908 = tpu.vector_load %parallel_loop3A_905[%parallel_loop3A_906, %parallel_loop3A_907] {strides = array<i32>} : memref<64x128xf32, #tpu.memory_space<vmem>>, vector<1x16xf32>,
        %parallel_loop3A_909 = vector.shape_cast %parallel_loop3A_908 : vector<1x16xf32> to vector<16xf32>
        %parallel_loop3A_910 = arith.constant 11.3137083 : f32
        %parallel_loop3A_911 = vector.broadcast %parallel_loop3A_910 : f32 to vector<16xf32>
        %parallel_loop3A_912 = arith.mulf %parallel_loop3A_909, %parallel_loop3A_911 : vector<16xf32>
        %parallel_loop3A_913 = arith.constant 0 : i32
        %parallel_loop3A_914 = arith.constant 0 : i32
        %parallel_loop3A_915 = tpu.memref_slice %arg6[%parallel_loop3A_429, %parallel_loop3A_913, %parallel_loop3A_914] : memref<10x64x128xf32, #tpu.memory_space<vmem>> -> memref<1x64x128xf32, #tpu.memory_space<vmem>>
        %parallel_loop3A_916 = tpu.memref_squeeze %parallel_loop3A_915 : memref<1x64x128xf32, #tpu.memory_space<vmem>> -> memref<64x128xf32, #tpu.memory_space<vmem>>
        %parallel_loop3A_917 = arith.index_cast %parallel_loop3A_821 : i32 to index
        %parallel_loop3A_918 = arith.constant 64 : index
        %parallel_loop3A_919 = tpu.vector_load %parallel_loop3A_916[%parallel_loop3A_917, %parallel_loop3A_918] {strides = array<i32>} : memref<64x128xf32, #tpu.memory_space<vmem>>, vector<1x16xf32>,
        %parallel_loop3A_920 = vector.shape_cast %parallel_loop3A_919 : vector<1x16xf32> to vector<16xf32>
        %parallel_loop3A_921 = vector.shape_cast %parallel_loop3A_912 : vector<16xf32> to vector<1x16xf32>
        tpu.vector_store %parallel_loop3A_916[%parallel_loop3A_917, %parallel_loop3A_918], %parallel_loop3A_921 {strides = array<i32>} : memref<64x128xf32, #tpu.memory_space<vmem>>, vector<1x16xf32>,
        %parallel_loop3A_922 = arith.constant 0 : i32
        %parallel_loop3A_923 = arith.constant 0 : i32
        %parallel_loop3A_924 = tpu.memref_slice %arg6[%parallel_loop3A_429, %parallel_loop3A_922, %parallel_loop3A_923] : memref<10x64x128xf32, #tpu.memory_space<vmem>> -> memref<1x64x128xf32, #tpu.memory_space<vmem>>
        %parallel_loop3A_925 = tpu.memref_squeeze %parallel_loop3A_924 : memref<1x64x128xf32, #tpu.memory_space<vmem>> -> memref<64x128xf32, #tpu.memory_space<vmem>>
        %parallel_loop3A_926 = arith.index_cast %parallel_loop3A_821 : i32 to index
        %parallel_loop3A_927 = arith.constant 80 : index
        %parallel_loop3A_928 = tpu.vector_load %parallel_loop3A_925[%parallel_loop3A_926, %parallel_loop3A_927] {strides = array<i32>} : memref<64x128xf32, #tpu.memory_space<vmem>>, vector<1x16xf32>,
        %parallel_loop3A_929 = vector.shape_cast %parallel_loop3A_928 : vector<1x16xf32> to vector<16xf32>
        %parallel_loop3A_930 = arith.constant 11.3137083 : f32
        %parallel_loop3A_931 = vector.broadcast %parallel_loop3A_930 : f32 to vector<16xf32>
        %parallel_loop3A_932 = arith.mulf %parallel_loop3A_929, %parallel_loop3A_931 : vector<16xf32>
        %parallel_loop3A_933 = arith.constant 0 : i32
        %parallel_loop3A_934 = arith.constant 0 : i32
        %parallel_loop3A_935 = tpu.memref_slice %arg6[%parallel_loop3A_429, %parallel_loop3A_933, %parallel_loop3A_934] : memref<10x64x128xf32, #tpu.memory_space<vmem>> -> memref<1x64x128xf32, #tpu.memory_space<vmem>>
        %parallel_loop3A_936 = tpu.memref_squeeze %parallel_loop3A_935 : memref<1x64x128xf32, #tpu.memory_space<vmem>> -> memref<64x128xf32, #tpu.memory_space<vmem>>
        %parallel_loop3A_937 = arith.index_cast %parallel_loop3A_821 : i32 to index
        %parallel_loop3A_938 = arith.constant 80 : index
        %parallel_loop3A_939 = tpu.vector_load %parallel_loop3A_936[%parallel_loop3A_937, %parallel_loop3A_938] {strides = array<i32>} : memref<64x128xf32, #tpu.memory_space<vmem>>, vector<1x16xf32>,
        %parallel_loop3A_940 = vector.shape_cast %parallel_loop3A_939 : vector<1x16xf32> to vector<16xf32>
        %parallel_loop3A_941 = vector.shape_cast %parallel_loop3A_932 : vector<16xf32> to vector<1x16xf32>
        tpu.vector_store %parallel_loop3A_936[%parallel_loop3A_937, %parallel_loop3A_938], %parallel_loop3A_941 {strides = array<i32>} : memref<64x128xf32, #tpu.memory_space<vmem>>, vector<1x16xf32>,
        %parallel_loop3A_942 = arith.constant 0 : i32
        %parallel_loop3A_943 = arith.constant 0 : i32
        %parallel_loop3A_944 = tpu.memref_slice %arg6[%parallel_loop3A_429, %parallel_loop3A_942, %parallel_loop3A_943] : memref<10x64x128xf32, #tpu.memory_space<vmem>> -> memref<1x64x128xf32, #tpu.memory_space<vmem>>
        %parallel_loop3A_945 = tpu.memref_squeeze %parallel_loop3A_944 : memref<1x64x128xf32, #tpu.memory_space<vmem>> -> memref<64x128xf32, #tpu.memory_space<vmem>>
        %parallel_loop3A_946 = arith.index_cast %parallel_loop3A_821 : i32 to index
        %parallel_loop3A_947 = arith.constant 96 : index
        %parallel_loop3A_948 = tpu.vector_load %parallel_loop3A_945[%parallel_loop3A_946, %parallel_loop3A_947] {strides = array<i32>} : memref<64x128xf32, #tpu.memory_space<vmem>>, vector<1x16xf32>,
        %parallel_loop3A_949 = vector.shape_cast %parallel_loop3A_948 : vector<1x16xf32> to vector<16xf32>
        %parallel_loop3A_950 = arith.constant 11.3137083 : f32
        %parallel_loop3A_951 = vector.broadcast %parallel_loop3A_950 : f32 to vector<16xf32>
        %parallel_loop3A_952 = arith.mulf %parallel_loop3A_949, %parallel_loop3A_951 : vector<16xf32>
        %parallel_loop3A_953 = arith.constant 0 : i32
        %parallel_loop3A_954 = arith.constant 0 : i32
        %parallel_loop3A_955 = tpu.memref_slice %arg6[%parallel_loop3A_429, %parallel_loop3A_953, %parallel_loop3A_954] : memref<10x64x128xf32, #tpu.memory_space<vmem>> -> memref<1x64x128xf32, #tpu.memory_space<vmem>>
        %parallel_loop3A_956 = tpu.memref_squeeze %parallel_loop3A_955 : memref<1x64x128xf32, #tpu.memory_space<vmem>> -> memref<64x128xf32, #tpu.memory_space<vmem>>
        %parallel_loop3A_957 = arith.index_cast %parallel_loop3A_821 : i32 to index
        %parallel_loop3A_958 = arith.constant 96 : index
        %parallel_loop3A_959 = tpu.vector_load %parallel_loop3A_956[%parallel_loop3A_957, %parallel_loop3A_958] {strides = array<i32>} : memref<64x128xf32, #tpu.memory_space<vmem>>, vector<1x16xf32>,
        %parallel_loop3A_960 = vector.shape_cast %parallel_loop3A_959 : vector<1x16xf32> to vector<16xf32>
        %parallel_loop3A_961 = vector.shape_cast %parallel_loop3A_952 : vector<16xf32> to vector<1x16xf32>
        tpu.vector_store %parallel_loop3A_956[%parallel_loop3A_957, %parallel_loop3A_958], %parallel_loop3A_961 {strides = array<i32>} : memref<64x128xf32, #tpu.memory_space<vmem>>, vector<1x16xf32>,
        %parallel_loop3A_962 = arith.constant 0 : i32
        %parallel_loop3A_963 = arith.constant 0 : i32
        %parallel_loop3A_964 = tpu.memref_slice %arg6[%parallel_loop3A_429, %parallel_loop3A_962, %parallel_loop3A_963] : memref<10x64x128xf32, #tpu.memory_space<vmem>> -> memref<1x64x128xf32, #tpu.memory_space<vmem>>
        %parallel_loop3A_965 = tpu.memref_squeeze %parallel_loop3A_964 : memref<1x64x128xf32, #tpu.memory_space<vmem>> -> memref<64x128xf32, #tpu.memory_space<vmem>>
        %parallel_loop3A_966 = arith.index_cast %parallel_loop3A_821 : i32 to index
        %parallel_loop3A_967 = arith.constant 112 : index
        %parallel_loop3A_968 = tpu.vector_load %parallel_loop3A_965[%parallel_loop3A_966, %parallel_loop3A_967] {strides = array<i32>} : memref<64x128xf32, #tpu.memory_space<vmem>>, vector<1x16xf32>,
        %parallel_loop3A_969 = vector.shape_cast %parallel_loop3A_968 : vector<1x16xf32> to vector<16xf32>
        %parallel_loop3A_970 = arith.constant 11.3137083 : f32
        %parallel_loop3A_971 = vector.broadcast %parallel_loop3A_970 : f32 to vector<16xf32>
        %parallel_loop3A_972 = arith.mulf %parallel_loop3A_969, %parallel_loop3A_971 : vector<16xf32>
        %parallel_loop3A_973 = arith.constant 0 : i32
        %parallel_loop3A_974 = arith.constant 0 : i32
        %parallel_loop3A_975 = tpu.memref_slice %arg6[%parallel_loop3A_429, %parallel_loop3A_973, %parallel_loop3A_974] : memref<10x64x128xf32, #tpu.memory_space<vmem>> -> memref<1x64x128xf32, #tpu.memory_space<vmem>>
        %parallel_loop3A_976 = tpu.memref_squeeze %parallel_loop3A_975 : memref<1x64x128xf32, #tpu.memory_space<vmem>> -> memref<64x128xf32, #tpu.memory_space<vmem>>
        %parallel_loop3A_977 = arith.index_cast %parallel_loop3A_821 : i32 to index
        %parallel_loop3A_978 = arith.constant 112 : index
        %parallel_loop3A_979 = tpu.vector_load %parallel_loop3A_976[%parallel_loop3A_977, %parallel_loop3A_978] {strides = array<i32>} : memref<64x128xf32, #tpu.memory_space<vmem>>, vector<1x16xf32>,
        %parallel_loop3A_980 = vector.shape_cast %parallel_loop3A_979 : vector<1x16xf32> to vector<16xf32>
        %parallel_loop3A_981 = vector.shape_cast %parallel_loop3A_972 : vector<16xf32> to vector<1x16xf32>
        tpu.vector_store %parallel_loop3A_976[%parallel_loop3A_977, %parallel_loop3A_978], %parallel_loop3A_981 {strides = array<i32>} : memref<64x128xf32, #tpu.memory_space<vmem>>, vector<1x16xf32>,
      } {sc.loop_unroll_factor = 4 : i64, sc.parallel_access}
      %mul3A_430 = arith.constant 64 : i32
      %mul3A_431 = arith.muli %add3A_407, %mul3A_430 : i32
      %add3A_432 = arith.addi %mul3A_2, %mul3A_431 : i32
      %dma_start3A_433 = arith.constant 2 : i32
      %dma_start3A_434 = arith.constant 2 : i32
      %dma_start3A_435 = arith.constant 0 : i32
      %dma_start3A_436 = arith.constant 0 : i32
      %dma_start3A_437 = tpu.memref_slice %arg6[%dma_start3A_433, %dma_start3A_435, %dma_start3A_436] : memref<10x64x128xf32, #tpu.memory_space<vmem>> -> memref<1x64x128xf32, #tpu.memory_space<vmem>>
      %dma_start3A_438 = tpu.memref_squeeze %dma_start3A_437 : memref<1x64x128xf32, #tpu.memory_space<vmem>> -> memref<64x128xf32, #tpu.memory_space<vmem>>
      %dma_start3A_439 = arith.constant 0 : i32
      %dma_start3A_440 = tpu.memref_slice %arg4[%add3A_432, %dma_start3A_439] : memref<204800x128xf32, #tpu.memory_space<hbm>> -> memref<64x128xf32, #tpu.memory_space<hbm>>
      %dma_start3A_441 = tpu.memref_slice %arg8[%dma_start3A_434] : memref<10x!tpu.dma_semaphore, #tpu.memory_space<semaphore_mem>> -> memref<1x!tpu.dma_semaphore, #tpu.memory_space<semaphore_mem>>
      %dma_start3A_442 = tpu.memref_squeeze %dma_start3A_441 : memref<1x!tpu.dma_semaphore, #tpu.memory_space<semaphore_mem>> -> memref<!tpu.dma_semaphore, #tpu.memory_space<semaphore_mem>>
      %dma_start3A_443 = arith.constant 0 : i32
      %dma_start3A_444 = tpu.memref_slice %arg4[%add3A_432, %dma_start3A_443] : memref<204800x128xf32, #tpu.memory_space<hbm>> -> memref<64x128xf32, #tpu.memory_space<hbm>>
      %dma_start3A_445 = arith.constant 0 : i32
      %dma_start3A_446 = arith.constant 0 : i32
      %dma_start3A_447 = tpu.memref_slice %arg6[%dma_start3A_433, %dma_start3A_445, %dma_start3A_446] : memref<10x64x128xf32, #tpu.memory_space<vmem>> -> memref<1x64x128xf32, #tpu.memory_space<vmem>>
      %dma_start3A_448 = tpu.memref_squeeze %dma_start3A_447 : memref<1x64x128xf32, #tpu.memory_space<vmem>> -> memref<64x128xf32, #tpu.memory_space<vmem>>
      tpu.enqueue_dma source(%dma_start3A_448 : memref<64x128xf32, #tpu.memory_space<vmem>>) target(%dma_start3A_444 : memref<64x128xf32, #tpu.memory_space<hbm>>) target_semaphore(%dma_start3A_442 : memref<!tpu.dma_semaphore, #tpu.memory_space<semaphore_mem>>)
      %add3A_449 = arith.constant 9 : i32
      %add3A_450 = arith.addi %add3A_407, %add3A_449 : i32
      %lt3A_451 = arith.constant 100 : i32
      %lt3A_452 = arith.cmpi slt, %add3A_450, %lt3A_451 : i32
      %convert_element_type3A_453 = arith.extui %lt3A_452 : i1 to i32
      %cond3A_454 = arith.constant 0 : i32
      %cond3A_455 = arith.cmpi ne, %convert_element_type3A_453, %cond3A_454 : i32
      scf.if %cond3A_455 {
        %dma_wait3A_821 = arith.constant 1 : i32
        %dma_wait3A_822 = arith.constant 1 : i32
        %dma_wait3A_823 = arith.constant 0 : i32
        %dma_wait3A_824 = arith.constant 0 : i32
        %dma_wait3A_825 = tpu.memref_slice %arg6[%dma_wait3A_821, %dma_wait3A_823, %dma_wait3A_824] : memref<10x64x128xf32, #tpu.memory_space<vmem>> -> memref<1x64x128xf32, #tpu.memory_space<vmem>>
        %dma_wait3A_826 = tpu.memref_squeeze %dma_wait3A_825 : memref<1x64x128xf32, #tpu.memory_space<vmem>> -> memref<64x128xf32, #tpu.memory_space<vmem>>
        %dma_wait3A_827 = arith.constant 0 : i32
        %dma_wait3A_828 = tpu.memref_slice %arg4[%mul3A_2, %dma_wait3A_827] : memref<204800x128xf32, #tpu.memory_space<hbm>> -> memref<64x128xf32, #tpu.memory_space<hbm>>
        %dma_wait3A_829 = tpu.memref_slice %arg8[%dma_wait3A_822] : memref<10x!tpu.dma_semaphore, #tpu.memory_space<semaphore_mem>> -> memref<1x!tpu.dma_semaphore, #tpu.memory_space<semaphore_mem>>
        %dma_wait3A_830 = tpu.memref_squeeze %dma_wait3A_829 : memref<1x!tpu.dma_semaphore, #tpu.memory_space<semaphore_mem>> -> memref<!tpu.dma_semaphore, #tpu.memory_space<semaphore_mem>>
        %dma_wait3A_831 = arith.constant 0 : i32
        %dma_wait3A_832 = tpu.memref_slice %arg4[%mul3A_2, %dma_wait3A_831] : memref<204800x128xf32, #tpu.memory_space<hbm>> -> memref<64x128xf32, #tpu.memory_space<hbm>>
        %dma_wait3A_833 = arith.constant 0 : i32
        %dma_wait3A_834 = arith.constant 0 : i32
        %dma_wait3A_835 = tpu.memref_slice %arg6[%dma_wait3A_821, %dma_wait3A_833, %dma_wait3A_834] : memref<10x64x128xf32, #tpu.memory_space<vmem>> -> memref<1x64x128xf32, #tpu.memory_space<vmem>>
        %dma_wait3A_836 = tpu.memref_squeeze %dma_wait3A_835 : memref<1x64x128xf32, #tpu.memory_space<vmem>> -> memref<64x128xf32, #tpu.memory_space<vmem>>
        tpu.wait_dma2 semaphore(%dma_wait3A_830 : memref<!tpu.dma_semaphore, #tpu.memory_space<semaphore_mem>>) src(%dma_wait3A_836 : memref<64x128xf32, #tpu.memory_space<vmem>>) dst(%dma_wait3A_832 : memref<64x128xf32, #tpu.memory_space<hbm>>)
        %add3A_837 = arith.constant 9 : i32
        %add3A_838 = arith.addi %add3A_407, %add3A_837 : i32
        %mul3A_839 = arith.constant 1 : i32
        %mul3A_840 = arith.muli %add3A_838, %mul3A_839 : i32
        %add3A_841 = arith.constant 0 : i32
        %add3A_842 = arith.addi %mul3A_840, %add3A_841 : i32
        %dma_start3A_843 = arith.constant 1 : i32
        %dma_start3A_844 = arith.constant 1 : i32
        %dma_start3A_845 = arith.constant 0 : i32
        %dma_start3A_846 = arith.constant 0 : i32
        %dma_start3A_847 = tpu.memref_slice %arg6[%dma_start3A_843, %dma_start3A_845, %dma_start3A_846] : memref<10x64x128xf32, #tpu.memory_space<vmem>> -> memref<1x64x128xf32, #tpu.memory_space<vmem>>
        %dma_start3A_848 = tpu.memref_squeeze %dma_start3A_847 : memref<1x64x128xf32, #tpu.memory_space<vmem>> -> memref<64x128xf32, #tpu.memory_space<vmem>>
        %dma_start3A_849 = arith.constant 0 : i32
        %dma_start3A_850 = tpu.memref_slice %arg5[%add3A_842, %dma_start3A_849] : memref<100x64xi32, #tpu.memory_space<vmem>> -> memref<1x64xi32, #tpu.memory_space<vmem>>
        %dma_start3A_851 = tpu.memref_squeeze %dma_start3A_850 : memref<1x64xi32, #tpu.memory_space<vmem>> -> memref<64xi32, #tpu.memory_space<vmem>>
        %dma_start3A_852 = arith.constant 0 : i32
        %dma_start3A_853 = arith.constant 0 : i32
        %dma_start3A_854 = tpu.memref_slice %arg3[%dma_start3A_852, %dma_start3A_853] : memref<100000x128xf32, #tpu.memory_space<hbm>> -> memref<100000x128xf32, #tpu.memory_space<hbm>>
        %dma_start3A_855 = tpu.memref_slice %arg7[%dma_start3A_844] : memref<10x!tpu.dma_semaphore, #tpu.memory_space<semaphore_mem>> -> memref<1x!tpu.dma_semaphore, #tpu.memory_space<semaphore_mem>>
        %dma_start3A_856 = tpu.memref_squeeze %dma_start3A_855 : memref<1x!tpu.dma_semaphore, #tpu.memory_space<semaphore_mem>> -> memref<!tpu.dma_semaphore, #tpu.memory_space<semaphore_mem>>
        tpu.enqueue_indirect_dma source(%dma_start3A_854 : memref<100000x128xf32, #tpu.memory_space<hbm>>) target(%dma_start3A_848 : memref<64x128xf32, #tpu.memory_space<vmem>>) offsets(%dma_start3A_851 : memref<64xi32, #tpu.memory_space<vmem>>) semaphore(%dma_start3A_856 : memref<!tpu.dma_semaphore, #tpu.memory_space<semaphore_mem>>)
      } else {
      }
      %mul3A_456 = arith.constant 10 : i32
      %mul3A_457 = arith.muli %scan3A_302, %mul3A_456 : i32
      %add3A_458 = arith.constant 3 : i32
      %add3A_459 = arith.addi %mul3A_457, %add3A_458 : i32
      %mul3A_460 = arith.constant 1 : i32
      %mul3A_461 = arith.muli %add3A_459, %mul3A_460 : i32
      %add3A_462 = arith.constant 0 : i32
      %add3A_463 = arith.addi %mul3A_461, %add3A_462 : i32
      %dma_wait3A_464 = arith.constant 3 : i32
      %dma_wait3A_465 = arith.constant 3 : i32
      %dma_wait3A_466 = arith.constant 0 : i32
      %dma_wait3A_467 = arith.constant 0 : i32
      %dma_wait3A_468 = tpu.memref_slice %arg6[%dma_wait3A_464, %dma_wait3A_466, %dma_wait3A_467] : memref<10x64x128xf32, #tpu.memory_space<vmem>> -> memref<1x64x128xf32, #tpu.memory_space<vmem>>
      %dma_wait3A_469 = tpu.memref_squeeze %dma_wait3A_468 : memref<1x64x128xf32, #tpu.memory_space<vmem>> -> memref<64x128xf32, #tpu.memory_space<vmem>>
      %dma_wait3A_470 = arith.constant 0 : i32
      %dma_wait3A_471 = tpu.memref_slice %arg5[%add3A_463, %dma_wait3A_470] : memref<100x64xi32, #tpu.memory_space<vmem>> -> memref<1x64xi32, #tpu.memory_space<vmem>>
      %dma_wait3A_472 = tpu.memref_squeeze %dma_wait3A_471 : memref<1x64xi32, #tpu.memory_space<vmem>> -> memref<64xi32, #tpu.memory_space<vmem>>
      %dma_wait3A_473 = arith.constant 0 : i32
      %dma_wait3A_474 = arith.constant 0 : i32
      %dma_wait3A_475 = tpu.memref_slice %arg3[%dma_wait3A_473, %dma_wait3A_474] : memref<100000x128xf32, #tpu.memory_space<hbm>> -> memref<100000x128xf32, #tpu.memory_space<hbm>>
      %dma_wait3A_476 = tpu.memref_slice %arg7[%dma_wait3A_465] : memref<10x!tpu.dma_semaphore, #tpu.memory_space<semaphore_mem>> -> memref<1x!tpu.dma_semaphore, #tpu.memory_space<semaphore_mem>>
      %dma_wait3A_477 = tpu.memref_squeeze %dma_wait3A_476 : memref<1x!tpu.dma_semaphore, #tpu.memory_space<semaphore_mem>> -> memref<!tpu.dma_semaphore, #tpu.memory_space<semaphore_mem>>
      tpu.wait_indirect_dma semaphore(%dma_wait3A_477 : memref<!tpu.dma_semaphore, #tpu.memory_space<semaphore_mem>>) src(%dma_wait3A_475 : memref<100000x128xf32, #tpu.memory_space<hbm>>) dst(%dma_wait3A_469 : memref<64x128xf32, #tpu.memory_space<vmem>>)
      %parallel_loop3A_478 = arith.constant 0 : i32
      %parallel_loop3A_479 = arith.constant 64 : i32
      %parallel_loop3A_480 = arith.constant 1 : i32
      %parallel_loop3A_481 = arith.constant 3 : i32
      scf.for %parallel_loop3A_821 = %parallel_loop3A_478 to %parallel_loop3A_479 step %parallel_loop3A_480  : i32 {
        %parallel_loop3A_822 = arith.constant 0 : i32
        %parallel_loop3A_823 = arith.constant 0 : i32
        %parallel_loop3A_824 = tpu.memref_slice %arg6[%parallel_loop3A_481, %parallel_loop3A_822, %parallel_loop3A_823] : memref<10x64x128xf32, #tpu.memory_space<vmem>> -> memref<1x64x128xf32, #tpu.memory_space<vmem>>
        %parallel_loop3A_825 = tpu.memref_squeeze %parallel_loop3A_824 : memref<1x64x128xf32, #tpu.memory_space<vmem>> -> memref<64x128xf32, #tpu.memory_space<vmem>>
        %parallel_loop3A_826 = arith.index_cast %parallel_loop3A_821 : i32 to index
        %parallel_loop3A_827 = arith.constant 0 : index
        %parallel_loop3A_828 = tpu.vector_load %parallel_loop3A_825[%parallel_loop3A_826, %parallel_loop3A_827] {strides = array<i32>} : memref<64x128xf32, #tpu.memory_space<vmem>>, vector<1x16xf32>,
        %parallel_loop3A_829 = vector.shape_cast %parallel_loop3A_828 : vector<1x16xf32> to vector<16xf32>
        %parallel_loop3A_830 = arith.constant 11.3137083 : f32
        %parallel_loop3A_831 = vector.broadcast %parallel_loop3A_830 : f32 to vector<16xf32>
        %parallel_loop3A_832 = arith.mulf %parallel_loop3A_829, %parallel_loop3A_831 : vector<16xf32>
        %parallel_loop3A_833 = arith.constant 0 : i32
        %parallel_loop3A_834 = arith.constant 0 : i32
        %parallel_loop3A_835 = tpu.memref_slice %arg6[%parallel_loop3A_481, %parallel_loop3A_833, %parallel_loop3A_834] : memref<10x64x128xf32, #tpu.memory_space<vmem>> -> memref<1x64x128xf32, #tpu.memory_space<vmem>>
        %parallel_loop3A_836 = tpu.memref_squeeze %parallel_loop3A_835 : memref<1x64x128xf32, #tpu.memory_space<vmem>> -> memref<64x128xf32, #tpu.memory_space<vmem>>
        %parallel_loop3A_837 = arith.index_cast %parallel_loop3A_821 : i32 to index
        %parallel_loop3A_838 = arith.constant 0 : index
        %parallel_loop3A_839 = tpu.vector_load %parallel_loop3A_836[%parallel_loop3A_837, %parallel_loop3A_838] {strides = array<i32>} : memref<64x128xf32, #tpu.memory_space<vmem>>, vector<1x16xf32>,
        %parallel_loop3A_840 = vector.shape_cast %parallel_loop3A_839 : vector<1x16xf32> to vector<16xf32>
        %parallel_loop3A_841 = vector.shape_cast %parallel_loop3A_832 : vector<16xf32> to vector<1x16xf32>
        tpu.vector_store %parallel_loop3A_836[%parallel_loop3A_837, %parallel_loop3A_838], %parallel_loop3A_841 {strides = array<i32>} : memref<64x128xf32, #tpu.memory_space<vmem>>, vector<1x16xf32>,
        %parallel_loop3A_842 = arith.constant 0 : i32
        %parallel_loop3A_843 = arith.constant 0 : i32
        %parallel_loop3A_844 = tpu.memref_slice %arg6[%parallel_loop3A_481, %parallel_loop3A_842, %parallel_loop3A_843] : memref<10x64x128xf32, #tpu.memory_space<vmem>> -> memref<1x64x128xf32, #tpu.memory_space<vmem>>
        %parallel_loop3A_845 = tpu.memref_squeeze %parallel_loop3A_844 : memref<1x64x128xf32, #tpu.memory_space<vmem>> -> memref<64x128xf32, #tpu.memory_space<vmem>>
        %parallel_loop3A_846 = arith.index_cast %parallel_loop3A_821 : i32 to index
        %parallel_loop3A_847 = arith.constant 16 : index
        %parallel_loop3A_848 = tpu.vector_load %parallel_loop3A_845[%parallel_loop3A_846, %parallel_loop3A_847] {strides = array<i32>} : memref<64x128xf32, #tpu.memory_space<vmem>>, vector<1x16xf32>,
        %parallel_loop3A_849 = vector.shape_cast %parallel_loop3A_848 : vector<1x16xf32> to vector<16xf32>
        %parallel_loop3A_850 = arith.constant 11.3137083 : f32
        %parallel_loop3A_851 = vector.broadcast %parallel_loop3A_850 : f32 to vector<16xf32>
        %parallel_loop3A_852 = arith.mulf %parallel_loop3A_849, %parallel_loop3A_851 : vector<16xf32>
        %parallel_loop3A_853 = arith.constant 0 : i32
        %parallel_loop3A_854 = arith.constant 0 : i32
        %parallel_loop3A_855 = tpu.memref_slice %arg6[%parallel_loop3A_481, %parallel_loop3A_853, %parallel_loop3A_854] : memref<10x64x128xf32, #tpu.memory_space<vmem>> -> memref<1x64x128xf32, #tpu.memory_space<vmem>>
        %parallel_loop3A_856 = tpu.memref_squeeze %parallel_loop3A_855 : memref<1x64x128xf32, #tpu.memory_space<vmem>> -> memref<64x128xf32, #tpu.memory_space<vmem>>
        %parallel_loop3A_857 = arith.index_cast %parallel_loop3A_821 : i32 to index
        %parallel_loop3A_858 = arith.constant 16 : index
        %parallel_loop3A_859 = tpu.vector_load %parallel_loop3A_856[%parallel_loop3A_857, %parallel_loop3A_858] {strides = array<i32>} : memref<64x128xf32, #tpu.memory_space<vmem>>, vector<1x16xf32>,
        %parallel_loop3A_860 = vector.shape_cast %parallel_loop3A_859 : vector<1x16xf32> to vector<16xf32>
        %parallel_loop3A_861 = vector.shape_cast %parallel_loop3A_852 : vector<16xf32> to vector<1x16xf32>
        tpu.vector_store %parallel_loop3A_856[%parallel_loop3A_857, %parallel_loop3A_858], %parallel_loop3A_861 {strides = array<i32>} : memref<64x128xf32, #tpu.memory_space<vmem>>, vector<1x16xf32>,
        %parallel_loop3A_862 = arith.constant 0 : i32
        %parallel_loop3A_863 = arith.constant 0 : i32
        %parallel_loop3A_864 = tpu.memref_slice %arg6[%parallel_loop3A_481, %parallel_loop3A_862, %parallel_loop3A_863] : memref<10x64x128xf32, #tpu.memory_space<vmem>> -> memref<1x64x128xf32, #tpu.memory_space<vmem>>
        %parallel_loop3A_865 = tpu.memref_squeeze %parallel_loop3A_864 : memref<1x64x128xf32, #tpu.memory_space<vmem>> -> memref<64x128xf32, #tpu.memory_space<vmem>>
        %parallel_loop3A_866 = arith.index_cast %parallel_loop3A_821 : i32 to index
        %parallel_loop3A_867 = arith.constant 32 : index
        %parallel_loop3A_868 = tpu.vector_load %parallel_loop3A_865[%parallel_loop3A_866, %parallel_loop3A_867] {strides = array<i32>} : memref<64x128xf32, #tpu.memory_space<vmem>>, vector<1x16xf32>,
        %parallel_loop3A_869 = vector.shape_cast %parallel_loop3A_868 : vector<1x16xf32> to vector<16xf32>
        %parallel_loop3A_870 = arith.constant 11.3137083 : f32
        %parallel_loop3A_871 = vector.broadcast %parallel_loop3A_870 : f32 to vector<16xf32>
        %parallel_loop3A_872 = arith.mulf %parallel_loop3A_869, %parallel_loop3A_871 : vector<16xf32>
        %parallel_loop3A_873 = arith.constant 0 : i32
        %parallel_loop3A_874 = arith.constant 0 : i32
        %parallel_loop3A_875 = tpu.memref_slice %arg6[%parallel_loop3A_481, %parallel_loop3A_873, %parallel_loop3A_874] : memref<10x64x128xf32, #tpu.memory_space<vmem>> -> memref<1x64x128xf32, #tpu.memory_space<vmem>>
        %parallel_loop3A_876 = tpu.memref_squeeze %parallel_loop3A_875 : memref<1x64x128xf32, #tpu.memory_space<vmem>> -> memref<64x128xf32, #tpu.memory_space<vmem>>
        %parallel_loop3A_877 = arith.index_cast %parallel_loop3A_821 : i32 to index
        %parallel_loop3A_878 = arith.constant 32 : index
        %parallel_loop3A_879 = tpu.vector_load %parallel_loop3A_876[%parallel_loop3A_877, %parallel_loop3A_878] {strides = array<i32>} : memref<64x128xf32, #tpu.memory_space<vmem>>, vector<1x16xf32>,
        %parallel_loop3A_880 = vector.shape_cast %parallel_loop3A_879 : vector<1x16xf32> to vector<16xf32>
        %parallel_loop3A_881 = vector.shape_cast %parallel_loop3A_872 : vector<16xf32> to vector<1x16xf32>
        tpu.vector_store %parallel_loop3A_876[%parallel_loop3A_877, %parallel_loop3A_878], %parallel_loop3A_881 {strides = array<i32>} : memref<64x128xf32, #tpu.memory_space<vmem>>, vector<1x16xf32>,
        %parallel_loop3A_882 = arith.constant 0 : i32
        %parallel_loop3A_883 = arith.constant 0 : i32
        %parallel_loop3A_884 = tpu.memref_slice %arg6[%parallel_loop3A_481, %parallel_loop3A_882, %parallel_loop3A_883] : memref<10x64x128xf32, #tpu.memory_space<vmem>> -> memref<1x64x128xf32, #tpu.memory_space<vmem>>
        %parallel_loop3A_885 = tpu.memref_squeeze %parallel_loop3A_884 : memref<1x64x128xf32, #tpu.memory_space<vmem>> -> memref<64x128xf32, #tpu.memory_space<vmem>>
        %parallel_loop3A_886 = arith.index_cast %parallel_loop3A_821 : i32 to index
        %parallel_loop3A_887 = arith.constant 48 : index
        %parallel_loop3A_888 = tpu.vector_load %parallel_loop3A_885[%parallel_loop3A_886, %parallel_loop3A_887] {strides = array<i32>} : memref<64x128xf32, #tpu.memory_space<vmem>>, vector<1x16xf32>,
        %parallel_loop3A_889 = vector.shape_cast %parallel_loop3A_888 : vector<1x16xf32> to vector<16xf32>
        %parallel_loop3A_890 = arith.constant 11.3137083 : f32
        %parallel_loop3A_891 = vector.broadcast %parallel_loop3A_890 : f32 to vector<16xf32>
        %parallel_loop3A_892 = arith.mulf %parallel_loop3A_889, %parallel_loop3A_891 : vector<16xf32>
        %parallel_loop3A_893 = arith.constant 0 : i32
        %parallel_loop3A_894 = arith.constant 0 : i32
        %parallel_loop3A_895 = tpu.memref_slice %arg6[%parallel_loop3A_481, %parallel_loop3A_893, %parallel_loop3A_894] : memref<10x64x128xf32, #tpu.memory_space<vmem>> -> memref<1x64x128xf32, #tpu.memory_space<vmem>>
        %parallel_loop3A_896 = tpu.memref_squeeze %parallel_loop3A_895 : memref<1x64x128xf32, #tpu.memory_space<vmem>> -> memref<64x128xf32, #tpu.memory_space<vmem>>
        %parallel_loop3A_897 = arith.index_cast %parallel_loop3A_821 : i32 to index
        %parallel_loop3A_898 = arith.constant 48 : index
        %parallel_loop3A_899 = tpu.vector_load %parallel_loop3A_896[%parallel_loop3A_897, %parallel_loop3A_898] {strides = array<i32>} : memref<64x128xf32, #tpu.memory_space<vmem>>, vector<1x16xf32>,
        %parallel_loop3A_900 = vector.shape_cast %parallel_loop3A_899 : vector<1x16xf32> to vector<16xf32>
        %parallel_loop3A_901 = vector.shape_cast %parallel_loop3A_892 : vector<16xf32> to vector<1x16xf32>
        tpu.vector_store %parallel_loop3A_896[%parallel_loop3A_897, %parallel_loop3A_898], %parallel_loop3A_901 {strides = array<i32>} : memref<64x128xf32, #tpu.memory_space<vmem>>, vector<1x16xf32>,
        %parallel_loop3A_902 = arith.constant 0 : i32
        %parallel_loop3A_903 = arith.constant 0 : i32
        %parallel_loop3A_904 = tpu.memref_slice %arg6[%parallel_loop3A_481, %parallel_loop3A_902, %parallel_loop3A_903] : memref<10x64x128xf32, #tpu.memory_space<vmem>> -> memref<1x64x128xf32, #tpu.memory_space<vmem>>
        %parallel_loop3A_905 = tpu.memref_squeeze %parallel_loop3A_904 : memref<1x64x128xf32, #tpu.memory_space<vmem>> -> memref<64x128xf32, #tpu.memory_space<vmem>>
        %parallel_loop3A_906 = arith.index_cast %parallel_loop3A_821 : i32 to index
        %parallel_loop3A_907 = arith.constant 64 : index
        %parallel_loop3A_908 = tpu.vector_load %parallel_loop3A_905[%parallel_loop3A_906, %parallel_loop3A_907] {strides = array<i32>} : memref<64x128xf32, #tpu.memory_space<vmem>>, vector<1x16xf32>,
        %parallel_loop3A_909 = vector.shape_cast %parallel_loop3A_908 : vector<1x16xf32> to vector<16xf32>
        %parallel_loop3A_910 = arith.constant 11.3137083 : f32
        %parallel_loop3A_911 = vector.broadcast %parallel_loop3A_910 : f32 to vector<16xf32>
        %parallel_loop3A_912 = arith.mulf %parallel_loop3A_909, %parallel_loop3A_911 : vector<16xf32>
        %parallel_loop3A_913 = arith.constant 0 : i32
        %parallel_loop3A_914 = arith.constant 0 : i32
        %parallel_loop3A_915 = tpu.memref_slice %arg6[%parallel_loop3A_481, %parallel_loop3A_913, %parallel_loop3A_914] : memref<10x64x128xf32, #tpu.memory_space<vmem>> -> memref<1x64x128xf32, #tpu.memory_space<vmem>>
        %parallel_loop3A_916 = tpu.memref_squeeze %parallel_loop3A_915 : memref<1x64x128xf32, #tpu.memory_space<vmem>> -> memref<64x128xf32, #tpu.memory_space<vmem>>
        %parallel_loop3A_917 = arith.index_cast %parallel_loop3A_821 : i32 to index
        %parallel_loop3A_918 = arith.constant 64 : index
        %parallel_loop3A_919 = tpu.vector_load %parallel_loop3A_916[%parallel_loop3A_917, %parallel_loop3A_918] {strides = array<i32>} : memref<64x128xf32, #tpu.memory_space<vmem>>, vector<1x16xf32>,
        %parallel_loop3A_920 = vector.shape_cast %parallel_loop3A_919 : vector<1x16xf32> to vector<16xf32>
        %parallel_loop3A_921 = vector.shape_cast %parallel_loop3A_912 : vector<16xf32> to vector<1x16xf32>
        tpu.vector_store %parallel_loop3A_916[%parallel_loop3A_917, %parallel_loop3A_918], %parallel_loop3A_921 {strides = array<i32>} : memref<64x128xf32, #tpu.memory_space<vmem>>, vector<1x16xf32>,
        %parallel_loop3A_922 = arith.constant 0 : i32
        %parallel_loop3A_923 = arith.constant 0 : i32
        %parallel_loop3A_924 = tpu.memref_slice %arg6[%parallel_loop3A_481, %parallel_loop3A_922, %parallel_loop3A_923] : memref<10x64x128xf32, #tpu.memory_space<vmem>> -> memref<1x64x128xf32, #tpu.memory_space<vmem>>
        %parallel_loop3A_925 = tpu.memref_squeeze %parallel_loop3A_924 : memref<1x64x128xf32, #tpu.memory_space<vmem>> -> memref<64x128xf32, #tpu.memory_space<vmem>>
        %parallel_loop3A_926 = arith.index_cast %parallel_loop3A_821 : i32 to index
        %parallel_loop3A_927 = arith.constant 80 : index
        %parallel_loop3A_928 = tpu.vector_load %parallel_loop3A_925[%parallel_loop3A_926, %parallel_loop3A_927] {strides = array<i32>} : memref<64x128xf32, #tpu.memory_space<vmem>>, vector<1x16xf32>,
        %parallel_loop3A_929 = vector.shape_cast %parallel_loop3A_928 : vector<1x16xf32> to vector<16xf32>
        %parallel_loop3A_930 = arith.constant 11.3137083 : f32
        %parallel_loop3A_931 = vector.broadcast %parallel_loop3A_930 : f32 to vector<16xf32>
        %parallel_loop3A_932 = arith.mulf %parallel_loop3A_929, %parallel_loop3A_931 : vector<16xf32>
        %parallel_loop3A_933 = arith.constant 0 : i32
        %parallel_loop3A_934 = arith.constant 0 : i32
        %parallel_loop3A_935 = tpu.memref_slice %arg6[%parallel_loop3A_481, %parallel_loop3A_933, %parallel_loop3A_934] : memref<10x64x128xf32, #tpu.memory_space<vmem>> -> memref<1x64x128xf32, #tpu.memory_space<vmem>>
        %parallel_loop3A_936 = tpu.memref_squeeze %parallel_loop3A_935 : memref<1x64x128xf32, #tpu.memory_space<vmem>> -> memref<64x128xf32, #tpu.memory_space<vmem>>
        %parallel_loop3A_937 = arith.index_cast %parallel_loop3A_821 : i32 to index
        %parallel_loop3A_938 = arith.constant 80 : index
        %parallel_loop3A_939 = tpu.vector_load %parallel_loop3A_936[%parallel_loop3A_937, %parallel_loop3A_938] {strides = array<i32>} : memref<64x128xf32, #tpu.memory_space<vmem>>, vector<1x16xf32>,
        %parallel_loop3A_940 = vector.shape_cast %parallel_loop3A_939 : vector<1x16xf32> to vector<16xf32>
        %parallel_loop3A_941 = vector.shape_cast %parallel_loop3A_932 : vector<16xf32> to vector<1x16xf32>
        tpu.vector_store %parallel_loop3A_936[%parallel_loop3A_937, %parallel_loop3A_938], %parallel_loop3A_941 {strides = array<i32>} : memref<64x128xf32, #tpu.memory_space<vmem>>, vector<1x16xf32>,
        %parallel_loop3A_942 = arith.constant 0 : i32
        %parallel_loop3A_943 = arith.constant 0 : i32
        %parallel_loop3A_944 = tpu.memref_slice %arg6[%parallel_loop3A_481, %parallel_loop3A_942, %parallel_loop3A_943] : memref<10x64x128xf32, #tpu.memory_space<vmem>> -> memref<1x64x128xf32, #tpu.memory_space<vmem>>
        %parallel_loop3A_945 = tpu.memref_squeeze %parallel_loop3A_944 : memref<1x64x128xf32, #tpu.memory_space<vmem>> -> memref<64x128xf32, #tpu.memory_space<vmem>>
        %parallel_loop3A_946 = arith.index_cast %parallel_loop3A_821 : i32 to index
        %parallel_loop3A_947 = arith.constant 96 : index
        %parallel_loop3A_948 = tpu.vector_load %parallel_loop3A_945[%parallel_loop3A_946, %parallel_loop3A_947] {strides = array<i32>} : memref<64x128xf32, #tpu.memory_space<vmem>>, vector<1x16xf32>,
        %parallel_loop3A_949 = vector.shape_cast %parallel_loop3A_948 : vector<1x16xf32> to vector<16xf32>
        %parallel_loop3A_950 = arith.constant 11.3137083 : f32
        %parallel_loop3A_951 = vector.broadcast %parallel_loop3A_950 : f32 to vector<16xf32>
        %parallel_loop3A_952 = arith.mulf %parallel_loop3A_949, %parallel_loop3A_951 : vector<16xf32>
        %parallel_loop3A_953 = arith.constant 0 : i32
        %parallel_loop3A_954 = arith.constant 0 : i32
        %parallel_loop3A_955 = tpu.memref_slice %arg6[%parallel_loop3A_481, %parallel_loop3A_953, %parallel_loop3A_954] : memref<10x64x128xf32, #tpu.memory_space<vmem>> -> memref<1x64x128xf32, #tpu.memory_space<vmem>>
        %parallel_loop3A_956 = tpu.memref_squeeze %parallel_loop3A_955 : memref<1x64x128xf32, #tpu.memory_space<vmem>> -> memref<64x128xf32, #tpu.memory_space<vmem>>
        %parallel_loop3A_957 = arith.index_cast %parallel_loop3A_821 : i32 to index
        %parallel_loop3A_958 = arith.constant 96 : index
        %parallel_loop3A_959 = tpu.vector_load %parallel_loop3A_956[%parallel_loop3A_957, %parallel_loop3A_958] {strides = array<i32>} : memref<64x128xf32, #tpu.memory_space<vmem>>, vector<1x16xf32>,
        %parallel_loop3A_960 = vector.shape_cast %parallel_loop3A_959 : vector<1x16xf32> to vector<16xf32>
        %parallel_loop3A_961 = vector.shape_cast %parallel_loop3A_952 : vector<16xf32> to vector<1x16xf32>
        tpu.vector_store %parallel_loop3A_956[%parallel_loop3A_957, %parallel_loop3A_958], %parallel_loop3A_961 {strides = array<i32>} : memref<64x128xf32, #tpu.memory_space<vmem>>, vector<1x16xf32>,
        %parallel_loop3A_962 = arith.constant 0 : i32
        %parallel_loop3A_963 = arith.constant 0 : i32
        %parallel_loop3A_964 = tpu.memref_slice %arg6[%parallel_loop3A_481, %parallel_loop3A_962, %parallel_loop3A_963] : memref<10x64x128xf32, #tpu.memory_space<vmem>> -> memref<1x64x128xf32, #tpu.memory_space<vmem>>
        %parallel_loop3A_965 = tpu.memref_squeeze %parallel_loop3A_964 : memref<1x64x128xf32, #tpu.memory_space<vmem>> -> memref<64x128xf32, #tpu.memory_space<vmem>>
        %parallel_loop3A_966 = arith.index_cast %parallel_loop3A_821 : i32 to index
        %parallel_loop3A_967 = arith.constant 112 : index
        %parallel_loop3A_968 = tpu.vector_load %parallel_loop3A_965[%parallel_loop3A_966, %parallel_loop3A_967] {strides = array<i32>} : memref<64x128xf32, #tpu.memory_space<vmem>>, vector<1x16xf32>,
        %parallel_loop3A_969 = vector.shape_cast %parallel_loop3A_968 : vector<1x16xf32> to vector<16xf32>
        %parallel_loop3A_970 = arith.constant 11.3137083 : f32
        %parallel_loop3A_971 = vector.broadcast %parallel_loop3A_970 : f32 to vector<16xf32>
        %parallel_loop3A_972 = arith.mulf %parallel_loop3A_969, %parallel_loop3A_971 : vector<16xf32>
        %parallel_loop3A_973 = arith.constant 0 : i32
        %parallel_loop3A_974 = arith.constant 0 : i32
        %parallel_loop3A_975 = tpu.memref_slice %arg6[%parallel_loop3A_481, %parallel_loop3A_973, %parallel_loop3A_974] : memref<10x64x128xf32, #tpu.memory_space<vmem>> -> memref<1x64x128xf32, #tpu.memory_space<vmem>>
        %parallel_loop3A_976 = tpu.memref_squeeze %parallel_loop3A_975 : memref<1x64x128xf32, #tpu.memory_space<vmem>> -> memref<64x128xf32, #tpu.memory_space<vmem>>
        %parallel_loop3A_977 = arith.index_cast %parallel_loop3A_821 : i32 to index
        %parallel_loop3A_978 = arith.constant 112 : index
        %parallel_loop3A_979 = tpu.vector_load %parallel_loop3A_976[%parallel_loop3A_977, %parallel_loop3A_978] {strides = array<i32>} : memref<64x128xf32, #tpu.memory_space<vmem>>, vector<1x16xf32>,
        %parallel_loop3A_980 = vector.shape_cast %parallel_loop3A_979 : vector<1x16xf32> to vector<16xf32>
        %parallel_loop3A_981 = vector.shape_cast %parallel_loop3A_972 : vector<16xf32> to vector<1x16xf32>
        tpu.vector_store %parallel_loop3A_976[%parallel_loop3A_977, %parallel_loop3A_978], %parallel_loop3A_981 {strides = array<i32>} : memref<64x128xf32, #tpu.memory_space<vmem>>, vector<1x16xf32>,
      } {sc.loop_unroll_factor = 4 : i64, sc.parallel_access}
      %mul3A_482 = arith.constant 64 : i32
      %mul3A_483 = arith.muli %add3A_459, %mul3A_482 : i32
      %add3A_484 = arith.addi %mul3A_2, %mul3A_483 : i32
      %dma_start3A_485 = arith.constant 3 : i32
      %dma_start3A_486 = arith.constant 3 : i32
      %dma_start3A_487 = arith.constant 0 : i32
      %dma_start3A_488 = arith.constant 0 : i32
      %dma_start3A_489 = tpu.memref_slice %arg6[%dma_start3A_485, %dma_start3A_487, %dma_start3A_488] : memref<10x64x128xf32, #tpu.memory_space<vmem>> -> memref<1x64x128xf32, #tpu.memory_space<vmem>>
      %dma_start3A_490 = tpu.memref_squeeze %dma_start3A_489 : memref<1x64x128xf32, #tpu.memory_space<vmem>> -> memref<64x128xf32, #tpu.memory_space<vmem>>
      %dma_start3A_491 = arith.constant 0 : i32
      %dma_start3A_492 = tpu.memref_slice %arg4[%add3A_484, %dma_start3A_491] : memref<204800x128xf32, #tpu.memory_space<hbm>> -> memref<64x128xf32, #tpu.memory_space<hbm>>
      %dma_start3A_493 = tpu.memref_slice %arg8[%dma_start3A_486] : memref<10x!tpu.dma_semaphore, #tpu.memory_space<semaphore_mem>> -> memref<1x!tpu.dma_semaphore, #tpu.memory_space<semaphore_mem>>
      %dma_start3A_494 = tpu.memref_squeeze %dma_start3A_493 : memref<1x!tpu.dma_semaphore, #tpu.memory_space<semaphore_mem>> -> memref<!tpu.dma_semaphore, #tpu.memory_space<semaphore_mem>>
      %dma_start3A_495 = arith.constant 0 : i32
      %dma_start3A_496 = tpu.memref_slice %arg4[%add3A_484, %dma_start3A_495] : memref<204800x128xf32, #tpu.memory_space<hbm>> -> memref<64x128xf32, #tpu.memory_space<hbm>>
      %dma_start3A_497 = arith.constant 0 : i32
      %dma_start3A_498 = arith.constant 0 : i32
      %dma_start3A_499 = tpu.memref_slice %arg6[%dma_start3A_485, %dma_start3A_497, %dma_start3A_498] : memref<10x64x128xf32, #tpu.memory_space<vmem>> -> memref<1x64x128xf32, #tpu.memory_space<vmem>>
      %dma_start3A_500 = tpu.memref_squeeze %dma_start3A_499 : memref<1x64x128xf32, #tpu.memory_space<vmem>> -> memref<64x128xf32, #tpu.memory_space<vmem>>
      tpu.enqueue_dma source(%dma_start3A_500 : memref<64x128xf32, #tpu.memory_space<vmem>>) target(%dma_start3A_496 : memref<64x128xf32, #tpu.memory_space<hbm>>) target_semaphore(%dma_start3A_494 : memref<!tpu.dma_semaphore, #tpu.memory_space<semaphore_mem>>)
      %add3A_501 = arith.constant 9 : i32
      %add3A_502 = arith.addi %add3A_459, %add3A_501 : i32
      %lt3A_503 = arith.constant 100 : i32
      %lt3A_504 = arith.cmpi slt, %add3A_502, %lt3A_503 : i32
      %convert_element_type3A_505 = arith.extui %lt3A_504 : i1 to i32
      %cond3A_506 = arith.constant 0 : i32
      %cond3A_507 = arith.cmpi ne, %convert_element_type3A_505, %cond3A_506 : i32
      scf.if %cond3A_507 {
        %dma_wait3A_821 = arith.constant 2 : i32
        %dma_wait3A_822 = arith.constant 2 : i32
        %dma_wait3A_823 = arith.constant 0 : i32
        %dma_wait3A_824 = arith.constant 0 : i32
        %dma_wait3A_825 = tpu.memref_slice %arg6[%dma_wait3A_821, %dma_wait3A_823, %dma_wait3A_824] : memref<10x64x128xf32, #tpu.memory_space<vmem>> -> memref<1x64x128xf32, #tpu.memory_space<vmem>>
        %dma_wait3A_826 = tpu.memref_squeeze %dma_wait3A_825 : memref<1x64x128xf32, #tpu.memory_space<vmem>> -> memref<64x128xf32, #tpu.memory_space<vmem>>
        %dma_wait3A_827 = arith.constant 0 : i32
        %dma_wait3A_828 = tpu.memref_slice %arg4[%mul3A_2, %dma_wait3A_827] : memref<204800x128xf32, #tpu.memory_space<hbm>> -> memref<64x128xf32, #tpu.memory_space<hbm>>
        %dma_wait3A_829 = tpu.memref_slice %arg8[%dma_wait3A_822] : memref<10x!tpu.dma_semaphore, #tpu.memory_space<semaphore_mem>> -> memref<1x!tpu.dma_semaphore, #tpu.memory_space<semaphore_mem>>
        %dma_wait3A_830 = tpu.memref_squeeze %dma_wait3A_829 : memref<1x!tpu.dma_semaphore, #tpu.memory_space<semaphore_mem>> -> memref<!tpu.dma_semaphore, #tpu.memory_space<semaphore_mem>>
        %dma_wait3A_831 = arith.constant 0 : i32
        %dma_wait3A_832 = tpu.memref_slice %arg4[%mul3A_2, %dma_wait3A_831] : memref<204800x128xf32, #tpu.memory_space<hbm>> -> memref<64x128xf32, #tpu.memory_space<hbm>>
        %dma_wait3A_833 = arith.constant 0 : i32
        %dma_wait3A_834 = arith.constant 0 : i32
        %dma_wait3A_835 = tpu.memref_slice %arg6[%dma_wait3A_821, %dma_wait3A_833, %dma_wait3A_834] : memref<10x64x128xf32, #tpu.memory_space<vmem>> -> memref<1x64x128xf32, #tpu.memory_space<vmem>>
        %dma_wait3A_836 = tpu.memref_squeeze %dma_wait3A_835 : memref<1x64x128xf32, #tpu.memory_space<vmem>> -> memref<64x128xf32, #tpu.memory_space<vmem>>
        tpu.wait_dma2 semaphore(%dma_wait3A_830 : memref<!tpu.dma_semaphore, #tpu.memory_space<semaphore_mem>>) src(%dma_wait3A_836 : memref<64x128xf32, #tpu.memory_space<vmem>>) dst(%dma_wait3A_832 : memref<64x128xf32, #tpu.memory_space<hbm>>)
        %add3A_837 = arith.constant 9 : i32
        %add3A_838 = arith.addi %add3A_459, %add3A_837 : i32
        %mul3A_839 = arith.constant 1 : i32
        %mul3A_840 = arith.muli %add3A_838, %mul3A_839 : i32
        %add3A_841 = arith.constant 0 : i32
        %add3A_842 = arith.addi %mul3A_840, %add3A_841 : i32
        %dma_start3A_843 = arith.constant 2 : i32
        %dma_start3A_844 = arith.constant 2 : i32
        %dma_start3A_845 = arith.constant 0 : i32
        %dma_start3A_846 = arith.constant 0 : i32
        %dma_start3A_847 = tpu.memref_slice %arg6[%dma_start3A_843, %dma_start3A_845, %dma_start3A_846] : memref<10x64x128xf32, #tpu.memory_space<vmem>> -> memref<1x64x128xf32, #tpu.memory_space<vmem>>
        %dma_start3A_848 = tpu.memref_squeeze %dma_start3A_847 : memref<1x64x128xf32, #tpu.memory_space<vmem>> -> memref<64x128xf32, #tpu.memory_space<vmem>>
        %dma_start3A_849 = arith.constant 0 : i32
        %dma_start3A_850 = tpu.memref_slice %arg5[%add3A_842, %dma_start3A_849] : memref<100x64xi32, #tpu.memory_space<vmem>> -> memref<1x64xi32, #tpu.memory_space<vmem>>
        %dma_start3A_851 = tpu.memref_squeeze %dma_start3A_850 : memref<1x64xi32, #tpu.memory_space<vmem>> -> memref<64xi32, #tpu.memory_space<vmem>>
        %dma_start3A_852 = arith.constant 0 : i32
        %dma_start3A_853 = arith.constant 0 : i32
        %dma_start3A_854 = tpu.memref_slice %arg3[%dma_start3A_852, %dma_start3A_853] : memref<100000x128xf32, #tpu.memory_space<hbm>> -> memref<100000x128xf32, #tpu.memory_space<hbm>>
        %dma_start3A_855 = tpu.memref_slice %arg7[%dma_start3A_844] : memref<10x!tpu.dma_semaphore, #tpu.memory_space<semaphore_mem>> -> memref<1x!tpu.dma_semaphore, #tpu.memory_space<semaphore_mem>>
        %dma_start3A_856 = tpu.memref_squeeze %dma_start3A_855 : memref<1x!tpu.dma_semaphore, #tpu.memory_space<semaphore_mem>> -> memref<!tpu.dma_semaphore, #tpu.memory_space<semaphore_mem>>
        tpu.enqueue_indirect_dma source(%dma_start3A_854 : memref<100000x128xf32, #tpu.memory_space<hbm>>) target(%dma_start3A_848 : memref<64x128xf32, #tpu.memory_space<vmem>>) offsets(%dma_start3A_851 : memref<64xi32, #tpu.memory_space<vmem>>) semaphore(%dma_start3A_856 : memref<!tpu.dma_semaphore, #tpu.memory_space<semaphore_mem>>)
      } else {
      }
      %mul3A_508 = arith.constant 10 : i32
      %mul3A_509 = arith.muli %scan3A_302, %mul3A_508 : i32
      %add3A_510 = arith.constant 4 : i32
      %add3A_511 = arith.addi %mul3A_509, %add3A_510 : i32
      %mul3A_512 = arith.constant 1 : i32
      %mul3A_513 = arith.muli %add3A_511, %mul3A_512 : i32
      %add3A_514 = arith.constant 0 : i32
      %add3A_515 = arith.addi %mul3A_513, %add3A_514 : i32
      %dma_wait3A_516 = arith.constant 4 : i32
      %dma_wait3A_517 = arith.constant 4 : i32
      %dma_wait3A_518 = arith.constant 0 : i32
      %dma_wait3A_519 = arith.constant 0 : i32
      %dma_wait3A_520 = tpu.memref_slice %arg6[%dma_wait3A_516, %dma_wait3A_518, %dma_wait3A_519] : memref<10x64x128xf32, #tpu.memory_space<vmem>> -> memref<1x64x128xf32, #tpu.memory_space<vmem>>
      %dma_wait3A_521 = tpu.memref_squeeze %dma_wait3A_520 : memref<1x64x128xf32, #tpu.memory_space<vmem>> -> memref<64x128xf32, #tpu.memory_space<vmem>>
      %dma_wait3A_522 = arith.constant 0 : i32
      %dma_wait3A_523 = tpu.memref_slice %arg5[%add3A_515, %dma_wait3A_522] : memref<100x64xi32, #tpu.memory_space<vmem>> -> memref<1x64xi32, #tpu.memory_space<vmem>>
      %dma_wait3A_524 = tpu.memref_squeeze %dma_wait3A_523 : memref<1x64xi32, #tpu.memory_space<vmem>> -> memref<64xi32, #tpu.memory_space<vmem>>
      %dma_wait3A_525 = arith.constant 0 : i32
      %dma_wait3A_526 = arith.constant 0 : i32
      %dma_wait3A_527 = tpu.memref_slice %arg3[%dma_wait3A_525, %dma_wait3A_526] : memref<100000x128xf32, #tpu.memory_space<hbm>> -> memref<100000x128xf32, #tpu.memory_space<hbm>>
      %dma_wait3A_528 = tpu.memref_slice %arg7[%dma_wait3A_517] : memref<10x!tpu.dma_semaphore, #tpu.memory_space<semaphore_mem>> -> memref<1x!tpu.dma_semaphore, #tpu.memory_space<semaphore_mem>>
      %dma_wait3A_529 = tpu.memref_squeeze %dma_wait3A_528 : memref<1x!tpu.dma_semaphore, #tpu.memory_space<semaphore_mem>> -> memref<!tpu.dma_semaphore, #tpu.memory_space<semaphore_mem>>
      tpu.wait_indirect_dma semaphore(%dma_wait3A_529 : memref<!tpu.dma_semaphore, #tpu.memory_space<semaphore_mem>>) src(%dma_wait3A_527 : memref<100000x128xf32, #tpu.memory_space<hbm>>) dst(%dma_wait3A_521 : memref<64x128xf32, #tpu.memory_space<vmem>>)
      %parallel_loop3A_530 = arith.constant 0 : i32
      %parallel_loop3A_531 = arith.constant 64 : i32
      %parallel_loop3A_532 = arith.constant 1 : i32
      %parallel_loop3A_533 = arith.constant 4 : i32
      scf.for %parallel_loop3A_821 = %parallel_loop3A_530 to %parallel_loop3A_531 step %parallel_loop3A_532  : i32 {
        %parallel_loop3A_822 = arith.constant 0 : i32
        %parallel_loop3A_823 = arith.constant 0 : i32
        %parallel_loop3A_824 = tpu.memref_slice %arg6[%parallel_loop3A_533, %parallel_loop3A_822, %parallel_loop3A_823] : memref<10x64x128xf32, #tpu.memory_space<vmem>> -> memref<1x64x128xf32, #tpu.memory_space<vmem>>
        %parallel_loop3A_825 = tpu.memref_squeeze %parallel_loop3A_824 : memref<1x64x128xf32, #tpu.memory_space<vmem>> -> memref<64x128xf32, #tpu.memory_space<vmem>>
        %parallel_loop3A_826 = arith.index_cast %parallel_loop3A_821 : i32 to index
        %parallel_loop3A_827 = arith.constant 0 : index
        %parallel_loop3A_828 = tpu.vector_load %parallel_loop3A_825[%parallel_loop3A_826, %parallel_loop3A_827] {strides = array<i32>} : memref<64x128xf32, #tpu.memory_space<vmem>>, vector<1x16xf32>,
        %parallel_loop3A_829 = vector.shape_cast %parallel_loop3A_828 : vector<1x16xf32> to vector<16xf32>
        %parallel_loop3A_830 = arith.constant 11.3137083 : f32
        %parallel_loop3A_831 = vector.broadcast %parallel_loop3A_830 : f32 to vector<16xf32>
        %parallel_loop3A_832 = arith.mulf %parallel_loop3A_829, %parallel_loop3A_831 : vector<16xf32>
        %parallel_loop3A_833 = arith.constant 0 : i32
        %parallel_loop3A_834 = arith.constant 0 : i32
        %parallel_loop3A_835 = tpu.memref_slice %arg6[%parallel_loop3A_533, %parallel_loop3A_833, %parallel_loop3A_834] : memref<10x64x128xf32, #tpu.memory_space<vmem>> -> memref<1x64x128xf32, #tpu.memory_space<vmem>>
        %parallel_loop3A_836 = tpu.memref_squeeze %parallel_loop3A_835 : memref<1x64x128xf32, #tpu.memory_space<vmem>> -> memref<64x128xf32, #tpu.memory_space<vmem>>
        %parallel_loop3A_837 = arith.index_cast %parallel_loop3A_821 : i32 to index
        %parallel_loop3A_838 = arith.constant 0 : index
        %parallel_loop3A_839 = tpu.vector_load %parallel_loop3A_836[%parallel_loop3A_837, %parallel_loop3A_838] {strides = array<i32>} : memref<64x128xf32, #tpu.memory_space<vmem>>, vector<1x16xf32>,
        %parallel_loop3A_840 = vector.shape_cast %parallel_loop3A_839 : vector<1x16xf32> to vector<16xf32>
        %parallel_loop3A_841 = vector.shape_cast %parallel_loop3A_832 : vector<16xf32> to vector<1x16xf32>
        tpu.vector_store %parallel_loop3A_836[%parallel_loop3A_837, %parallel_loop3A_838], %parallel_loop3A_841 {strides = array<i32>} : memref<64x128xf32, #tpu.memory_space<vmem>>, vector<1x16xf32>,
        %parallel_loop3A_842 = arith.constant 0 : i32
        %parallel_loop3A_843 = arith.constant 0 : i32
        %parallel_loop3A_844 = tpu.memref_slice %arg6[%parallel_loop3A_533, %parallel_loop3A_842, %parallel_loop3A_843] : memref<10x64x128xf32, #tpu.memory_space<vmem>> -> memref<1x64x128xf32, #tpu.memory_space<vmem>>
        %parallel_loop3A_845 = tpu.memref_squeeze %parallel_loop3A_844 : memref<1x64x128xf32, #tpu.memory_space<vmem>> -> memref<64x128xf32, #tpu.memory_space<vmem>>
        %parallel_loop3A_846 = arith.index_cast %parallel_loop3A_821 : i32 to index
        %parallel_loop3A_847 = arith.constant 16 : index
        %parallel_loop3A_848 = tpu.vector_load %parallel_loop3A_845[%parallel_loop3A_846, %parallel_loop3A_847] {strides = array<i32>} : memref<64x128xf32, #tpu.memory_space<vmem>>, vector<1x16xf32>,
        %parallel_loop3A_849 = vector.shape_cast %parallel_loop3A_848 : vector<1x16xf32> to vector<16xf32>
        %parallel_loop3A_850 = arith.constant 11.3137083 : f32
        %parallel_loop3A_851 = vector.broadcast %parallel_loop3A_850 : f32 to vector<16xf32>
        %parallel_loop3A_852 = arith.mulf %parallel_loop3A_849, %parallel_loop3A_851 : vector<16xf32>
        %parallel_loop3A_853 = arith.constant 0 : i32
        %parallel_loop3A_854 = arith.constant 0 : i32
        %parallel_loop3A_855 = tpu.memref_slice %arg6[%parallel_loop3A_533, %parallel_loop3A_853, %parallel_loop3A_854] : memref<10x64x128xf32, #tpu.memory_space<vmem>> -> memref<1x64x128xf32, #tpu.memory_space<vmem>>
        %parallel_loop3A_856 = tpu.memref_squeeze %parallel_loop3A_855 : memref<1x64x128xf32, #tpu.memory_space<vmem>> -> memref<64x128xf32, #tpu.memory_space<vmem>>
        %parallel_loop3A_857 = arith.index_cast %parallel_loop3A_821 : i32 to index
        %parallel_loop3A_858 = arith.constant 16 : index
        %parallel_loop3A_859 = tpu.vector_load %parallel_loop3A_856[%parallel_loop3A_857, %parallel_loop3A_858] {strides = array<i32>} : memref<64x128xf32, #tpu.memory_space<vmem>>, vector<1x16xf32>,
        %parallel_loop3A_860 = vector.shape_cast %parallel_loop3A_859 : vector<1x16xf32> to vector<16xf32>
        %parallel_loop3A_861 = vector.shape_cast %parallel_loop3A_852 : vector<16xf32> to vector<1x16xf32>
        tpu.vector_store %parallel_loop3A_856[%parallel_loop3A_857, %parallel_loop3A_858], %parallel_loop3A_861 {strides = array<i32>} : memref<64x128xf32, #tpu.memory_space<vmem>>, vector<1x16xf32>,
        %parallel_loop3A_862 = arith.constant 0 : i32
        %parallel_loop3A_863 = arith.constant 0 : i32
        %parallel_loop3A_864 = tpu.memref_slice %arg6[%parallel_loop3A_533, %parallel_loop3A_862, %parallel_loop3A_863] : memref<10x64x128xf32, #tpu.memory_space<vmem>> -> memref<1x64x128xf32, #tpu.memory_space<vmem>>
        %parallel_loop3A_865 = tpu.memref_squeeze %parallel_loop3A_864 : memref<1x64x128xf32, #tpu.memory_space<vmem>> -> memref<64x128xf32, #tpu.memory_space<vmem>>
        %parallel_loop3A_866 = arith.index_cast %parallel_loop3A_821 : i32 to index
        %parallel_loop3A_867 = arith.constant 32 : index
        %parallel_loop3A_868 = tpu.vector_load %parallel_loop3A_865[%parallel_loop3A_866, %parallel_loop3A_867] {strides = array<i32>} : memref<64x128xf32, #tpu.memory_space<vmem>>, vector<1x16xf32>,
        %parallel_loop3A_869 = vector.shape_cast %parallel_loop3A_868 : vector<1x16xf32> to vector<16xf32>
        %parallel_loop3A_870 = arith.constant 11.3137083 : f32
        %parallel_loop3A_871 = vector.broadcast %parallel_loop3A_870 : f32 to vector<16xf32>
        %parallel_loop3A_872 = arith.mulf %parallel_loop3A_869, %parallel_loop3A_871 : vector<16xf32>
        %parallel_loop3A_873 = arith.constant 0 : i32
        %parallel_loop3A_874 = arith.constant 0 : i32
        %parallel_loop3A_875 = tpu.memref_slice %arg6[%parallel_loop3A_533, %parallel_loop3A_873, %parallel_loop3A_874] : memref<10x64x128xf32, #tpu.memory_space<vmem>> -> memref<1x64x128xf32, #tpu.memory_space<vmem>>
        %parallel_loop3A_876 = tpu.memref_squeeze %parallel_loop3A_875 : memref<1x64x128xf32, #tpu.memory_space<vmem>> -> memref<64x128xf32, #tpu.memory_space<vmem>>
        %parallel_loop3A_877 = arith.index_cast %parallel_loop3A_821 : i32 to index
        %parallel_loop3A_878 = arith.constant 32 : index
        %parallel_loop3A_879 = tpu.vector_load %parallel_loop3A_876[%parallel_loop3A_877, %parallel_loop3A_878] {strides = array<i32>} : memref<64x128xf32, #tpu.memory_space<vmem>>, vector<1x16xf32>,
        %parallel_loop3A_880 = vector.shape_cast %parallel_loop3A_879 : vector<1x16xf32> to vector<16xf32>
        %parallel_loop3A_881 = vector.shape_cast %parallel_loop3A_872 : vector<16xf32> to vector<1x16xf32>
        tpu.vector_store %parallel_loop3A_876[%parallel_loop3A_877, %parallel_loop3A_878], %parallel_loop3A_881 {strides = array<i32>} : memref<64x128xf32, #tpu.memory_space<vmem>>, vector<1x16xf32>,
        %parallel_loop3A_882 = arith.constant 0 : i32
        %parallel_loop3A_883 = arith.constant 0 : i32
        %parallel_loop3A_884 = tpu.memref_slice %arg6[%parallel_loop3A_533, %parallel_loop3A_882, %parallel_loop3A_883] : memref<10x64x128xf32, #tpu.memory_space<vmem>> -> memref<1x64x128xf32, #tpu.memory_space<vmem>>
        %parallel_loop3A_885 = tpu.memref_squeeze %parallel_loop3A_884 : memref<1x64x128xf32, #tpu.memory_space<vmem>> -> memref<64x128xf32, #tpu.memory_space<vmem>>
        %parallel_loop3A_886 = arith.index_cast %parallel_loop3A_821 : i32 to index
        %parallel_loop3A_887 = arith.constant 48 : index
        %parallel_loop3A_888 = tpu.vector_load %parallel_loop3A_885[%parallel_loop3A_886, %parallel_loop3A_887] {strides = array<i32>} : memref<64x128xf32, #tpu.memory_space<vmem>>, vector<1x16xf32>,
        %parallel_loop3A_889 = vector.shape_cast %parallel_loop3A_888 : vector<1x16xf32> to vector<16xf32>
        %parallel_loop3A_890 = arith.constant 11.3137083 : f32
        %parallel_loop3A_891 = vector.broadcast %parallel_loop3A_890 : f32 to vector<16xf32>
        %parallel_loop3A_892 = arith.mulf %parallel_loop3A_889, %parallel_loop3A_891 : vector<16xf32>
        %parallel_loop3A_893 = arith.constant 0 : i32
        %parallel_loop3A_894 = arith.constant 0 : i32
        %parallel_loop3A_895 = tpu.memref_slice %arg6[%parallel_loop3A_533, %parallel_loop3A_893, %parallel_loop3A_894] : memref<10x64x128xf32, #tpu.memory_space<vmem>> -> memref<1x64x128xf32, #tpu.memory_space<vmem>>
        %parallel_loop3A_896 = tpu.memref_squeeze %parallel_loop3A_895 : memref<1x64x128xf32, #tpu.memory_space<vmem>> -> memref<64x128xf32, #tpu.memory_space<vmem>>
        %parallel_loop3A_897 = arith.index_cast %parallel_loop3A_821 : i32 to index
        %parallel_loop3A_898 = arith.constant 48 : index
        %parallel_loop3A_899 = tpu.vector_load %parallel_loop3A_896[%parallel_loop3A_897, %parallel_loop3A_898] {strides = array<i32>} : memref<64x128xf32, #tpu.memory_space<vmem>>, vector<1x16xf32>,
        %parallel_loop3A_900 = vector.shape_cast %parallel_loop3A_899 : vector<1x16xf32> to vector<16xf32>
        %parallel_loop3A_901 = vector.shape_cast %parallel_loop3A_892 : vector<16xf32> to vector<1x16xf32>
        tpu.vector_store %parallel_loop3A_896[%parallel_loop3A_897, %parallel_loop3A_898], %parallel_loop3A_901 {strides = array<i32>} : memref<64x128xf32, #tpu.memory_space<vmem>>, vector<1x16xf32>,
        %parallel_loop3A_902 = arith.constant 0 : i32
        %parallel_loop3A_903 = arith.constant 0 : i32
        %parallel_loop3A_904 = tpu.memref_slice %arg6[%parallel_loop3A_533, %parallel_loop3A_902, %parallel_loop3A_903] : memref<10x64x128xf32, #tpu.memory_space<vmem>> -> memref<1x64x128xf32, #tpu.memory_space<vmem>>
        %parallel_loop3A_905 = tpu.memref_squeeze %parallel_loop3A_904 : memref<1x64x128xf32, #tpu.memory_space<vmem>> -> memref<64x128xf32, #tpu.memory_space<vmem>>
        %parallel_loop3A_906 = arith.index_cast %parallel_loop3A_821 : i32 to index
        %parallel_loop3A_907 = arith.constant 64 : index
        %parallel_loop3A_908 = tpu.vector_load %parallel_loop3A_905[%parallel_loop3A_906, %parallel_loop3A_907] {strides = array<i32>} : memref<64x128xf32, #tpu.memory_space<vmem>>, vector<1x16xf32>,
        %parallel_loop3A_909 = vector.shape_cast %parallel_loop3A_908 : vector<1x16xf32> to vector<16xf32>
        %parallel_loop3A_910 = arith.constant 11.3137083 : f32
        %parallel_loop3A_911 = vector.broadcast %parallel_loop3A_910 : f32 to vector<16xf32>
        %parallel_loop3A_912 = arith.mulf %parallel_loop3A_909, %parallel_loop3A_911 : vector<16xf32>
        %parallel_loop3A_913 = arith.constant 0 : i32
        %parallel_loop3A_914 = arith.constant 0 : i32
        %parallel_loop3A_915 = tpu.memref_slice %arg6[%parallel_loop3A_533, %parallel_loop3A_913, %parallel_loop3A_914] : memref<10x64x128xf32, #tpu.memory_space<vmem>> -> memref<1x64x128xf32, #tpu.memory_space<vmem>>
        %parallel_loop3A_916 = tpu.memref_squeeze %parallel_loop3A_915 : memref<1x64x128xf32, #tpu.memory_space<vmem>> -> memref<64x128xf32, #tpu.memory_space<vmem>>
        %parallel_loop3A_917 = arith.index_cast %parallel_loop3A_821 : i32 to index
        %parallel_loop3A_918 = arith.constant 64 : index
        %parallel_loop3A_919 = tpu.vector_load %parallel_loop3A_916[%parallel_loop3A_917, %parallel_loop3A_918] {strides = array<i32>} : memref<64x128xf32, #tpu.memory_space<vmem>>, vector<1x16xf32>,
        %parallel_loop3A_920 = vector.shape_cast %parallel_loop3A_919 : vector<1x16xf32> to vector<16xf32>
        %parallel_loop3A_921 = vector.shape_cast %parallel_loop3A_912 : vector<16xf32> to vector<1x16xf32>
        tpu.vector_store %parallel_loop3A_916[%parallel_loop3A_917, %parallel_loop3A_918], %parallel_loop3A_921 {strides = array<i32>} : memref<64x128xf32, #tpu.memory_space<vmem>>, vector<1x16xf32>,
        %parallel_loop3A_922 = arith.constant 0 : i32
        %parallel_loop3A_923 = arith.constant 0 : i32
        %parallel_loop3A_924 = tpu.memref_slice %arg6[%parallel_loop3A_533, %parallel_loop3A_922, %parallel_loop3A_923] : memref<10x64x128xf32, #tpu.memory_space<vmem>> -> memref<1x64x128xf32, #tpu.memory_space<vmem>>
        %parallel_loop3A_925 = tpu.memref_squeeze %parallel_loop3A_924 : memref<1x64x128xf32, #tpu.memory_space<vmem>> -> memref<64x128xf32, #tpu.memory_space<vmem>>
        %parallel_loop3A_926 = arith.index_cast %parallel_loop3A_821 : i32 to index
        %parallel_loop3A_927 = arith.constant 80 : index
        %parallel_loop3A_928 = tpu.vector_load %parallel_loop3A_925[%parallel_loop3A_926, %parallel_loop3A_927] {strides = array<i32>} : memref<64x128xf32, #tpu.memory_space<vmem>>, vector<1x16xf32>,
        %parallel_loop3A_929 = vector.shape_cast %parallel_loop3A_928 : vector<1x16xf32> to vector<16xf32>
        %parallel_loop3A_930 = arith.constant 11.3137083 : f32
        %parallel_loop3A_931 = vector.broadcast %parallel_loop3A_930 : f32 to vector<16xf32>
        %parallel_loop3A_932 = arith.mulf %parallel_loop3A_929, %parallel_loop3A_931 : vector<16xf32>
        %parallel_loop3A_933 = arith.constant 0 : i32
        %parallel_loop3A_934 = arith.constant 0 : i32
        %parallel_loop3A_935 = tpu.memref_slice %arg6[%parallel_loop3A_533, %parallel_loop3A_933, %parallel_loop3A_934] : memref<10x64x128xf32, #tpu.memory_space<vmem>> -> memref<1x64x128xf32, #tpu.memory_space<vmem>>
        %parallel_loop3A_936 = tpu.memref_squeeze %parallel_loop3A_935 : memref<1x64x128xf32, #tpu.memory_space<vmem>> -> memref<64x128xf32, #tpu.memory_space<vmem>>
        %parallel_loop3A_937 = arith.index_cast %parallel_loop3A_821 : i32 to index
        %parallel_loop3A_938 = arith.constant 80 : index
        %parallel_loop3A_939 = tpu.vector_load %parallel_loop3A_936[%parallel_loop3A_937, %parallel_loop3A_938] {strides = array<i32>} : memref<64x128xf32, #tpu.memory_space<vmem>>, vector<1x16xf32>,
        %parallel_loop3A_940 = vector.shape_cast %parallel_loop3A_939 : vector<1x16xf32> to vector<16xf32>
        %parallel_loop3A_941 = vector.shape_cast %parallel_loop3A_932 : vector<16xf32> to vector<1x16xf32>
        tpu.vector_store %parallel_loop3A_936[%parallel_loop3A_937, %parallel_loop3A_938], %parallel_loop3A_941 {strides = array<i32>} : memref<64x128xf32, #tpu.memory_space<vmem>>, vector<1x16xf32>,
        %parallel_loop3A_942 = arith.constant 0 : i32
        %parallel_loop3A_943 = arith.constant 0 : i32
        %parallel_loop3A_944 = tpu.memref_slice %arg6[%parallel_loop3A_533, %parallel_loop3A_942, %parallel_loop3A_943] : memref<10x64x128xf32, #tpu.memory_space<vmem>> -> memref<1x64x128xf32, #tpu.memory_space<vmem>>
        %parallel_loop3A_945 = tpu.memref_squeeze %parallel_loop3A_944 : memref<1x64x128xf32, #tpu.memory_space<vmem>> -> memref<64x128xf32, #tpu.memory_space<vmem>>
        %parallel_loop3A_946 = arith.index_cast %parallel_loop3A_821 : i32 to index
        %parallel_loop3A_947 = arith.constant 96 : index
        %parallel_loop3A_948 = tpu.vector_load %parallel_loop3A_945[%parallel_loop3A_946, %parallel_loop3A_947] {strides = array<i32>} : memref<64x128xf32, #tpu.memory_space<vmem>>, vector<1x16xf32>,
        %parallel_loop3A_949 = vector.shape_cast %parallel_loop3A_948 : vector<1x16xf32> to vector<16xf32>
        %parallel_loop3A_950 = arith.constant 11.3137083 : f32
        %parallel_loop3A_951 = vector.broadcast %parallel_loop3A_950 : f32 to vector<16xf32>
        %parallel_loop3A_952 = arith.mulf %parallel_loop3A_949, %parallel_loop3A_951 : vector<16xf32>
        %parallel_loop3A_953 = arith.constant 0 : i32
        %parallel_loop3A_954 = arith.constant 0 : i32
        %parallel_loop3A_955 = tpu.memref_slice %arg6[%parallel_loop3A_533, %parallel_loop3A_953, %parallel_loop3A_954] : memref<10x64x128xf32, #tpu.memory_space<vmem>> -> memref<1x64x128xf32, #tpu.memory_space<vmem>>
        %parallel_loop3A_956 = tpu.memref_squeeze %parallel_loop3A_955 : memref<1x64x128xf32, #tpu.memory_space<vmem>> -> memref<64x128xf32, #tpu.memory_space<vmem>>
        %parallel_loop3A_957 = arith.index_cast %parallel_loop3A_821 : i32 to index
        %parallel_loop3A_958 = arith.constant 96 : index
        %parallel_loop3A_959 = tpu.vector_load %parallel_loop3A_956[%parallel_loop3A_957, %parallel_loop3A_958] {strides = array<i32>} : memref<64x128xf32, #tpu.memory_space<vmem>>, vector<1x16xf32>,
        %parallel_loop3A_960 = vector.shape_cast %parallel_loop3A_959 : vector<1x16xf32> to vector<16xf32>
        %parallel_loop3A_961 = vector.shape_cast %parallel_loop3A_952 : vector<16xf32> to vector<1x16xf32>
        tpu.vector_store %parallel_loop3A_956[%parallel_loop3A_957, %parallel_loop3A_958], %parallel_loop3A_961 {strides = array<i32>} : memref<64x128xf32, #tpu.memory_space<vmem>>, vector<1x16xf32>,
        %parallel_loop3A_962 = arith.constant 0 : i32
        %parallel_loop3A_963 = arith.constant 0 : i32
        %parallel_loop3A_964 = tpu.memref_slice %arg6[%parallel_loop3A_533, %parallel_loop3A_962, %parallel_loop3A_963] : memref<10x64x128xf32, #tpu.memory_space<vmem>> -> memref<1x64x128xf32, #tpu.memory_space<vmem>>
        %parallel_loop3A_965 = tpu.memref_squeeze %parallel_loop3A_964 : memref<1x64x128xf32, #tpu.memory_space<vmem>> -> memref<64x128xf32, #tpu.memory_space<vmem>>
        %parallel_loop3A_966 = arith.index_cast %parallel_loop3A_821 : i32 to index
        %parallel_loop3A_967 = arith.constant 112 : index
        %parallel_loop3A_968 = tpu.vector_load %parallel_loop3A_965[%parallel_loop3A_966, %parallel_loop3A_967] {strides = array<i32>} : memref<64x128xf32, #tpu.memory_space<vmem>>, vector<1x16xf32>,
        %parallel_loop3A_969 = vector.shape_cast %parallel_loop3A_968 : vector<1x16xf32> to vector<16xf32>
        %parallel_loop3A_970 = arith.constant 11.3137083 : f32
        %parallel_loop3A_971 = vector.broadcast %parallel_loop3A_970 : f32 to vector<16xf32>
        %parallel_loop3A_972 = arith.mulf %parallel_loop3A_969, %parallel_loop3A_971 : vector<16xf32>
        %parallel_loop3A_973 = arith.constant 0 : i32
        %parallel_loop3A_974 = arith.constant 0 : i32
        %parallel_loop3A_975 = tpu.memref_slice %arg6[%parallel_loop3A_533, %parallel_loop3A_973, %parallel_loop3A_974] : memref<10x64x128xf32, #tpu.memory_space<vmem>> -> memref<1x64x128xf32, #tpu.memory_space<vmem>>
        %parallel_loop3A_976 = tpu.memref_squeeze %parallel_loop3A_975 : memref<1x64x128xf32, #tpu.memory_space<vmem>> -> memref<64x128xf32, #tpu.memory_space<vmem>>
        %parallel_loop3A_977 = arith.index_cast %parallel_loop3A_821 : i32 to index
        %parallel_loop3A_978 = arith.constant 112 : index
        %parallel_loop3A_979 = tpu.vector_load %parallel_loop3A_976[%parallel_loop3A_977, %parallel_loop3A_978] {strides = array<i32>} : memref<64x128xf32, #tpu.memory_space<vmem>>, vector<1x16xf32>,
        %parallel_loop3A_980 = vector.shape_cast %parallel_loop3A_979 : vector<1x16xf32> to vector<16xf32>
        %parallel_loop3A_981 = vector.shape_cast %parallel_loop3A_972 : vector<16xf32> to vector<1x16xf32>
        tpu.vector_store %parallel_loop3A_976[%parallel_loop3A_977, %parallel_loop3A_978], %parallel_loop3A_981 {strides = array<i32>} : memref<64x128xf32, #tpu.memory_space<vmem>>, vector<1x16xf32>,
      } {sc.loop_unroll_factor = 4 : i64, sc.parallel_access}
      %mul3A_534 = arith.constant 64 : i32
      %mul3A_535 = arith.muli %add3A_511, %mul3A_534 : i32
      %add3A_536 = arith.addi %mul3A_2, %mul3A_535 : i32
      %dma_start3A_537 = arith.constant 4 : i32
      %dma_start3A_538 = arith.constant 4 : i32
      %dma_start3A_539 = arith.constant 0 : i32
      %dma_start3A_540 = arith.constant 0 : i32
      %dma_start3A_541 = tpu.memref_slice %arg6[%dma_start3A_537, %dma_start3A_539, %dma_start3A_540] : memref<10x64x128xf32, #tpu.memory_space<vmem>> -> memref<1x64x128xf32, #tpu.memory_space<vmem>>
      %dma_start3A_542 = tpu.memref_squeeze %dma_start3A_541 : memref<1x64x128xf32, #tpu.memory_space<vmem>> -> memref<64x128xf32, #tpu.memory_space<vmem>>
      %dma_start3A_543 = arith.constant 0 : i32
      %dma_start3A_544 = tpu.memref_slice %arg4[%add3A_536, %dma_start3A_543] : memref<204800x128xf32, #tpu.memory_space<hbm>> -> memref<64x128xf32, #tpu.memory_space<hbm>>
      %dma_start3A_545 = tpu.memref_slice %arg8[%dma_start3A_538] : memref<10x!tpu.dma_semaphore, #tpu.memory_space<semaphore_mem>> -> memref<1x!tpu.dma_semaphore, #tpu.memory_space<semaphore_mem>>
      %dma_start3A_546 = tpu.memref_squeeze %dma_start3A_545 : memref<1x!tpu.dma_semaphore, #tpu.memory_space<semaphore_mem>> -> memref<!tpu.dma_semaphore, #tpu.memory_space<semaphore_mem>>
      %dma_start3A_547 = arith.constant 0 : i32
      %dma_start3A_548 = tpu.memref_slice %arg4[%add3A_536, %dma_start3A_547] : memref<204800x128xf32, #tpu.memory_space<hbm>> -> memref<64x128xf32, #tpu.memory_space<hbm>>
      %dma_start3A_549 = arith.constant 0 : i32
      %dma_start3A_550 = arith.constant 0 : i32
      %dma_start3A_551 = tpu.memref_slice %arg6[%dma_start3A_537, %dma_start3A_549, %dma_start3A_550] : memref<10x64x128xf32, #tpu.memory_space<vmem>> -> memref<1x64x128xf32, #tpu.memory_space<vmem>>
      %dma_start3A_552 = tpu.memref_squeeze %dma_start3A_551 : memref<1x64x128xf32, #tpu.memory_space<vmem>> -> memref<64x128xf32, #tpu.memory_space<vmem>>
      tpu.enqueue_dma source(%dma_start3A_552 : memref<64x128xf32, #tpu.memory_space<vmem>>) target(%dma_start3A_548 : memref<64x128xf32, #tpu.memory_space<hbm>>) target_semaphore(%dma_start3A_546 : memref<!tpu.dma_semaphore, #tpu.memory_space<semaphore_mem>>)
      %add3A_553 = arith.constant 9 : i32
      %add3A_554 = arith.addi %add3A_511, %add3A_553 : i32
      %lt3A_555 = arith.constant 100 : i32
      %lt3A_556 = arith.cmpi slt, %add3A_554, %lt3A_555 : i32
      %convert_element_type3A_557 = arith.extui %lt3A_556 : i1 to i32
      %cond3A_558 = arith.constant 0 : i32
      %cond3A_559 = arith.cmpi ne, %convert_element_type3A_557, %cond3A_558 : i32
      scf.if %cond3A_559 {
        %dma_wait3A_821 = arith.constant 3 : i32
        %dma_wait3A_822 = arith.constant 3 : i32
        %dma_wait3A_823 = arith.constant 0 : i32
        %dma_wait3A_824 = arith.constant 0 : i32
        %dma_wait3A_825 = tpu.memref_slice %arg6[%dma_wait3A_821, %dma_wait3A_823, %dma_wait3A_824] : memref<10x64x128xf32, #tpu.memory_space<vmem>> -> memref<1x64x128xf32, #tpu.memory_space<vmem>>
        %dma_wait3A_826 = tpu.memref_squeeze %dma_wait3A_825 : memref<1x64x128xf32, #tpu.memory_space<vmem>> -> memref<64x128xf32, #tpu.memory_space<vmem>>
        %dma_wait3A_827 = arith.constant 0 : i32
        %dma_wait3A_828 = tpu.memref_slice %arg4[%mul3A_2, %dma_wait3A_827] : memref<204800x128xf32, #tpu.memory_space<hbm>> -> memref<64x128xf32, #tpu.memory_space<hbm>>
        %dma_wait3A_829 = tpu.memref_slice %arg8[%dma_wait3A_822] : memref<10x!tpu.dma_semaphore, #tpu.memory_space<semaphore_mem>> -> memref<1x!tpu.dma_semaphore, #tpu.memory_space<semaphore_mem>>
        %dma_wait3A_830 = tpu.memref_squeeze %dma_wait3A_829 : memref<1x!tpu.dma_semaphore, #tpu.memory_space<semaphore_mem>> -> memref<!tpu.dma_semaphore, #tpu.memory_space<semaphore_mem>>
        %dma_wait3A_831 = arith.constant 0 : i32
        %dma_wait3A_832 = tpu.memref_slice %arg4[%mul3A_2, %dma_wait3A_831] : memref<204800x128xf32, #tpu.memory_space<hbm>> -> memref<64x128xf32, #tpu.memory_space<hbm>>
        %dma_wait3A_833 = arith.constant 0 : i32
        %dma_wait3A_834 = arith.constant 0 : i32
        %dma_wait3A_835 = tpu.memref_slice %arg6[%dma_wait3A_821, %dma_wait3A_833, %dma_wait3A_834] : memref<10x64x128xf32, #tpu.memory_space<vmem>> -> memref<1x64x128xf32, #tpu.memory_space<vmem>>
        %dma_wait3A_836 = tpu.memref_squeeze %dma_wait3A_835 : memref<1x64x128xf32, #tpu.memory_space<vmem>> -> memref<64x128xf32, #tpu.memory_space<vmem>>
        tpu.wait_dma2 semaphore(%dma_wait3A_830 : memref<!tpu.dma_semaphore, #tpu.memory_space<semaphore_mem>>) src(%dma_wait3A_836 : memref<64x128xf32, #tpu.memory_space<vmem>>) dst(%dma_wait3A_832 : memref<64x128xf32, #tpu.memory_space<hbm>>)
        %add3A_837 = arith.constant 9 : i32
        %add3A_838 = arith.addi %add3A_511, %add3A_837 : i32
        %mul3A_839 = arith.constant 1 : i32
        %mul3A_840 = arith.muli %add3A_838, %mul3A_839 : i32
        %add3A_841 = arith.constant 0 : i32
        %add3A_842 = arith.addi %mul3A_840, %add3A_841 : i32
        %dma_start3A_843 = arith.constant 3 : i32
        %dma_start3A_844 = arith.constant 3 : i32
        %dma_start3A_845 = arith.constant 0 : i32
        %dma_start3A_846 = arith.constant 0 : i32
        %dma_start3A_847 = tpu.memref_slice %arg6[%dma_start3A_843, %dma_start3A_845, %dma_start3A_846] : memref<10x64x128xf32, #tpu.memory_space<vmem>> -> memref<1x64x128xf32, #tpu.memory_space<vmem>>
        %dma_start3A_848 = tpu.memref_squeeze %dma_start3A_847 : memref<1x64x128xf32, #tpu.memory_space<vmem>> -> memref<64x128xf32, #tpu.memory_space<vmem>>
        %dma_start3A_849 = arith.constant 0 : i32
        %dma_start3A_850 = tpu.memref_slice %arg5[%add3A_842, %dma_start3A_849] : memref<100x64xi32, #tpu.memory_space<vmem>> -> memref<1x64xi32, #tpu.memory_space<vmem>>
        %dma_start3A_851 = tpu.memref_squeeze %dma_start3A_850 : memref<1x64xi32, #tpu.memory_space<vmem>> -> memref<64xi32, #tpu.memory_space<vmem>>
        %dma_start3A_852 = arith.constant 0 : i32
        %dma_start3A_853 = arith.constant 0 : i32
        %dma_start3A_854 = tpu.memref_slice %arg3[%dma_start3A_852, %dma_start3A_853] : memref<100000x128xf32, #tpu.memory_space<hbm>> -> memref<100000x128xf32, #tpu.memory_space<hbm>>
        %dma_start3A_855 = tpu.memref_slice %arg7[%dma_start3A_844] : memref<10x!tpu.dma_semaphore, #tpu.memory_space<semaphore_mem>> -> memref<1x!tpu.dma_semaphore, #tpu.memory_space<semaphore_mem>>
        %dma_start3A_856 = tpu.memref_squeeze %dma_start3A_855 : memref<1x!tpu.dma_semaphore, #tpu.memory_space<semaphore_mem>> -> memref<!tpu.dma_semaphore, #tpu.memory_space<semaphore_mem>>
        tpu.enqueue_indirect_dma source(%dma_start3A_854 : memref<100000x128xf32, #tpu.memory_space<hbm>>) target(%dma_start3A_848 : memref<64x128xf32, #tpu.memory_space<vmem>>) offsets(%dma_start3A_851 : memref<64xi32, #tpu.memory_space<vmem>>) semaphore(%dma_start3A_856 : memref<!tpu.dma_semaphore, #tpu.memory_space<semaphore_mem>>)
      } else {
      }
      %mul3A_560 = arith.constant 10 : i32
      %mul3A_561 = arith.muli %scan3A_302, %mul3A_560 : i32
      %add3A_562 = arith.constant 5 : i32
      %add3A_563 = arith.addi %mul3A_561, %add3A_562 : i32
      %mul3A_564 = arith.constant 1 : i32
      %mul3A_565 = arith.muli %add3A_563, %mul3A_564 : i32
      %add3A_566 = arith.constant 0 : i32
      %add3A_567 = arith.addi %mul3A_565, %add3A_566 : i32
      %dma_wait3A_568 = arith.constant 5 : i32
      %dma_wait3A_569 = arith.constant 5 : i32
      %dma_wait3A_570 = arith.constant 0 : i32
      %dma_wait3A_571 = arith.constant 0 : i32
      %dma_wait3A_572 = tpu.memref_slice %arg6[%dma_wait3A_568, %dma_wait3A_570, %dma_wait3A_571] : memref<10x64x128xf32, #tpu.memory_space<vmem>> -> memref<1x64x128xf32, #tpu.memory_space<vmem>>
      %dma_wait3A_573 = tpu.memref_squeeze %dma_wait3A_572 : memref<1x64x128xf32, #tpu.memory_space<vmem>> -> memref<64x128xf32, #tpu.memory_space<vmem>>
      %dma_wait3A_574 = arith.constant 0 : i32
      %dma_wait3A_575 = tpu.memref_slice %arg5[%add3A_567, %dma_wait3A_574] : memref<100x64xi32, #tpu.memory_space<vmem>> -> memref<1x64xi32, #tpu.memory_space<vmem>>
      %dma_wait3A_576 = tpu.memref_squeeze %dma_wait3A_575 : memref<1x64xi32, #tpu.memory_space<vmem>> -> memref<64xi32, #tpu.memory_space<vmem>>
      %dma_wait3A_577 = arith.constant 0 : i32
      %dma_wait3A_578 = arith.constant 0 : i32
      %dma_wait3A_579 = tpu.memref_slice %arg3[%dma_wait3A_577, %dma_wait3A_578] : memref<100000x128xf32, #tpu.memory_space<hbm>> -> memref<100000x128xf32, #tpu.memory_space<hbm>>
      %dma_wait3A_580 = tpu.memref_slice %arg7[%dma_wait3A_569] : memref<10x!tpu.dma_semaphore, #tpu.memory_space<semaphore_mem>> -> memref<1x!tpu.dma_semaphore, #tpu.memory_space<semaphore_mem>>
      %dma_wait3A_581 = tpu.memref_squeeze %dma_wait3A_580 : memref<1x!tpu.dma_semaphore, #tpu.memory_space<semaphore_mem>> -> memref<!tpu.dma_semaphore, #tpu.memory_space<semaphore_mem>>
      tpu.wait_indirect_dma semaphore(%dma_wait3A_581 : memref<!tpu.dma_semaphore, #tpu.memory_space<semaphore_mem>>) src(%dma_wait3A_579 : memref<100000x128xf32, #tpu.memory_space<hbm>>) dst(%dma_wait3A_573 : memref<64x128xf32, #tpu.memory_space<vmem>>)
      %parallel_loop3A_582 = arith.constant 0 : i32
      %parallel_loop3A_583 = arith.constant 64 : i32
      %parallel_loop3A_584 = arith.constant 1 : i32
      %parallel_loop3A_585 = arith.constant 5 : i32
      scf.for %parallel_loop3A_821 = %parallel_loop3A_582 to %parallel_loop3A_583 step %parallel_loop3A_584  : i32 {
        %parallel_loop3A_822 = arith.constant 0 : i32
        %parallel_loop3A_823 = arith.constant 0 : i32
        %parallel_loop3A_824 = tpu.memref_slice %arg6[%parallel_loop3A_585, %parallel_loop3A_822, %parallel_loop3A_823] : memref<10x64x128xf32, #tpu.memory_space<vmem>> -> memref<1x64x128xf32, #tpu.memory_space<vmem>>
        %parallel_loop3A_825 = tpu.memref_squeeze %parallel_loop3A_824 : memref<1x64x128xf32, #tpu.memory_space<vmem>> -> memref<64x128xf32, #tpu.memory_space<vmem>>
        %parallel_loop3A_826 = arith.index_cast %parallel_loop3A_821 : i32 to index
        %parallel_loop3A_827 = arith.constant 0 : index
        %parallel_loop3A_828 = tpu.vector_load %parallel_loop3A_825[%parallel_loop3A_826, %parallel_loop3A_827] {strides = array<i32>} : memref<64x128xf32, #tpu.memory_space<vmem>>, vector<1x16xf32>,
        %parallel_loop3A_829 = vector.shape_cast %parallel_loop3A_828 : vector<1x16xf32> to vector<16xf32>
        %parallel_loop3A_830 = arith.constant 11.3137083 : f32
        %parallel_loop3A_831 = vector.broadcast %parallel_loop3A_830 : f32 to vector<16xf32>
        %parallel_loop3A_832 = arith.mulf %parallel_loop3A_829, %parallel_loop3A_831 : vector<16xf32>
        %parallel_loop3A_833 = arith.constant 0 : i32
        %parallel_loop3A_834 = arith.constant 0 : i32
        %parallel_loop3A_835 = tpu.memref_slice %arg6[%parallel_loop3A_585, %parallel_loop3A_833, %parallel_loop3A_834] : memref<10x64x128xf32, #tpu.memory_space<vmem>> -> memref<1x64x128xf32, #tpu.memory_space<vmem>>
        %parallel_loop3A_836 = tpu.memref_squeeze %parallel_loop3A_835 : memref<1x64x128xf32, #tpu.memory_space<vmem>> -> memref<64x128xf32, #tpu.memory_space<vmem>>
        %parallel_loop3A_837 = arith.index_cast %parallel_loop3A_821 : i32 to index
        %parallel_loop3A_838 = arith.constant 0 : index
        %parallel_loop3A_839 = tpu.vector_load %parallel_loop3A_836[%parallel_loop3A_837, %parallel_loop3A_838] {strides = array<i32>} : memref<64x128xf32, #tpu.memory_space<vmem>>, vector<1x16xf32>,
        %parallel_loop3A_840 = vector.shape_cast %parallel_loop3A_839 : vector<1x16xf32> to vector<16xf32>
        %parallel_loop3A_841 = vector.shape_cast %parallel_loop3A_832 : vector<16xf32> to vector<1x16xf32>
        tpu.vector_store %parallel_loop3A_836[%parallel_loop3A_837, %parallel_loop3A_838], %parallel_loop3A_841 {strides = array<i32>} : memref<64x128xf32, #tpu.memory_space<vmem>>, vector<1x16xf32>,
        %parallel_loop3A_842 = arith.constant 0 : i32
        %parallel_loop3A_843 = arith.constant 0 : i32
        %parallel_loop3A_844 = tpu.memref_slice %arg6[%parallel_loop3A_585, %parallel_loop3A_842, %parallel_loop3A_843] : memref<10x64x128xf32, #tpu.memory_space<vmem>> -> memref<1x64x128xf32, #tpu.memory_space<vmem>>
        %parallel_loop3A_845 = tpu.memref_squeeze %parallel_loop3A_844 : memref<1x64x128xf32, #tpu.memory_space<vmem>> -> memref<64x128xf32, #tpu.memory_space<vmem>>
        %parallel_loop3A_846 = arith.index_cast %parallel_loop3A_821 : i32 to index
        %parallel_loop3A_847 = arith.constant 16 : index
        %parallel_loop3A_848 = tpu.vector_load %parallel_loop3A_845[%parallel_loop3A_846, %parallel_loop3A_847] {strides = array<i32>} : memref<64x128xf32, #tpu.memory_space<vmem>>, vector<1x16xf32>,
        %parallel_loop3A_849 = vector.shape_cast %parallel_loop3A_848 : vector<1x16xf32> to vector<16xf32>
        %parallel_loop3A_850 = arith.constant 11.3137083 : f32
        %parallel_loop3A_851 = vector.broadcast %parallel_loop3A_850 : f32 to vector<16xf32>
        %parallel_loop3A_852 = arith.mulf %parallel_loop3A_849, %parallel_loop3A_851 : vector<16xf32>
        %parallel_loop3A_853 = arith.constant 0 : i32
        %parallel_loop3A_854 = arith.constant 0 : i32
        %parallel_loop3A_855 = tpu.memref_slice %arg6[%parallel_loop3A_585, %parallel_loop3A_853, %parallel_loop3A_854] : memref<10x64x128xf32, #tpu.memory_space<vmem>> -> memref<1x64x128xf32, #tpu.memory_space<vmem>>
        %parallel_loop3A_856 = tpu.memref_squeeze %parallel_loop3A_855 : memref<1x64x128xf32, #tpu.memory_space<vmem>> -> memref<64x128xf32, #tpu.memory_space<vmem>>
        %parallel_loop3A_857 = arith.index_cast %parallel_loop3A_821 : i32 to index
        %parallel_loop3A_858 = arith.constant 16 : index
        %parallel_loop3A_859 = tpu.vector_load %parallel_loop3A_856[%parallel_loop3A_857, %parallel_loop3A_858] {strides = array<i32>} : memref<64x128xf32, #tpu.memory_space<vmem>>, vector<1x16xf32>,
        %parallel_loop3A_860 = vector.shape_cast %parallel_loop3A_859 : vector<1x16xf32> to vector<16xf32>
        %parallel_loop3A_861 = vector.shape_cast %parallel_loop3A_852 : vector<16xf32> to vector<1x16xf32>
        tpu.vector_store %parallel_loop3A_856[%parallel_loop3A_857, %parallel_loop3A_858], %parallel_loop3A_861 {strides = array<i32>} : memref<64x128xf32, #tpu.memory_space<vmem>>, vector<1x16xf32>,
        %parallel_loop3A_862 = arith.constant 0 : i32
        %parallel_loop3A_863 = arith.constant 0 : i32
        %parallel_loop3A_864 = tpu.memref_slice %arg6[%parallel_loop3A_585, %parallel_loop3A_862, %parallel_loop3A_863] : memref<10x64x128xf32, #tpu.memory_space<vmem>> -> memref<1x64x128xf32, #tpu.memory_space<vmem>>
        %parallel_loop3A_865 = tpu.memref_squeeze %parallel_loop3A_864 : memref<1x64x128xf32, #tpu.memory_space<vmem>> -> memref<64x128xf32, #tpu.memory_space<vmem>>
        %parallel_loop3A_866 = arith.index_cast %parallel_loop3A_821 : i32 to index
        %parallel_loop3A_867 = arith.constant 32 : index
        %parallel_loop3A_868 = tpu.vector_load %parallel_loop3A_865[%parallel_loop3A_866, %parallel_loop3A_867] {strides = array<i32>} : memref<64x128xf32, #tpu.memory_space<vmem>>, vector<1x16xf32>,
        %parallel_loop3A_869 = vector.shape_cast %parallel_loop3A_868 : vector<1x16xf32> to vector<16xf32>
        %parallel_loop3A_870 = arith.constant 11.3137083 : f32
        %parallel_loop3A_871 = vector.broadcast %parallel_loop3A_870 : f32 to vector<16xf32>
        %parallel_loop3A_872 = arith.mulf %parallel_loop3A_869, %parallel_loop3A_871 : vector<16xf32>
        %parallel_loop3A_873 = arith.constant 0 : i32
        %parallel_loop3A_874 = arith.constant 0 : i32
        %parallel_loop3A_875 = tpu.memref_slice %arg6[%parallel_loop3A_585, %parallel_loop3A_873, %parallel_loop3A_874] : memref<10x64x128xf32, #tpu.memory_space<vmem>> -> memref<1x64x128xf32, #tpu.memory_space<vmem>>
        %parallel_loop3A_876 = tpu.memref_squeeze %parallel_loop3A_875 : memref<1x64x128xf32, #tpu.memory_space<vmem>> -> memref<64x128xf32, #tpu.memory_space<vmem>>
        %parallel_loop3A_877 = arith.index_cast %parallel_loop3A_821 : i32 to index
        %parallel_loop3A_878 = arith.constant 32 : index
        %parallel_loop3A_879 = tpu.vector_load %parallel_loop3A_876[%parallel_loop3A_877, %parallel_loop3A_878] {strides = array<i32>} : memref<64x128xf32, #tpu.memory_space<vmem>>, vector<1x16xf32>,
        %parallel_loop3A_880 = vector.shape_cast %parallel_loop3A_879 : vector<1x16xf32> to vector<16xf32>
        %parallel_loop3A_881 = vector.shape_cast %parallel_loop3A_872 : vector<16xf32> to vector<1x16xf32>
        tpu.vector_store %parallel_loop3A_876[%parallel_loop3A_877, %parallel_loop3A_878], %parallel_loop3A_881 {strides = array<i32>} : memref<64x128xf32, #tpu.memory_space<vmem>>, vector<1x16xf32>,
        %parallel_loop3A_882 = arith.constant 0 : i32
        %parallel_loop3A_883 = arith.constant 0 : i32
        %parallel_loop3A_884 = tpu.memref_slice %arg6[%parallel_loop3A_585, %parallel_loop3A_882, %parallel_loop3A_883] : memref<10x64x128xf32, #tpu.memory_space<vmem>> -> memref<1x64x128xf32, #tpu.memory_space<vmem>>
        %parallel_loop3A_885 = tpu.memref_squeeze %parallel_loop3A_884 : memref<1x64x128xf32, #tpu.memory_space<vmem>> -> memref<64x128xf32, #tpu.memory_space<vmem>>
        %parallel_loop3A_886 = arith.index_cast %parallel_loop3A_821 : i32 to index
        %parallel_loop3A_887 = arith.constant 48 : index
        %parallel_loop3A_888 = tpu.vector_load %parallel_loop3A_885[%parallel_loop3A_886, %parallel_loop3A_887] {strides = array<i32>} : memref<64x128xf32, #tpu.memory_space<vmem>>, vector<1x16xf32>,
        %parallel_loop3A_889 = vector.shape_cast %parallel_loop3A_888 : vector<1x16xf32> to vector<16xf32>
        %parallel_loop3A_890 = arith.constant 11.3137083 : f32
        %parallel_loop3A_891 = vector.broadcast %parallel_loop3A_890 : f32 to vector<16xf32>
        %parallel_loop3A_892 = arith.mulf %parallel_loop3A_889, %parallel_loop3A_891 : vector<16xf32>
        %parallel_loop3A_893 = arith.constant 0 : i32
        %parallel_loop3A_894 = arith.constant 0 : i32
        %parallel_loop3A_895 = tpu.memref_slice %arg6[%parallel_loop3A_585, %parallel_loop3A_893, %parallel_loop3A_894] : memref<10x64x128xf32, #tpu.memory_space<vmem>> -> memref<1x64x128xf32, #tpu.memory_space<vmem>>
        %parallel_loop3A_896 = tpu.memref_squeeze %parallel_loop3A_895 : memref<1x64x128xf32, #tpu.memory_space<vmem>> -> memref<64x128xf32, #tpu.memory_space<vmem>>
        %parallel_loop3A_897 = arith.index_cast %parallel_loop3A_821 : i32 to index
        %parallel_loop3A_898 = arith.constant 48 : index
        %parallel_loop3A_899 = tpu.vector_load %parallel_loop3A_896[%parallel_loop3A_897, %parallel_loop3A_898] {strides = array<i32>} : memref<64x128xf32, #tpu.memory_space<vmem>>, vector<1x16xf32>,
        %parallel_loop3A_900 = vector.shape_cast %parallel_loop3A_899 : vector<1x16xf32> to vector<16xf32>
        %parallel_loop3A_901 = vector.shape_cast %parallel_loop3A_892 : vector<16xf32> to vector<1x16xf32>
        tpu.vector_store %parallel_loop3A_896[%parallel_loop3A_897, %parallel_loop3A_898], %parallel_loop3A_901 {strides = array<i32>} : memref<64x128xf32, #tpu.memory_space<vmem>>, vector<1x16xf32>,
        %parallel_loop3A_902 = arith.constant 0 : i32
        %parallel_loop3A_903 = arith.constant 0 : i32
        %parallel_loop3A_904 = tpu.memref_slice %arg6[%parallel_loop3A_585, %parallel_loop3A_902, %parallel_loop3A_903] : memref<10x64x128xf32, #tpu.memory_space<vmem>> -> memref<1x64x128xf32, #tpu.memory_space<vmem>>
        %parallel_loop3A_905 = tpu.memref_squeeze %parallel_loop3A_904 : memref<1x64x128xf32, #tpu.memory_space<vmem>> -> memref<64x128xf32, #tpu.memory_space<vmem>>
        %parallel_loop3A_906 = arith.index_cast %parallel_loop3A_821 : i32 to index
        %parallel_loop3A_907 = arith.constant 64 : index
        %parallel_loop3A_908 = tpu.vector_load %parallel_loop3A_905[%parallel_loop3A_906, %parallel_loop3A_907] {strides = array<i32>} : memref<64x128xf32, #tpu.memory_space<vmem>>, vector<1x16xf32>,
        %parallel_loop3A_909 = vector.shape_cast %parallel_loop3A_908 : vector<1x16xf32> to vector<16xf32>
        %parallel_loop3A_910 = arith.constant 11.3137083 : f32
        %parallel_loop3A_911 = vector.broadcast %parallel_loop3A_910 : f32 to vector<16xf32>
        %parallel_loop3A_912 = arith.mulf %parallel_loop3A_909, %parallel_loop3A_911 : vector<16xf32>
        %parallel_loop3A_913 = arith.constant 0 : i32
        %parallel_loop3A_914 = arith.constant 0 : i32
        %parallel_loop3A_915 = tpu.memref_slice %arg6[%parallel_loop3A_585, %parallel_loop3A_913, %parallel_loop3A_914] : memref<10x64x128xf32, #tpu.memory_space<vmem>> -> memref<1x64x128xf32, #tpu.memory_space<vmem>>
        %parallel_loop3A_916 = tpu.memref_squeeze %parallel_loop3A_915 : memref<1x64x128xf32, #tpu.memory_space<vmem>> -> memref<64x128xf32, #tpu.memory_space<vmem>>
        %parallel_loop3A_917 = arith.index_cast %parallel_loop3A_821 : i32 to index
        %parallel_loop3A_918 = arith.constant 64 : index
        %parallel_loop3A_919 = tpu.vector_load %parallel_loop3A_916[%parallel_loop3A_917, %parallel_loop3A_918] {strides = array<i32>} : memref<64x128xf32, #tpu.memory_space<vmem>>, vector<1x16xf32>,
        %parallel_loop3A_920 = vector.shape_cast %parallel_loop3A_919 : vector<1x16xf32> to vector<16xf32>
        %parallel_loop3A_921 = vector.shape_cast %parallel_loop3A_912 : vector<16xf32> to vector<1x16xf32>
        tpu.vector_store %parallel_loop3A_916[%parallel_loop3A_917, %parallel_loop3A_918], %parallel_loop3A_921 {strides = array<i32>} : memref<64x128xf32, #tpu.memory_space<vmem>>, vector<1x16xf32>,
        %parallel_loop3A_922 = arith.constant 0 : i32
        %parallel_loop3A_923 = arith.constant 0 : i32
        %parallel_loop3A_924 = tpu.memref_slice %arg6[%parallel_loop3A_585, %parallel_loop3A_922, %parallel_loop3A_923] : memref<10x64x128xf32, #tpu.memory_space<vmem>> -> memref<1x64x128xf32, #tpu.memory_space<vmem>>
        %parallel_loop3A_925 = tpu.memref_squeeze %parallel_loop3A_924 : memref<1x64x128xf32, #tpu.memory_space<vmem>> -> memref<64x128xf32, #tpu.memory_space<vmem>>
        %parallel_loop3A_926 = arith.index_cast %parallel_loop3A_821 : i32 to index
        %parallel_loop3A_927 = arith.constant 80 : index
        %parallel_loop3A_928 = tpu.vector_load %parallel_loop3A_925[%parallel_loop3A_926, %parallel_loop3A_927] {strides = array<i32>} : memref<64x128xf32, #tpu.memory_space<vmem>>, vector<1x16xf32>,
        %parallel_loop3A_929 = vector.shape_cast %parallel_loop3A_928 : vector<1x16xf32> to vector<16xf32>
        %parallel_loop3A_930 = arith.constant 11.3137083 : f32
        %parallel_loop3A_931 = vector.broadcast %parallel_loop3A_930 : f32 to vector<16xf32>
        %parallel_loop3A_932 = arith.mulf %parallel_loop3A_929, %parallel_loop3A_931 : vector<16xf32>
        %parallel_loop3A_933 = arith.constant 0 : i32
        %parallel_loop3A_934 = arith.constant 0 : i32
        %parallel_loop3A_935 = tpu.memref_slice %arg6[%parallel_loop3A_585, %parallel_loop3A_933, %parallel_loop3A_934] : memref<10x64x128xf32, #tpu.memory_space<vmem>> -> memref<1x64x128xf32, #tpu.memory_space<vmem>>
        %parallel_loop3A_936 = tpu.memref_squeeze %parallel_loop3A_935 : memref<1x64x128xf32, #tpu.memory_space<vmem>> -> memref<64x128xf32, #tpu.memory_space<vmem>>
        %parallel_loop3A_937 = arith.index_cast %parallel_loop3A_821 : i32 to index
        %parallel_loop3A_938 = arith.constant 80 : index
        %parallel_loop3A_939 = tpu.vector_load %parallel_loop3A_936[%parallel_loop3A_937, %parallel_loop3A_938] {strides = array<i32>} : memref<64x128xf32, #tpu.memory_space<vmem>>, vector<1x16xf32>,
        %parallel_loop3A_940 = vector.shape_cast %parallel_loop3A_939 : vector<1x16xf32> to vector<16xf32>
        %parallel_loop3A_941 = vector.shape_cast %parallel_loop3A_932 : vector<16xf32> to vector<1x16xf32>
        tpu.vector_store %parallel_loop3A_936[%parallel_loop3A_937, %parallel_loop3A_938], %parallel_loop3A_941 {strides = array<i32>} : memref<64x128xf32, #tpu.memory_space<vmem>>, vector<1x16xf32>,
        %parallel_loop3A_942 = arith.constant 0 : i32
        %parallel_loop3A_943 = arith.constant 0 : i32
        %parallel_loop3A_944 = tpu.memref_slice %arg6[%parallel_loop3A_585, %parallel_loop3A_942, %parallel_loop3A_943] : memref<10x64x128xf32, #tpu.memory_space<vmem>> -> memref<1x64x128xf32, #tpu.memory_space<vmem>>
        %parallel_loop3A_945 = tpu.memref_squeeze %parallel_loop3A_944 : memref<1x64x128xf32, #tpu.memory_space<vmem>> -> memref<64x128xf32, #tpu.memory_space<vmem>>
        %parallel_loop3A_946 = arith.index_cast %parallel_loop3A_821 : i32 to index
        %parallel_loop3A_947 = arith.constant 96 : index
        %parallel_loop3A_948 = tpu.vector_load %parallel_loop3A_945[%parallel_loop3A_946, %parallel_loop3A_947] {strides = array<i32>} : memref<64x128xf32, #tpu.memory_space<vmem>>, vector<1x16xf32>,
        %parallel_loop3A_949 = vector.shape_cast %parallel_loop3A_948 : vector<1x16xf32> to vector<16xf32>
        %parallel_loop3A_950 = arith.constant 11.3137083 : f32
        %parallel_loop3A_951 = vector.broadcast %parallel_loop3A_950 : f32 to vector<16xf32>
        %parallel_loop3A_952 = arith.mulf %parallel_loop3A_949, %parallel_loop3A_951 : vector<16xf32>
        %parallel_loop3A_953 = arith.constant 0 : i32
        %parallel_loop3A_954 = arith.constant 0 : i32
        %parallel_loop3A_955 = tpu.memref_slice %arg6[%parallel_loop3A_585, %parallel_loop3A_953, %parallel_loop3A_954] : memref<10x64x128xf32, #tpu.memory_space<vmem>> -> memref<1x64x128xf32, #tpu.memory_space<vmem>>
        %parallel_loop3A_956 = tpu.memref_squeeze %parallel_loop3A_955 : memref<1x64x128xf32, #tpu.memory_space<vmem>> -> memref<64x128xf32, #tpu.memory_space<vmem>>
        %parallel_loop3A_957 = arith.index_cast %parallel_loop3A_821 : i32 to index
        %parallel_loop3A_958 = arith.constant 96 : index
        %parallel_loop3A_959 = tpu.vector_load %parallel_loop3A_956[%parallel_loop3A_957, %parallel_loop3A_958] {strides = array<i32>} : memref<64x128xf32, #tpu.memory_space<vmem>>, vector<1x16xf32>,
        %parallel_loop3A_960 = vector.shape_cast %parallel_loop3A_959 : vector<1x16xf32> to vector<16xf32>
        %parallel_loop3A_961 = vector.shape_cast %parallel_loop3A_952 : vector<16xf32> to vector<1x16xf32>
        tpu.vector_store %parallel_loop3A_956[%parallel_loop3A_957, %parallel_loop3A_958], %parallel_loop3A_961 {strides = array<i32>} : memref<64x128xf32, #tpu.memory_space<vmem>>, vector<1x16xf32>,
        %parallel_loop3A_962 = arith.constant 0 : i32
        %parallel_loop3A_963 = arith.constant 0 : i32
        %parallel_loop3A_964 = tpu.memref_slice %arg6[%parallel_loop3A_585, %parallel_loop3A_962, %parallel_loop3A_963] : memref<10x64x128xf32, #tpu.memory_space<vmem>> -> memref<1x64x128xf32, #tpu.memory_space<vmem>>
        %parallel_loop3A_965 = tpu.memref_squeeze %parallel_loop3A_964 : memref<1x64x128xf32, #tpu.memory_space<vmem>> -> memref<64x128xf32, #tpu.memory_space<vmem>>
        %parallel_loop3A_966 = arith.index_cast %parallel_loop3A_821 : i32 to index
        %parallel_loop3A_967 = arith.constant 112 : index
        %parallel_loop3A_968 = tpu.vector_load %parallel_loop3A_965[%parallel_loop3A_966, %parallel_loop3A_967] {strides = array<i32>} : memref<64x128xf32, #tpu.memory_space<vmem>>, vector<1x16xf32>,
        %parallel_loop3A_969 = vector.shape_cast %parallel_loop3A_968 : vector<1x16xf32> to vector<16xf32>
        %parallel_loop3A_970 = arith.constant 11.3137083 : f32
        %parallel_loop3A_971 = vector.broadcast %parallel_loop3A_970 : f32 to vector<16xf32>
        %parallel_loop3A_972 = arith.mulf %parallel_loop3A_969, %parallel_loop3A_971 : vector<16xf32>
        %parallel_loop3A_973 = arith.constant 0 : i32
        %parallel_loop3A_974 = arith.constant 0 : i32
        %parallel_loop3A_975 = tpu.memref_slice %arg6[%parallel_loop3A_585, %parallel_loop3A_973, %parallel_loop3A_974] : memref<10x64x128xf32, #tpu.memory_space<vmem>> -> memref<1x64x128xf32, #tpu.memory_space<vmem>>
        %parallel_loop3A_976 = tpu.memref_squeeze %parallel_loop3A_975 : memref<1x64x128xf32, #tpu.memory_space<vmem>> -> memref<64x128xf32, #tpu.memory_space<vmem>>
        %parallel_loop3A_977 = arith.index_cast %parallel_loop3A_821 : i32 to index
        %parallel_loop3A_978 = arith.constant 112 : index
        %parallel_loop3A_979 = tpu.vector_load %parallel_loop3A_976[%parallel_loop3A_977, %parallel_loop3A_978] {strides = array<i32>} : memref<64x128xf32, #tpu.memory_space<vmem>>, vector<1x16xf32>,
        %parallel_loop3A_980 = vector.shape_cast %parallel_loop3A_979 : vector<1x16xf32> to vector<16xf32>
        %parallel_loop3A_981 = vector.shape_cast %parallel_loop3A_972 : vector<16xf32> to vector<1x16xf32>
        tpu.vector_store %parallel_loop3A_976[%parallel_loop3A_977, %parallel_loop3A_978], %parallel_loop3A_981 {strides = array<i32>} : memref<64x128xf32, #tpu.memory_space<vmem>>, vector<1x16xf32>,
      } {sc.loop_unroll_factor = 4 : i64, sc.parallel_access}
      %mul3A_586 = arith.constant 64 : i32
      %mul3A_587 = arith.muli %add3A_563, %mul3A_586 : i32
      %add3A_588 = arith.addi %mul3A_2, %mul3A_587 : i32
      %dma_start3A_589 = arith.constant 5 : i32
      %dma_start3A_590 = arith.constant 5 : i32
      %dma_start3A_591 = arith.constant 0 : i32
      %dma_start3A_592 = arith.constant 0 : i32
      %dma_start3A_593 = tpu.memref_slice %arg6[%dma_start3A_589, %dma_start3A_591, %dma_start3A_592] : memref<10x64x128xf32, #tpu.memory_space<vmem>> -> memref<1x64x128xf32, #tpu.memory_space<vmem>>
      %dma_start3A_594 = tpu.memref_squeeze %dma_start3A_593 : memref<1x64x128xf32, #tpu.memory_space<vmem>> -> memref<64x128xf32, #tpu.memory_space<vmem>>
      %dma_start3A_595 = arith.constant 0 : i32
      %dma_start3A_596 = tpu.memref_slice %arg4[%add3A_588, %dma_start3A_595] : memref<204800x128xf32, #tpu.memory_space<hbm>> -> memref<64x128xf32, #tpu.memory_space<hbm>>
      %dma_start3A_597 = tpu.memref_slice %arg8[%dma_start3A_590] : memref<10x!tpu.dma_semaphore, #tpu.memory_space<semaphore_mem>> -> memref<1x!tpu.dma_semaphore, #tpu.memory_space<semaphore_mem>>
      %dma_start3A_598 = tpu.memref_squeeze %dma_start3A_597 : memref<1x!tpu.dma_semaphore, #tpu.memory_space<semaphore_mem>> -> memref<!tpu.dma_semaphore, #tpu.memory_space<semaphore_mem>>
      %dma_start3A_599 = arith.constant 0 : i32
      %dma_start3A_600 = tpu.memref_slice %arg4[%add3A_588, %dma_start3A_599] : memref<204800x128xf32, #tpu.memory_space<hbm>> -> memref<64x128xf32, #tpu.memory_space<hbm>>
      %dma_start3A_601 = arith.constant 0 : i32
      %dma_start3A_602 = arith.constant 0 : i32
      %dma_start3A_603 = tpu.memref_slice %arg6[%dma_start3A_589, %dma_start3A_601, %dma_start3A_602] : memref<10x64x128xf32, #tpu.memory_space<vmem>> -> memref<1x64x128xf32, #tpu.memory_space<vmem>>
      %dma_start3A_604 = tpu.memref_squeeze %dma_start3A_603 : memref<1x64x128xf32, #tpu.memory_space<vmem>> -> memref<64x128xf32, #tpu.memory_space<vmem>>
      tpu.enqueue_dma source(%dma_start3A_604 : memref<64x128xf32, #tpu.memory_space<vmem>>) target(%dma_start3A_600 : memref<64x128xf32, #tpu.memory_space<hbm>>) target_semaphore(%dma_start3A_598 : memref<!tpu.dma_semaphore, #tpu.memory_space<semaphore_mem>>)
      %add3A_605 = arith.constant 9 : i32
      %add3A_606 = arith.addi %add3A_563, %add3A_605 : i32
      %lt3A_607 = arith.constant 100 : i32
      %lt3A_608 = arith.cmpi slt, %add3A_606, %lt3A_607 : i32
      %convert_element_type3A_609 = arith.extui %lt3A_608 : i1 to i32
      %cond3A_610 = arith.constant 0 : i32
      %cond3A_611 = arith.cmpi ne, %convert_element_type3A_609, %cond3A_610 : i32
      scf.if %cond3A_611 {
        %dma_wait3A_821 = arith.constant 4 : i32
        %dma_wait3A_822 = arith.constant 4 : i32
        %dma_wait3A_823 = arith.constant 0 : i32
        %dma_wait3A_824 = arith.constant 0 : i32
        %dma_wait3A_825 = tpu.memref_slice %arg6[%dma_wait3A_821, %dma_wait3A_823, %dma_wait3A_824] : memref<10x64x128xf32, #tpu.memory_space<vmem>> -> memref<1x64x128xf32, #tpu.memory_space<vmem>>
        %dma_wait3A_826 = tpu.memref_squeeze %dma_wait3A_825 : memref<1x64x128xf32, #tpu.memory_space<vmem>> -> memref<64x128xf32, #tpu.memory_space<vmem>>
        %dma_wait3A_827 = arith.constant 0 : i32
        %dma_wait3A_828 = tpu.memref_slice %arg4[%mul3A_2, %dma_wait3A_827] : memref<204800x128xf32, #tpu.memory_space<hbm>> -> memref<64x128xf32, #tpu.memory_space<hbm>>
        %dma_wait3A_829 = tpu.memref_slice %arg8[%dma_wait3A_822] : memref<10x!tpu.dma_semaphore, #tpu.memory_space<semaphore_mem>> -> memref<1x!tpu.dma_semaphore, #tpu.memory_space<semaphore_mem>>
        %dma_wait3A_830 = tpu.memref_squeeze %dma_wait3A_829 : memref<1x!tpu.dma_semaphore, #tpu.memory_space<semaphore_mem>> -> memref<!tpu.dma_semaphore, #tpu.memory_space<semaphore_mem>>
        %dma_wait3A_831 = arith.constant 0 : i32
        %dma_wait3A_832 = tpu.memref_slice %arg4[%mul3A_2, %dma_wait3A_831] : memref<204800x128xf32, #tpu.memory_space<hbm>> -> memref<64x128xf32, #tpu.memory_space<hbm>>
        %dma_wait3A_833 = arith.constant 0 : i32
        %dma_wait3A_834 = arith.constant 0 : i32
        %dma_wait3A_835 = tpu.memref_slice %arg6[%dma_wait3A_821, %dma_wait3A_833, %dma_wait3A_834] : memref<10x64x128xf32, #tpu.memory_space<vmem>> -> memref<1x64x128xf32, #tpu.memory_space<vmem>>
        %dma_wait3A_836 = tpu.memref_squeeze %dma_wait3A_835 : memref<1x64x128xf32, #tpu.memory_space<vmem>> -> memref<64x128xf32, #tpu.memory_space<vmem>>
        tpu.wait_dma2 semaphore(%dma_wait3A_830 : memref<!tpu.dma_semaphore, #tpu.memory_space<semaphore_mem>>) src(%dma_wait3A_836 : memref<64x128xf32, #tpu.memory_space<vmem>>) dst(%dma_wait3A_832 : memref<64x128xf32, #tpu.memory_space<hbm>>)
        %add3A_837 = arith.constant 9 : i32
        %add3A_838 = arith.addi %add3A_563, %add3A_837 : i32
        %mul3A_839 = arith.constant 1 : i32
        %mul3A_840 = arith.muli %add3A_838, %mul3A_839 : i32
        %add3A_841 = arith.constant 0 : i32
        %add3A_842 = arith.addi %mul3A_840, %add3A_841 : i32
        %dma_start3A_843 = arith.constant 4 : i32
        %dma_start3A_844 = arith.constant 4 : i32
        %dma_start3A_845 = arith.constant 0 : i32
        %dma_start3A_846 = arith.constant 0 : i32
        %dma_start3A_847 = tpu.memref_slice %arg6[%dma_start3A_843, %dma_start3A_845, %dma_start3A_846] : memref<10x64x128xf32, #tpu.memory_space<vmem>> -> memref<1x64x128xf32, #tpu.memory_space<vmem>>
        %dma_start3A_848 = tpu.memref_squeeze %dma_start3A_847 : memref<1x64x128xf32, #tpu.memory_space<vmem>> -> memref<64x128xf32, #tpu.memory_space<vmem>>
        %dma_start3A_849 = arith.constant 0 : i32
        %dma_start3A_850 = tpu.memref_slice %arg5[%add3A_842, %dma_start3A_849] : memref<100x64xi32, #tpu.memory_space<vmem>> -> memref<1x64xi32, #tpu.memory_space<vmem>>
        %dma_start3A_851 = tpu.memref_squeeze %dma_start3A_850 : memref<1x64xi32, #tpu.memory_space<vmem>> -> memref<64xi32, #tpu.memory_space<vmem>>
        %dma_start3A_852 = arith.constant 0 : i32
        %dma_start3A_853 = arith.constant 0 : i32
        %dma_start3A_854 = tpu.memref_slice %arg3[%dma_start3A_852, %dma_start3A_853] : memref<100000x128xf32, #tpu.memory_space<hbm>> -> memref<100000x128xf32, #tpu.memory_space<hbm>>
        %dma_start3A_855 = tpu.memref_slice %arg7[%dma_start3A_844] : memref<10x!tpu.dma_semaphore, #tpu.memory_space<semaphore_mem>> -> memref<1x!tpu.dma_semaphore, #tpu.memory_space<semaphore_mem>>
        %dma_start3A_856 = tpu.memref_squeeze %dma_start3A_855 : memref<1x!tpu.dma_semaphore, #tpu.memory_space<semaphore_mem>> -> memref<!tpu.dma_semaphore, #tpu.memory_space<semaphore_mem>>
        tpu.enqueue_indirect_dma source(%dma_start3A_854 : memref<100000x128xf32, #tpu.memory_space<hbm>>) target(%dma_start3A_848 : memref<64x128xf32, #tpu.memory_space<vmem>>) offsets(%dma_start3A_851 : memref<64xi32, #tpu.memory_space<vmem>>) semaphore(%dma_start3A_856 : memref<!tpu.dma_semaphore, #tpu.memory_space<semaphore_mem>>)
      } else {
      }
      %mul3A_612 = arith.constant 10 : i32
      %mul3A_613 = arith.muli %scan3A_302, %mul3A_612 : i32
      %add3A_614 = arith.constant 6 : i32
      %add3A_615 = arith.addi %mul3A_613, %add3A_614 : i32
      %mul3A_616 = arith.constant 1 : i32
      %mul3A_617 = arith.muli %add3A_615, %mul3A_616 : i32
      %add3A_618 = arith.constant 0 : i32
      %add3A_619 = arith.addi %mul3A_617, %add3A_618 : i32
      %dma_wait3A_620 = arith.constant 6 : i32
      %dma_wait3A_621 = arith.constant 6 : i32
      %dma_wait3A_622 = arith.constant 0 : i32
      %dma_wait3A_623 = arith.constant 0 : i32
      %dma_wait3A_624 = tpu.memref_slice %arg6[%dma_wait3A_620, %dma_wait3A_622, %dma_wait3A_623] : memref<10x64x128xf32, #tpu.memory_space<vmem>> -> memref<1x64x128xf32, #tpu.memory_space<vmem>>
      %dma_wait3A_625 = tpu.memref_squeeze %dma_wait3A_624 : memref<1x64x128xf32, #tpu.memory_space<vmem>> -> memref<64x128xf32, #tpu.memory_space<vmem>>
      %dma_wait3A_626 = arith.constant 0 : i32
      %dma_wait3A_627 = tpu.memref_slice %arg5[%add3A_619, %dma_wait3A_626] : memref<100x64xi32, #tpu.memory_space<vmem>> -> memref<1x64xi32, #tpu.memory_space<vmem>>
      %dma_wait3A_628 = tpu.memref_squeeze %dma_wait3A_627 : memref<1x64xi32, #tpu.memory_space<vmem>> -> memref<64xi32, #tpu.memory_space<vmem>>
      %dma_wait3A_629 = arith.constant 0 : i32
      %dma_wait3A_630 = arith.constant 0 : i32
      %dma_wait3A_631 = tpu.memref_slice %arg3[%dma_wait3A_629, %dma_wait3A_630] : memref<100000x128xf32, #tpu.memory_space<hbm>> -> memref<100000x128xf32, #tpu.memory_space<hbm>>
      %dma_wait3A_632 = tpu.memref_slice %arg7[%dma_wait3A_621] : memref<10x!tpu.dma_semaphore, #tpu.memory_space<semaphore_mem>> -> memref<1x!tpu.dma_semaphore, #tpu.memory_space<semaphore_mem>>
      %dma_wait3A_633 = tpu.memref_squeeze %dma_wait3A_632 : memref<1x!tpu.dma_semaphore, #tpu.memory_space<semaphore_mem>> -> memref<!tpu.dma_semaphore, #tpu.memory_space<semaphore_mem>>
      tpu.wait_indirect_dma semaphore(%dma_wait3A_633 : memref<!tpu.dma_semaphore, #tpu.memory_space<semaphore_mem>>) src(%dma_wait3A_631 : memref<100000x128xf32, #tpu.memory_space<hbm>>) dst(%dma_wait3A_625 : memref<64x128xf32, #tpu.memory_space<vmem>>)
      %parallel_loop3A_634 = arith.constant 0 : i32
      %parallel_loop3A_635 = arith.constant 64 : i32
      %parallel_loop3A_636 = arith.constant 1 : i32
      %parallel_loop3A_637 = arith.constant 6 : i32
      scf.for %parallel_loop3A_821 = %parallel_loop3A_634 to %parallel_loop3A_635 step %parallel_loop3A_636  : i32 {
        %parallel_loop3A_822 = arith.constant 0 : i32
        %parallel_loop3A_823 = arith.constant 0 : i32
        %parallel_loop3A_824 = tpu.memref_slice %arg6[%parallel_loop3A_637, %parallel_loop3A_822, %parallel_loop3A_823] : memref<10x64x128xf32, #tpu.memory_space<vmem>> -> memref<1x64x128xf32, #tpu.memory_space<vmem>>
        %parallel_loop3A_825 = tpu.memref_squeeze %parallel_loop3A_824 : memref<1x64x128xf32, #tpu.memory_space<vmem>> -> memref<64x128xf32, #tpu.memory_space<vmem>>
        %parallel_loop3A_826 = arith.index_cast %parallel_loop3A_821 : i32 to index
        %parallel_loop3A_827 = arith.constant 0 : index
        %parallel_loop3A_828 = tpu.vector_load %parallel_loop3A_825[%parallel_loop3A_826, %parallel_loop3A_827] {strides = array<i32>} : memref<64x128xf32, #tpu.memory_space<vmem>>, vector<1x16xf32>,
        %parallel_loop3A_829 = vector.shape_cast %parallel_loop3A_828 : vector<1x16xf32> to vector<16xf32>
        %parallel_loop3A_830 = arith.constant 11.3137083 : f32
        %parallel_loop3A_831 = vector.broadcast %parallel_loop3A_830 : f32 to vector<16xf32>
        %parallel_loop3A_832 = arith.mulf %parallel_loop3A_829, %parallel_loop3A_831 : vector<16xf32>
        %parallel_loop3A_833 = arith.constant 0 : i32
        %parallel_loop3A_834 = arith.constant 0 : i32
        %parallel_loop3A_835 = tpu.memref_slice %arg6[%parallel_loop3A_637, %parallel_loop3A_833, %parallel_loop3A_834] : memref<10x64x128xf32, #tpu.memory_space<vmem>> -> memref<1x64x128xf32, #tpu.memory_space<vmem>>
        %parallel_loop3A_836 = tpu.memref_squeeze %parallel_loop3A_835 : memref<1x64x128xf32, #tpu.memory_space<vmem>> -> memref<64x128xf32, #tpu.memory_space<vmem>>
        %parallel_loop3A_837 = arith.index_cast %parallel_loop3A_821 : i32 to index
        %parallel_loop3A_838 = arith.constant 0 : index
        %parallel_loop3A_839 = tpu.vector_load %parallel_loop3A_836[%parallel_loop3A_837, %parallel_loop3A_838] {strides = array<i32>} : memref<64x128xf32, #tpu.memory_space<vmem>>, vector<1x16xf32>,
        %parallel_loop3A_840 = vector.shape_cast %parallel_loop3A_839 : vector<1x16xf32> to vector<16xf32>
        %parallel_loop3A_841 = vector.shape_cast %parallel_loop3A_832 : vector<16xf32> to vector<1x16xf32>
        tpu.vector_store %parallel_loop3A_836[%parallel_loop3A_837, %parallel_loop3A_838], %parallel_loop3A_841 {strides = array<i32>} : memref<64x128xf32, #tpu.memory_space<vmem>>, vector<1x16xf32>,
        %parallel_loop3A_842 = arith.constant 0 : i32
        %parallel_loop3A_843 = arith.constant 0 : i32
        %parallel_loop3A_844 = tpu.memref_slice %arg6[%parallel_loop3A_637, %parallel_loop3A_842, %parallel_loop3A_843] : memref<10x64x128xf32, #tpu.memory_space<vmem>> -> memref<1x64x128xf32, #tpu.memory_space<vmem>>
        %parallel_loop3A_845 = tpu.memref_squeeze %parallel_loop3A_844 : memref<1x64x128xf32, #tpu.memory_space<vmem>> -> memref<64x128xf32, #tpu.memory_space<vmem>>
        %parallel_loop3A_846 = arith.index_cast %parallel_loop3A_821 : i32 to index
        %parallel_loop3A_847 = arith.constant 16 : index
        %parallel_loop3A_848 = tpu.vector_load %parallel_loop3A_845[%parallel_loop3A_846, %parallel_loop3A_847] {strides = array<i32>} : memref<64x128xf32, #tpu.memory_space<vmem>>, vector<1x16xf32>,
        %parallel_loop3A_849 = vector.shape_cast %parallel_loop3A_848 : vector<1x16xf32> to vector<16xf32>
        %parallel_loop3A_850 = arith.constant 11.3137083 : f32
        %parallel_loop3A_851 = vector.broadcast %parallel_loop3A_850 : f32 to vector<16xf32>
        %parallel_loop3A_852 = arith.mulf %parallel_loop3A_849, %parallel_loop3A_851 : vector<16xf32>
        %parallel_loop3A_853 = arith.constant 0 : i32
        %parallel_loop3A_854 = arith.constant 0 : i32
        %parallel_loop3A_855 = tpu.memref_slice %arg6[%parallel_loop3A_637, %parallel_loop3A_853, %parallel_loop3A_854] : memref<10x64x128xf32, #tpu.memory_space<vmem>> -> memref<1x64x128xf32, #tpu.memory_space<vmem>>
        %parallel_loop3A_856 = tpu.memref_squeeze %parallel_loop3A_855 : memref<1x64x128xf32, #tpu.memory_space<vmem>> -> memref<64x128xf32, #tpu.memory_space<vmem>>
        %parallel_loop3A_857 = arith.index_cast %parallel_loop3A_821 : i32 to index
        %parallel_loop3A_858 = arith.constant 16 : index
        %parallel_loop3A_859 = tpu.vector_load %parallel_loop3A_856[%parallel_loop3A_857, %parallel_loop3A_858] {strides = array<i32>} : memref<64x128xf32, #tpu.memory_space<vmem>>, vector<1x16xf32>,
        %parallel_loop3A_860 = vector.shape_cast %parallel_loop3A_859 : vector<1x16xf32> to vector<16xf32>
        %parallel_loop3A_861 = vector.shape_cast %parallel_loop3A_852 : vector<16xf32> to vector<1x16xf32>
        tpu.vector_store %parallel_loop3A_856[%parallel_loop3A_857, %parallel_loop3A_858], %parallel_loop3A_861 {strides = array<i32>} : memref<64x128xf32, #tpu.memory_space<vmem>>, vector<1x16xf32>,
        %parallel_loop3A_862 = arith.constant 0 : i32
        %parallel_loop3A_863 = arith.constant 0 : i32
        %parallel_loop3A_864 = tpu.memref_slice %arg6[%parallel_loop3A_637, %parallel_loop3A_862, %parallel_loop3A_863] : memref<10x64x128xf32, #tpu.memory_space<vmem>> -> memref<1x64x128xf32, #tpu.memory_space<vmem>>
        %parallel_loop3A_865 = tpu.memref_squeeze %parallel_loop3A_864 : memref<1x64x128xf32, #tpu.memory_space<vmem>> -> memref<64x128xf32, #tpu.memory_space<vmem>>
        %parallel_loop3A_866 = arith.index_cast %parallel_loop3A_821 : i32 to index
        %parallel_loop3A_867 = arith.constant 32 : index
        %parallel_loop3A_868 = tpu.vector_load %parallel_loop3A_865[%parallel_loop3A_866, %parallel_loop3A_867] {strides = array<i32>} : memref<64x128xf32, #tpu.memory_space<vmem>>, vector<1x16xf32>,
        %parallel_loop3A_869 = vector.shape_cast %parallel_loop3A_868 : vector<1x16xf32> to vector<16xf32>
        %parallel_loop3A_870 = arith.constant 11.3137083 : f32
        %parallel_loop3A_871 = vector.broadcast %parallel_loop3A_870 : f32 to vector<16xf32>
        %parallel_loop3A_872 = arith.mulf %parallel_loop3A_869, %parallel_loop3A_871 : vector<16xf32>
        %parallel_loop3A_873 = arith.constant 0 : i32
        %parallel_loop3A_874 = arith.constant 0 : i32
        %parallel_loop3A_875 = tpu.memref_slice %arg6[%parallel_loop3A_637, %parallel_loop3A_873, %parallel_loop3A_874] : memref<10x64x128xf32, #tpu.memory_space<vmem>> -> memref<1x64x128xf32, #tpu.memory_space<vmem>>
        %parallel_loop3A_876 = tpu.memref_squeeze %parallel_loop3A_875 : memref<1x64x128xf32, #tpu.memory_space<vmem>> -> memref<64x128xf32, #tpu.memory_space<vmem>>
        %parallel_loop3A_877 = arith.index_cast %parallel_loop3A_821 : i32 to index
        %parallel_loop3A_878 = arith.constant 32 : index
        %parallel_loop3A_879 = tpu.vector_load %parallel_loop3A_876[%parallel_loop3A_877, %parallel_loop3A_878] {strides = array<i32>} : memref<64x128xf32, #tpu.memory_space<vmem>>, vector<1x16xf32>,
        %parallel_loop3A_880 = vector.shape_cast %parallel_loop3A_879 : vector<1x16xf32> to vector<16xf32>
        %parallel_loop3A_881 = vector.shape_cast %parallel_loop3A_872 : vector<16xf32> to vector<1x16xf32>
        tpu.vector_store %parallel_loop3A_876[%parallel_loop3A_877, %parallel_loop3A_878], %parallel_loop3A_881 {strides = array<i32>} : memref<64x128xf32, #tpu.memory_space<vmem>>, vector<1x16xf32>,
        %parallel_loop3A_882 = arith.constant 0 : i32
        %parallel_loop3A_883 = arith.constant 0 : i32
        %parallel_loop3A_884 = tpu.memref_slice %arg6[%parallel_loop3A_637, %parallel_loop3A_882, %parallel_loop3A_883] : memref<10x64x128xf32, #tpu.memory_space<vmem>> -> memref<1x64x128xf32, #tpu.memory_space<vmem>>
        %parallel_loop3A_885 = tpu.memref_squeeze %parallel_loop3A_884 : memref<1x64x128xf32, #tpu.memory_space<vmem>> -> memref<64x128xf32, #tpu.memory_space<vmem>>
        %parallel_loop3A_886 = arith.index_cast %parallel_loop3A_821 : i32 to index
        %parallel_loop3A_887 = arith.constant 48 : index
        %parallel_loop3A_888 = tpu.vector_load %parallel_loop3A_885[%parallel_loop3A_886, %parallel_loop3A_887] {strides = array<i32>} : memref<64x128xf32, #tpu.memory_space<vmem>>, vector<1x16xf32>,
        %parallel_loop3A_889 = vector.shape_cast %parallel_loop3A_888 : vector<1x16xf32> to vector<16xf32>
        %parallel_loop3A_890 = arith.constant 11.3137083 : f32
        %parallel_loop3A_891 = vector.broadcast %parallel_loop3A_890 : f32 to vector<16xf32>
        %parallel_loop3A_892 = arith.mulf %parallel_loop3A_889, %parallel_loop3A_891 : vector<16xf32>
        %parallel_loop3A_893 = arith.constant 0 : i32
        %parallel_loop3A_894 = arith.constant 0 : i32
        %parallel_loop3A_895 = tpu.memref_slice %arg6[%parallel_loop3A_637, %parallel_loop3A_893, %parallel_loop3A_894] : memref<10x64x128xf32, #tpu.memory_space<vmem>> -> memref<1x64x128xf32, #tpu.memory_space<vmem>>
        %parallel_loop3A_896 = tpu.memref_squeeze %parallel_loop3A_895 : memref<1x64x128xf32, #tpu.memory_space<vmem>> -> memref<64x128xf32, #tpu.memory_space<vmem>>
        %parallel_loop3A_897 = arith.index_cast %parallel_loop3A_821 : i32 to index
        %parallel_loop3A_898 = arith.constant 48 : index
        %parallel_loop3A_899 = tpu.vector_load %parallel_loop3A_896[%parallel_loop3A_897, %parallel_loop3A_898] {strides = array<i32>} : memref<64x128xf32, #tpu.memory_space<vmem>>, vector<1x16xf32>,
        %parallel_loop3A_900 = vector.shape_cast %parallel_loop3A_899 : vector<1x16xf32> to vector<16xf32>
        %parallel_loop3A_901 = vector.shape_cast %parallel_loop3A_892 : vector<16xf32> to vector<1x16xf32>
        tpu.vector_store %parallel_loop3A_896[%parallel_loop3A_897, %parallel_loop3A_898], %parallel_loop3A_901 {strides = array<i32>} : memref<64x128xf32, #tpu.memory_space<vmem>>, vector<1x16xf32>,
        %parallel_loop3A_902 = arith.constant 0 : i32
        %parallel_loop3A_903 = arith.constant 0 : i32
        %parallel_loop3A_904 = tpu.memref_slice %arg6[%parallel_loop3A_637, %parallel_loop3A_902, %parallel_loop3A_903] : memref<10x64x128xf32, #tpu.memory_space<vmem>> -> memref<1x64x128xf32, #tpu.memory_space<vmem>>
        %parallel_loop3A_905 = tpu.memref_squeeze %parallel_loop3A_904 : memref<1x64x128xf32, #tpu.memory_space<vmem>> -> memref<64x128xf32, #tpu.memory_space<vmem>>
        %parallel_loop3A_906 = arith.index_cast %parallel_loop3A_821 : i32 to index
        %parallel_loop3A_907 = arith.constant 64 : index
        %parallel_loop3A_908 = tpu.vector_load %parallel_loop3A_905[%parallel_loop3A_906, %parallel_loop3A_907] {strides = array<i32>} : memref<64x128xf32, #tpu.memory_space<vmem>>, vector<1x16xf32>,
        %parallel_loop3A_909 = vector.shape_cast %parallel_loop3A_908 : vector<1x16xf32> to vector<16xf32>
        %parallel_loop3A_910 = arith.constant 11.3137083 : f32
        %parallel_loop3A_911 = vector.broadcast %parallel_loop3A_910 : f32 to vector<16xf32>
        %parallel_loop3A_912 = arith.mulf %parallel_loop3A_909, %parallel_loop3A_911 : vector<16xf32>
        %parallel_loop3A_913 = arith.constant 0 : i32
        %parallel_loop3A_914 = arith.constant 0 : i32
        %parallel_loop3A_915 = tpu.memref_slice %arg6[%parallel_loop3A_637, %parallel_loop3A_913, %parallel_loop3A_914] : memref<10x64x128xf32, #tpu.memory_space<vmem>> -> memref<1x64x128xf32, #tpu.memory_space<vmem>>
        %parallel_loop3A_916 = tpu.memref_squeeze %parallel_loop3A_915 : memref<1x64x128xf32, #tpu.memory_space<vmem>> -> memref<64x128xf32, #tpu.memory_space<vmem>>
        %parallel_loop3A_917 = arith.index_cast %parallel_loop3A_821 : i32 to index
        %parallel_loop3A_918 = arith.constant 64 : index
        %parallel_loop3A_919 = tpu.vector_load %parallel_loop3A_916[%parallel_loop3A_917, %parallel_loop3A_918] {strides = array<i32>} : memref<64x128xf32, #tpu.memory_space<vmem>>, vector<1x16xf32>,
        %parallel_loop3A_920 = vector.shape_cast %parallel_loop3A_919 : vector<1x16xf32> to vector<16xf32>
        %parallel_loop3A_921 = vector.shape_cast %parallel_loop3A_912 : vector<16xf32> to vector<1x16xf32>
        tpu.vector_store %parallel_loop3A_916[%parallel_loop3A_917, %parallel_loop3A_918], %parallel_loop3A_921 {strides = array<i32>} : memref<64x128xf32, #tpu.memory_space<vmem>>, vector<1x16xf32>,
        %parallel_loop3A_922 = arith.constant 0 : i32
        %parallel_loop3A_923 = arith.constant 0 : i32
        %parallel_loop3A_924 = tpu.memref_slice %arg6[%parallel_loop3A_637, %parallel_loop3A_922, %parallel_loop3A_923] : memref<10x64x128xf32, #tpu.memory_space<vmem>> -> memref<1x64x128xf32, #tpu.memory_space<vmem>>
        %parallel_loop3A_925 = tpu.memref_squeeze %parallel_loop3A_924 : memref<1x64x128xf32, #tpu.memory_space<vmem>> -> memref<64x128xf32, #tpu.memory_space<vmem>>
        %parallel_loop3A_926 = arith.index_cast %parallel_loop3A_821 : i32 to index
        %parallel_loop3A_927 = arith.constant 80 : index
        %parallel_loop3A_928 = tpu.vector_load %parallel_loop3A_925[%parallel_loop3A_926, %parallel_loop3A_927] {strides = array<i32>} : memref<64x128xf32, #tpu.memory_space<vmem>>, vector<1x16xf32>,
        %parallel_loop3A_929 = vector.shape_cast %parallel_loop3A_928 : vector<1x16xf32> to vector<16xf32>
        %parallel_loop3A_930 = arith.constant 11.3137083 : f32
        %parallel_loop3A_931 = vector.broadcast %parallel_loop3A_930 : f32 to vector<16xf32>
        %parallel_loop3A_932 = arith.mulf %parallel_loop3A_929, %parallel_loop3A_931 : vector<16xf32>
        %parallel_loop3A_933 = arith.constant 0 : i32
        %parallel_loop3A_934 = arith.constant 0 : i32
        %parallel_loop3A_935 = tpu.memref_slice %arg6[%parallel_loop3A_637, %parallel_loop3A_933, %parallel_loop3A_934] : memref<10x64x128xf32, #tpu.memory_space<vmem>> -> memref<1x64x128xf32, #tpu.memory_space<vmem>>
        %parallel_loop3A_936 = tpu.memref_squeeze %parallel_loop3A_935 : memref<1x64x128xf32, #tpu.memory_space<vmem>> -> memref<64x128xf32, #tpu.memory_space<vmem>>
        %parallel_loop3A_937 = arith.index_cast %parallel_loop3A_821 : i32 to index
        %parallel_loop3A_938 = arith.constant 80 : index
        %parallel_loop3A_939 = tpu.vector_load %parallel_loop3A_936[%parallel_loop3A_937, %parallel_loop3A_938] {strides = array<i32>} : memref<64x128xf32, #tpu.memory_space<vmem>>, vector<1x16xf32>,
        %parallel_loop3A_940 = vector.shape_cast %parallel_loop3A_939 : vector<1x16xf32> to vector<16xf32>
        %parallel_loop3A_941 = vector.shape_cast %parallel_loop3A_932 : vector<16xf32> to vector<1x16xf32>
        tpu.vector_store %parallel_loop3A_936[%parallel_loop3A_937, %parallel_loop3A_938], %parallel_loop3A_941 {strides = array<i32>} : memref<64x128xf32, #tpu.memory_space<vmem>>, vector<1x16xf32>,
        %parallel_loop3A_942 = arith.constant 0 : i32
        %parallel_loop3A_943 = arith.constant 0 : i32
        %parallel_loop3A_944 = tpu.memref_slice %arg6[%parallel_loop3A_637, %parallel_loop3A_942, %parallel_loop3A_943] : memref<10x64x128xf32, #tpu.memory_space<vmem>> -> memref<1x64x128xf32, #tpu.memory_space<vmem>>
        %parallel_loop3A_945 = tpu.memref_squeeze %parallel_loop3A_944 : memref<1x64x128xf32, #tpu.memory_space<vmem>> -> memref<64x128xf32, #tpu.memory_space<vmem>>
        %parallel_loop3A_946 = arith.index_cast %parallel_loop3A_821 : i32 to index
        %parallel_loop3A_947 = arith.constant 96 : index
        %parallel_loop3A_948 = tpu.vector_load %parallel_loop3A_945[%parallel_loop3A_946, %parallel_loop3A_947] {strides = array<i32>} : memref<64x128xf32, #tpu.memory_space<vmem>>, vector<1x16xf32>,
        %parallel_loop3A_949 = vector.shape_cast %parallel_loop3A_948 : vector<1x16xf32> to vector<16xf32>
        %parallel_loop3A_950 = arith.constant 11.3137083 : f32
        %parallel_loop3A_951 = vector.broadcast %parallel_loop3A_950 : f32 to vector<16xf32>
        %parallel_loop3A_952 = arith.mulf %parallel_loop3A_949, %parallel_loop3A_951 : vector<16xf32>
        %parallel_loop3A_953 = arith.constant 0 : i32
        %parallel_loop3A_954 = arith.constant 0 : i32
        %parallel_loop3A_955 = tpu.memref_slice %arg6[%parallel_loop3A_637, %parallel_loop3A_953, %parallel_loop3A_954] : memref<10x64x128xf32, #tpu.memory_space<vmem>> -> memref<1x64x128xf32, #tpu.memory_space<vmem>>
        %parallel_loop3A_956 = tpu.memref_squeeze %parallel_loop3A_955 : memref<1x64x128xf32, #tpu.memory_space<vmem>> -> memref<64x128xf32, #tpu.memory_space<vmem>>
        %parallel_loop3A_957 = arith.index_cast %parallel_loop3A_821 : i32 to index
        %parallel_loop3A_958 = arith.constant 96 : index
        %parallel_loop3A_959 = tpu.vector_load %parallel_loop3A_956[%parallel_loop3A_957, %parallel_loop3A_958] {strides = array<i32>} : memref<64x128xf32, #tpu.memory_space<vmem>>, vector<1x16xf32>,
        %parallel_loop3A_960 = vector.shape_cast %parallel_loop3A_959 : vector<1x16xf32> to vector<16xf32>
        %parallel_loop3A_961 = vector.shape_cast %parallel_loop3A_952 : vector<16xf32> to vector<1x16xf32>
        tpu.vector_store %parallel_loop3A_956[%parallel_loop3A_957, %parallel_loop3A_958], %parallel_loop3A_961 {strides = array<i32>} : memref<64x128xf32, #tpu.memory_space<vmem>>, vector<1x16xf32>,
        %parallel_loop3A_962 = arith.constant 0 : i32
        %parallel_loop3A_963 = arith.constant 0 : i32
        %parallel_loop3A_964 = tpu.memref_slice %arg6[%parallel_loop3A_637, %parallel_loop3A_962, %parallel_loop3A_963] : memref<10x64x128xf32, #tpu.memory_space<vmem>> -> memref<1x64x128xf32, #tpu.memory_space<vmem>>
        %parallel_loop3A_965 = tpu.memref_squeeze %parallel_loop3A_964 : memref<1x64x128xf32, #tpu.memory_space<vmem>> -> memref<64x128xf32, #tpu.memory_space<vmem>>
        %parallel_loop3A_966 = arith.index_cast %parallel_loop3A_821 : i32 to index
        %parallel_loop3A_967 = arith.constant 112 : index
        %parallel_loop3A_968 = tpu.vector_load %parallel_loop3A_965[%parallel_loop3A_966, %parallel_loop3A_967] {strides = array<i32>} : memref<64x128xf32, #tpu.memory_space<vmem>>, vector<1x16xf32>,
        %parallel_loop3A_969 = vector.shape_cast %parallel_loop3A_968 : vector<1x16xf32> to vector<16xf32>
        %parallel_loop3A_970 = arith.constant 11.3137083 : f32
        %parallel_loop3A_971 = vector.broadcast %parallel_loop3A_970 : f32 to vector<16xf32>
        %parallel_loop3A_972 = arith.mulf %parallel_loop3A_969, %parallel_loop3A_971 : vector<16xf32>
        %parallel_loop3A_973 = arith.constant 0 : i32
        %parallel_loop3A_974 = arith.constant 0 : i32
        %parallel_loop3A_975 = tpu.memref_slice %arg6[%parallel_loop3A_637, %parallel_loop3A_973, %parallel_loop3A_974] : memref<10x64x128xf32, #tpu.memory_space<vmem>> -> memref<1x64x128xf32, #tpu.memory_space<vmem>>
        %parallel_loop3A_976 = tpu.memref_squeeze %parallel_loop3A_975 : memref<1x64x128xf32, #tpu.memory_space<vmem>> -> memref<64x128xf32, #tpu.memory_space<vmem>>
        %parallel_loop3A_977 = arith.index_cast %parallel_loop3A_821 : i32 to index
        %parallel_loop3A_978 = arith.constant 112 : index
        %parallel_loop3A_979 = tpu.vector_load %parallel_loop3A_976[%parallel_loop3A_977, %parallel_loop3A_978] {strides = array<i32>} : memref<64x128xf32, #tpu.memory_space<vmem>>, vector<1x16xf32>,
        %parallel_loop3A_980 = vector.shape_cast %parallel_loop3A_979 : vector<1x16xf32> to vector<16xf32>
        %parallel_loop3A_981 = vector.shape_cast %parallel_loop3A_972 : vector<16xf32> to vector<1x16xf32>
        tpu.vector_store %parallel_loop3A_976[%parallel_loop3A_977, %parallel_loop3A_978], %parallel_loop3A_981 {strides = array<i32>} : memref<64x128xf32, #tpu.memory_space<vmem>>, vector<1x16xf32>,
      } {sc.loop_unroll_factor = 4 : i64, sc.parallel_access}
      %mul3A_638 = arith.constant 64 : i32
      %mul3A_639 = arith.muli %add3A_615, %mul3A_638 : i32
      %add3A_640 = arith.addi %mul3A_2, %mul3A_639 : i32
      %dma_start3A_641 = arith.constant 6 : i32
      %dma_start3A_642 = arith.constant 6 : i32
      %dma_start3A_643 = arith.constant 0 : i32
      %dma_start3A_644 = arith.constant 0 : i32
      %dma_start3A_645 = tpu.memref_slice %arg6[%dma_start3A_641, %dma_start3A_643, %dma_start3A_644] : memref<10x64x128xf32, #tpu.memory_space<vmem>> -> memref<1x64x128xf32, #tpu.memory_space<vmem>>
      %dma_start3A_646 = tpu.memref_squeeze %dma_start3A_645 : memref<1x64x128xf32, #tpu.memory_space<vmem>> -> memref<64x128xf32, #tpu.memory_space<vmem>>
      %dma_start3A_647 = arith.constant 0 : i32
      %dma_start3A_648 = tpu.memref_slice %arg4[%add3A_640, %dma_start3A_647] : memref<204800x128xf32, #tpu.memory_space<hbm>> -> memref<64x128xf32, #tpu.memory_space<hbm>>
      %dma_start3A_649 = tpu.memref_slice %arg8[%dma_start3A_642] : memref<10x!tpu.dma_semaphore, #tpu.memory_space<semaphore_mem>> -> memref<1x!tpu.dma_semaphore, #tpu.memory_space<semaphore_mem>>
      %dma_start3A_650 = tpu.memref_squeeze %dma_start3A_649 : memref<1x!tpu.dma_semaphore, #tpu.memory_space<semaphore_mem>> -> memref<!tpu.dma_semaphore, #tpu.memory_space<semaphore_mem>>
      %dma_start3A_651 = arith.constant 0 : i32
      %dma_start3A_652 = tpu.memref_slice %arg4[%add3A_640, %dma_start3A_651] : memref<204800x128xf32, #tpu.memory_space<hbm>> -> memref<64x128xf32, #tpu.memory_space<hbm>>
      %dma_start3A_653 = arith.constant 0 : i32
      %dma_start3A_654 = arith.constant 0 : i32
      %dma_start3A_655 = tpu.memref_slice %arg6[%dma_start3A_641, %dma_start3A_653, %dma_start3A_654] : memref<10x64x128xf32, #tpu.memory_space<vmem>> -> memref<1x64x128xf32, #tpu.memory_space<vmem>>
      %dma_start3A_656 = tpu.memref_squeeze %dma_start3A_655 : memref<1x64x128xf32, #tpu.memory_space<vmem>> -> memref<64x128xf32, #tpu.memory_space<vmem>>
      tpu.enqueue_dma source(%dma_start3A_656 : memref<64x128xf32, #tpu.memory_space<vmem>>) target(%dma_start3A_652 : memref<64x128xf32, #tpu.memory_space<hbm>>) target_semaphore(%dma_start3A_650 : memref<!tpu.dma_semaphore, #tpu.memory_space<semaphore_mem>>)
      %add3A_657 = arith.constant 9 : i32
      %add3A_658 = arith.addi %add3A_615, %add3A_657 : i32
      %lt3A_659 = arith.constant 100 : i32
      %lt3A_660 = arith.cmpi slt, %add3A_658, %lt3A_659 : i32
      %convert_element_type3A_661 = arith.extui %lt3A_660 : i1 to i32
      %cond3A_662 = arith.constant 0 : i32
      %cond3A_663 = arith.cmpi ne, %convert_element_type3A_661, %cond3A_662 : i32
      scf.if %cond3A_663 {
        %dma_wait3A_821 = arith.constant 5 : i32
        %dma_wait3A_822 = arith.constant 5 : i32
        %dma_wait3A_823 = arith.constant 0 : i32
        %dma_wait3A_824 = arith.constant 0 : i32
        %dma_wait3A_825 = tpu.memref_slice %arg6[%dma_wait3A_821, %dma_wait3A_823, %dma_wait3A_824] : memref<10x64x128xf32, #tpu.memory_space<vmem>> -> memref<1x64x128xf32, #tpu.memory_space<vmem>>
        %dma_wait3A_826 = tpu.memref_squeeze %dma_wait3A_825 : memref<1x64x128xf32, #tpu.memory_space<vmem>> -> memref<64x128xf32, #tpu.memory_space<vmem>>
        %dma_wait3A_827 = arith.constant 0 : i32
        %dma_wait3A_828 = tpu.memref_slice %arg4[%mul3A_2, %dma_wait3A_827] : memref<204800x128xf32, #tpu.memory_space<hbm>> -> memref<64x128xf32, #tpu.memory_space<hbm>>
        %dma_wait3A_829 = tpu.memref_slice %arg8[%dma_wait3A_822] : memref<10x!tpu.dma_semaphore, #tpu.memory_space<semaphore_mem>> -> memref<1x!tpu.dma_semaphore, #tpu.memory_space<semaphore_mem>>
        %dma_wait3A_830 = tpu.memref_squeeze %dma_wait3A_829 : memref<1x!tpu.dma_semaphore, #tpu.memory_space<semaphore_mem>> -> memref<!tpu.dma_semaphore, #tpu.memory_space<semaphore_mem>>
        %dma_wait3A_831 = arith.constant 0 : i32
        %dma_wait3A_832 = tpu.memref_slice %arg4[%mul3A_2, %dma_wait3A_831] : memref<204800x128xf32, #tpu.memory_space<hbm>> -> memref<64x128xf32, #tpu.memory_space<hbm>>
        %dma_wait3A_833 = arith.constant 0 : i32
        %dma_wait3A_834 = arith.constant 0 : i32
        %dma_wait3A_835 = tpu.memref_slice %arg6[%dma_wait3A_821, %dma_wait3A_833, %dma_wait3A_834] : memref<10x64x128xf32, #tpu.memory_space<vmem>> -> memref<1x64x128xf32, #tpu.memory_space<vmem>>
        %dma_wait3A_836 = tpu.memref_squeeze %dma_wait3A_835 : memref<1x64x128xf32, #tpu.memory_space<vmem>> -> memref<64x128xf32, #tpu.memory_space<vmem>>
        tpu.wait_dma2 semaphore(%dma_wait3A_830 : memref<!tpu.dma_semaphore, #tpu.memory_space<semaphore_mem>>) src(%dma_wait3A_836 : memref<64x128xf32, #tpu.memory_space<vmem>>) dst(%dma_wait3A_832 : memref<64x128xf32, #tpu.memory_space<hbm>>)
        %add3A_837 = arith.constant 9 : i32
        %add3A_838 = arith.addi %add3A_615, %add3A_837 : i32
        %mul3A_839 = arith.constant 1 : i32
        %mul3A_840 = arith.muli %add3A_838, %mul3A_839 : i32
        %add3A_841 = arith.constant 0 : i32
        %add3A_842 = arith.addi %mul3A_840, %add3A_841 : i32
        %dma_start3A_843 = arith.constant 5 : i32
        %dma_start3A_844 = arith.constant 5 : i32
        %dma_start3A_845 = arith.constant 0 : i32
        %dma_start3A_846 = arith.constant 0 : i32
        %dma_start3A_847 = tpu.memref_slice %arg6[%dma_start3A_843, %dma_start3A_845, %dma_start3A_846] : memref<10x64x128xf32, #tpu.memory_space<vmem>> -> memref<1x64x128xf32, #tpu.memory_space<vmem>>
        %dma_start3A_848 = tpu.memref_squeeze %dma_start3A_847 : memref<1x64x128xf32, #tpu.memory_space<vmem>> -> memref<64x128xf32, #tpu.memory_space<vmem>>
        %dma_start3A_849 = arith.constant 0 : i32
        %dma_start3A_850 = tpu.memref_slice %arg5[%add3A_842, %dma_start3A_849] : memref<100x64xi32, #tpu.memory_space<vmem>> -> memref<1x64xi32, #tpu.memory_space<vmem>>
        %dma_start3A_851 = tpu.memref_squeeze %dma_start3A_850 : memref<1x64xi32, #tpu.memory_space<vmem>> -> memref<64xi32, #tpu.memory_space<vmem>>
        %dma_start3A_852 = arith.constant 0 : i32
        %dma_start3A_853 = arith.constant 0 : i32
        %dma_start3A_854 = tpu.memref_slice %arg3[%dma_start3A_852, %dma_start3A_853] : memref<100000x128xf32, #tpu.memory_space<hbm>> -> memref<100000x128xf32, #tpu.memory_space<hbm>>
        %dma_start3A_855 = tpu.memref_slice %arg7[%dma_start3A_844] : memref<10x!tpu.dma_semaphore, #tpu.memory_space<semaphore_mem>> -> memref<1x!tpu.dma_semaphore, #tpu.memory_space<semaphore_mem>>
        %dma_start3A_856 = tpu.memref_squeeze %dma_start3A_855 : memref<1x!tpu.dma_semaphore, #tpu.memory_space<semaphore_mem>> -> memref<!tpu.dma_semaphore, #tpu.memory_space<semaphore_mem>>
        tpu.enqueue_indirect_dma source(%dma_start3A_854 : memref<100000x128xf32, #tpu.memory_space<hbm>>) target(%dma_start3A_848 : memref<64x128xf32, #tpu.memory_space<vmem>>) offsets(%dma_start3A_851 : memref<64xi32, #tpu.memory_space<vmem>>) semaphore(%dma_start3A_856 : memref<!tpu.dma_semaphore, #tpu.memory_space<semaphore_mem>>)
      } else {
      }
      %mul3A_664 = arith.constant 10 : i32
      %mul3A_665 = arith.muli %scan3A_302, %mul3A_664 : i32
      %add3A_666 = arith.constant 7 : i32
      %add3A_667 = arith.addi %mul3A_665, %add3A_666 : i32
      %mul3A_668 = arith.constant 1 : i32
      %mul3A_669 = arith.muli %add3A_667, %mul3A_668 : i32
      %add3A_670 = arith.constant 0 : i32
      %add3A_671 = arith.addi %mul3A_669, %add3A_670 : i32
      %dma_wait3A_672 = arith.constant 7 : i32
      %dma_wait3A_673 = arith.constant 7 : i32
      %dma_wait3A_674 = arith.constant 0 : i32
      %dma_wait3A_675 = arith.constant 0 : i32
      %dma_wait3A_676 = tpu.memref_slice %arg6[%dma_wait3A_672, %dma_wait3A_674, %dma_wait3A_675] : memref<10x64x128xf32, #tpu.memory_space<vmem>> -> memref<1x64x128xf32, #tpu.memory_space<vmem>>
      %dma_wait3A_677 = tpu.memref_squeeze %dma_wait3A_676 : memref<1x64x128xf32, #tpu.memory_space<vmem>> -> memref<64x128xf32, #tpu.memory_space<vmem>>
      %dma_wait3A_678 = arith.constant 0 : i32
      %dma_wait3A_679 = tpu.memref_slice %arg5[%add3A_671, %dma_wait3A_678] : memref<100x64xi32, #tpu.memory_space<vmem>> -> memref<1x64xi32, #tpu.memory_space<vmem>>
      %dma_wait3A_680 = tpu.memref_squeeze %dma_wait3A_679 : memref<1x64xi32, #tpu.memory_space<vmem>> -> memref<64xi32, #tpu.memory_space<vmem>>
      %dma_wait3A_681 = arith.constant 0 : i32
      %dma_wait3A_682 = arith.constant 0 : i32
      %dma_wait3A_683 = tpu.memref_slice %arg3[%dma_wait3A_681, %dma_wait3A_682] : memref<100000x128xf32, #tpu.memory_space<hbm>> -> memref<100000x128xf32, #tpu.memory_space<hbm>>
      %dma_wait3A_684 = tpu.memref_slice %arg7[%dma_wait3A_673] : memref<10x!tpu.dma_semaphore, #tpu.memory_space<semaphore_mem>> -> memref<1x!tpu.dma_semaphore, #tpu.memory_space<semaphore_mem>>
      %dma_wait3A_685 = tpu.memref_squeeze %dma_wait3A_684 : memref<1x!tpu.dma_semaphore, #tpu.memory_space<semaphore_mem>> -> memref<!tpu.dma_semaphore, #tpu.memory_space<semaphore_mem>>
      tpu.wait_indirect_dma semaphore(%dma_wait3A_685 : memref<!tpu.dma_semaphore, #tpu.memory_space<semaphore_mem>>) src(%dma_wait3A_683 : memref<100000x128xf32, #tpu.memory_space<hbm>>) dst(%dma_wait3A_677 : memref<64x128xf32, #tpu.memory_space<vmem>>)
      %parallel_loop3A_686 = arith.constant 0 : i32
      %parallel_loop3A_687 = arith.constant 64 : i32
      %parallel_loop3A_688 = arith.constant 1 : i32
      %parallel_loop3A_689 = arith.constant 7 : i32
      scf.for %parallel_loop3A_821 = %parallel_loop3A_686 to %parallel_loop3A_687 step %parallel_loop3A_688  : i32 {
        %parallel_loop3A_822 = arith.constant 0 : i32
        %parallel_loop3A_823 = arith.constant 0 : i32
        %parallel_loop3A_824 = tpu.memref_slice %arg6[%parallel_loop3A_689, %parallel_loop3A_822, %parallel_loop3A_823] : memref<10x64x128xf32, #tpu.memory_space<vmem>> -> memref<1x64x128xf32, #tpu.memory_space<vmem>>
        %parallel_loop3A_825 = tpu.memref_squeeze %parallel_loop3A_824 : memref<1x64x128xf32, #tpu.memory_space<vmem>> -> memref<64x128xf32, #tpu.memory_space<vmem>>
        %parallel_loop3A_826 = arith.index_cast %parallel_loop3A_821 : i32 to index
        %parallel_loop3A_827 = arith.constant 0 : index
        %parallel_loop3A_828 = tpu.vector_load %parallel_loop3A_825[%parallel_loop3A_826, %parallel_loop3A_827] {strides = array<i32>} : memref<64x128xf32, #tpu.memory_space<vmem>>, vector<1x16xf32>,
        %parallel_loop3A_829 = vector.shape_cast %parallel_loop3A_828 : vector<1x16xf32> to vector<16xf32>
        %parallel_loop3A_830 = arith.constant 11.3137083 : f32
        %parallel_loop3A_831 = vector.broadcast %parallel_loop3A_830 : f32 to vector<16xf32>
        %parallel_loop3A_832 = arith.mulf %parallel_loop3A_829, %parallel_loop3A_831 : vector<16xf32>
        %parallel_loop3A_833 = arith.constant 0 : i32
        %parallel_loop3A_834 = arith.constant 0 : i32
        %parallel_loop3A_835 = tpu.memref_slice %arg6[%parallel_loop3A_689, %parallel_loop3A_833, %parallel_loop3A_834] : memref<10x64x128xf32, #tpu.memory_space<vmem>> -> memref<1x64x128xf32, #tpu.memory_space<vmem>>
        %parallel_loop3A_836 = tpu.memref_squeeze %parallel_loop3A_835 : memref<1x64x128xf32, #tpu.memory_space<vmem>> -> memref<64x128xf32, #tpu.memory_space<vmem>>
        %parallel_loop3A_837 = arith.index_cast %parallel_loop3A_821 : i32 to index
        %parallel_loop3A_838 = arith.constant 0 : index
        %parallel_loop3A_839 = tpu.vector_load %parallel_loop3A_836[%parallel_loop3A_837, %parallel_loop3A_838] {strides = array<i32>} : memref<64x128xf32, #tpu.memory_space<vmem>>, vector<1x16xf32>,
        %parallel_loop3A_840 = vector.shape_cast %parallel_loop3A_839 : vector<1x16xf32> to vector<16xf32>
        %parallel_loop3A_841 = vector.shape_cast %parallel_loop3A_832 : vector<16xf32> to vector<1x16xf32>
        tpu.vector_store %parallel_loop3A_836[%parallel_loop3A_837, %parallel_loop3A_838], %parallel_loop3A_841 {strides = array<i32>} : memref<64x128xf32, #tpu.memory_space<vmem>>, vector<1x16xf32>,
        %parallel_loop3A_842 = arith.constant 0 : i32
        %parallel_loop3A_843 = arith.constant 0 : i32
        %parallel_loop3A_844 = tpu.memref_slice %arg6[%parallel_loop3A_689, %parallel_loop3A_842, %parallel_loop3A_843] : memref<10x64x128xf32, #tpu.memory_space<vmem>> -> memref<1x64x128xf32, #tpu.memory_space<vmem>>
        %parallel_loop3A_845 = tpu.memref_squeeze %parallel_loop3A_844 : memref<1x64x128xf32, #tpu.memory_space<vmem>> -> memref<64x128xf32, #tpu.memory_space<vmem>>
        %parallel_loop3A_846 = arith.index_cast %parallel_loop3A_821 : i32 to index
        %parallel_loop3A_847 = arith.constant 16 : index
        %parallel_loop3A_848 = tpu.vector_load %parallel_loop3A_845[%parallel_loop3A_846, %parallel_loop3A_847] {strides = array<i32>} : memref<64x128xf32, #tpu.memory_space<vmem>>, vector<1x16xf32>,
        %parallel_loop3A_849 = vector.shape_cast %parallel_loop3A_848 : vector<1x16xf32> to vector<16xf32>
        %parallel_loop3A_850 = arith.constant 11.3137083 : f32
        %parallel_loop3A_851 = vector.broadcast %parallel_loop3A_850 : f32 to vector<16xf32>
        %parallel_loop3A_852 = arith.mulf %parallel_loop3A_849, %parallel_loop3A_851 : vector<16xf32>
        %parallel_loop3A_853 = arith.constant 0 : i32
        %parallel_loop3A_854 = arith.constant 0 : i32
        %parallel_loop3A_855 = tpu.memref_slice %arg6[%parallel_loop3A_689, %parallel_loop3A_853, %parallel_loop3A_854] : memref<10x64x128xf32, #tpu.memory_space<vmem>> -> memref<1x64x128xf32, #tpu.memory_space<vmem>>
        %parallel_loop3A_856 = tpu.memref_squeeze %parallel_loop3A_855 : memref<1x64x128xf32, #tpu.memory_space<vmem>> -> memref<64x128xf32, #tpu.memory_space<vmem>>
        %parallel_loop3A_857 = arith.index_cast %parallel_loop3A_821 : i32 to index
        %parallel_loop3A_858 = arith.constant 16 : index
        %parallel_loop3A_859 = tpu.vector_load %parallel_loop3A_856[%parallel_loop3A_857, %parallel_loop3A_858] {strides = array<i32>} : memref<64x128xf32, #tpu.memory_space<vmem>>, vector<1x16xf32>,
        %parallel_loop3A_860 = vector.shape_cast %parallel_loop3A_859 : vector<1x16xf32> to vector<16xf32>
        %parallel_loop3A_861 = vector.shape_cast %parallel_loop3A_852 : vector<16xf32> to vector<1x16xf32>
        tpu.vector_store %parallel_loop3A_856[%parallel_loop3A_857, %parallel_loop3A_858], %parallel_loop3A_861 {strides = array<i32>} : memref<64x128xf32, #tpu.memory_space<vmem>>, vector<1x16xf32>,
        %parallel_loop3A_862 = arith.constant 0 : i32
        %parallel_loop3A_863 = arith.constant 0 : i32
        %parallel_loop3A_864 = tpu.memref_slice %arg6[%parallel_loop3A_689, %parallel_loop3A_862, %parallel_loop3A_863] : memref<10x64x128xf32, #tpu.memory_space<vmem>> -> memref<1x64x128xf32, #tpu.memory_space<vmem>>
        %parallel_loop3A_865 = tpu.memref_squeeze %parallel_loop3A_864 : memref<1x64x128xf32, #tpu.memory_space<vmem>> -> memref<64x128xf32, #tpu.memory_space<vmem>>
        %parallel_loop3A_866 = arith.index_cast %parallel_loop3A_821 : i32 to index
        %parallel_loop3A_867 = arith.constant 32 : index
        %parallel_loop3A_868 = tpu.vector_load %parallel_loop3A_865[%parallel_loop3A_866, %parallel_loop3A_867] {strides = array<i32>} : memref<64x128xf32, #tpu.memory_space<vmem>>, vector<1x16xf32>,
        %parallel_loop3A_869 = vector.shape_cast %parallel_loop3A_868 : vector<1x16xf32> to vector<16xf32>
        %parallel_loop3A_870 = arith.constant 11.3137083 : f32
        %parallel_loop3A_871 = vector.broadcast %parallel_loop3A_870 : f32 to vector<16xf32>
        %parallel_loop3A_872 = arith.mulf %parallel_loop3A_869, %parallel_loop3A_871 : vector<16xf32>
        %parallel_loop3A_873 = arith.constant 0 : i32
        %parallel_loop3A_874 = arith.constant 0 : i32
        %parallel_loop3A_875 = tpu.memref_slice %arg6[%parallel_loop3A_689, %parallel_loop3A_873, %parallel_loop3A_874] : memref<10x64x128xf32, #tpu.memory_space<vmem>> -> memref<1x64x128xf32, #tpu.memory_space<vmem>>
        %parallel_loop3A_876 = tpu.memref_squeeze %parallel_loop3A_875 : memref<1x64x128xf32, #tpu.memory_space<vmem>> -> memref<64x128xf32, #tpu.memory_space<vmem>>
        %parallel_loop3A_877 = arith.index_cast %parallel_loop3A_821 : i32 to index
        %parallel_loop3A_878 = arith.constant 32 : index
        %parallel_loop3A_879 = tpu.vector_load %parallel_loop3A_876[%parallel_loop3A_877, %parallel_loop3A_878] {strides = array<i32>} : memref<64x128xf32, #tpu.memory_space<vmem>>, vector<1x16xf32>,
        %parallel_loop3A_880 = vector.shape_cast %parallel_loop3A_879 : vector<1x16xf32> to vector<16xf32>
        %parallel_loop3A_881 = vector.shape_cast %parallel_loop3A_872 : vector<16xf32> to vector<1x16xf32>
        tpu.vector_store %parallel_loop3A_876[%parallel_loop3A_877, %parallel_loop3A_878], %parallel_loop3A_881 {strides = array<i32>} : memref<64x128xf32, #tpu.memory_space<vmem>>, vector<1x16xf32>,
        %parallel_loop3A_882 = arith.constant 0 : i32
        %parallel_loop3A_883 = arith.constant 0 : i32
        %parallel_loop3A_884 = tpu.memref_slice %arg6[%parallel_loop3A_689, %parallel_loop3A_882, %parallel_loop3A_883] : memref<10x64x128xf32, #tpu.memory_space<vmem>> -> memref<1x64x128xf32, #tpu.memory_space<vmem>>
        %parallel_loop3A_885 = tpu.memref_squeeze %parallel_loop3A_884 : memref<1x64x128xf32, #tpu.memory_space<vmem>> -> memref<64x128xf32, #tpu.memory_space<vmem>>
        %parallel_loop3A_886 = arith.index_cast %parallel_loop3A_821 : i32 to index
        %parallel_loop3A_887 = arith.constant 48 : index
        %parallel_loop3A_888 = tpu.vector_load %parallel_loop3A_885[%parallel_loop3A_886, %parallel_loop3A_887] {strides = array<i32>} : memref<64x128xf32, #tpu.memory_space<vmem>>, vector<1x16xf32>,
        %parallel_loop3A_889 = vector.shape_cast %parallel_loop3A_888 : vector<1x16xf32> to vector<16xf32>
        %parallel_loop3A_890 = arith.constant 11.3137083 : f32
        %parallel_loop3A_891 = vector.broadcast %parallel_loop3A_890 : f32 to vector<16xf32>
        %parallel_loop3A_892 = arith.mulf %parallel_loop3A_889, %parallel_loop3A_891 : vector<16xf32>
        %parallel_loop3A_893 = arith.constant 0 : i32
        %parallel_loop3A_894 = arith.constant 0 : i32
        %parallel_loop3A_895 = tpu.memref_slice %arg6[%parallel_loop3A_689, %parallel_loop3A_893, %parallel_loop3A_894] : memref<10x64x128xf32, #tpu.memory_space<vmem>> -> memref<1x64x128xf32, #tpu.memory_space<vmem>>
        %parallel_loop3A_896 = tpu.memref_squeeze %parallel_loop3A_895 : memref<1x64x128xf32, #tpu.memory_space<vmem>> -> memref<64x128xf32, #tpu.memory_space<vmem>>
        %parallel_loop3A_897 = arith.index_cast %parallel_loop3A_821 : i32 to index
        %parallel_loop3A_898 = arith.constant 48 : index
        %parallel_loop3A_899 = tpu.vector_load %parallel_loop3A_896[%parallel_loop3A_897, %parallel_loop3A_898] {strides = array<i32>} : memref<64x128xf32, #tpu.memory_space<vmem>>, vector<1x16xf32>,
        %parallel_loop3A_900 = vector.shape_cast %parallel_loop3A_899 : vector<1x16xf32> to vector<16xf32>
        %parallel_loop3A_901 = vector.shape_cast %parallel_loop3A_892 : vector<16xf32> to vector<1x16xf32>
        tpu.vector_store %parallel_loop3A_896[%parallel_loop3A_897, %parallel_loop3A_898], %parallel_loop3A_901 {strides = array<i32>} : memref<64x128xf32, #tpu.memory_space<vmem>>, vector<1x16xf32>,
        %parallel_loop3A_902 = arith.constant 0 : i32
        %parallel_loop3A_903 = arith.constant 0 : i32
        %parallel_loop3A_904 = tpu.memref_slice %arg6[%parallel_loop3A_689, %parallel_loop3A_902, %parallel_loop3A_903] : memref<10x64x128xf32, #tpu.memory_space<vmem>> -> memref<1x64x128xf32, #tpu.memory_space<vmem>>
        %parallel_loop3A_905 = tpu.memref_squeeze %parallel_loop3A_904 : memref<1x64x128xf32, #tpu.memory_space<vmem>> -> memref<64x128xf32, #tpu.memory_space<vmem>>
        %parallel_loop3A_906 = arith.index_cast %parallel_loop3A_821 : i32 to index
        %parallel_loop3A_907 = arith.constant 64 : index
        %parallel_loop3A_908 = tpu.vector_load %parallel_loop3A_905[%parallel_loop3A_906, %parallel_loop3A_907] {strides = array<i32>} : memref<64x128xf32, #tpu.memory_space<vmem>>, vector<1x16xf32>,
        %parallel_loop3A_909 = vector.shape_cast %parallel_loop3A_908 : vector<1x16xf32> to vector<16xf32>
        %parallel_loop3A_910 = arith.constant 11.3137083 : f32
        %parallel_loop3A_911 = vector.broadcast %parallel_loop3A_910 : f32 to vector<16xf32>
        %parallel_loop3A_912 = arith.mulf %parallel_loop3A_909, %parallel_loop3A_911 : vector<16xf32>
        %parallel_loop3A_913 = arith.constant 0 : i32
        %parallel_loop3A_914 = arith.constant 0 : i32
        %parallel_loop3A_915 = tpu.memref_slice %arg6[%parallel_loop3A_689, %parallel_loop3A_913, %parallel_loop3A_914] : memref<10x64x128xf32, #tpu.memory_space<vmem>> -> memref<1x64x128xf32, #tpu.memory_space<vmem>>
        %parallel_loop3A_916 = tpu.memref_squeeze %parallel_loop3A_915 : memref<1x64x128xf32, #tpu.memory_space<vmem>> -> memref<64x128xf32, #tpu.memory_space<vmem>>
        %parallel_loop3A_917 = arith.index_cast %parallel_loop3A_821 : i32 to index
        %parallel_loop3A_918 = arith.constant 64 : index
        %parallel_loop3A_919 = tpu.vector_load %parallel_loop3A_916[%parallel_loop3A_917, %parallel_loop3A_918] {strides = array<i32>} : memref<64x128xf32, #tpu.memory_space<vmem>>, vector<1x16xf32>,
        %parallel_loop3A_920 = vector.shape_cast %parallel_loop3A_919 : vector<1x16xf32> to vector<16xf32>
        %parallel_loop3A_921 = vector.shape_cast %parallel_loop3A_912 : vector<16xf32> to vector<1x16xf32>
        tpu.vector_store %parallel_loop3A_916[%parallel_loop3A_917, %parallel_loop3A_918], %parallel_loop3A_921 {strides = array<i32>} : memref<64x128xf32, #tpu.memory_space<vmem>>, vector<1x16xf32>,
        %parallel_loop3A_922 = arith.constant 0 : i32
        %parallel_loop3A_923 = arith.constant 0 : i32
        %parallel_loop3A_924 = tpu.memref_slice %arg6[%parallel_loop3A_689, %parallel_loop3A_922, %parallel_loop3A_923] : memref<10x64x128xf32, #tpu.memory_space<vmem>> -> memref<1x64x128xf32, #tpu.memory_space<vmem>>
        %parallel_loop3A_925 = tpu.memref_squeeze %parallel_loop3A_924 : memref<1x64x128xf32, #tpu.memory_space<vmem>> -> memref<64x128xf32, #tpu.memory_space<vmem>>
        %parallel_loop3A_926 = arith.index_cast %parallel_loop3A_821 : i32 to index
        %parallel_loop3A_927 = arith.constant 80 : index
        %parallel_loop3A_928 = tpu.vector_load %parallel_loop3A_925[%parallel_loop3A_926, %parallel_loop3A_927] {strides = array<i32>} : memref<64x128xf32, #tpu.memory_space<vmem>>, vector<1x16xf32>,
        %parallel_loop3A_929 = vector.shape_cast %parallel_loop3A_928 : vector<1x16xf32> to vector<16xf32>
        %parallel_loop3A_930 = arith.constant 11.3137083 : f32
        %parallel_loop3A_931 = vector.broadcast %parallel_loop3A_930 : f32 to vector<16xf32>
        %parallel_loop3A_932 = arith.mulf %parallel_loop3A_929, %parallel_loop3A_931 : vector<16xf32>
        %parallel_loop3A_933 = arith.constant 0 : i32
        %parallel_loop3A_934 = arith.constant 0 : i32
        %parallel_loop3A_935 = tpu.memref_slice %arg6[%parallel_loop3A_689, %parallel_loop3A_933, %parallel_loop3A_934] : memref<10x64x128xf32, #tpu.memory_space<vmem>> -> memref<1x64x128xf32, #tpu.memory_space<vmem>>
        %parallel_loop3A_936 = tpu.memref_squeeze %parallel_loop3A_935 : memref<1x64x128xf32, #tpu.memory_space<vmem>> -> memref<64x128xf32, #tpu.memory_space<vmem>>
        %parallel_loop3A_937 = arith.index_cast %parallel_loop3A_821 : i32 to index
        %parallel_loop3A_938 = arith.constant 80 : index
        %parallel_loop3A_939 = tpu.vector_load %parallel_loop3A_936[%parallel_loop3A_937, %parallel_loop3A_938] {strides = array<i32>} : memref<64x128xf32, #tpu.memory_space<vmem>>, vector<1x16xf32>,
        %parallel_loop3A_940 = vector.shape_cast %parallel_loop3A_939 : vector<1x16xf32> to vector<16xf32>
        %parallel_loop3A_941 = vector.shape_cast %parallel_loop3A_932 : vector<16xf32> to vector<1x16xf32>
        tpu.vector_store %parallel_loop3A_936[%parallel_loop3A_937, %parallel_loop3A_938], %parallel_loop3A_941 {strides = array<i32>} : memref<64x128xf32, #tpu.memory_space<vmem>>, vector<1x16xf32>,
        %parallel_loop3A_942 = arith.constant 0 : i32
        %parallel_loop3A_943 = arith.constant 0 : i32
        %parallel_loop3A_944 = tpu.memref_slice %arg6[%parallel_loop3A_689, %parallel_loop3A_942, %parallel_loop3A_943] : memref<10x64x128xf32, #tpu.memory_space<vmem>> -> memref<1x64x128xf32, #tpu.memory_space<vmem>>
        %parallel_loop3A_945 = tpu.memref_squeeze %parallel_loop3A_944 : memref<1x64x128xf32, #tpu.memory_space<vmem>> -> memref<64x128xf32, #tpu.memory_space<vmem>>
        %parallel_loop3A_946 = arith.index_cast %parallel_loop3A_821 : i32 to index
        %parallel_loop3A_947 = arith.constant 96 : index
        %parallel_loop3A_948 = tpu.vector_load %parallel_loop3A_945[%parallel_loop3A_946, %parallel_loop3A_947] {strides = array<i32>} : memref<64x128xf32, #tpu.memory_space<vmem>>, vector<1x16xf32>,
        %parallel_loop3A_949 = vector.shape_cast %parallel_loop3A_948 : vector<1x16xf32> to vector<16xf32>
        %parallel_loop3A_950 = arith.constant 11.3137083 : f32
        %parallel_loop3A_951 = vector.broadcast %parallel_loop3A_950 : f32 to vector<16xf32>
        %parallel_loop3A_952 = arith.mulf %parallel_loop3A_949, %parallel_loop3A_951 : vector<16xf32>
        %parallel_loop3A_953 = arith.constant 0 : i32
        %parallel_loop3A_954 = arith.constant 0 : i32
        %parallel_loop3A_955 = tpu.memref_slice %arg6[%parallel_loop3A_689, %parallel_loop3A_953, %parallel_loop3A_954] : memref<10x64x128xf32, #tpu.memory_space<vmem>> -> memref<1x64x128xf32, #tpu.memory_space<vmem>>
        %parallel_loop3A_956 = tpu.memref_squeeze %parallel_loop3A_955 : memref<1x64x128xf32, #tpu.memory_space<vmem>> -> memref<64x128xf32, #tpu.memory_space<vmem>>
        %parallel_loop3A_957 = arith.index_cast %parallel_loop3A_821 : i32 to index
        %parallel_loop3A_958 = arith.constant 96 : index
        %parallel_loop3A_959 = tpu.vector_load %parallel_loop3A_956[%parallel_loop3A_957, %parallel_loop3A_958] {strides = array<i32>} : memref<64x128xf32, #tpu.memory_space<vmem>>, vector<1x16xf32>,
        %parallel_loop3A_960 = vector.shape_cast %parallel_loop3A_959 : vector<1x16xf32> to vector<16xf32>
        %parallel_loop3A_961 = vector.shape_cast %parallel_loop3A_952 : vector<16xf32> to vector<1x16xf32>
        tpu.vector_store %parallel_loop3A_956[%parallel_loop3A_957, %parallel_loop3A_958], %parallel_loop3A_961 {strides = array<i32>} : memref<64x128xf32, #tpu.memory_space<vmem>>, vector<1x16xf32>,
        %parallel_loop3A_962 = arith.constant 0 : i32
        %parallel_loop3A_963 = arith.constant 0 : i32
        %parallel_loop3A_964 = tpu.memref_slice %arg6[%parallel_loop3A_689, %parallel_loop3A_962, %parallel_loop3A_963] : memref<10x64x128xf32, #tpu.memory_space<vmem>> -> memref<1x64x128xf32, #tpu.memory_space<vmem>>
        %parallel_loop3A_965 = tpu.memref_squeeze %parallel_loop3A_964 : memref<1x64x128xf32, #tpu.memory_space<vmem>> -> memref<64x128xf32, #tpu.memory_space<vmem>>
        %parallel_loop3A_966 = arith.index_cast %parallel_loop3A_821 : i32 to index
        %parallel_loop3A_967 = arith.constant 112 : index
        %parallel_loop3A_968 = tpu.vector_load %parallel_loop3A_965[%parallel_loop3A_966, %parallel_loop3A_967] {strides = array<i32>} : memref<64x128xf32, #tpu.memory_space<vmem>>, vector<1x16xf32>,
        %parallel_loop3A_969 = vector.shape_cast %parallel_loop3A_968 : vector<1x16xf32> to vector<16xf32>
        %parallel_loop3A_970 = arith.constant 11.3137083 : f32
        %parallel_loop3A_971 = vector.broadcast %parallel_loop3A_970 : f32 to vector<16xf32>
        %parallel_loop3A_972 = arith.mulf %parallel_loop3A_969, %parallel_loop3A_971 : vector<16xf32>
        %parallel_loop3A_973 = arith.constant 0 : i32
        %parallel_loop3A_974 = arith.constant 0 : i32
        %parallel_loop3A_975 = tpu.memref_slice %arg6[%parallel_loop3A_689, %parallel_loop3A_973, %parallel_loop3A_974] : memref<10x64x128xf32, #tpu.memory_space<vmem>> -> memref<1x64x128xf32, #tpu.memory_space<vmem>>
        %parallel_loop3A_976 = tpu.memref_squeeze %parallel_loop3A_975 : memref<1x64x128xf32, #tpu.memory_space<vmem>> -> memref<64x128xf32, #tpu.memory_space<vmem>>
        %parallel_loop3A_977 = arith.index_cast %parallel_loop3A_821 : i32 to index
        %parallel_loop3A_978 = arith.constant 112 : index
        %parallel_loop3A_979 = tpu.vector_load %parallel_loop3A_976[%parallel_loop3A_977, %parallel_loop3A_978] {strides = array<i32>} : memref<64x128xf32, #tpu.memory_space<vmem>>, vector<1x16xf32>,
        %parallel_loop3A_980 = vector.shape_cast %parallel_loop3A_979 : vector<1x16xf32> to vector<16xf32>
        %parallel_loop3A_981 = vector.shape_cast %parallel_loop3A_972 : vector<16xf32> to vector<1x16xf32>
        tpu.vector_store %parallel_loop3A_976[%parallel_loop3A_977, %parallel_loop3A_978], %parallel_loop3A_981 {strides = array<i32>} : memref<64x128xf32, #tpu.memory_space<vmem>>, vector<1x16xf32>,
      } {sc.loop_unroll_factor = 4 : i64, sc.parallel_access}
      %mul3A_690 = arith.constant 64 : i32
      %mul3A_691 = arith.muli %add3A_667, %mul3A_690 : i32
      %add3A_692 = arith.addi %mul3A_2, %mul3A_691 : i32
      %dma_start3A_693 = arith.constant 7 : i32
      %dma_start3A_694 = arith.constant 7 : i32
      %dma_start3A_695 = arith.constant 0 : i32
      %dma_start3A_696 = arith.constant 0 : i32
      %dma_start3A_697 = tpu.memref_slice %arg6[%dma_start3A_693, %dma_start3A_695, %dma_start3A_696] : memref<10x64x128xf32, #tpu.memory_space<vmem>> -> memref<1x64x128xf32, #tpu.memory_space<vmem>>
      %dma_start3A_698 = tpu.memref_squeeze %dma_start3A_697 : memref<1x64x128xf32, #tpu.memory_space<vmem>> -> memref<64x128xf32, #tpu.memory_space<vmem>>
      %dma_start3A_699 = arith.constant 0 : i32
      %dma_start3A_700 = tpu.memref_slice %arg4[%add3A_692, %dma_start3A_699] : memref<204800x128xf32, #tpu.memory_space<hbm>> -> memref<64x128xf32, #tpu.memory_space<hbm>>
      %dma_start3A_701 = tpu.memref_slice %arg8[%dma_start3A_694] : memref<10x!tpu.dma_semaphore, #tpu.memory_space<semaphore_mem>> -> memref<1x!tpu.dma_semaphore, #tpu.memory_space<semaphore_mem>>
      %dma_start3A_702 = tpu.memref_squeeze %dma_start3A_701 : memref<1x!tpu.dma_semaphore, #tpu.memory_space<semaphore_mem>> -> memref<!tpu.dma_semaphore, #tpu.memory_space<semaphore_mem>>
      %dma_start3A_703 = arith.constant 0 : i32
      %dma_start3A_704 = tpu.memref_slice %arg4[%add3A_692, %dma_start3A_703] : memref<204800x128xf32, #tpu.memory_space<hbm>> -> memref<64x128xf32, #tpu.memory_space<hbm>>
      %dma_start3A_705 = arith.constant 0 : i32
      %dma_start3A_706 = arith.constant 0 : i32
      %dma_start3A_707 = tpu.memref_slice %arg6[%dma_start3A_693, %dma_start3A_705, %dma_start3A_706] : memref<10x64x128xf32, #tpu.memory_space<vmem>> -> memref<1x64x128xf32, #tpu.memory_space<vmem>>
      %dma_start3A_708 = tpu.memref_squeeze %dma_start3A_707 : memref<1x64x128xf32, #tpu.memory_space<vmem>> -> memref<64x128xf32, #tpu.memory_space<vmem>>
      tpu.enqueue_dma source(%dma_start3A_708 : memref<64x128xf32, #tpu.memory_space<vmem>>) target(%dma_start3A_704 : memref<64x128xf32, #tpu.memory_space<hbm>>) target_semaphore(%dma_start3A_702 : memref<!tpu.dma_semaphore, #tpu.memory_space<semaphore_mem>>)
      %add3A_709 = arith.constant 9 : i32
      %add3A_710 = arith.addi %add3A_667, %add3A_709 : i32
      %lt3A_711 = arith.constant 100 : i32
      %lt3A_712 = arith.cmpi slt, %add3A_710, %lt3A_711 : i32
      %convert_element_type3A_713 = arith.extui %lt3A_712 : i1 to i32
      %cond3A_714 = arith.constant 0 : i32
      %cond3A_715 = arith.cmpi ne, %convert_element_type3A_713, %cond3A_714 : i32
      scf.if %cond3A_715 {
        %dma_wait3A_821 = arith.constant 6 : i32
        %dma_wait3A_822 = arith.constant 6 : i32
        %dma_wait3A_823 = arith.constant 0 : i32
        %dma_wait3A_824 = arith.constant 0 : i32
        %dma_wait3A_825 = tpu.memref_slice %arg6[%dma_wait3A_821, %dma_wait3A_823, %dma_wait3A_824] : memref<10x64x128xf32, #tpu.memory_space<vmem>> -> memref<1x64x128xf32, #tpu.memory_space<vmem>>
        %dma_wait3A_826 = tpu.memref_squeeze %dma_wait3A_825 : memref<1x64x128xf32, #tpu.memory_space<vmem>> -> memref<64x128xf32, #tpu.memory_space<vmem>>
        %dma_wait3A_827 = arith.constant 0 : i32
        %dma_wait3A_828 = tpu.memref_slice %arg4[%mul3A_2, %dma_wait3A_827] : memref<204800x128xf32, #tpu.memory_space<hbm>> -> memref<64x128xf32, #tpu.memory_space<hbm>>
        %dma_wait3A_829 = tpu.memref_slice %arg8[%dma_wait3A_822] : memref<10x!tpu.dma_semaphore, #tpu.memory_space<semaphore_mem>> -> memref<1x!tpu.dma_semaphore, #tpu.memory_space<semaphore_mem>>
        %dma_wait3A_830 = tpu.memref_squeeze %dma_wait3A_829 : memref<1x!tpu.dma_semaphore, #tpu.memory_space<semaphore_mem>> -> memref<!tpu.dma_semaphore, #tpu.memory_space<semaphore_mem>>
        %dma_wait3A_831 = arith.constant 0 : i32
        %dma_wait3A_832 = tpu.memref_slice %arg4[%mul3A_2, %dma_wait3A_831] : memref<204800x128xf32, #tpu.memory_space<hbm>> -> memref<64x128xf32, #tpu.memory_space<hbm>>
        %dma_wait3A_833 = arith.constant 0 : i32
        %dma_wait3A_834 = arith.constant 0 : i32
        %dma_wait3A_835 = tpu.memref_slice %arg6[%dma_wait3A_821, %dma_wait3A_833, %dma_wait3A_834] : memref<10x64x128xf32, #tpu.memory_space<vmem>> -> memref<1x64x128xf32, #tpu.memory_space<vmem>>
        %dma_wait3A_836 = tpu.memref_squeeze %dma_wait3A_835 : memref<1x64x128xf32, #tpu.memory_space<vmem>> -> memref<64x128xf32, #tpu.memory_space<vmem>>
        tpu.wait_dma2 semaphore(%dma_wait3A_830 : memref<!tpu.dma_semaphore, #tpu.memory_space<semaphore_mem>>) src(%dma_wait3A_836 : memref<64x128xf32, #tpu.memory_space<vmem>>) dst(%dma_wait3A_832 : memref<64x128xf32, #tpu.memory_space<hbm>>)
        %add3A_837 = arith.constant 9 : i32
        %add3A_838 = arith.addi %add3A_667, %add3A_837 : i32
        %mul3A_839 = arith.constant 1 : i32
        %mul3A_840 = arith.muli %add3A_838, %mul3A_839 : i32
        %add3A_841 = arith.constant 0 : i32
        %add3A_842 = arith.addi %mul3A_840, %add3A_841 : i32
        %dma_start3A_843 = arith.constant 6 : i32
        %dma_start3A_844 = arith.constant 6 : i32
        %dma_start3A_845 = arith.constant 0 : i32
        %dma_start3A_846 = arith.constant 0 : i32
        %dma_start3A_847 = tpu.memref_slice %arg6[%dma_start3A_843, %dma_start3A_845, %dma_start3A_846] : memref<10x64x128xf32, #tpu.memory_space<vmem>> -> memref<1x64x128xf32, #tpu.memory_space<vmem>>
        %dma_start3A_848 = tpu.memref_squeeze %dma_start3A_847 : memref<1x64x128xf32, #tpu.memory_space<vmem>> -> memref<64x128xf32, #tpu.memory_space<vmem>>
        %dma_start3A_849 = arith.constant 0 : i32
        %dma_start3A_850 = tpu.memref_slice %arg5[%add3A_842, %dma_start3A_849] : memref<100x64xi32, #tpu.memory_space<vmem>> -> memref<1x64xi32, #tpu.memory_space<vmem>>
        %dma_start3A_851 = tpu.memref_squeeze %dma_start3A_850 : memref<1x64xi32, #tpu.memory_space<vmem>> -> memref<64xi32, #tpu.memory_space<vmem>>
        %dma_start3A_852 = arith.constant 0 : i32
        %dma_start3A_853 = arith.constant 0 : i32
        %dma_start3A_854 = tpu.memref_slice %arg3[%dma_start3A_852, %dma_start3A_853] : memref<100000x128xf32, #tpu.memory_space<hbm>> -> memref<100000x128xf32, #tpu.memory_space<hbm>>
        %dma_start3A_855 = tpu.memref_slice %arg7[%dma_start3A_844] : memref<10x!tpu.dma_semaphore, #tpu.memory_space<semaphore_mem>> -> memref<1x!tpu.dma_semaphore, #tpu.memory_space<semaphore_mem>>
        %dma_start3A_856 = tpu.memref_squeeze %dma_start3A_855 : memref<1x!tpu.dma_semaphore, #tpu.memory_space<semaphore_mem>> -> memref<!tpu.dma_semaphore, #tpu.memory_space<semaphore_mem>>
        tpu.enqueue_indirect_dma source(%dma_start3A_854 : memref<100000x128xf32, #tpu.memory_space<hbm>>) target(%dma_start3A_848 : memref<64x128xf32, #tpu.memory_space<vmem>>) offsets(%dma_start3A_851 : memref<64xi32, #tpu.memory_space<vmem>>) semaphore(%dma_start3A_856 : memref<!tpu.dma_semaphore, #tpu.memory_space<semaphore_mem>>)
      } else {
      }
      %mul3A_716 = arith.constant 10 : i32
      %mul3A_717 = arith.muli %scan3A_302, %mul3A_716 : i32
      %add3A_718 = arith.constant 8 : i32
      %add3A_719 = arith.addi %mul3A_717, %add3A_718 : i32
      %mul3A_720 = arith.constant 1 : i32
      %mul3A_721 = arith.muli %add3A_719, %mul3A_720 : i32
      %add3A_722 = arith.constant 0 : i32
      %add3A_723 = arith.addi %mul3A_721, %add3A_722 : i32
      %dma_wait3A_724 = arith.constant 8 : i32
      %dma_wait3A_725 = arith.constant 8 : i32
      %dma_wait3A_726 = arith.constant 0 : i32
      %dma_wait3A_727 = arith.constant 0 : i32
      %dma_wait3A_728 = tpu.memref_slice %arg6[%dma_wait3A_724, %dma_wait3A_726, %dma_wait3A_727] : memref<10x64x128xf32, #tpu.memory_space<vmem>> -> memref<1x64x128xf32, #tpu.memory_space<vmem>>
      %dma_wait3A_729 = tpu.memref_squeeze %dma_wait3A_728 : memref<1x64x128xf32, #tpu.memory_space<vmem>> -> memref<64x128xf32, #tpu.memory_space<vmem>>
      %dma_wait3A_730 = arith.constant 0 : i32
      %dma_wait3A_731 = tpu.memref_slice %arg5[%add3A_723, %dma_wait3A_730] : memref<100x64xi32, #tpu.memory_space<vmem>> -> memref<1x64xi32, #tpu.memory_space<vmem>>
      %dma_wait3A_732 = tpu.memref_squeeze %dma_wait3A_731 : memref<1x64xi32, #tpu.memory_space<vmem>> -> memref<64xi32, #tpu.memory_space<vmem>>
      %dma_wait3A_733 = arith.constant 0 : i32
      %dma_wait3A_734 = arith.constant 0 : i32
      %dma_wait3A_735 = tpu.memref_slice %arg3[%dma_wait3A_733, %dma_wait3A_734] : memref<100000x128xf32, #tpu.memory_space<hbm>> -> memref<100000x128xf32, #tpu.memory_space<hbm>>
      %dma_wait3A_736 = tpu.memref_slice %arg7[%dma_wait3A_725] : memref<10x!tpu.dma_semaphore, #tpu.memory_space<semaphore_mem>> -> memref<1x!tpu.dma_semaphore, #tpu.memory_space<semaphore_mem>>
      %dma_wait3A_737 = tpu.memref_squeeze %dma_wait3A_736 : memref<1x!tpu.dma_semaphore, #tpu.memory_space<semaphore_mem>> -> memref<!tpu.dma_semaphore, #tpu.memory_space<semaphore_mem>>
      tpu.wait_indirect_dma semaphore(%dma_wait3A_737 : memref<!tpu.dma_semaphore, #tpu.memory_space<semaphore_mem>>) src(%dma_wait3A_735 : memref<100000x128xf32, #tpu.memory_space<hbm>>) dst(%dma_wait3A_729 : memref<64x128xf32, #tpu.memory_space<vmem>>)
      %parallel_loop3A_738 = arith.constant 0 : i32
      %parallel_loop3A_739 = arith.constant 64 : i32
      %parallel_loop3A_740 = arith.constant 1 : i32
      %parallel_loop3A_741 = arith.constant 8 : i32
      scf.for %parallel_loop3A_821 = %parallel_loop3A_738 to %parallel_loop3A_739 step %parallel_loop3A_740  : i32 {
        %parallel_loop3A_822 = arith.constant 0 : i32
        %parallel_loop3A_823 = arith.constant 0 : i32
        %parallel_loop3A_824 = tpu.memref_slice %arg6[%parallel_loop3A_741, %parallel_loop3A_822, %parallel_loop3A_823] : memref<10x64x128xf32, #tpu.memory_space<vmem>> -> memref<1x64x128xf32, #tpu.memory_space<vmem>>
        %parallel_loop3A_825 = tpu.memref_squeeze %parallel_loop3A_824 : memref<1x64x128xf32, #tpu.memory_space<vmem>> -> memref<64x128xf32, #tpu.memory_space<vmem>>
        %parallel_loop3A_826 = arith.index_cast %parallel_loop3A_821 : i32 to index
        %parallel_loop3A_827 = arith.constant 0 : index
        %parallel_loop3A_828 = tpu.vector_load %parallel_loop3A_825[%parallel_loop3A_826, %parallel_loop3A_827] {strides = array<i32>} : memref<64x128xf32, #tpu.memory_space<vmem>>, vector<1x16xf32>,
        %parallel_loop3A_829 = vector.shape_cast %parallel_loop3A_828 : vector<1x16xf32> to vector<16xf32>
        %parallel_loop3A_830 = arith.constant 11.3137083 : f32
        %parallel_loop3A_831 = vector.broadcast %parallel_loop3A_830 : f32 to vector<16xf32>
        %parallel_loop3A_832 = arith.mulf %parallel_loop3A_829, %parallel_loop3A_831 : vector<16xf32>
        %parallel_loop3A_833 = arith.constant 0 : i32
        %parallel_loop3A_834 = arith.constant 0 : i32
        %parallel_loop3A_835 = tpu.memref_slice %arg6[%parallel_loop3A_741, %parallel_loop3A_833, %parallel_loop3A_834] : memref<10x64x128xf32, #tpu.memory_space<vmem>> -> memref<1x64x128xf32, #tpu.memory_space<vmem>>
        %parallel_loop3A_836 = tpu.memref_squeeze %parallel_loop3A_835 : memref<1x64x128xf32, #tpu.memory_space<vmem>> -> memref<64x128xf32, #tpu.memory_space<vmem>>
        %parallel_loop3A_837 = arith.index_cast %parallel_loop3A_821 : i32 to index
        %parallel_loop3A_838 = arith.constant 0 : index
        %parallel_loop3A_839 = tpu.vector_load %parallel_loop3A_836[%parallel_loop3A_837, %parallel_loop3A_838] {strides = array<i32>} : memref<64x128xf32, #tpu.memory_space<vmem>>, vector<1x16xf32>,
        %parallel_loop3A_840 = vector.shape_cast %parallel_loop3A_839 : vector<1x16xf32> to vector<16xf32>
        %parallel_loop3A_841 = vector.shape_cast %parallel_loop3A_832 : vector<16xf32> to vector<1x16xf32>
        tpu.vector_store %parallel_loop3A_836[%parallel_loop3A_837, %parallel_loop3A_838], %parallel_loop3A_841 {strides = array<i32>} : memref<64x128xf32, #tpu.memory_space<vmem>>, vector<1x16xf32>,
        %parallel_loop3A_842 = arith.constant 0 : i32
        %parallel_loop3A_843 = arith.constant 0 : i32
        %parallel_loop3A_844 = tpu.memref_slice %arg6[%parallel_loop3A_741, %parallel_loop3A_842, %parallel_loop3A_843] : memref<10x64x128xf32, #tpu.memory_space<vmem>> -> memref<1x64x128xf32, #tpu.memory_space<vmem>>
        %parallel_loop3A_845 = tpu.memref_squeeze %parallel_loop3A_844 : memref<1x64x128xf32, #tpu.memory_space<vmem>> -> memref<64x128xf32, #tpu.memory_space<vmem>>
        %parallel_loop3A_846 = arith.index_cast %parallel_loop3A_821 : i32 to index
        %parallel_loop3A_847 = arith.constant 16 : index
        %parallel_loop3A_848 = tpu.vector_load %parallel_loop3A_845[%parallel_loop3A_846, %parallel_loop3A_847] {strides = array<i32>} : memref<64x128xf32, #tpu.memory_space<vmem>>, vector<1x16xf32>,
        %parallel_loop3A_849 = vector.shape_cast %parallel_loop3A_848 : vector<1x16xf32> to vector<16xf32>
        %parallel_loop3A_850 = arith.constant 11.3137083 : f32
        %parallel_loop3A_851 = vector.broadcast %parallel_loop3A_850 : f32 to vector<16xf32>
        %parallel_loop3A_852 = arith.mulf %parallel_loop3A_849, %parallel_loop3A_851 : vector<16xf32>
        %parallel_loop3A_853 = arith.constant 0 : i32
        %parallel_loop3A_854 = arith.constant 0 : i32
        %parallel_loop3A_855 = tpu.memref_slice %arg6[%parallel_loop3A_741, %parallel_loop3A_853, %parallel_loop3A_854] : memref<10x64x128xf32, #tpu.memory_space<vmem>> -> memref<1x64x128xf32, #tpu.memory_space<vmem>>
        %parallel_loop3A_856 = tpu.memref_squeeze %parallel_loop3A_855 : memref<1x64x128xf32, #tpu.memory_space<vmem>> -> memref<64x128xf32, #tpu.memory_space<vmem>>
        %parallel_loop3A_857 = arith.index_cast %parallel_loop3A_821 : i32 to index
        %parallel_loop3A_858 = arith.constant 16 : index
        %parallel_loop3A_859 = tpu.vector_load %parallel_loop3A_856[%parallel_loop3A_857, %parallel_loop3A_858] {strides = array<i32>} : memref<64x128xf32, #tpu.memory_space<vmem>>, vector<1x16xf32>,
        %parallel_loop3A_860 = vector.shape_cast %parallel_loop3A_859 : vector<1x16xf32> to vector<16xf32>
        %parallel_loop3A_861 = vector.shape_cast %parallel_loop3A_852 : vector<16xf32> to vector<1x16xf32>
        tpu.vector_store %parallel_loop3A_856[%parallel_loop3A_857, %parallel_loop3A_858], %parallel_loop3A_861 {strides = array<i32>} : memref<64x128xf32, #tpu.memory_space<vmem>>, vector<1x16xf32>,
        %parallel_loop3A_862 = arith.constant 0 : i32
        %parallel_loop3A_863 = arith.constant 0 : i32
        %parallel_loop3A_864 = tpu.memref_slice %arg6[%parallel_loop3A_741, %parallel_loop3A_862, %parallel_loop3A_863] : memref<10x64x128xf32, #tpu.memory_space<vmem>> -> memref<1x64x128xf32, #tpu.memory_space<vmem>>
        %parallel_loop3A_865 = tpu.memref_squeeze %parallel_loop3A_864 : memref<1x64x128xf32, #tpu.memory_space<vmem>> -> memref<64x128xf32, #tpu.memory_space<vmem>>
        %parallel_loop3A_866 = arith.index_cast %parallel_loop3A_821 : i32 to index
        %parallel_loop3A_867 = arith.constant 32 : index
        %parallel_loop3A_868 = tpu.vector_load %parallel_loop3A_865[%parallel_loop3A_866, %parallel_loop3A_867] {strides = array<i32>} : memref<64x128xf32, #tpu.memory_space<vmem>>, vector<1x16xf32>,
        %parallel_loop3A_869 = vector.shape_cast %parallel_loop3A_868 : vector<1x16xf32> to vector<16xf32>
        %parallel_loop3A_870 = arith.constant 11.3137083 : f32
        %parallel_loop3A_871 = vector.broadcast %parallel_loop3A_870 : f32 to vector<16xf32>
        %parallel_loop3A_872 = arith.mulf %parallel_loop3A_869, %parallel_loop3A_871 : vector<16xf32>
        %parallel_loop3A_873 = arith.constant 0 : i32
        %parallel_loop3A_874 = arith.constant 0 : i32
        %parallel_loop3A_875 = tpu.memref_slice %arg6[%parallel_loop3A_741, %parallel_loop3A_873, %parallel_loop3A_874] : memref<10x64x128xf32, #tpu.memory_space<vmem>> -> memref<1x64x128xf32, #tpu.memory_space<vmem>>
        %parallel_loop3A_876 = tpu.memref_squeeze %parallel_loop3A_875 : memref<1x64x128xf32, #tpu.memory_space<vmem>> -> memref<64x128xf32, #tpu.memory_space<vmem>>
        %parallel_loop3A_877 = arith.index_cast %parallel_loop3A_821 : i32 to index
        %parallel_loop3A_878 = arith.constant 32 : index
        %parallel_loop3A_879 = tpu.vector_load %parallel_loop3A_876[%parallel_loop3A_877, %parallel_loop3A_878] {strides = array<i32>} : memref<64x128xf32, #tpu.memory_space<vmem>>, vector<1x16xf32>,
        %parallel_loop3A_880 = vector.shape_cast %parallel_loop3A_879 : vector<1x16xf32> to vector<16xf32>
        %parallel_loop3A_881 = vector.shape_cast %parallel_loop3A_872 : vector<16xf32> to vector<1x16xf32>
        tpu.vector_store %parallel_loop3A_876[%parallel_loop3A_877, %parallel_loop3A_878], %parallel_loop3A_881 {strides = array<i32>} : memref<64x128xf32, #tpu.memory_space<vmem>>, vector<1x16xf32>,
        %parallel_loop3A_882 = arith.constant 0 : i32
        %parallel_loop3A_883 = arith.constant 0 : i32
        %parallel_loop3A_884 = tpu.memref_slice %arg6[%parallel_loop3A_741, %parallel_loop3A_882, %parallel_loop3A_883] : memref<10x64x128xf32, #tpu.memory_space<vmem>> -> memref<1x64x128xf32, #tpu.memory_space<vmem>>
        %parallel_loop3A_885 = tpu.memref_squeeze %parallel_loop3A_884 : memref<1x64x128xf32, #tpu.memory_space<vmem>> -> memref<64x128xf32, #tpu.memory_space<vmem>>
        %parallel_loop3A_886 = arith.index_cast %parallel_loop3A_821 : i32 to index
        %parallel_loop3A_887 = arith.constant 48 : index
        %parallel_loop3A_888 = tpu.vector_load %parallel_loop3A_885[%parallel_loop3A_886, %parallel_loop3A_887] {strides = array<i32>} : memref<64x128xf32, #tpu.memory_space<vmem>>, vector<1x16xf32>,
        %parallel_loop3A_889 = vector.shape_cast %parallel_loop3A_888 : vector<1x16xf32> to vector<16xf32>
        %parallel_loop3A_890 = arith.constant 11.3137083 : f32
        %parallel_loop3A_891 = vector.broadcast %parallel_loop3A_890 : f32 to vector<16xf32>
        %parallel_loop3A_892 = arith.mulf %parallel_loop3A_889, %parallel_loop3A_891 : vector<16xf32>
        %parallel_loop3A_893 = arith.constant 0 : i32
        %parallel_loop3A_894 = arith.constant 0 : i32
        %parallel_loop3A_895 = tpu.memref_slice %arg6[%parallel_loop3A_741, %parallel_loop3A_893, %parallel_loop3A_894] : memref<10x64x128xf32, #tpu.memory_space<vmem>> -> memref<1x64x128xf32, #tpu.memory_space<vmem>>
        %parallel_loop3A_896 = tpu.memref_squeeze %parallel_loop3A_895 : memref<1x64x128xf32, #tpu.memory_space<vmem>> -> memref<64x128xf32, #tpu.memory_space<vmem>>
        %parallel_loop3A_897 = arith.index_cast %parallel_loop3A_821 : i32 to index
        %parallel_loop3A_898 = arith.constant 48 : index
        %parallel_loop3A_899 = tpu.vector_load %parallel_loop3A_896[%parallel_loop3A_897, %parallel_loop3A_898] {strides = array<i32>} : memref<64x128xf32, #tpu.memory_space<vmem>>, vector<1x16xf32>,
        %parallel_loop3A_900 = vector.shape_cast %parallel_loop3A_899 : vector<1x16xf32> to vector<16xf32>
        %parallel_loop3A_901 = vector.shape_cast %parallel_loop3A_892 : vector<16xf32> to vector<1x16xf32>
        tpu.vector_store %parallel_loop3A_896[%parallel_loop3A_897, %parallel_loop3A_898], %parallel_loop3A_901 {strides = array<i32>} : memref<64x128xf32, #tpu.memory_space<vmem>>, vector<1x16xf32>,
        %parallel_loop3A_902 = arith.constant 0 : i32
        %parallel_loop3A_903 = arith.constant 0 : i32
        %parallel_loop3A_904 = tpu.memref_slice %arg6[%parallel_loop3A_741, %parallel_loop3A_902, %parallel_loop3A_903] : memref<10x64x128xf32, #tpu.memory_space<vmem>> -> memref<1x64x128xf32, #tpu.memory_space<vmem>>
        %parallel_loop3A_905 = tpu.memref_squeeze %parallel_loop3A_904 : memref<1x64x128xf32, #tpu.memory_space<vmem>> -> memref<64x128xf32, #tpu.memory_space<vmem>>
        %parallel_loop3A_906 = arith.index_cast %parallel_loop3A_821 : i32 to index
        %parallel_loop3A_907 = arith.constant 64 : index
        %parallel_loop3A_908 = tpu.vector_load %parallel_loop3A_905[%parallel_loop3A_906, %parallel_loop3A_907] {strides = array<i32>} : memref<64x128xf32, #tpu.memory_space<vmem>>, vector<1x16xf32>,
        %parallel_loop3A_909 = vector.shape_cast %parallel_loop3A_908 : vector<1x16xf32> to vector<16xf32>
        %parallel_loop3A_910 = arith.constant 11.3137083 : f32
        %parallel_loop3A_911 = vector.broadcast %parallel_loop3A_910 : f32 to vector<16xf32>
        %parallel_loop3A_912 = arith.mulf %parallel_loop3A_909, %parallel_loop3A_911 : vector<16xf32>
        %parallel_loop3A_913 = arith.constant 0 : i32
        %parallel_loop3A_914 = arith.constant 0 : i32
        %parallel_loop3A_915 = tpu.memref_slice %arg6[%parallel_loop3A_741, %parallel_loop3A_913, %parallel_loop3A_914] : memref<10x64x128xf32, #tpu.memory_space<vmem>> -> memref<1x64x128xf32, #tpu.memory_space<vmem>>
        %parallel_loop3A_916 = tpu.memref_squeeze %parallel_loop3A_915 : memref<1x64x128xf32, #tpu.memory_space<vmem>> -> memref<64x128xf32, #tpu.memory_space<vmem>>
        %parallel_loop3A_917 = arith.index_cast %parallel_loop3A_821 : i32 to index
        %parallel_loop3A_918 = arith.constant 64 : index
        %parallel_loop3A_919 = tpu.vector_load %parallel_loop3A_916[%parallel_loop3A_917, %parallel_loop3A_918] {strides = array<i32>} : memref<64x128xf32, #tpu.memory_space<vmem>>, vector<1x16xf32>,
        %parallel_loop3A_920 = vector.shape_cast %parallel_loop3A_919 : vector<1x16xf32> to vector<16xf32>
        %parallel_loop3A_921 = vector.shape_cast %parallel_loop3A_912 : vector<16xf32> to vector<1x16xf32>
        tpu.vector_store %parallel_loop3A_916[%parallel_loop3A_917, %parallel_loop3A_918], %parallel_loop3A_921 {strides = array<i32>} : memref<64x128xf32, #tpu.memory_space<vmem>>, vector<1x16xf32>,
        %parallel_loop3A_922 = arith.constant 0 : i32
        %parallel_loop3A_923 = arith.constant 0 : i32
        %parallel_loop3A_924 = tpu.memref_slice %arg6[%parallel_loop3A_741, %parallel_loop3A_922, %parallel_loop3A_923] : memref<10x64x128xf32, #tpu.memory_space<vmem>> -> memref<1x64x128xf32, #tpu.memory_space<vmem>>
        %parallel_loop3A_925 = tpu.memref_squeeze %parallel_loop3A_924 : memref<1x64x128xf32, #tpu.memory_space<vmem>> -> memref<64x128xf32, #tpu.memory_space<vmem>>
        %parallel_loop3A_926 = arith.index_cast %parallel_loop3A_821 : i32 to index
        %parallel_loop3A_927 = arith.constant 80 : index
        %parallel_loop3A_928 = tpu.vector_load %parallel_loop3A_925[%parallel_loop3A_926, %parallel_loop3A_927] {strides = array<i32>} : memref<64x128xf32, #tpu.memory_space<vmem>>, vector<1x16xf32>,
        %parallel_loop3A_929 = vector.shape_cast %parallel_loop3A_928 : vector<1x16xf32> to vector<16xf32>
        %parallel_loop3A_930 = arith.constant 11.3137083 : f32
        %parallel_loop3A_931 = vector.broadcast %parallel_loop3A_930 : f32 to vector<16xf32>
        %parallel_loop3A_932 = arith.mulf %parallel_loop3A_929, %parallel_loop3A_931 : vector<16xf32>
        %parallel_loop3A_933 = arith.constant 0 : i32
        %parallel_loop3A_934 = arith.constant 0 : i32
        %parallel_loop3A_935 = tpu.memref_slice %arg6[%parallel_loop3A_741, %parallel_loop3A_933, %parallel_loop3A_934] : memref<10x64x128xf32, #tpu.memory_space<vmem>> -> memref<1x64x128xf32, #tpu.memory_space<vmem>>
        %parallel_loop3A_936 = tpu.memref_squeeze %parallel_loop3A_935 : memref<1x64x128xf32, #tpu.memory_space<vmem>> -> memref<64x128xf32, #tpu.memory_space<vmem>>
        %parallel_loop3A_937 = arith.index_cast %parallel_loop3A_821 : i32 to index
        %parallel_loop3A_938 = arith.constant 80 : index
        %parallel_loop3A_939 = tpu.vector_load %parallel_loop3A_936[%parallel_loop3A_937, %parallel_loop3A_938] {strides = array<i32>} : memref<64x128xf32, #tpu.memory_space<vmem>>, vector<1x16xf32>,
        %parallel_loop3A_940 = vector.shape_cast %parallel_loop3A_939 : vector<1x16xf32> to vector<16xf32>
        %parallel_loop3A_941 = vector.shape_cast %parallel_loop3A_932 : vector<16xf32> to vector<1x16xf32>
        tpu.vector_store %parallel_loop3A_936[%parallel_loop3A_937, %parallel_loop3A_938], %parallel_loop3A_941 {strides = array<i32>} : memref<64x128xf32, #tpu.memory_space<vmem>>, vector<1x16xf32>,
        %parallel_loop3A_942 = arith.constant 0 : i32
        %parallel_loop3A_943 = arith.constant 0 : i32
        %parallel_loop3A_944 = tpu.memref_slice %arg6[%parallel_loop3A_741, %parallel_loop3A_942, %parallel_loop3A_943] : memref<10x64x128xf32, #tpu.memory_space<vmem>> -> memref<1x64x128xf32, #tpu.memory_space<vmem>>
        %parallel_loop3A_945 = tpu.memref_squeeze %parallel_loop3A_944 : memref<1x64x128xf32, #tpu.memory_space<vmem>> -> memref<64x128xf32, #tpu.memory_space<vmem>>
        %parallel_loop3A_946 = arith.index_cast %parallel_loop3A_821 : i32 to index
        %parallel_loop3A_947 = arith.constant 96 : index
        %parallel_loop3A_948 = tpu.vector_load %parallel_loop3A_945[%parallel_loop3A_946, %parallel_loop3A_947] {strides = array<i32>} : memref<64x128xf32, #tpu.memory_space<vmem>>, vector<1x16xf32>,
        %parallel_loop3A_949 = vector.shape_cast %parallel_loop3A_948 : vector<1x16xf32> to vector<16xf32>
        %parallel_loop3A_950 = arith.constant 11.3137083 : f32
        %parallel_loop3A_951 = vector.broadcast %parallel_loop3A_950 : f32 to vector<16xf32>
        %parallel_loop3A_952 = arith.mulf %parallel_loop3A_949, %parallel_loop3A_951 : vector<16xf32>
        %parallel_loop3A_953 = arith.constant 0 : i32
        %parallel_loop3A_954 = arith.constant 0 : i32
        %parallel_loop3A_955 = tpu.memref_slice %arg6[%parallel_loop3A_741, %parallel_loop3A_953, %parallel_loop3A_954] : memref<10x64x128xf32, #tpu.memory_space<vmem>> -> memref<1x64x128xf32, #tpu.memory_space<vmem>>
        %parallel_loop3A_956 = tpu.memref_squeeze %parallel_loop3A_955 : memref<1x64x128xf32, #tpu.memory_space<vmem>> -> memref<64x128xf32, #tpu.memory_space<vmem>>
        %parallel_loop3A_957 = arith.index_cast %parallel_loop3A_821 : i32 to index
        %parallel_loop3A_958 = arith.constant 96 : index
        %parallel_loop3A_959 = tpu.vector_load %parallel_loop3A_956[%parallel_loop3A_957, %parallel_loop3A_958] {strides = array<i32>} : memref<64x128xf32, #tpu.memory_space<vmem>>, vector<1x16xf32>,
        %parallel_loop3A_960 = vector.shape_cast %parallel_loop3A_959 : vector<1x16xf32> to vector<16xf32>
        %parallel_loop3A_961 = vector.shape_cast %parallel_loop3A_952 : vector<16xf32> to vector<1x16xf32>
        tpu.vector_store %parallel_loop3A_956[%parallel_loop3A_957, %parallel_loop3A_958], %parallel_loop3A_961 {strides = array<i32>} : memref<64x128xf32, #tpu.memory_space<vmem>>, vector<1x16xf32>,
        %parallel_loop3A_962 = arith.constant 0 : i32
        %parallel_loop3A_963 = arith.constant 0 : i32
        %parallel_loop3A_964 = tpu.memref_slice %arg6[%parallel_loop3A_741, %parallel_loop3A_962, %parallel_loop3A_963] : memref<10x64x128xf32, #tpu.memory_space<vmem>> -> memref<1x64x128xf32, #tpu.memory_space<vmem>>
        %parallel_loop3A_965 = tpu.memref_squeeze %parallel_loop3A_964 : memref<1x64x128xf32, #tpu.memory_space<vmem>> -> memref<64x128xf32, #tpu.memory_space<vmem>>
        %parallel_loop3A_966 = arith.index_cast %parallel_loop3A_821 : i32 to index
        %parallel_loop3A_967 = arith.constant 112 : index
        %parallel_loop3A_968 = tpu.vector_load %parallel_loop3A_965[%parallel_loop3A_966, %parallel_loop3A_967] {strides = array<i32>} : memref<64x128xf32, #tpu.memory_space<vmem>>, vector<1x16xf32>,
        %parallel_loop3A_969 = vector.shape_cast %parallel_loop3A_968 : vector<1x16xf32> to vector<16xf32>
        %parallel_loop3A_970 = arith.constant 11.3137083 : f32
        %parallel_loop3A_971 = vector.broadcast %parallel_loop3A_970 : f32 to vector<16xf32>
        %parallel_loop3A_972 = arith.mulf %parallel_loop3A_969, %parallel_loop3A_971 : vector<16xf32>
        %parallel_loop3A_973 = arith.constant 0 : i32
        %parallel_loop3A_974 = arith.constant 0 : i32
        %parallel_loop3A_975 = tpu.memref_slice %arg6[%parallel_loop3A_741, %parallel_loop3A_973, %parallel_loop3A_974] : memref<10x64x128xf32, #tpu.memory_space<vmem>> -> memref<1x64x128xf32, #tpu.memory_space<vmem>>
        %parallel_loop3A_976 = tpu.memref_squeeze %parallel_loop3A_975 : memref<1x64x128xf32, #tpu.memory_space<vmem>> -> memref<64x128xf32, #tpu.memory_space<vmem>>
        %parallel_loop3A_977 = arith.index_cast %parallel_loop3A_821 : i32 to index
        %parallel_loop3A_978 = arith.constant 112 : index
        %parallel_loop3A_979 = tpu.vector_load %parallel_loop3A_976[%parallel_loop3A_977, %parallel_loop3A_978] {strides = array<i32>} : memref<64x128xf32, #tpu.memory_space<vmem>>, vector<1x16xf32>,
        %parallel_loop3A_980 = vector.shape_cast %parallel_loop3A_979 : vector<1x16xf32> to vector<16xf32>
        %parallel_loop3A_981 = vector.shape_cast %parallel_loop3A_972 : vector<16xf32> to vector<1x16xf32>
        tpu.vector_store %parallel_loop3A_976[%parallel_loop3A_977, %parallel_loop3A_978], %parallel_loop3A_981 {strides = array<i32>} : memref<64x128xf32, #tpu.memory_space<vmem>>, vector<1x16xf32>,
      } {sc.loop_unroll_factor = 4 : i64, sc.parallel_access}
      %mul3A_742 = arith.constant 64 : i32
      %mul3A_743 = arith.muli %add3A_719, %mul3A_742 : i32
      %add3A_744 = arith.addi %mul3A_2, %mul3A_743 : i32
      %dma_start3A_745 = arith.constant 8 : i32
      %dma_start3A_746 = arith.constant 8 : i32
      %dma_start3A_747 = arith.constant 0 : i32
      %dma_start3A_748 = arith.constant 0 : i32
      %dma_start3A_749 = tpu.memref_slice %arg6[%dma_start3A_745, %dma_start3A_747, %dma_start3A_748] : memref<10x64x128xf32, #tpu.memory_space<vmem>> -> memref<1x64x128xf32, #tpu.memory_space<vmem>>
      %dma_start3A_750 = tpu.memref_squeeze %dma_start3A_749 : memref<1x64x128xf32, #tpu.memory_space<vmem>> -> memref<64x128xf32, #tpu.memory_space<vmem>>
      %dma_start3A_751 = arith.constant 0 : i32
      %dma_start3A_752 = tpu.memref_slice %arg4[%add3A_744, %dma_start3A_751] : memref<204800x128xf32, #tpu.memory_space<hbm>> -> memref<64x128xf32, #tpu.memory_space<hbm>>
      %dma_start3A_753 = tpu.memref_slice %arg8[%dma_start3A_746] : memref<10x!tpu.dma_semaphore, #tpu.memory_space<semaphore_mem>> -> memref<1x!tpu.dma_semaphore, #tpu.memory_space<semaphore_mem>>
      %dma_start3A_754 = tpu.memref_squeeze %dma_start3A_753 : memref<1x!tpu.dma_semaphore, #tpu.memory_space<semaphore_mem>> -> memref<!tpu.dma_semaphore, #tpu.memory_space<semaphore_mem>>
      %dma_start3A_755 = arith.constant 0 : i32
      %dma_start3A_756 = tpu.memref_slice %arg4[%add3A_744, %dma_start3A_755] : memref<204800x128xf32, #tpu.memory_space<hbm>> -> memref<64x128xf32, #tpu.memory_space<hbm>>
      %dma_start3A_757 = arith.constant 0 : i32
      %dma_start3A_758 = arith.constant 0 : i32
      %dma_start3A_759 = tpu.memref_slice %arg6[%dma_start3A_745, %dma_start3A_757, %dma_start3A_758] : memref<10x64x128xf32, #tpu.memory_space<vmem>> -> memref<1x64x128xf32, #tpu.memory_space<vmem>>
      %dma_start3A_760 = tpu.memref_squeeze %dma_start3A_759 : memref<1x64x128xf32, #tpu.memory_space<vmem>> -> memref<64x128xf32, #tpu.memory_space<vmem>>
      tpu.enqueue_dma source(%dma_start3A_760 : memref<64x128xf32, #tpu.memory_space<vmem>>) target(%dma_start3A_756 : memref<64x128xf32, #tpu.memory_space<hbm>>) target_semaphore(%dma_start3A_754 : memref<!tpu.dma_semaphore, #tpu.memory_space<semaphore_mem>>)
      %add3A_761 = arith.constant 9 : i32
      %add3A_762 = arith.addi %add3A_719, %add3A_761 : i32
      %lt3A_763 = arith.constant 100 : i32
      %lt3A_764 = arith.cmpi slt, %add3A_762, %lt3A_763 : i32
      %convert_element_type3A_765 = arith.extui %lt3A_764 : i1 to i32
      %cond3A_766 = arith.constant 0 : i32
      %cond3A_767 = arith.cmpi ne, %convert_element_type3A_765, %cond3A_766 : i32
      scf.if %cond3A_767 {
        %dma_wait3A_821 = arith.constant 7 : i32
        %dma_wait3A_822 = arith.constant 7 : i32
        %dma_wait3A_823 = arith.constant 0 : i32
        %dma_wait3A_824 = arith.constant 0 : i32
        %dma_wait3A_825 = tpu.memref_slice %arg6[%dma_wait3A_821, %dma_wait3A_823, %dma_wait3A_824] : memref<10x64x128xf32, #tpu.memory_space<vmem>> -> memref<1x64x128xf32, #tpu.memory_space<vmem>>
        %dma_wait3A_826 = tpu.memref_squeeze %dma_wait3A_825 : memref<1x64x128xf32, #tpu.memory_space<vmem>> -> memref<64x128xf32, #tpu.memory_space<vmem>>
        %dma_wait3A_827 = arith.constant 0 : i32
        %dma_wait3A_828 = tpu.memref_slice %arg4[%mul3A_2, %dma_wait3A_827] : memref<204800x128xf32, #tpu.memory_space<hbm>> -> memref<64x128xf32, #tpu.memory_space<hbm>>
        %dma_wait3A_829 = tpu.memref_slice %arg8[%dma_wait3A_822] : memref<10x!tpu.dma_semaphore, #tpu.memory_space<semaphore_mem>> -> memref<1x!tpu.dma_semaphore, #tpu.memory_space<semaphore_mem>>
        %dma_wait3A_830 = tpu.memref_squeeze %dma_wait3A_829 : memref<1x!tpu.dma_semaphore, #tpu.memory_space<semaphore_mem>> -> memref<!tpu.dma_semaphore, #tpu.memory_space<semaphore_mem>>
        %dma_wait3A_831 = arith.constant 0 : i32
        %dma_wait3A_832 = tpu.memref_slice %arg4[%mul3A_2, %dma_wait3A_831] : memref<204800x128xf32, #tpu.memory_space<hbm>> -> memref<64x128xf32, #tpu.memory_space<hbm>>
        %dma_wait3A_833 = arith.constant 0 : i32
        %dma_wait3A_834 = arith.constant 0 : i32
        %dma_wait3A_835 = tpu.memref_slice %arg6[%dma_wait3A_821, %dma_wait3A_833, %dma_wait3A_834] : memref<10x64x128xf32, #tpu.memory_space<vmem>> -> memref<1x64x128xf32, #tpu.memory_space<vmem>>
        %dma_wait3A_836 = tpu.memref_squeeze %dma_wait3A_835 : memref<1x64x128xf32, #tpu.memory_space<vmem>> -> memref<64x128xf32, #tpu.memory_space<vmem>>
        tpu.wait_dma2 semaphore(%dma_wait3A_830 : memref<!tpu.dma_semaphore, #tpu.memory_space<semaphore_mem>>) src(%dma_wait3A_836 : memref<64x128xf32, #tpu.memory_space<vmem>>) dst(%dma_wait3A_832 : memref<64x128xf32, #tpu.memory_space<hbm>>)
        %add3A_837 = arith.constant 9 : i32
        %add3A_838 = arith.addi %add3A_719, %add3A_837 : i32
        %mul3A_839 = arith.constant 1 : i32
        %mul3A_840 = arith.muli %add3A_838, %mul3A_839 : i32
        %add3A_841 = arith.constant 0 : i32
        %add3A_842 = arith.addi %mul3A_840, %add3A_841 : i32
        %dma_start3A_843 = arith.constant 7 : i32
        %dma_start3A_844 = arith.constant 7 : i32
        %dma_start3A_845 = arith.constant 0 : i32
        %dma_start3A_846 = arith.constant 0 : i32
        %dma_start3A_847 = tpu.memref_slice %arg6[%dma_start3A_843, %dma_start3A_845, %dma_start3A_846] : memref<10x64x128xf32, #tpu.memory_space<vmem>> -> memref<1x64x128xf32, #tpu.memory_space<vmem>>
        %dma_start3A_848 = tpu.memref_squeeze %dma_start3A_847 : memref<1x64x128xf32, #tpu.memory_space<vmem>> -> memref<64x128xf32, #tpu.memory_space<vmem>>
        %dma_start3A_849 = arith.constant 0 : i32
        %dma_start3A_850 = tpu.memref_slice %arg5[%add3A_842, %dma_start3A_849] : memref<100x64xi32, #tpu.memory_space<vmem>> -> memref<1x64xi32, #tpu.memory_space<vmem>>
        %dma_start3A_851 = tpu.memref_squeeze %dma_start3A_850 : memref<1x64xi32, #tpu.memory_space<vmem>> -> memref<64xi32, #tpu.memory_space<vmem>>
        %dma_start3A_852 = arith.constant 0 : i32
        %dma_start3A_853 = arith.constant 0 : i32
        %dma_start3A_854 = tpu.memref_slice %arg3[%dma_start3A_852, %dma_start3A_853] : memref<100000x128xf32, #tpu.memory_space<hbm>> -> memref<100000x128xf32, #tpu.memory_space<hbm>>
        %dma_start3A_855 = tpu.memref_slice %arg7[%dma_start3A_844] : memref<10x!tpu.dma_semaphore, #tpu.memory_space<semaphore_mem>> -> memref<1x!tpu.dma_semaphore, #tpu.memory_space<semaphore_mem>>
        %dma_start3A_856 = tpu.memref_squeeze %dma_start3A_855 : memref<1x!tpu.dma_semaphore, #tpu.memory_space<semaphore_mem>> -> memref<!tpu.dma_semaphore, #tpu.memory_space<semaphore_mem>>
        tpu.enqueue_indirect_dma source(%dma_start3A_854 : memref<100000x128xf32, #tpu.memory_space<hbm>>) target(%dma_start3A_848 : memref<64x128xf32, #tpu.memory_space<vmem>>) offsets(%dma_start3A_851 : memref<64xi32, #tpu.memory_space<vmem>>) semaphore(%dma_start3A_856 : memref<!tpu.dma_semaphore, #tpu.memory_space<semaphore_mem>>)
      } else {
      }
      %mul3A_768 = arith.constant 10 : i32
      %mul3A_769 = arith.muli %scan3A_302, %mul3A_768 : i32
      %add3A_770 = arith.constant 9 : i32
      %add3A_771 = arith.addi %mul3A_769, %add3A_770 : i32
      %mul3A_772 = arith.constant 1 : i32
      %mul3A_773 = arith.muli %add3A_771, %mul3A_772 : i32
      %add3A_774 = arith.constant 0 : i32
      %add3A_775 = arith.addi %mul3A_773, %add3A_774 : i32
      %dma_wait3A_776 = arith.constant 9 : i32
      %dma_wait3A_777 = arith.constant 9 : i32
      %dma_wait3A_778 = arith.constant 0 : i32
      %dma_wait3A_779 = arith.constant 0 : i32
      %dma_wait3A_780 = tpu.memref_slice %arg6[%dma_wait3A_776, %dma_wait3A_778, %dma_wait3A_779] : memref<10x64x128xf32, #tpu.memory_space<vmem>> -> memref<1x64x128xf32, #tpu.memory_space<vmem>>
      %dma_wait3A_781 = tpu.memref_squeeze %dma_wait3A_780 : memref<1x64x128xf32, #tpu.memory_space<vmem>> -> memref<64x128xf32, #tpu.memory_space<vmem>>
      %dma_wait3A_782 = arith.constant 0 : i32
      %dma_wait3A_783 = tpu.memref_slice %arg5[%add3A_775, %dma_wait3A_782] : memref<100x64xi32, #tpu.memory_space<vmem>> -> memref<1x64xi32, #tpu.memory_space<vmem>>
      %dma_wait3A_784 = tpu.memref_squeeze %dma_wait3A_783 : memref<1x64xi32, #tpu.memory_space<vmem>> -> memref<64xi32, #tpu.memory_space<vmem>>
      %dma_wait3A_785 = arith.constant 0 : i32
      %dma_wait3A_786 = arith.constant 0 : i32
      %dma_wait3A_787 = tpu.memref_slice %arg3[%dma_wait3A_785, %dma_wait3A_786] : memref<100000x128xf32, #tpu.memory_space<hbm>> -> memref<100000x128xf32, #tpu.memory_space<hbm>>
      %dma_wait3A_788 = tpu.memref_slice %arg7[%dma_wait3A_777] : memref<10x!tpu.dma_semaphore, #tpu.memory_space<semaphore_mem>> -> memref<1x!tpu.dma_semaphore, #tpu.memory_space<semaphore_mem>>
      %dma_wait3A_789 = tpu.memref_squeeze %dma_wait3A_788 : memref<1x!tpu.dma_semaphore, #tpu.memory_space<semaphore_mem>> -> memref<!tpu.dma_semaphore, #tpu.memory_space<semaphore_mem>>
      tpu.wait_indirect_dma semaphore(%dma_wait3A_789 : memref<!tpu.dma_semaphore, #tpu.memory_space<semaphore_mem>>) src(%dma_wait3A_787 : memref<100000x128xf32, #tpu.memory_space<hbm>>) dst(%dma_wait3A_781 : memref<64x128xf32, #tpu.memory_space<vmem>>)
      %parallel_loop3A_790 = arith.constant 0 : i32
      %parallel_loop3A_791 = arith.constant 64 : i32
      %parallel_loop3A_792 = arith.constant 1 : i32
      %parallel_loop3A_793 = arith.constant 9 : i32
      scf.for %parallel_loop3A_821 = %parallel_loop3A_790 to %parallel_loop3A_791 step %parallel_loop3A_792  : i32 {
        %parallel_loop3A_822 = arith.constant 0 : i32
        %parallel_loop3A_823 = arith.constant 0 : i32
        %parallel_loop3A_824 = tpu.memref_slice %arg6[%parallel_loop3A_793, %parallel_loop3A_822, %parallel_loop3A_823] : memref<10x64x128xf32, #tpu.memory_space<vmem>> -> memref<1x64x128xf32, #tpu.memory_space<vmem>>
        %parallel_loop3A_825 = tpu.memref_squeeze %parallel_loop3A_824 : memref<1x64x128xf32, #tpu.memory_space<vmem>> -> memref<64x128xf32, #tpu.memory_space<vmem>>
        %parallel_loop3A_826 = arith.index_cast %parallel_loop3A_821 : i32 to index
        %parallel_loop3A_827 = arith.constant 0 : index
        %parallel_loop3A_828 = tpu.vector_load %parallel_loop3A_825[%parallel_loop3A_826, %parallel_loop3A_827] {strides = array<i32>} : memref<64x128xf32, #tpu.memory_space<vmem>>, vector<1x16xf32>,
        %parallel_loop3A_829 = vector.shape_cast %parallel_loop3A_828 : vector<1x16xf32> to vector<16xf32>
        %parallel_loop3A_830 = arith.constant 11.3137083 : f32
        %parallel_loop3A_831 = vector.broadcast %parallel_loop3A_830 : f32 to vector<16xf32>
        %parallel_loop3A_832 = arith.mulf %parallel_loop3A_829, %parallel_loop3A_831 : vector<16xf32>
        %parallel_loop3A_833 = arith.constant 0 : i32
        %parallel_loop3A_834 = arith.constant 0 : i32
        %parallel_loop3A_835 = tpu.memref_slice %arg6[%parallel_loop3A_793, %parallel_loop3A_833, %parallel_loop3A_834] : memref<10x64x128xf32, #tpu.memory_space<vmem>> -> memref<1x64x128xf32, #tpu.memory_space<vmem>>
        %parallel_loop3A_836 = tpu.memref_squeeze %parallel_loop3A_835 : memref<1x64x128xf32, #tpu.memory_space<vmem>> -> memref<64x128xf32, #tpu.memory_space<vmem>>
        %parallel_loop3A_837 = arith.index_cast %parallel_loop3A_821 : i32 to index
        %parallel_loop3A_838 = arith.constant 0 : index
        %parallel_loop3A_839 = tpu.vector_load %parallel_loop3A_836[%parallel_loop3A_837, %parallel_loop3A_838] {strides = array<i32>} : memref<64x128xf32, #tpu.memory_space<vmem>>, vector<1x16xf32>,
        %parallel_loop3A_840 = vector.shape_cast %parallel_loop3A_839 : vector<1x16xf32> to vector<16xf32>
        %parallel_loop3A_841 = vector.shape_cast %parallel_loop3A_832 : vector<16xf32> to vector<1x16xf32>
        tpu.vector_store %parallel_loop3A_836[%parallel_loop3A_837, %parallel_loop3A_838], %parallel_loop3A_841 {strides = array<i32>} : memref<64x128xf32, #tpu.memory_space<vmem>>, vector<1x16xf32>,
        %parallel_loop3A_842 = arith.constant 0 : i32
        %parallel_loop3A_843 = arith.constant 0 : i32
        %parallel_loop3A_844 = tpu.memref_slice %arg6[%parallel_loop3A_793, %parallel_loop3A_842, %parallel_loop3A_843] : memref<10x64x128xf32, #tpu.memory_space<vmem>> -> memref<1x64x128xf32, #tpu.memory_space<vmem>>
        %parallel_loop3A_845 = tpu.memref_squeeze %parallel_loop3A_844 : memref<1x64x128xf32, #tpu.memory_space<vmem>> -> memref<64x128xf32, #tpu.memory_space<vmem>>
        %parallel_loop3A_846 = arith.index_cast %parallel_loop3A_821 : i32 to index
        %parallel_loop3A_847 = arith.constant 16 : index
        %parallel_loop3A_848 = tpu.vector_load %parallel_loop3A_845[%parallel_loop3A_846, %parallel_loop3A_847] {strides = array<i32>} : memref<64x128xf32, #tpu.memory_space<vmem>>, vector<1x16xf32>,
        %parallel_loop3A_849 = vector.shape_cast %parallel_loop3A_848 : vector<1x16xf32> to vector<16xf32>
        %parallel_loop3A_850 = arith.constant 11.3137083 : f32
        %parallel_loop3A_851 = vector.broadcast %parallel_loop3A_850 : f32 to vector<16xf32>
        %parallel_loop3A_852 = arith.mulf %parallel_loop3A_849, %parallel_loop3A_851 : vector<16xf32>
        %parallel_loop3A_853 = arith.constant 0 : i32
        %parallel_loop3A_854 = arith.constant 0 : i32
        %parallel_loop3A_855 = tpu.memref_slice %arg6[%parallel_loop3A_793, %parallel_loop3A_853, %parallel_loop3A_854] : memref<10x64x128xf32, #tpu.memory_space<vmem>> -> memref<1x64x128xf32, #tpu.memory_space<vmem>>
        %parallel_loop3A_856 = tpu.memref_squeeze %parallel_loop3A_855 : memref<1x64x128xf32, #tpu.memory_space<vmem>> -> memref<64x128xf32, #tpu.memory_space<vmem>>
        %parallel_loop3A_857 = arith.index_cast %parallel_loop3A_821 : i32 to index
        %parallel_loop3A_858 = arith.constant 16 : index
        %parallel_loop3A_859 = tpu.vector_load %parallel_loop3A_856[%parallel_loop3A_857, %parallel_loop3A_858] {strides = array<i32>} : memref<64x128xf32, #tpu.memory_space<vmem>>, vector<1x16xf32>,
        %parallel_loop3A_860 = vector.shape_cast %parallel_loop3A_859 : vector<1x16xf32> to vector<16xf32>
        %parallel_loop3A_861 = vector.shape_cast %parallel_loop3A_852 : vector<16xf32> to vector<1x16xf32>
        tpu.vector_store %parallel_loop3A_856[%parallel_loop3A_857, %parallel_loop3A_858], %parallel_loop3A_861 {strides = array<i32>} : memref<64x128xf32, #tpu.memory_space<vmem>>, vector<1x16xf32>,
        %parallel_loop3A_862 = arith.constant 0 : i32
        %parallel_loop3A_863 = arith.constant 0 : i32
        %parallel_loop3A_864 = tpu.memref_slice %arg6[%parallel_loop3A_793, %parallel_loop3A_862, %parallel_loop3A_863] : memref<10x64x128xf32, #tpu.memory_space<vmem>> -> memref<1x64x128xf32, #tpu.memory_space<vmem>>
        %parallel_loop3A_865 = tpu.memref_squeeze %parallel_loop3A_864 : memref<1x64x128xf32, #tpu.memory_space<vmem>> -> memref<64x128xf32, #tpu.memory_space<vmem>>
        %parallel_loop3A_866 = arith.index_cast %parallel_loop3A_821 : i32 to index
        %parallel_loop3A_867 = arith.constant 32 : index
        %parallel_loop3A_868 = tpu.vector_load %parallel_loop3A_865[%parallel_loop3A_866, %parallel_loop3A_867] {strides = array<i32>} : memref<64x128xf32, #tpu.memory_space<vmem>>, vector<1x16xf32>,
        %parallel_loop3A_869 = vector.shape_cast %parallel_loop3A_868 : vector<1x16xf32> to vector<16xf32>
        %parallel_loop3A_870 = arith.constant 11.3137083 : f32
        %parallel_loop3A_871 = vector.broadcast %parallel_loop3A_870 : f32 to vector<16xf32>
        %parallel_loop3A_872 = arith.mulf %parallel_loop3A_869, %parallel_loop3A_871 : vector<16xf32>
        %parallel_loop3A_873 = arith.constant 0 : i32
        %parallel_loop3A_874 = arith.constant 0 : i32
        %parallel_loop3A_875 = tpu.memref_slice %arg6[%parallel_loop3A_793, %parallel_loop3A_873, %parallel_loop3A_874] : memref<10x64x128xf32, #tpu.memory_space<vmem>> -> memref<1x64x128xf32, #tpu.memory_space<vmem>>
        %parallel_loop3A_876 = tpu.memref_squeeze %parallel_loop3A_875 : memref<1x64x128xf32, #tpu.memory_space<vmem>> -> memref<64x128xf32, #tpu.memory_space<vmem>>
        %parallel_loop3A_877 = arith.index_cast %parallel_loop3A_821 : i32 to index
        %parallel_loop3A_878 = arith.constant 32 : index
        %parallel_loop3A_879 = tpu.vector_load %parallel_loop3A_876[%parallel_loop3A_877, %parallel_loop3A_878] {strides = array<i32>} : memref<64x128xf32, #tpu.memory_space<vmem>>, vector<1x16xf32>,
        %parallel_loop3A_880 = vector.shape_cast %parallel_loop3A_879 : vector<1x16xf32> to vector<16xf32>
        %parallel_loop3A_881 = vector.shape_cast %parallel_loop3A_872 : vector<16xf32> to vector<1x16xf32>
        tpu.vector_store %parallel_loop3A_876[%parallel_loop3A_877, %parallel_loop3A_878], %parallel_loop3A_881 {strides = array<i32>} : memref<64x128xf32, #tpu.memory_space<vmem>>, vector<1x16xf32>,
        %parallel_loop3A_882 = arith.constant 0 : i32
        %parallel_loop3A_883 = arith.constant 0 : i32
        %parallel_loop3A_884 = tpu.memref_slice %arg6[%parallel_loop3A_793, %parallel_loop3A_882, %parallel_loop3A_883] : memref<10x64x128xf32, #tpu.memory_space<vmem>> -> memref<1x64x128xf32, #tpu.memory_space<vmem>>
        %parallel_loop3A_885 = tpu.memref_squeeze %parallel_loop3A_884 : memref<1x64x128xf32, #tpu.memory_space<vmem>> -> memref<64x128xf32, #tpu.memory_space<vmem>>
        %parallel_loop3A_886 = arith.index_cast %parallel_loop3A_821 : i32 to index
        %parallel_loop3A_887 = arith.constant 48 : index
        %parallel_loop3A_888 = tpu.vector_load %parallel_loop3A_885[%parallel_loop3A_886, %parallel_loop3A_887] {strides = array<i32>} : memref<64x128xf32, #tpu.memory_space<vmem>>, vector<1x16xf32>,
        %parallel_loop3A_889 = vector.shape_cast %parallel_loop3A_888 : vector<1x16xf32> to vector<16xf32>
        %parallel_loop3A_890 = arith.constant 11.3137083 : f32
        %parallel_loop3A_891 = vector.broadcast %parallel_loop3A_890 : f32 to vector<16xf32>
        %parallel_loop3A_892 = arith.mulf %parallel_loop3A_889, %parallel_loop3A_891 : vector<16xf32>
        %parallel_loop3A_893 = arith.constant 0 : i32
        %parallel_loop3A_894 = arith.constant 0 : i32
        %parallel_loop3A_895 = tpu.memref_slice %arg6[%parallel_loop3A_793, %parallel_loop3A_893, %parallel_loop3A_894] : memref<10x64x128xf32, #tpu.memory_space<vmem>> -> memref<1x64x128xf32, #tpu.memory_space<vmem>>
        %parallel_loop3A_896 = tpu.memref_squeeze %parallel_loop3A_895 : memref<1x64x128xf32, #tpu.memory_space<vmem>> -> memref<64x128xf32, #tpu.memory_space<vmem>>
        %parallel_loop3A_897 = arith.index_cast %parallel_loop3A_821 : i32 to index
        %parallel_loop3A_898 = arith.constant 48 : index
        %parallel_loop3A_899 = tpu.vector_load %parallel_loop3A_896[%parallel_loop3A_897, %parallel_loop3A_898] {strides = array<i32>} : memref<64x128xf32, #tpu.memory_space<vmem>>, vector<1x16xf32>,
        %parallel_loop3A_900 = vector.shape_cast %parallel_loop3A_899 : vector<1x16xf32> to vector<16xf32>
        %parallel_loop3A_901 = vector.shape_cast %parallel_loop3A_892 : vector<16xf32> to vector<1x16xf32>
        tpu.vector_store %parallel_loop3A_896[%parallel_loop3A_897, %parallel_loop3A_898], %parallel_loop3A_901 {strides = array<i32>} : memref<64x128xf32, #tpu.memory_space<vmem>>, vector<1x16xf32>,
        %parallel_loop3A_902 = arith.constant 0 : i32
        %parallel_loop3A_903 = arith.constant 0 : i32
        %parallel_loop3A_904 = tpu.memref_slice %arg6[%parallel_loop3A_793, %parallel_loop3A_902, %parallel_loop3A_903] : memref<10x64x128xf32, #tpu.memory_space<vmem>> -> memref<1x64x128xf32, #tpu.memory_space<vmem>>
        %parallel_loop3A_905 = tpu.memref_squeeze %parallel_loop3A_904 : memref<1x64x128xf32, #tpu.memory_space<vmem>> -> memref<64x128xf32, #tpu.memory_space<vmem>>
        %parallel_loop3A_906 = arith.index_cast %parallel_loop3A_821 : i32 to index
        %parallel_loop3A_907 = arith.constant 64 : index
        %parallel_loop3A_908 = tpu.vector_load %parallel_loop3A_905[%parallel_loop3A_906, %parallel_loop3A_907] {strides = array<i32>} : memref<64x128xf32, #tpu.memory_space<vmem>>, vector<1x16xf32>,
        %parallel_loop3A_909 = vector.shape_cast %parallel_loop3A_908 : vector<1x16xf32> to vector<16xf32>
        %parallel_loop3A_910 = arith.constant 11.3137083 : f32
        %parallel_loop3A_911 = vector.broadcast %parallel_loop3A_910 : f32 to vector<16xf32>
        %parallel_loop3A_912 = arith.mulf %parallel_loop3A_909, %parallel_loop3A_911 : vector<16xf32>
        %parallel_loop3A_913 = arith.constant 0 : i32
        %parallel_loop3A_914 = arith.constant 0 : i32
        %parallel_loop3A_915 = tpu.memref_slice %arg6[%parallel_loop3A_793, %parallel_loop3A_913, %parallel_loop3A_914] : memref<10x64x128xf32, #tpu.memory_space<vmem>> -> memref<1x64x128xf32, #tpu.memory_space<vmem>>
        %parallel_loop3A_916 = tpu.memref_squeeze %parallel_loop3A_915 : memref<1x64x128xf32, #tpu.memory_space<vmem>> -> memref<64x128xf32, #tpu.memory_space<vmem>>
        %parallel_loop3A_917 = arith.index_cast %parallel_loop3A_821 : i32 to index
        %parallel_loop3A_918 = arith.constant 64 : index
        %parallel_loop3A_919 = tpu.vector_load %parallel_loop3A_916[%parallel_loop3A_917, %parallel_loop3A_918] {strides = array<i32>} : memref<64x128xf32, #tpu.memory_space<vmem>>, vector<1x16xf32>,
        %parallel_loop3A_920 = vector.shape_cast %parallel_loop3A_919 : vector<1x16xf32> to vector<16xf32>
        %parallel_loop3A_921 = vector.shape_cast %parallel_loop3A_912 : vector<16xf32> to vector<1x16xf32>
        tpu.vector_store %parallel_loop3A_916[%parallel_loop3A_917, %parallel_loop3A_918], %parallel_loop3A_921 {strides = array<i32>} : memref<64x128xf32, #tpu.memory_space<vmem>>, vector<1x16xf32>,
        %parallel_loop3A_922 = arith.constant 0 : i32
        %parallel_loop3A_923 = arith.constant 0 : i32
        %parallel_loop3A_924 = tpu.memref_slice %arg6[%parallel_loop3A_793, %parallel_loop3A_922, %parallel_loop3A_923] : memref<10x64x128xf32, #tpu.memory_space<vmem>> -> memref<1x64x128xf32, #tpu.memory_space<vmem>>
        %parallel_loop3A_925 = tpu.memref_squeeze %parallel_loop3A_924 : memref<1x64x128xf32, #tpu.memory_space<vmem>> -> memref<64x128xf32, #tpu.memory_space<vmem>>
        %parallel_loop3A_926 = arith.index_cast %parallel_loop3A_821 : i32 to index
        %parallel_loop3A_927 = arith.constant 80 : index
        %parallel_loop3A_928 = tpu.vector_load %parallel_loop3A_925[%parallel_loop3A_926, %parallel_loop3A_927] {strides = array<i32>} : memref<64x128xf32, #tpu.memory_space<vmem>>, vector<1x16xf32>,
        %parallel_loop3A_929 = vector.shape_cast %parallel_loop3A_928 : vector<1x16xf32> to vector<16xf32>
        %parallel_loop3A_930 = arith.constant 11.3137083 : f32
        %parallel_loop3A_931 = vector.broadcast %parallel_loop3A_930 : f32 to vector<16xf32>
        %parallel_loop3A_932 = arith.mulf %parallel_loop3A_929, %parallel_loop3A_931 : vector<16xf32>
        %parallel_loop3A_933 = arith.constant 0 : i32
        %parallel_loop3A_934 = arith.constant 0 : i32
        %parallel_loop3A_935 = tpu.memref_slice %arg6[%parallel_loop3A_793, %parallel_loop3A_933, %parallel_loop3A_934] : memref<10x64x128xf32, #tpu.memory_space<vmem>> -> memref<1x64x128xf32, #tpu.memory_space<vmem>>
        %parallel_loop3A_936 = tpu.memref_squeeze %parallel_loop3A_935 : memref<1x64x128xf32, #tpu.memory_space<vmem>> -> memref<64x128xf32, #tpu.memory_space<vmem>>
        %parallel_loop3A_937 = arith.index_cast %parallel_loop3A_821 : i32 to index
        %parallel_loop3A_938 = arith.constant 80 : index
        %parallel_loop3A_939 = tpu.vector_load %parallel_loop3A_936[%parallel_loop3A_937, %parallel_loop3A_938] {strides = array<i32>} : memref<64x128xf32, #tpu.memory_space<vmem>>, vector<1x16xf32>,
        %parallel_loop3A_940 = vector.shape_cast %parallel_loop3A_939 : vector<1x16xf32> to vector<16xf32>
        %parallel_loop3A_941 = vector.shape_cast %parallel_loop3A_932 : vector<16xf32> to vector<1x16xf32>
        tpu.vector_store %parallel_loop3A_936[%parallel_loop3A_937, %parallel_loop3A_938], %parallel_loop3A_941 {strides = array<i32>} : memref<64x128xf32, #tpu.memory_space<vmem>>, vector<1x16xf32>,
        %parallel_loop3A_942 = arith.constant 0 : i32
        %parallel_loop3A_943 = arith.constant 0 : i32
        %parallel_loop3A_944 = tpu.memref_slice %arg6[%parallel_loop3A_793, %parallel_loop3A_942, %parallel_loop3A_943] : memref<10x64x128xf32, #tpu.memory_space<vmem>> -> memref<1x64x128xf32, #tpu.memory_space<vmem>>
        %parallel_loop3A_945 = tpu.memref_squeeze %parallel_loop3A_944 : memref<1x64x128xf32, #tpu.memory_space<vmem>> -> memref<64x128xf32, #tpu.memory_space<vmem>>
        %parallel_loop3A_946 = arith.index_cast %parallel_loop3A_821 : i32 to index
        %parallel_loop3A_947 = arith.constant 96 : index
        %parallel_loop3A_948 = tpu.vector_load %parallel_loop3A_945[%parallel_loop3A_946, %parallel_loop3A_947] {strides = array<i32>} : memref<64x128xf32, #tpu.memory_space<vmem>>, vector<1x16xf32>,
        %parallel_loop3A_949 = vector.shape_cast %parallel_loop3A_948 : vector<1x16xf32> to vector<16xf32>
        %parallel_loop3A_950 = arith.constant 11.3137083 : f32
        %parallel_loop3A_951 = vector.broadcast %parallel_loop3A_950 : f32 to vector<16xf32>
        %parallel_loop3A_952 = arith.mulf %parallel_loop3A_949, %parallel_loop3A_951 : vector<16xf32>
        %parallel_loop3A_953 = arith.constant 0 : i32
        %parallel_loop3A_954 = arith.constant 0 : i32
        %parallel_loop3A_955 = tpu.memref_slice %arg6[%parallel_loop3A_793, %parallel_loop3A_953, %parallel_loop3A_954] : memref<10x64x128xf32, #tpu.memory_space<vmem>> -> memref<1x64x128xf32, #tpu.memory_space<vmem>>
        %parallel_loop3A_956 = tpu.memref_squeeze %parallel_loop3A_955 : memref<1x64x128xf32, #tpu.memory_space<vmem>> -> memref<64x128xf32, #tpu.memory_space<vmem>>
        %parallel_loop3A_957 = arith.index_cast %parallel_loop3A_821 : i32 to index
        %parallel_loop3A_958 = arith.constant 96 : index
        %parallel_loop3A_959 = tpu.vector_load %parallel_loop3A_956[%parallel_loop3A_957, %parallel_loop3A_958] {strides = array<i32>} : memref<64x128xf32, #tpu.memory_space<vmem>>, vector<1x16xf32>,
        %parallel_loop3A_960 = vector.shape_cast %parallel_loop3A_959 : vector<1x16xf32> to vector<16xf32>
        %parallel_loop3A_961 = vector.shape_cast %parallel_loop3A_952 : vector<16xf32> to vector<1x16xf32>
        tpu.vector_store %parallel_loop3A_956[%parallel_loop3A_957, %parallel_loop3A_958], %parallel_loop3A_961 {strides = array<i32>} : memref<64x128xf32, #tpu.memory_space<vmem>>, vector<1x16xf32>,
        %parallel_loop3A_962 = arith.constant 0 : i32
        %parallel_loop3A_963 = arith.constant 0 : i32
        %parallel_loop3A_964 = tpu.memref_slice %arg6[%parallel_loop3A_793, %parallel_loop3A_962, %parallel_loop3A_963] : memref<10x64x128xf32, #tpu.memory_space<vmem>> -> memref<1x64x128xf32, #tpu.memory_space<vmem>>
        %parallel_loop3A_965 = tpu.memref_squeeze %parallel_loop3A_964 : memref<1x64x128xf32, #tpu.memory_space<vmem>> -> memref<64x128xf32, #tpu.memory_space<vmem>>
        %parallel_loop3A_966 = arith.index_cast %parallel_loop3A_821 : i32 to index
        %parallel_loop3A_967 = arith.constant 112 : index
        %parallel_loop3A_968 = tpu.vector_load %parallel_loop3A_965[%parallel_loop3A_966, %parallel_loop3A_967] {strides = array<i32>} : memref<64x128xf32, #tpu.memory_space<vmem>>, vector<1x16xf32>,
        %parallel_loop3A_969 = vector.shape_cast %parallel_loop3A_968 : vector<1x16xf32> to vector<16xf32>
        %parallel_loop3A_970 = arith.constant 11.3137083 : f32
        %parallel_loop3A_971 = vector.broadcast %parallel_loop3A_970 : f32 to vector<16xf32>
        %parallel_loop3A_972 = arith.mulf %parallel_loop3A_969, %parallel_loop3A_971 : vector<16xf32>
        %parallel_loop3A_973 = arith.constant 0 : i32
        %parallel_loop3A_974 = arith.constant 0 : i32
        %parallel_loop3A_975 = tpu.memref_slice %arg6[%parallel_loop3A_793, %parallel_loop3A_973, %parallel_loop3A_974] : memref<10x64x128xf32, #tpu.memory_space<vmem>> -> memref<1x64x128xf32, #tpu.memory_space<vmem>>
        %parallel_loop3A_976 = tpu.memref_squeeze %parallel_loop3A_975 : memref<1x64x128xf32, #tpu.memory_space<vmem>> -> memref<64x128xf32, #tpu.memory_space<vmem>>
        %parallel_loop3A_977 = arith.index_cast %parallel_loop3A_821 : i32 to index
        %parallel_loop3A_978 = arith.constant 112 : index
        %parallel_loop3A_979 = tpu.vector_load %parallel_loop3A_976[%parallel_loop3A_977, %parallel_loop3A_978] {strides = array<i32>} : memref<64x128xf32, #tpu.memory_space<vmem>>, vector<1x16xf32>,
        %parallel_loop3A_980 = vector.shape_cast %parallel_loop3A_979 : vector<1x16xf32> to vector<16xf32>
        %parallel_loop3A_981 = vector.shape_cast %parallel_loop3A_972 : vector<16xf32> to vector<1x16xf32>
        tpu.vector_store %parallel_loop3A_976[%parallel_loop3A_977, %parallel_loop3A_978], %parallel_loop3A_981 {strides = array<i32>} : memref<64x128xf32, #tpu.memory_space<vmem>>, vector<1x16xf32>,
      } {sc.loop_unroll_factor = 4 : i64, sc.parallel_access}
      %mul3A_794 = arith.constant 64 : i32
      %mul3A_795 = arith.muli %add3A_771, %mul3A_794 : i32
      %add3A_796 = arith.addi %mul3A_2, %mul3A_795 : i32
      %dma_start3A_797 = arith.constant 9 : i32
      %dma_start3A_798 = arith.constant 9 : i32
      %dma_start3A_799 = arith.constant 0 : i32
      %dma_start3A_800 = arith.constant 0 : i32
      %dma_start3A_801 = tpu.memref_slice %arg6[%dma_start3A_797, %dma_start3A_799, %dma_start3A_800] : memref<10x64x128xf32, #tpu.memory_space<vmem>> -> memref<1x64x128xf32, #tpu.memory_space<vmem>>
      %dma_start3A_802 = tpu.memref_squeeze %dma_start3A_801 : memref<1x64x128xf32, #tpu.memory_space<vmem>> -> memref<64x128xf32, #tpu.memory_space<vmem>>
      %dma_start3A_803 = arith.constant 0 : i32
      %dma_start3A_804 = tpu.memref_slice %arg4[%add3A_796, %dma_start3A_803] : memref<204800x128xf32, #tpu.memory_space<hbm>> -> memref<64x128xf32, #tpu.memory_space<hbm>>
      %dma_start3A_805 = tpu.memref_slice %arg8[%dma_start3A_798] : memref<10x!tpu.dma_semaphore, #tpu.memory_space<semaphore_mem>> -> memref<1x!tpu.dma_semaphore, #tpu.memory_space<semaphore_mem>>
      %dma_start3A_806 = tpu.memref_squeeze %dma_start3A_805 : memref<1x!tpu.dma_semaphore, #tpu.memory_space<semaphore_mem>> -> memref<!tpu.dma_semaphore, #tpu.memory_space<semaphore_mem>>
      %dma_start3A_807 = arith.constant 0 : i32
      %dma_start3A_808 = tpu.memref_slice %arg4[%add3A_796, %dma_start3A_807] : memref<204800x128xf32, #tpu.memory_space<hbm>> -> memref<64x128xf32, #tpu.memory_space<hbm>>
      %dma_start3A_809 = arith.constant 0 : i32
      %dma_start3A_810 = arith.constant 0 : i32
      %dma_start3A_811 = tpu.memref_slice %arg6[%dma_start3A_797, %dma_start3A_809, %dma_start3A_810] : memref<10x64x128xf32, #tpu.memory_space<vmem>> -> memref<1x64x128xf32, #tpu.memory_space<vmem>>
      %dma_start3A_812 = tpu.memref_squeeze %dma_start3A_811 : memref<1x64x128xf32, #tpu.memory_space<vmem>> -> memref<64x128xf32, #tpu.memory_space<vmem>>
      tpu.enqueue_dma source(%dma_start3A_812 : memref<64x128xf32, #tpu.memory_space<vmem>>) target(%dma_start3A_808 : memref<64x128xf32, #tpu.memory_space<hbm>>) target_semaphore(%dma_start3A_806 : memref<!tpu.dma_semaphore, #tpu.memory_space<semaphore_mem>>)
      %add3A_813 = arith.constant 9 : i32
      %add3A_814 = arith.addi %add3A_771, %add3A_813 : i32
      %lt3A_815 = arith.constant 100 : i32
      %lt3A_816 = arith.cmpi slt, %add3A_814, %lt3A_815 : i32
      %convert_element_type3A_817 = arith.extui %lt3A_816 : i1 to i32
      %cond3A_818 = arith.constant 0 : i32
      %cond3A_819 = arith.cmpi ne, %convert_element_type3A_817, %cond3A_818 : i32
      scf.if %cond3A_819 {
        %dma_wait3A_821 = arith.constant 8 : i32
        %dma_wait3A_822 = arith.constant 8 : i32
        %dma_wait3A_823 = arith.constant 0 : i32
        %dma_wait3A_824 = arith.constant 0 : i32
        %dma_wait3A_825 = tpu.memref_slice %arg6[%dma_wait3A_821, %dma_wait3A_823, %dma_wait3A_824] : memref<10x64x128xf32, #tpu.memory_space<vmem>> -> memref<1x64x128xf32, #tpu.memory_space<vmem>>
        %dma_wait3A_826 = tpu.memref_squeeze %dma_wait3A_825 : memref<1x64x128xf32, #tpu.memory_space<vmem>> -> memref<64x128xf32, #tpu.memory_space<vmem>>
        %dma_wait3A_827 = arith.constant 0 : i32
        %dma_wait3A_828 = tpu.memref_slice %arg4[%mul3A_2, %dma_wait3A_827] : memref<204800x128xf32, #tpu.memory_space<hbm>> -> memref<64x128xf32, #tpu.memory_space<hbm>>
        %dma_wait3A_829 = tpu.memref_slice %arg8[%dma_wait3A_822] : memref<10x!tpu.dma_semaphore, #tpu.memory_space<semaphore_mem>> -> memref<1x!tpu.dma_semaphore, #tpu.memory_space<semaphore_mem>>
        %dma_wait3A_830 = tpu.memref_squeeze %dma_wait3A_829 : memref<1x!tpu.dma_semaphore, #tpu.memory_space<semaphore_mem>> -> memref<!tpu.dma_semaphore, #tpu.memory_space<semaphore_mem>>
        %dma_wait3A_831 = arith.constant 0 : i32
        %dma_wait3A_832 = tpu.memref_slice %arg4[%mul3A_2, %dma_wait3A_831] : memref<204800x128xf32, #tpu.memory_space<hbm>> -> memref<64x128xf32, #tpu.memory_space<hbm>>
        %dma_wait3A_833 = arith.constant 0 : i32
        %dma_wait3A_834 = arith.constant 0 : i32
        %dma_wait3A_835 = tpu.memref_slice %arg6[%dma_wait3A_821, %dma_wait3A_833, %dma_wait3A_834] : memref<10x64x128xf32, #tpu.memory_space<vmem>> -> memref<1x64x128xf32, #tpu.memory_space<vmem>>
        %dma_wait3A_836 = tpu.memref_squeeze %dma_wait3A_835 : memref<1x64x128xf32, #tpu.memory_space<vmem>> -> memref<64x128xf32, #tpu.memory_space<vmem>>
        tpu.wait_dma2 semaphore(%dma_wait3A_830 : memref<!tpu.dma_semaphore, #tpu.memory_space<semaphore_mem>>) src(%dma_wait3A_836 : memref<64x128xf32, #tpu.memory_space<vmem>>) dst(%dma_wait3A_832 : memref<64x128xf32, #tpu.memory_space<hbm>>)
        %add3A_837 = arith.constant 9 : i32
        %add3A_838 = arith.addi %add3A_771, %add3A_837 : i32
        %mul3A_839 = arith.constant 1 : i32
        %mul3A_840 = arith.muli %add3A_838, %mul3A_839 : i32
        %add3A_841 = arith.constant 0 : i32
        %add3A_842 = arith.addi %mul3A_840, %add3A_841 : i32
        %dma_start3A_843 = arith.constant 8 : i32
        %dma_start3A_844 = arith.constant 8 : i32
        %dma_start3A_845 = arith.constant 0 : i32
        %dma_start3A_846 = arith.constant 0 : i32
        %dma_start3A_847 = tpu.memref_slice %arg6[%dma_start3A_843, %dma_start3A_845, %dma_start3A_846] : memref<10x64x128xf32, #tpu.memory_space<vmem>> -> memref<1x64x128xf32, #tpu.memory_space<vmem>>
        %dma_start3A_848 = tpu.memref_squeeze %dma_start3A_847 : memref<1x64x128xf32, #tpu.memory_space<vmem>> -> memref<64x128xf32, #tpu.memory_space<vmem>>
        %dma_start3A_849 = arith.constant 0 : i32
        %dma_start3A_850 = tpu.memref_slice %arg5[%add3A_842, %dma_start3A_849] : memref<100x64xi32, #tpu.memory_space<vmem>> -> memref<1x64xi32, #tpu.memory_space<vmem>>
        %dma_start3A_851 = tpu.memref_squeeze %dma_start3A_850 : memref<1x64xi32, #tpu.memory_space<vmem>> -> memref<64xi32, #tpu.memory_space<vmem>>
        %dma_start3A_852 = arith.constant 0 : i32
        %dma_start3A_853 = arith.constant 0 : i32
        %dma_start3A_854 = tpu.memref_slice %arg3[%dma_start3A_852, %dma_start3A_853] : memref<100000x128xf32, #tpu.memory_space<hbm>> -> memref<100000x128xf32, #tpu.memory_space<hbm>>
        %dma_start3A_855 = tpu.memref_slice %arg7[%dma_start3A_844] : memref<10x!tpu.dma_semaphore, #tpu.memory_space<semaphore_mem>> -> memref<1x!tpu.dma_semaphore, #tpu.memory_space<semaphore_mem>>
        %dma_start3A_856 = tpu.memref_squeeze %dma_start3A_855 : memref<1x!tpu.dma_semaphore, #tpu.memory_space<semaphore_mem>> -> memref<!tpu.dma_semaphore, #tpu.memory_space<semaphore_mem>>
        tpu.enqueue_indirect_dma source(%dma_start3A_854 : memref<100000x128xf32, #tpu.memory_space<hbm>>) target(%dma_start3A_848 : memref<64x128xf32, #tpu.memory_space<vmem>>) offsets(%dma_start3A_851 : memref<64xi32, #tpu.memory_space<vmem>>) semaphore(%dma_start3A_856 : memref<!tpu.dma_semaphore, #tpu.memory_space<semaphore_mem>>)
      } else {
      }
      %scan3A_820 = arith.constant 0 : i32
      scf.yield %scan3A_820 : i32
    }
    %scan3A_142 = arith.constant 10 : i32
    %dma_wait3A = arith.constant 0 : i32
    %dma_wait3A_143 = arith.constant 0 : i32
    %dma_wait3A_144 = arith.constant 0 : i32
    %dma_wait3A_145 = arith.constant 0 : i32
    %dma_wait3A_146 = tpu.memref_slice %arg6[%dma_wait3A, %dma_wait3A_144, %dma_wait3A_145] : memref<10x64x128xf32, #tpu.memory_space<vmem>> -> memref<1x64x128xf32, #tpu.memory_space<vmem>>
    %dma_wait3A_147 = tpu.memref_squeeze %dma_wait3A_146 : memref<1x64x128xf32, #tpu.memory_space<vmem>> -> memref<64x128xf32, #tpu.memory_space<vmem>>
    %dma_wait3A_148 = arith.constant 0 : i32
    %dma_wait3A_149 = tpu.memref_slice %arg4[%mul3A_2, %dma_wait3A_148] : memref<204800x128xf32, #tpu.memory_space<hbm>> -> memref<64x128xf32, #tpu.memory_space<hbm>>
    %dma_wait3A_150 = tpu.memref_slice %arg8[%dma_wait3A_143] : memref<10x!tpu.dma_semaphore, #tpu.memory_space<semaphore_mem>> -> memref<1x!tpu.dma_semaphore, #tpu.memory_space<semaphore_mem>>
    %dma_wait3A_151 = tpu.memref_squeeze %dma_wait3A_150 : memref<1x!tpu.dma_semaphore, #tpu.memory_space<semaphore_mem>> -> memref<!tpu.dma_semaphore, #tpu.memory_space<semaphore_mem>>
    %dma_wait3A_152 = arith.constant 0 : i32
    %dma_wait3A_153 = tpu.memref_slice %arg4[%mul3A_2, %dma_wait3A_152] : memref<204800x128xf32, #tpu.memory_space<hbm>> -> memref<64x128xf32, #tpu.memory_space<hbm>>
    %dma_wait3A_154 = arith.constant 0 : i32
    %dma_wait3A_155 = arith.constant 0 : i32
    %dma_wait3A_156 = tpu.memref_slice %arg6[%dma_wait3A, %dma_wait3A_154, %dma_wait3A_155] : memref<10x64x128xf32, #tpu.memory_space<vmem>> -> memref<1x64x128xf32, #tpu.memory_space<vmem>>
    %dma_wait3A_157 = tpu.memref_squeeze %dma_wait3A_156 : memref<1x64x128xf32, #tpu.memory_space<vmem>> -> memref<64x128xf32, #tpu.memory_space<vmem>>
    tpu.wait_dma2 semaphore(%dma_wait3A_151 : memref<!tpu.dma_semaphore, #tpu.memory_space<semaphore_mem>>) src(%dma_wait3A_157 : memref<64x128xf32, #tpu.memory_space<vmem>>) dst(%dma_wait3A_153 : memref<64x128xf32, #tpu.memory_space<hbm>>)
    %dma_wait3A_158 = arith.constant 1 : i32
    %dma_wait3A_159 = arith.constant 1 : i32
    %dma_wait3A_160 = arith.constant 0 : i32
    %dma_wait3A_161 = arith.constant 0 : i32
    %dma_wait3A_162 = tpu.memref_slice %arg6[%dma_wait3A_158, %dma_wait3A_160, %dma_wait3A_161] : memref<10x64x128xf32, #tpu.memory_space<vmem>> -> memref<1x64x128xf32, #tpu.memory_space<vmem>>
    %dma_wait3A_163 = tpu.memref_squeeze %dma_wait3A_162 : memref<1x64x128xf32, #tpu.memory_space<vmem>> -> memref<64x128xf32, #tpu.memory_space<vmem>>
    %dma_wait3A_164 = arith.constant 0 : i32
    %dma_wait3A_165 = tpu.memref_slice %arg4[%mul3A_2, %dma_wait3A_164] : memref<204800x128xf32, #tpu.memory_space<hbm>> -> memref<64x128xf32, #tpu.memory_space<hbm>>
    %dma_wait3A_166 = tpu.memref_slice %arg8[%dma_wait3A_159] : memref<10x!tpu.dma_semaphore, #tpu.memory_space<semaphore_mem>> -> memref<1x!tpu.dma_semaphore, #tpu.memory_space<semaphore_mem>>
    %dma_wait3A_167 = tpu.memref_squeeze %dma_wait3A_166 : memref<1x!tpu.dma_semaphore, #tpu.memory_space<semaphore_mem>> -> memref<!tpu.dma_semaphore, #tpu.memory_space<semaphore_mem>>
    %dma_wait3A_168 = arith.constant 0 : i32
    %dma_wait3A_169 = tpu.memref_slice %arg4[%mul3A_2, %dma_wait3A_168] : memref<204800x128xf32, #tpu.memory_space<hbm>> -> memref<64x128xf32, #tpu.memory_space<hbm>>
    %dma_wait3A_170 = arith.constant 0 : i32
    %dma_wait3A_171 = arith.constant 0 : i32
    %dma_wait3A_172 = tpu.memref_slice %arg6[%dma_wait3A_158, %dma_wait3A_170, %dma_wait3A_171] : memref<10x64x128xf32, #tpu.memory_space<vmem>> -> memref<1x64x128xf32, #tpu.memory_space<vmem>>
    %dma_wait3A_173 = tpu.memref_squeeze %dma_wait3A_172 : memref<1x64x128xf32, #tpu.memory_space<vmem>> -> memref<64x128xf32, #tpu.memory_space<vmem>>
    tpu.wait_dma2 semaphore(%dma_wait3A_167 : memref<!tpu.dma_semaphore, #tpu.memory_space<semaphore_mem>>) src(%dma_wait3A_173 : memref<64x128xf32, #tpu.memory_space<vmem>>) dst(%dma_wait3A_169 : memref<64x128xf32, #tpu.memory_space<hbm>>)
    %dma_wait3A_174 = arith.constant 2 : i32
    %dma_wait3A_175 = arith.constant 2 : i32
    %dma_wait3A_176 = arith.constant 0 : i32
    %dma_wait3A_177 = arith.constant 0 : i32
    %dma_wait3A_178 = tpu.memref_slice %arg6[%dma_wait3A_174, %dma_wait3A_176, %dma_wait3A_177] : memref<10x64x128xf32, #tpu.memory_space<vmem>> -> memref<1x64x128xf32, #tpu.memory_space<vmem>>
    %dma_wait3A_179 = tpu.memref_squeeze %dma_wait3A_178 : memref<1x64x128xf32, #tpu.memory_space<vmem>> -> memref<64x128xf32, #tpu.memory_space<vmem>>
    %dma_wait3A_180 = arith.constant 0 : i32
    %dma_wait3A_181 = tpu.memref_slice %arg4[%mul3A_2, %dma_wait3A_180] : memref<204800x128xf32, #tpu.memory_space<hbm>> -> memref<64x128xf32, #tpu.memory_space<hbm>>
    %dma_wait3A_182 = tpu.memref_slice %arg8[%dma_wait3A_175] : memref<10x!tpu.dma_semaphore, #tpu.memory_space<semaphore_mem>> -> memref<1x!tpu.dma_semaphore, #tpu.memory_space<semaphore_mem>>
    %dma_wait3A_183 = tpu.memref_squeeze %dma_wait3A_182 : memref<1x!tpu.dma_semaphore, #tpu.memory_space<semaphore_mem>> -> memref<!tpu.dma_semaphore, #tpu.memory_space<semaphore_mem>>
    %dma_wait3A_184 = arith.constant 0 : i32
    %dma_wait3A_185 = tpu.memref_slice %arg4[%mul3A_2, %dma_wait3A_184] : memref<204800x128xf32, #tpu.memory_space<hbm>> -> memref<64x128xf32, #tpu.memory_space<hbm>>
    %dma_wait3A_186 = arith.constant 0 : i32
    %dma_wait3A_187 = arith.constant 0 : i32
    %dma_wait3A_188 = tpu.memref_slice %arg6[%dma_wait3A_174, %dma_wait3A_186, %dma_wait3A_187] : memref<10x64x128xf32, #tpu.memory_space<vmem>> -> memref<1x64x128xf32, #tpu.memory_space<vmem>>
    %dma_wait3A_189 = tpu.memref_squeeze %dma_wait3A_188 : memref<1x64x128xf32, #tpu.memory_space<vmem>> -> memref<64x128xf32, #tpu.memory_space<vmem>>
    tpu.wait_dma2 semaphore(%dma_wait3A_183 : memref<!tpu.dma_semaphore, #tpu.memory_space<semaphore_mem>>) src(%dma_wait3A_189 : memref<64x128xf32, #tpu.memory_space<vmem>>) dst(%dma_wait3A_185 : memref<64x128xf32, #tpu.memory_space<hbm>>)
    %dma_wait3A_190 = arith.constant 3 : i32
    %dma_wait3A_191 = arith.constant 3 : i32
    %dma_wait3A_192 = arith.constant 0 : i32
    %dma_wait3A_193 = arith.constant 0 : i32
    %dma_wait3A_194 = tpu.memref_slice %arg6[%dma_wait3A_190, %dma_wait3A_192, %dma_wait3A_193] : memref<10x64x128xf32, #tpu.memory_space<vmem>> -> memref<1x64x128xf32, #tpu.memory_space<vmem>>
    %dma_wait3A_195 = tpu.memref_squeeze %dma_wait3A_194 : memref<1x64x128xf32, #tpu.memory_space<vmem>> -> memref<64x128xf32, #tpu.memory_space<vmem>>
    %dma_wait3A_196 = arith.constant 0 : i32
    %dma_wait3A_197 = tpu.memref_slice %arg4[%mul3A_2, %dma_wait3A_196] : memref<204800x128xf32, #tpu.memory_space<hbm>> -> memref<64x128xf32, #tpu.memory_space<hbm>>
    %dma_wait3A_198 = tpu.memref_slice %arg8[%dma_wait3A_191] : memref<10x!tpu.dma_semaphore, #tpu.memory_space<semaphore_mem>> -> memref<1x!tpu.dma_semaphore, #tpu.memory_space<semaphore_mem>>
    %dma_wait3A_199 = tpu.memref_squeeze %dma_wait3A_198 : memref<1x!tpu.dma_semaphore, #tpu.memory_space<semaphore_mem>> -> memref<!tpu.dma_semaphore, #tpu.memory_space<semaphore_mem>>
    %dma_wait3A_200 = arith.constant 0 : i32
    %dma_wait3A_201 = tpu.memref_slice %arg4[%mul3A_2, %dma_wait3A_200] : memref<204800x128xf32, #tpu.memory_space<hbm>> -> memref<64x128xf32, #tpu.memory_space<hbm>>
    %dma_wait3A_202 = arith.constant 0 : i32
    %dma_wait3A_203 = arith.constant 0 : i32
    %dma_wait3A_204 = tpu.memref_slice %arg6[%dma_wait3A_190, %dma_wait3A_202, %dma_wait3A_203] : memref<10x64x128xf32, #tpu.memory_space<vmem>> -> memref<1x64x128xf32, #tpu.memory_space<vmem>>
    %dma_wait3A_205 = tpu.memref_squeeze %dma_wait3A_204 : memref<1x64x128xf32, #tpu.memory_space<vmem>> -> memref<64x128xf32, #tpu.memory_space<vmem>>
    tpu.wait_dma2 semaphore(%dma_wait3A_199 : memref<!tpu.dma_semaphore, #tpu.memory_space<semaphore_mem>>) src(%dma_wait3A_205 : memref<64x128xf32, #tpu.memory_space<vmem>>) dst(%dma_wait3A_201 : memref<64x128xf32, #tpu.memory_space<hbm>>)
    %dma_wait3A_206 = arith.constant 4 : i32
    %dma_wait3A_207 = arith.constant 4 : i32
    %dma_wait3A_208 = arith.constant 0 : i32
    %dma_wait3A_209 = arith.constant 0 : i32
    %dma_wait3A_210 = tpu.memref_slice %arg6[%dma_wait3A_206, %dma_wait3A_208, %dma_wait3A_209] : memref<10x64x128xf32, #tpu.memory_space<vmem>> -> memref<1x64x128xf32, #tpu.memory_space<vmem>>
    %dma_wait3A_211 = tpu.memref_squeeze %dma_wait3A_210 : memref<1x64x128xf32, #tpu.memory_space<vmem>> -> memref<64x128xf32, #tpu.memory_space<vmem>>
    %dma_wait3A_212 = arith.constant 0 : i32
    %dma_wait3A_213 = tpu.memref_slice %arg4[%mul3A_2, %dma_wait3A_212] : memref<204800x128xf32, #tpu.memory_space<hbm>> -> memref<64x128xf32, #tpu.memory_space<hbm>>
    %dma_wait3A_214 = tpu.memref_slice %arg8[%dma_wait3A_207] : memref<10x!tpu.dma_semaphore, #tpu.memory_space<semaphore_mem>> -> memref<1x!tpu.dma_semaphore, #tpu.memory_space<semaphore_mem>>
    %dma_wait3A_215 = tpu.memref_squeeze %dma_wait3A_214 : memref<1x!tpu.dma_semaphore, #tpu.memory_space<semaphore_mem>> -> memref<!tpu.dma_semaphore, #tpu.memory_space<semaphore_mem>>
    %dma_wait3A_216 = arith.constant 0 : i32
    %dma_wait3A_217 = tpu.memref_slice %arg4[%mul3A_2, %dma_wait3A_216] : memref<204800x128xf32, #tpu.memory_space<hbm>> -> memref<64x128xf32, #tpu.memory_space<hbm>>
    %dma_wait3A_218 = arith.constant 0 : i32
    %dma_wait3A_219 = arith.constant 0 : i32
    %dma_wait3A_220 = tpu.memref_slice %arg6[%dma_wait3A_206, %dma_wait3A_218, %dma_wait3A_219] : memref<10x64x128xf32, #tpu.memory_space<vmem>> -> memref<1x64x128xf32, #tpu.memory_space<vmem>>
    %dma_wait3A_221 = tpu.memref_squeeze %dma_wait3A_220 : memref<1x64x128xf32, #tpu.memory_space<vmem>> -> memref<64x128xf32, #tpu.memory_space<vmem>>
    tpu.wait_dma2 semaphore(%dma_wait3A_215 : memref<!tpu.dma_semaphore, #tpu.memory_space<semaphore_mem>>) src(%dma_wait3A_221 : memref<64x128xf32, #tpu.memory_space<vmem>>) dst(%dma_wait3A_217 : memref<64x128xf32, #tpu.memory_space<hbm>>)
    %dma_wait3A_222 = arith.constant 5 : i32
    %dma_wait3A_223 = arith.constant 5 : i32
    %dma_wait3A_224 = arith.constant 0 : i32
    %dma_wait3A_225 = arith.constant 0 : i32
    %dma_wait3A_226 = tpu.memref_slice %arg6[%dma_wait3A_222, %dma_wait3A_224, %dma_wait3A_225] : memref<10x64x128xf32, #tpu.memory_space<vmem>> -> memref<1x64x128xf32, #tpu.memory_space<vmem>>
    %dma_wait3A_227 = tpu.memref_squeeze %dma_wait3A_226 : memref<1x64x128xf32, #tpu.memory_space<vmem>> -> memref<64x128xf32, #tpu.memory_space<vmem>>
    %dma_wait3A_228 = arith.constant 0 : i32
    %dma_wait3A_229 = tpu.memref_slice %arg4[%mul3A_2, %dma_wait3A_228] : memref<204800x128xf32, #tpu.memory_space<hbm>> -> memref<64x128xf32, #tpu.memory_space<hbm>>
    %dma_wait3A_230 = tpu.memref_slice %arg8[%dma_wait3A_223] : memref<10x!tpu.dma_semaphore, #tpu.memory_space<semaphore_mem>> -> memref<1x!tpu.dma_semaphore, #tpu.memory_space<semaphore_mem>>
    %dma_wait3A_231 = tpu.memref_squeeze %dma_wait3A_230 : memref<1x!tpu.dma_semaphore, #tpu.memory_space<semaphore_mem>> -> memref<!tpu.dma_semaphore, #tpu.memory_space<semaphore_mem>>
    %dma_wait3A_232 = arith.constant 0 : i32
    %dma_wait3A_233 = tpu.memref_slice %arg4[%mul3A_2, %dma_wait3A_232] : memref<204800x128xf32, #tpu.memory_space<hbm>> -> memref<64x128xf32, #tpu.memory_space<hbm>>
    %dma_wait3A_234 = arith.constant 0 : i32
    %dma_wait3A_235 = arith.constant 0 : i32
    %dma_wait3A_236 = tpu.memref_slice %arg6[%dma_wait3A_222, %dma_wait3A_234, %dma_wait3A_235] : memref<10x64x128xf32, #tpu.memory_space<vmem>> -> memref<1x64x128xf32, #tpu.memory_space<vmem>>
    %dma_wait3A_237 = tpu.memref_squeeze %dma_wait3A_236 : memref<1x64x128xf32, #tpu.memory_space<vmem>> -> memref<64x128xf32, #tpu.memory_space<vmem>>
    tpu.wait_dma2 semaphore(%dma_wait3A_231 : memref<!tpu.dma_semaphore, #tpu.memory_space<semaphore_mem>>) src(%dma_wait3A_237 : memref<64x128xf32, #tpu.memory_space<vmem>>) dst(%dma_wait3A_233 : memref<64x128xf32, #tpu.memory_space<hbm>>)
    %dma_wait3A_238 = arith.constant 6 : i32
    %dma_wait3A_239 = arith.constant 6 : i32
    %dma_wait3A_240 = arith.constant 0 : i32
    %dma_wait3A_241 = arith.constant 0 : i32
    %dma_wait3A_242 = tpu.memref_slice %arg6[%dma_wait3A_238, %dma_wait3A_240, %dma_wait3A_241] : memref<10x64x128xf32, #tpu.memory_space<vmem>> -> memref<1x64x128xf32, #tpu.memory_space<vmem>>
    %dma_wait3A_243 = tpu.memref_squeeze %dma_wait3A_242 : memref<1x64x128xf32, #tpu.memory_space<vmem>> -> memref<64x128xf32, #tpu.memory_space<vmem>>
    %dma_wait3A_244 = arith.constant 0 : i32
    %dma_wait3A_245 = tpu.memref_slice %arg4[%mul3A_2, %dma_wait3A_244] : memref<204800x128xf32, #tpu.memory_space<hbm>> -> memref<64x128xf32, #tpu.memory_space<hbm>>
    %dma_wait3A_246 = tpu.memref_slice %arg8[%dma_wait3A_239] : memref<10x!tpu.dma_semaphore, #tpu.memory_space<semaphore_mem>> -> memref<1x!tpu.dma_semaphore, #tpu.memory_space<semaphore_mem>>
    %dma_wait3A_247 = tpu.memref_squeeze %dma_wait3A_246 : memref<1x!tpu.dma_semaphore, #tpu.memory_space<semaphore_mem>> -> memref<!tpu.dma_semaphore, #tpu.memory_space<semaphore_mem>>
    %dma_wait3A_248 = arith.constant 0 : i32
    %dma_wait3A_249 = tpu.memref_slice %arg4[%mul3A_2, %dma_wait3A_248] : memref<204800x128xf32, #tpu.memory_space<hbm>> -> memref<64x128xf32, #tpu.memory_space<hbm>>
    %dma_wait3A_250 = arith.constant 0 : i32
    %dma_wait3A_251 = arith.constant 0 : i32
    %dma_wait3A_252 = tpu.memref_slice %arg6[%dma_wait3A_238, %dma_wait3A_250, %dma_wait3A_251] : memref<10x64x128xf32, #tpu.memory_space<vmem>> -> memref<1x64x128xf32, #tpu.memory_space<vmem>>
    %dma_wait3A_253 = tpu.memref_squeeze %dma_wait3A_252 : memref<1x64x128xf32, #tpu.memory_space<vmem>> -> memref<64x128xf32, #tpu.memory_space<vmem>>
    tpu.wait_dma2 semaphore(%dma_wait3A_247 : memref<!tpu.dma_semaphore, #tpu.memory_space<semaphore_mem>>) src(%dma_wait3A_253 : memref<64x128xf32, #tpu.memory_space<vmem>>) dst(%dma_wait3A_249 : memref<64x128xf32, #tpu.memory_space<hbm>>)
    %dma_wait3A_254 = arith.constant 7 : i32
    %dma_wait3A_255 = arith.constant 7 : i32
    %dma_wait3A_256 = arith.constant 0 : i32
    %dma_wait3A_257 = arith.constant 0 : i32
    %dma_wait3A_258 = tpu.memref_slice %arg6[%dma_wait3A_254, %dma_wait3A_256, %dma_wait3A_257] : memref<10x64x128xf32, #tpu.memory_space<vmem>> -> memref<1x64x128xf32, #tpu.memory_space<vmem>>
    %dma_wait3A_259 = tpu.memref_squeeze %dma_wait3A_258 : memref<1x64x128xf32, #tpu.memory_space<vmem>> -> memref<64x128xf32, #tpu.memory_space<vmem>>
    %dma_wait3A_260 = arith.constant 0 : i32
    %dma_wait3A_261 = tpu.memref_slice %arg4[%mul3A_2, %dma_wait3A_260] : memref<204800x128xf32, #tpu.memory_space<hbm>> -> memref<64x128xf32, #tpu.memory_space<hbm>>
    %dma_wait3A_262 = tpu.memref_slice %arg8[%dma_wait3A_255] : memref<10x!tpu.dma_semaphore, #tpu.memory_space<semaphore_mem>> -> memref<1x!tpu.dma_semaphore, #tpu.memory_space<semaphore_mem>>
    %dma_wait3A_263 = tpu.memref_squeeze %dma_wait3A_262 : memref<1x!tpu.dma_semaphore, #tpu.memory_space<semaphore_mem>> -> memref<!tpu.dma_semaphore, #tpu.memory_space<semaphore_mem>>
    %dma_wait3A_264 = arith.constant 0 : i32
    %dma_wait3A_265 = tpu.memref_slice %arg4[%mul3A_2, %dma_wait3A_264] : memref<204800x128xf32, #tpu.memory_space<hbm>> -> memref<64x128xf32, #tpu.memory_space<hbm>>
    %dma_wait3A_266 = arith.constant 0 : i32
    %dma_wait3A_267 = arith.constant 0 : i32
    %dma_wait3A_268 = tpu.memref_slice %arg6[%dma_wait3A_254, %dma_wait3A_266, %dma_wait3A_267] : memref<10x64x128xf32, #tpu.memory_space<vmem>> -> memref<1x64x128xf32, #tpu.memory_space<vmem>>
    %dma_wait3A_269 = tpu.memref_squeeze %dma_wait3A_268 : memref<1x64x128xf32, #tpu.memory_space<vmem>> -> memref<64x128xf32, #tpu.memory_space<vmem>>
    tpu.wait_dma2 semaphore(%dma_wait3A_263 : memref<!tpu.dma_semaphore, #tpu.memory_space<semaphore_mem>>) src(%dma_wait3A_269 : memref<64x128xf32, #tpu.memory_space<vmem>>) dst(%dma_wait3A_265 : memref<64x128xf32, #tpu.memory_space<hbm>>)
    %dma_wait3A_270 = arith.constant 8 : i32
    %dma_wait3A_271 = arith.constant 8 : i32
    %dma_wait3A_272 = arith.constant 0 : i32
    %dma_wait3A_273 = arith.constant 0 : i32
    %dma_wait3A_274 = tpu.memref_slice %arg6[%dma_wait3A_270, %dma_wait3A_272, %dma_wait3A_273] : memref<10x64x128xf32, #tpu.memory_space<vmem>> -> memref<1x64x128xf32, #tpu.memory_space<vmem>>
    %dma_wait3A_275 = tpu.memref_squeeze %dma_wait3A_274 : memref<1x64x128xf32, #tpu.memory_space<vmem>> -> memref<64x128xf32, #tpu.memory_space<vmem>>
    %dma_wait3A_276 = arith.constant 0 : i32
    %dma_wait3A_277 = tpu.memref_slice %arg4[%mul3A_2, %dma_wait3A_276] : memref<204800x128xf32, #tpu.memory_space<hbm>> -> memref<64x128xf32, #tpu.memory_space<hbm>>
    %dma_wait3A_278 = tpu.memref_slice %arg8[%dma_wait3A_271] : memref<10x!tpu.dma_semaphore, #tpu.memory_space<semaphore_mem>> -> memref<1x!tpu.dma_semaphore, #tpu.memory_space<semaphore_mem>>
    %dma_wait3A_279 = tpu.memref_squeeze %dma_wait3A_278 : memref<1x!tpu.dma_semaphore, #tpu.memory_space<semaphore_mem>> -> memref<!tpu.dma_semaphore, #tpu.memory_space<semaphore_mem>>
    %dma_wait3A_280 = arith.constant 0 : i32
    %dma_wait3A_281 = tpu.memref_slice %arg4[%mul3A_2, %dma_wait3A_280] : memref<204800x128xf32, #tpu.memory_space<hbm>> -> memref<64x128xf32, #tpu.memory_space<hbm>>
    %dma_wait3A_282 = arith.constant 0 : i32
    %dma_wait3A_283 = arith.constant 0 : i32
    %dma_wait3A_284 = tpu.memref_slice %arg6[%dma_wait3A_270, %dma_wait3A_282, %dma_wait3A_283] : memref<10x64x128xf32, #tpu.memory_space<vmem>> -> memref<1x64x128xf32, #tpu.memory_space<vmem>>
    %dma_wait3A_285 = tpu.memref_squeeze %dma_wait3A_284 : memref<1x64x128xf32, #tpu.memory_space<vmem>> -> memref<64x128xf32, #tpu.memory_space<vmem>>
    tpu.wait_dma2 semaphore(%dma_wait3A_279 : memref<!tpu.dma_semaphore, #tpu.memory_space<semaphore_mem>>) src(%dma_wait3A_285 : memref<64x128xf32, #tpu.memory_space<vmem>>) dst(%dma_wait3A_281 : memref<64x128xf32, #tpu.memory_space<hbm>>)
    %dma_wait3A_286 = arith.constant 9 : i32
    %dma_wait3A_287 = arith.constant 9 : i32
    %dma_wait3A_288 = arith.constant 0 : i32
    %dma_wait3A_289 = arith.constant 0 : i32
    %dma_wait3A_290 = tpu.memref_slice %arg6[%dma_wait3A_286, %dma_wait3A_288, %dma_wait3A_289] : memref<10x64x128xf32, #tpu.memory_space<vmem>> -> memref<1x64x128xf32, #tpu.memory_space<vmem>>
    %dma_wait3A_291 = tpu.memref_squeeze %dma_wait3A_290 : memref<1x64x128xf32, #tpu.memory_space<vmem>> -> memref<64x128xf32, #tpu.memory_space<vmem>>
    %dma_wait3A_292 = arith.constant 0 : i32
    %dma_wait3A_293 = tpu.memref_slice %arg4[%mul3A_2, %dma_wait3A_292] : memref<204800x128xf32, #tpu.memory_space<hbm>> -> memref<64x128xf32, #tpu.memory_space<hbm>>
    %dma_wait3A_294 = tpu.memref_slice %arg8[%dma_wait3A_287] : memref<10x!tpu.dma_semaphore, #tpu.memory_space<semaphore_mem>> -> memref<1x!tpu.dma_semaphore, #tpu.memory_space<semaphore_mem>>
    %dma_wait3A_295 = tpu.memref_squeeze %dma_wait3A_294 : memref<1x!tpu.dma_semaphore, #tpu.memory_space<semaphore_mem>> -> memref<!tpu.dma_semaphore, #tpu.memory_space<semaphore_mem>>
    %dma_wait3A_296 = arith.constant 0 : i32
    %dma_wait3A_297 = tpu.memref_slice %arg4[%mul3A_2, %dma_wait3A_296] : memref<204800x128xf32, #tpu.memory_space<hbm>> -> memref<64x128xf32, #tpu.memory_space<hbm>>
    %dma_wait3A_298 = arith.constant 0 : i32
    %dma_wait3A_299 = arith.constant 0 : i32
    %dma_wait3A_300 = tpu.memref_slice %arg6[%dma_wait3A_286, %dma_wait3A_298, %dma_wait3A_299] : memref<10x64x128xf32, #tpu.memory_space<vmem>> -> memref<1x64x128xf32, #tpu.memory_space<vmem>>
    %dma_wait3A_301 = tpu.memref_squeeze %dma_wait3A_300 : memref<1x64x128xf32, #tpu.memory_space<vmem>> -> memref<64x128xf32, #tpu.memory_space<vmem>>
    tpu.wait_dma2 semaphore(%dma_wait3A_295 : memref<!tpu.dma_semaphore, #tpu.memory_space<semaphore_mem>>) src(%dma_wait3A_301 : memref<64x128xf32, #tpu.memory_space<vmem>>) dst(%dma_wait3A_297 : memref<64x128xf32, #tpu.memory_space<hbm>>)
    return
  }
}

</mosaic_0001>

<sc_bundles>
// kernel: _embed.3.cloned.1.call-start
scs
__scs_entry_jumppad:
0x0: {  	(pc) =	sbr.rel $0x88, $3  }
0x1: {  	(tag) =	ssettag $0x0;
	lr =	simm.s32 $0x1  }
0x2: {  	[smem:$0x3F9F] =	sst lr;
	_ =	strace $0xD0000000  }
0x3: {  	_ = 	snop  }
0x4: {  	_ = 	snop  }
0x5: {  	_ = 	snop  }
0x6: {  	_ = 	snop  }
0x7: {  	_ = 	snop  }
__scs_overlays_trampoline_lowered:
0x8: {  	[smem:$0x3FAE] =	sst s0  }
0x9: {  	[smem:$0x3FAF] =	sst s1  }
0xa: {  	[smem:$0x3FB0] =	sst s2  }
0xb: {  	[smem:$0x3FB1] =	sst s3  }
0xc: {  	[smem:$0x3FB2] =	sst s4  }
0xd: {  	[smem:$0x3FB3] =	sst s5  }
0xe: {  	[smem:$0x3FB4] =	sst s6  }
0xf: {  	[smem:$0x3FB5] =	sst s7  }
0x10: {  	[smem:$0x3FB6] =	sst s8  }
0x11: {  	[smem:$0x3FB7] =	sst s9;
	s0 =	simm.s32 @!p0 $0x0  }
0x12: {  	s1 =	sld [smem:$0x3F9D];
	s0 =	simm.s32 @p0 $0x1  }
0x13: {  	[smem:$0x3FB8] =	sst s0;
	s0 =	simm.s32 @!p1 $0x0  }
0x14: {  	s2 =	sld [smem:$0x3F9C];
	s0 =	simm.s32 @p1 $0x1  }
0x15: {  	[smem:$0x3FB9] =	sst s0;
	s0 =	simm.s32 @!p2 $0x0  }
0x16: {  	s3 =	sld [smem:$0x3FDB];
	s0 =	simm.s32 @p2 $0x1  }
0x17: {  	s4 =	simm.s32 $0x1BF5;
	[smem:$0x3FBB] =	sst s0  }
0x18: {  	s0 =	sld [smem:$0x3F9E];
	_ =	swait.ge [sflag:s4], $0x0  }
0x19: {  	s7 =	sld [smem:$0x3F9F]  }
0x1a: {  	s8 =	sadd.s32 $0xFFFFE003, lr  }
0x1b: {  	s9 =	sadd.s32 $0xFFFFFEF7, lr;
	s5 =	simm.s32 $0xFFFFFFFF;
	p2 =	slt.u32 s8, $0xFFFFF086  }
0x1c: {  	p1 =	slt.u32 s9, $0xF7A;
	s5 =	simm.s32 @!p2 $0x0  }
0x1d: {  	s5 =	simm.s32 @p1 $0x1;
	p0 =	seq.s32 s7, s2  }
0x1e: {  	s7 =	smul.u32 @!p0 $0xF7A, s2;
	p2 =	seq.s32 @!p0 s5, $0x0  }
0x1f: {  	s9 =	smul.u32 $0xF7A, s1;
	s8 =	simm.s32 @!p0 $0x1BF5;
	p2 =	por !p2, p0  }
0x20: {  	[sflag:s8] =	ssyncset.s32 @!p0 $0xFFFFF086;
	s6 =	sadd.s32 @!p0 s3, s7;
	s7 =	simm.s32 @!p0 $0x108  }
0x21: {  	s3 =	sadd.s32 s3, s9;
	s6 =	sadd.s32 @!p0 $0x88, s6;
	s7 =	simm.s32 @p2 $0x1082  }
0x22: {  	[simem:s7], [sflag:s8] =	dma.local @!p0 [hbm:s6], $0xF7A  }
0x23: {  	s9 =	sor.u32 $0xD0000000, s2;
	s6 =	simm.s32 $0x108;
	_ =	swait.ge @!p0 [sflag:s8], $0x0  }
0x24: {  	s3 =	sadd.s32 $0x88, s3;
	s6 =	simm.s32 @!p1 $0x1082;
	[sflag:s4] =	ssyncset.s32 $0xFFFFF086  }
0x25: {  	[simem:s6], [sflag:s4] =	dma.local [hbm:s3], $0xF7A  }
0x26: {  	[smem:$0x3F9F] =	sst s1;
	(tag) =	ssettag s2;
	_ =	strace s9  }
0x27: {  	s1 =	sld [smem:$0x3FAF]  }
0x28: {  	s2 =	sld [smem:$0x3FB0]  }
0x29: {  	s4 =	sld [smem:$0x3FB2]  }
0x2a: {  	p0 =	seq.s32 s5, $0x0;
	s5 =	sld [smem:$0x3FB3]  }
0x2b: {  	s6 =	sld [smem:$0x3FB4]  }
0x2c: {  	s7 =	sld [smem:$0x3FB5]  }
0x2d: {  	s3 =	simm.s32 $0x108;
	s8 =	sld [smem:$0x3FB6]  }
0x2e: {  	s3 =	simm.s32 @!p0 $0x1082;
	s9 =	sld [smem:$0x3FB7]  }
0x2f: {  	lr =	sadd.s32 s0, s3;
	s0 =	sld [smem:$0x3FAE]  }
0x30: {  	s3 =	sld [smem:$0x3FB1]  }
0x31: {  	[smem:$0x3FBA] =	sst s10  }
0x32: {  	s10 =	sld [smem:$0x3FB8];
	_ =	sdelay $0x3  }
0x33: {  	p0 =	seq.s32 s10, $0x1;
	s10 =	sld [smem:$0x3FBA];
	_ =	sdelay $0x3  }
0x34: {  	[smem:$0x3FBA] =	sst s10  }
0x35: {  	s10 =	sld [smem:$0x3FB9];
	_ =	sdelay $0x3  }
0x36: {  	p1 =	seq.s32 s10, $0x1;
	s10 =	sld [smem:$0x3FBA];
	_ =	sdelay $0x3  }
0x37: {  	[smem:$0x3FBA] =	sst s10  }
0x38: {  	s10 =	sld [smem:$0x3FBB]  }
0x39: {  	_ = 	snop;
	(pc) =	sbr.ind lr, $3  }
0x3a: {  	_ = 	snop  }
0x3b: {  	_ = 	snop  }
0x3c: {  	p2 =	seq.s32 s10, $0x1;
	s10 =	sld [smem:$0x3FBA]  }
0x3d: {  	_ =	shalt  }
0x3e: {  	_ =	shalt  }
0x3f: {  	_ =	shalt  }
0x40: {  	_ =	shalt  }
0x41: {  	_ =	shalt  }
0x42: {  	_ =	shalt  }
0x43: {  	_ =	shalt  }
0x44: {  	_ =	shalt  }
0x45: {  	_ =	shalt  }
0x46: {  	_ =	shalt  }
0x47: {  	_ =	shalt  }
0x48: {  	_ =	shalt  }
0x49: {  	_ =	shalt  }
0x4a: {  	_ =	shalt  }
0x4b: {  	_ =	shalt  }
0x4c: {  	_ =	shalt  }
0x4d: {  	_ =	shalt  }
0x4e: {  	_ =	shalt  }
0x4f: {  	_ =	shalt  }
0x50: {  	_ =	shalt  }
0x51: {  	_ =	shalt  }
0x52: {  	_ =	shalt  }
0x53: {  	_ =	shalt  }
0x54: {  	_ =	shalt  }
0x55: {  	_ =	shalt  }
0x56: {  	_ =	shalt  }
0x57: {  	_ =	shalt  }
0x58: {  	_ =	shalt  }
0x59: {  	_ =	shalt  }
0x5a: {  	_ =	shalt  }
0x5b: {  	_ =	shalt  }
0x5c: {  	_ =	shalt  }
0x5d: {  	_ =	shalt  }
0x5e: {  	_ =	shalt  }
0x5f: {  	_ =	shalt  }
0x60: {  	_ =	shalt  }
0x61: {  	_ =	shalt  }
0x62: {  	_ =	shalt  }
0x63: {  	_ =	shalt  }
0x64: {  	_ =	shalt  }
0x65: {  	_ =	shalt  }
0x66: {  	_ =	shalt  }
0x67: {  	_ =	shalt  }
0x68: {  	_ =	shalt  }
0x69: {  	_ =	shalt  }
0x6a: {  	_ =	shalt  }
0x6b: {  	_ =	shalt  }
0x6c: {  	_ =	shalt  }
0x6d: {  	_ =	shalt  }
0x6e: {  	_ =	shalt  }
0x6f: {  	_ =	shalt  }
0x70: {  	_ =	shalt  }
0x71: {  	_ =	shalt  }
0x72: {  	_ =	shalt  }
0x73: {  	_ =	shalt  }
0x74: {  	_ =	shalt  }
0x75: {  	_ =	shalt  }
0x76: {  	_ =	shalt  }
0x77: {  	_ =	shalt  }
0x78: {  	_ =	shalt  }
0x79: {  	_ =	shalt  }
0x7a: {  	_ =	shalt  }
0x7b: {  	_ =	shalt  }
0x7c: {  	_ =	shalt  }
0x7d: {  	_ =	shalt  }
0x7e: {  	_ =	shalt  }
0x7f: {  	_ =	shalt  }
0x80: {  	_ =	shalt  }
0x81: {  	_ =	shalt  }
0x82: {  	_ =	shalt  }
0x83: {  	_ =	shalt  }
0x84: {  	_ =	shalt  }
0x85: {  	_ =	shalt  }
0x86: {  	_ =	shalt  }
0x87: {  	_ =	shalt  }
.Lfunc_end0:
.L_simem_size_0:
called_computation_lowered:
.L_overlay_start_0:
0x88: {  	s2 =	sld [smem:$0x3FD9]  }
0x89: {  	s3 =	sld [smem:$0x3FFE];
	_ =	sdelay $0x1  }
0x8a: {  	s1 =	srdreg.scid  }
0x8b: {  	s0 =	sand.u32 $0x1, s1  }
0x8c: {  	s17 =	sshll.u32 s0, $0xA;
	s2 =	sadd.s32 s3, s2  }
0x8d: {  	s2 =	sadd.s32 s2, s17  }
0x8e: {  	[smem:$0x3FC6] =	sst s2  }
0x8f: {  	_ = 	snop  }
0x90: {  	s2 =	sld [smem:$0x3FC8]  }
0x91: {  	s18 =	sld [smem:$0x3FD0];
	(tm) =	ssettm $0x1  }
0x92: {  	s4 =	sld [smem:$0x3FFB];
	_ =	sdelay $0x3  }
0x93: {  	_ =	strace s4  }
0x94: {  	s4 =	sld [smem:$0x3FFC];
	_ =	sdelay $0x3  }
0x95: {  	_ =	strace s4  }
0x96: {  	s4 =	sld [smem:$0x3FFD];
	_ =	sdelay $0x3  }
0x97: {  	_ =	strace s4  }
0x98: {  	_ =	strace $0x8FFFFFFF  }
0x99: {  	s19 =	sld [smem:$0x3FDB];
	_ =	sdelay $0x1  }
0x9a: {  	s5 =	simm.s32 $_scs_section_size  }
0x9b: {  	s6 =	simm.s32 $_size__tile_overlayer_lowered;
	s7 =	simm.s32 $_tile_overlayer_lowered  }
0x9c: {  	s22 =	simm.s32 $0x1BFF;
	s21 =	sshll.u32 s7, $0x1;
	s4 =	sadd.s32 s5, s19  }
0x9d: {  	s8 =	simm.s32 $0x0;
	s20 =	sshll.u32 s6, $0x1;
	s6 =	sadd.s32 s21, s4  }
0x9e: {  	[timem:s8], [sflag:s22] =	dma.local [hbm:s6], s20  }
0x9f: {  	_ =	swait.ge [sflag:s22], s20  }
0xa0: {  	s5 =	ssub.s32 $0x0, s20;
	[sflag:s22] =	ssyncset.done $0x0  }
0xa1: {  	[sflag:s22] =	ssyncadd.s32 s5;
	_ =	sdelay $0x1  }
0xa2: {  	s23 =	simm.s32 $0x1B8B  }
0xa3: {  	_ =	swait.ge [sflag:s23], $0x1  }
0xa4: {  	[sflag:s23] =	ssyncset.done $0x0  }
0xa5: {  	s25 =	simm.s32 $0x1B8E;
	s24 =	sld [smem:$0x3FFE];
	[sflag:s23] =	ssyncadd.s32 $0xFFFFFFFF  }
0xa6: {  	s26 =	simm.s32 $execute0_lowered;
	[smem:$0x3FD2] =	sst s25  }
0xa7: {  	s6 =	sshll.u32 s26, $0x1;
	_ =	strace $0x80000046;
	[dreg:$0x1] =	wrdreg $0xFFFFFFFF  }
0xa8: {  	s28 =	simm.s32 $_size_execute0_lowered;
	s4 =	sadd.s32 s4, s6;
	[dreg:$0x0] =	wrdreg $0x0  }
0xa9: {  	s6 =	sshll.u32 s28, $0x1;
	[dreg:$0x2] =	wrdreg s4  }
0xaa: {  	[dreg:$0x3] =	wrdreg s6  }
0xab: {  	[dreg:$0x4] =	wrdreg $0xC0  }
0xac: {  	_ =	task [dreg:s8], $0x5FFFF  }
0xad: {  	[dreg:$0x1] =	wrdreg $0xFFFFFFFF  }
0xae: {  	[dreg:$0x0] =	wrdreg $0x60  }
0xaf: {  	[dreg:$0x2] =	wrdreg s24  }
0xb0: {  	[dreg:$0x3] =	wrdreg s2  }
0xb1: {  	[dreg:$0x4] =	wrdreg s18  }
0xb2: {  	[dreg:$0x5] =	wrdreg $0x9  }
0xb3: {  	_ =	task.clear_ibuf [dreg:s8], $0x6FFFF;
	_ =	strace $0x90000046  }
0xb4: {  	s29 =	simm.s32 $0x9;
	_ =	strace $0x80000048  }
0xb5: {  	_ =	swait.ge [sflag:s29], $0x1  }
0xb6: {  	[sflag:s29] =	ssyncadd.s32 $0xFFFFFFFF  }
0xb7: {  	_ =	strace $0x90000048  }
0xb8: {  	_ =	sfence  }
0xb9: {  	s30 =	sld [smem:$0x0];
	_ =	sdelay $0x2  }
0xba: {  	s31 =	sshll.u32 s1, $0xD;
	s1 =	sshrl.u32 s1, $0x2  }
0xbb: {  	s3 =	sand.u32 $0x4000, s31;
	s1 =	sadd.s32 s1, s30  }
0xbc: {  	s0 =	sor.u32 s3, s0;
	s1 =	sshll.u32 s1, $0x11  }
0xbd: {  	s0 =	sor.u32 s1, s0  }
0xbe: {  	s0 =	sadd.s32 $0x8F2B, s0  }
0xbf: {  	[sflag:s0] =	ssyncadd.remote.s32 $0x1  }
0xc0: {  	_ =	sfence.sel $0xFFFF  }
0xc1: {  	[dreg:$0x0] =	wrdreg $0xFFFFFFFF;
	(pc) =	sbr.abs _section_cstart, $3  }
0xc2: {  	[dreg:$0x1] =	wrdreg $0xFFFFFFFF  }
0xc3: {  	_ =	task.clear_ibuf [dreg:s8], $0x2FFFF;
	_ =	strace $0x9FFFFFFF  }
0xc4: {  	(tm) =	ssettm $0x7FFFFFFF  }
0xc5: {  	_ =	shalt  }
tec
execute0_lowered:
.L_overlay_start_1:
0x0: {  	(tag) =	ssettag $0x1  }
0x1: {  	s0 =	rddreg [dreg:$0x0];
	s1 =	srdreg.scid  }
0x2: {  	s3 =	stileid.u32;
	s2 =	rddreg [dreg:$0x1]  }
0x3: {  	s18 =	simm.s32 $0x40;
	s24 =	simm.s32 $0x13400;
	s29 =	simm.s32 $0x15400  }
0x4: {  	s31 =	simm.s32 $0x2;
	s22 =	simm.s32 $0x4;
	s16 =	simm.s32 $0x6  }
0x5: {  	s17 =	simm.s32 $0x7;
	s19 =	simm.s32 $0x8;
	s21 =	simm.s32 $0x9  }
0x6: {  	s23 =	simm.s32 $0xA;
	s1 =	sand.u32 $0x1, s1;
	s4 =	sshll.u32 s3, $0x1  }
0x7: {  	s3 =	rddreg [dreg:$0x2];
	s6 =	sor.u32 s1, s4;
	s1 =	ssub.s32 $0x2, s1  }
0x8: {  	s4 =	simm.s32 $0x0;
	s5 =	smul.u32 $0x680, s6;
	s7 =	sshrl.u32 s1, $0x1  }
0x9: {  	s8 =	simm.s32 $0x0;
	[smem:$0x7FF] =	sst s4;
	s1 =	ssub.s32 s1, s7  }
0xa: {  	_ =	strace $0x80000047;
	s0 =	sadd.s32 s5, s0;
	s30 =	smax.u32 s1, $0x1  }
0xb: {  	s5 =	smul.u32 $0x1900, s6;
	s0 =	sadd.s32 $0x400, s0;
	[dreg:$0x8] =	wrdreg s30  }
0xc: {  	s15 =	smul.u32 $0xC8000, s6;
	s6 =	simm.s32 $0x5;
	[dreg:$0x4] =	wrdreg s0  }
.Ltmp0:
0xd: {  	s25 =	sor.u32 $0x40, s5;
	s26 =	sor.u32 $0x80, s5;
	(pc) =	sbr.rel .LBB2_1-.Ltmp0, $4  }
0xe: {  	s28 =	sor.u32 $0xC0, s5;
	s10 =	sadd.s32 $0x100, s5;
	s11 =	sadd.s32 $0x140, s5  }
0xf: {  	s12 =	sadd.s32 $0x180, s5;
	s13 =	sadd.s32 $0x1C0, s5;
	[dreg:$0x5] =	wrdreg s25  }
0x10: {  	s14 =	sadd.s32 $0x200, s5;
	s0 =	simm.s32 $0x3;
	[dreg:$0x6] =	wrdreg s26  }
0x11: {  	[dreg:$0x7] =	wrdreg s28;
	s26 =	simm.s32 $0x1;
	s25 =	simm.s32 $0x13  }
.LBB2_24:
0x12: {  	s1 =	simm.s32 $0xB  }
0x13: {  	_ =	swait.ge [sflag:s1], $0x2000  }
0x14: {  	[sflag:s1] =	ssyncset.done $0x0  }
0x15: {  	s28 =	simm.s32 $0xC;
	[sflag:s1] =	ssyncadd.s32 $0xFFFFE000  }
0x16: {  	_ =	swait.ge [sflag:s28], $0x2000  }
0x17: {  	[sflag:s28] =	ssyncset.done $0x0  }
0x18: {  	s30 =	simm.s32 $0xD;
	[sflag:s28] =	ssyncadd.s32 $0xFFFFE000  }
0x19: {  	_ =	swait.ge [sflag:s30], $0x2000  }
0x1a: {  	[sflag:s30] =	ssyncset.done $0x0  }
0x1b: {  	s7 =	simm.s32 $0xE;
	[sflag:s30] =	ssyncadd.s32 $0xFFFFE000  }
0x1c: {  	_ =	swait.ge [sflag:s7], $0x2000  }
0x1d: {  	[sflag:s7] =	ssyncset.done $0x0  }
0x1e: {  	s8 =	simm.s32 $0xF;
	[sflag:s7] =	ssyncadd.s32 $0xFFFFE000  }
0x1f: {  	_ =	swait.ge [sflag:s8], $0x2000  }
0x20: {  	[sflag:s8] =	ssyncset.done $0x0  }
0x21: {  	s9 =	simm.s32 $0x10;
	[sflag:s8] =	ssyncadd.s32 $0xFFFFE000  }
0x22: {  	_ =	swait.ge [sflag:s9], $0x2000  }
0x23: {  	[sflag:s9] =	ssyncset.done $0x0  }
0x24: {  	s20 =	simm.s32 $0x11;
	[sflag:s9] =	ssyncadd.s32 $0xFFFFE000  }
0x25: {  	_ =	swait.ge [sflag:s20], $0x2000  }
0x26: {  	[sflag:s20] =	ssyncset.done $0x0  }
0x27: {  	s28 =	simm.s32 $0x12;
	[sflag:s20] =	ssyncadd.s32 $0xFFFFE000  }
0x28: {  	_ =	swait.ge [sflag:s28], $0x2000  }
0x29: {  	[sflag:s28] =	ssyncset.done $0x0  }
0x2a: {  	[sflag:s28] =	ssyncadd.s32 $0xFFFFE000  }
0x2b: {  	_ =	swait.ge [sflag:s25], $0x2000  }
0x2c: {  	[sflag:s25] =	ssyncset.done $0x0  }
0x2d: {  	s7 =	simm.s32 $0x14;
	[sflag:s25] =	ssyncadd.s32 $0xFFFFE000  }
0x2e: {  	_ =	swait.ge [sflag:s7], $0x2000  }
0x2f: {  	s8 =	rddreg [dreg:$0x9]  }
0x30: {  	s30 =	rddreg [dreg:$0x8];
	s8 =	sadd.s32 $0x1, s8  }
0x31: {  	p0 =	sne.s32 s8, s30  }
.Ltmp1:
0x32: {  	_ = 	snop;
	(pc) =	sbr.rel @!p0 .LBB2_25-.Ltmp1, $3  }
0x33: {  	_ =	sdelay $0x1  }
0x34: {  	[sflag:s7] =	ssyncset.done $0x0  }
0x35: {  	[sflag:s7] =	ssyncadd.s32 $0xFFFFE000  }
.LBB2_1:
0x36: {  	[dreg:$0x9] =	wrdreg s8  }
0x37: {  	s1 =	rddreg [dreg:$0x4];
	s9 =	simm.s32 $0x15  }
0x38: {  	[tilespmem:s4], [sflag:$0x15] =	stream.linear.gather [hbm4b:s1+s4], $0x3200, $0x38;
	[tilespmem:$0x17400] =	vst v63  }
0x39: {  	_ =	swait.ge [sflag:s9], $0x3200  }
0x3a: {  	[sflag:s9] =	ssyncset.done $0x0  }
0x3b: {  	s20 =	simm.s32 $0x3400;
	[sflag:s9] =	ssyncadd.s32 $0xFFFFCE00  }
0x3c: {  	[tilespmem:s20], [sflag:$0x1] =	stream.indirect.gather [hbm4b:s2+s18], $0x80, s4, s18, $0xb8;
	[tilespmem:$0x17400] =	vst v63  }
0x3d: {  	s30 =	simm.s32 $0x80;
	s7 =	simm.s32 $0x5400  }
0x3e: {  	[tilespmem:s7], [sflag:$0x2] =	stream.indirect.gather [hbm4b:s2+s18], $0x80, s30, s18, $0xb8;
	[tilespmem:$0x17400] =	vst v63  }
0x3f: {  	s8 =	simm.s32 $0x100;
	s9 =	simm.s32 $0x7400  }
0x40: {  	[tilespmem:s9], [sflag:$0x3] =	stream.indirect.gather [hbm4b:s2+s18], $0x80, s8, s18, $0xb8;
	[tilespmem:$0x17400] =	vst v63  }
0x41: {  	s20 =	simm.s32 $0x180;
	s30 =	simm.s32 $0x9400  }
0x42: {  	[tilespmem:s30], [sflag:$0x4] =	stream.indirect.gather [hbm4b:s2+s18], $0x80, s20, s18, $0xb8;
	[tilespmem:$0x17400] =	vst v63  }
0x43: {  	s8 =	simm.s32 $0x200;
	s9 =	simm.s32 $0xB400  }
0x44: {  	[tilespmem:s9], [sflag:$0x5] =	stream.indirect.gather [hbm4b:s2+s18], $0x80, s8, s18, $0xb8;
	[tilespmem:$0x17400] =	vst v63  }
0x45: {  	s20 =	simm.s32 $0x280;
	s30 =	simm.s32 $0xD400  }
0x46: {  	[tilespmem:s30], [sflag:$0x6] =	stream.indirect.gather [hbm4b:s2+s18], $0x80, s20, s18, $0xb8;
	[tilespmem:$0x17400] =	vst v63  }
0x47: {  	s7 =	simm.s32 $0x300;
	s8 =	simm.s32 $0xF400  }
0x48: {  	[tilespmem:s8], [sflag:$0x7] =	stream.indirect.gather [hbm4b:s2+s18], $0x80, s7, s18, $0xb8;
	[tilespmem:$0x17400] =	vst v63  }
0x49: {  	s9 =	simm.s32 $0x380;
	s20 =	simm.s32 $0x11400  }
0x4a: {  	[tilespmem:s20], [sflag:$0x8] =	stream.indirect.gather [hbm4b:s2+s18], $0x80, s9, s18, $0xb8;
	[tilespmem:$0x17400] =	vst v63  }
0x4b: {  	s28 =	simm.s32 $0x0;
	s30 =	simm.s32 $0x400  }
0x4c: {  	[tilespmem:s24], [sflag:$0x9] =	stream.indirect.gather [hbm4b:s2+s18], $0x80, s30, s18, $0xb8;
	[tilespmem:$0x17400] =	vst v63  }
.LBB2_2:
0x4d: {  	_ =	swait.ge [sflag:s26], $0x2000  }
0x4e: {  	[sflag:s26] =	ssyncset.done $0x0  }
0x4f: {  	s20 =	simm.s32 $0x3500;
	[sflag:s26] =	ssyncadd.s32 $0xFFFFE000  }
0x50: {  	v0 =	vld [tilespmem:s20+$0xF0]  }
0x51: {  	v1 =	vld [tilespmem:s20+$0xFFFFFF10]  }
0x52: {  	v2 =	vld [tilespmem:s20+$0xFFFFFF20]  }
0x53: {  	v3 =	vld [tilespmem:s20+$0xFFFFFF30]  }
0x54: {  	v6 =	vld [tilespmem:s20+$0xFFFFFF60]  }
0x55: {  	v4 =	vld [tilespmem:s20+$0xFFFFFF40]  }
0x56: {  	v5 =	vld [tilespmem:s20+$0xFFFFFF50];
	v0 =	vmul.f32 $1.131370830e+01, v0  }
0x57: {  	v8 =	vld [tilespmem:s20+$0xFFFFFF80];
	v1 =	vmul.f32 $1.131370830e+01, v1  }
0x58: {  	v7 =	vld [tilespmem:s20+$0xFFFFFF70];
	v2 =	vmul.f32 $1.131370830e+01, v2;
	[tilespmem:s20+$0xF0] =	vst v0  }
0x59: {  	v6 =	vmul.f32 $1.131370830e+01, v6;
	v0 =	vld [tilespmem:s20+$0xFFFFFF90];
	[tilespmem:s20+$0xFFFFFF10] =	vst v1  }
0x5a: {  	v1 =	vmul.f32 $1.131370830e+01, v3;
	v3 =	vld [tilespmem:s20+$0xFFFFFFA0];
	[tilespmem:s20+$0xFFFFFF20] =	vst v2;
	v2 =	vmul.f32 $1.131370830e+01, v4  }
0x5b: {  	[tilespmem:s20+$0xFFFFFF60] =	vst v6;
	v6 =	vld [tilespmem:s20+$0xFFFFFFF0]  }
0x5c: {  	v4 =	vld [tilespmem:s20+$0xFFFFFFB0];
	[tilespmem:s20+$0xFFFFFF40] =	vst v2;
	v2 =	vmul.f32 $1.131370830e+01, v8  }
0x5d: {  	[tilespmem:s20+$0xFFFFFF30] =	vst v1;
	v1 =	vmul.f32 $1.131370830e+01, v5;
	v5 =	vld [tilespmem:s20+$0xFFFFFFC0]  }
0x5e: {  	v8 =	vld [tilespmem:s20+$0xFFFFFFD0];
	[tilespmem:s20+$0xFFFFFF80] =	vst v2;
	v2 =	vmul.f32 $1.131370830e+01, v7  }
0x5f: {  	[tilespmem:s20+$0xFFFFFF50] =	vst v1;
	v1 =	vld [tilespmem:s20+$0xFFFFFFE0];
	v0 =	vmul.f32 $1.131370830e+01, v0  }
0x60: {  	v7 =	vld [tilespmem:s20+$0x30];
	v6 =	vmul.f32 $1.131370830e+01, v6;
	[tilespmem:s20+$0xFFFFFF70] =	vst v2  }
0x61: {  	v2 =	vmul.f32 $1.131370830e+01, v3;
	v3 =	vld [tilespmem:s20+$0x0];
	[tilespmem:s20+$0xFFFFFF90] =	vst v0  }
0x62: {  	v0 =	vmul.f32 $1.131370830e+01, v4;
	v4 =	vld [tilespmem:s20+$0x10];
	[tilespmem:s20+$0xFFFFFFF0] =	vst v6  }
0x63: {  	[tilespmem:s20+$0xFFFFFFA0] =	vst v2;
	v2 =	vmul.f32 $1.131370830e+01, v5;
	v5 =	vld [tilespmem:s20+$0x20]  }
0x64: {  	v6 =	vld [tilespmem:s20+$0x80];
	[tilespmem:s20+$0xFFFFFFB0] =	vst v0;
	v0 =	vmul.f32 $1.131370830e+01, v8  }
0x65: {  	v1 =	vmul.f32 $1.131370830e+01, v1;
	[tilespmem:s20+$0xFFFFFFC0] =	vst v2;
	v2 =	vld [tilespmem:s20+$0x40]  }
0x66: {  	[tilespmem:s20+$0xFFFFFFD0] =	vst v0;
	v0 =	vmul.f32 $1.131370830e+01, v3;
	v3 =	vld [tilespmem:s20+$0x50]  }
0x67: {  	[tilespmem:s20+$0xFFFFFFE0] =	vst v1;
	v1 =	vld [tilespmem:s20+$0x60];
	v4 =	vmul.f32 $1.131370830e+01, v4  }
0x68: {  	[tilespmem:s20+$0x0] =	vst v0;
	v0 =	vmul.f32 $1.131370830e+01, v5;
	v5 =	vld [tilespmem:s20+$0x70]  }
0x69: {  	v6 =	vmul.f32 $1.131370830e+01, v6;
	[tilespmem:s20+$0x10] =	vst v4  }
0x6a: {  	v4 =	vmul.f32 $1.131370830e+01, v7;
	v7 =	vld [tilespmem:s20+$0x90];
	[tilespmem:s20+$0x20] =	vst v0;
	v0 =	vmul.f32 $1.131370830e+01, v2  }
0x6b: {  	v8 =	vld [tilespmem:s20+$0xA0];
	[tilespmem:s20+$0x80] =	vst v6;
	v2 =	vmul.f32 $1.131370830e+01, v3  }
0x6c: {  	v3 =	vmul.f32 $1.131370830e+01, v1;
	[tilespmem:s20+$0x40] =	vst v0;
	v0 =	vld [tilespmem:s20+$0xB0]  }
0x6d: {  	v1 =	vld [tilespmem:s20+$0xC0];
	[tilespmem:s20+$0x50] =	vst v2;
	v2 =	vmul.f32 $1.131370830e+01, v5  }
0x6e: {  	[tilespmem:s20+$0x60] =	vst v3;
	v3 =	vld [tilespmem:s20+$0xD0]  }
0x6f: {  	v5 =	vmul.f32 $1.131370830e+01, v7;
	[tilespmem:s20+$0x70] =	vst v2;
	v2 =	vld [tilespmem:s20+$0xE0]  }
0x70: {  	s1 =	simm.s32 $0x0;
	s7 =	simm.s32 $0x3700;
	v6 =	vmul.f32 $1.131370830e+01, v8;
	[tilespmem:s20+$0x30] =	vst v4;
	v4 =	vld [tilespmem:s20+$0xFFFFFF00]  }
.LBB2_3:
0x71: {  	v7 =	vld [tilespmem:s7+$0xF0];
	s1 =	sadd.s32 $0x4, s1;
	[tilespmem:s20+$0x90] =	vst v5;
	v0 =	vmul.f32 $1.131370830e+01, v0  }
0x72: {  	v5 =	vld [tilespmem:s7+$0xFFFFFF10];
	p0 =	slt.u32 s1, $0x3C;
	[tilespmem:s20+$0xA0] =	vst v6;
	v1 =	vmul.f32 $1.131370830e+01, v1  }
0x73: {  	v6 =	vld [tilespmem:s7+$0xFFFFFF20];
	[tilespmem:s20+$0xB0] =	vst v0;
	v0 =	vmul.f32 $1.131370830e+01, v3  }
0x74: {  	v3 =	vld [tilespmem:s7+$0xFFFFFF30];
	[tilespmem:s20+$0xC0] =	vst v1;
	v1 =	vmul.f32 $1.131370830e+01, v2  }
0x75: {  	v2 =	vld [tilespmem:s7+$0xFFFFFF40];
	v4 =	vmul.f32 $1.131370830e+01, v4;
	[tilespmem:s20+$0xD0] =	vst v0  }
0x76: {  	v0 =	vld [tilespmem:s7+$0xFFFFFF50];
	v7 =	vmul.f32 $1.131370830e+01, v7;
	[tilespmem:s20+$0xE0] =	vst v1  }
0x77: {  	v1 =	vmul.f32 $1.131370830e+01, v5;
	v5 =	vld [tilespmem:s7+$0xFFFFFF60];
	[tilespmem:s20+$0xFFFFFF00] =	vst v4;
	s20 =	smov.u32 s7  }
0x78: {  	v4 =	vmul.f32 $1.131370830e+01, v6;
	v6 =	vld [tilespmem:s7+$0xFFFFFF70];
	[tilespmem:s7+$0xF0] =	vst v7  }
0x79: {  	[tilespmem:s7+$0xFFFFFF10] =	vst v1;
	v1 =	vmul.f32 $1.131370830e+01, v3;
	v3 =	vld [tilespmem:s7+$0xFFFFFF80]  }
0x7a: {  	[tilespmem:s7+$0xFFFFFF20] =	vst v4;
	v2 =	vmul.f32 $1.131370830e+01, v2;
	v4 =	vld [tilespmem:s7+$0xFFFFFF90]  }
0x7b: {  	[tilespmem:s7+$0xFFFFFF30] =	vst v1;
	v0 =	vmul.f32 $1.131370830e+01, v0;
	v1 =	vld [tilespmem:s7+$0xFFFFFFA0]  }
0x7c: {  	[tilespmem:s7+$0xFFFFFF40] =	vst v2;
	v2 =	vmul.f32 $1.131370830e+01, v5;
	v5 =	vld [tilespmem:s7+$0xFFFFFFB0]  }
0x7d: {  	[tilespmem:s7+$0xFFFFFF50] =	vst v0;
	v0 =	vmul.f32 $1.131370830e+01, v6;
	v6 =	vld [tilespmem:s7+$0xFFFFFFC0]  }
0x7e: {  	[tilespmem:s7+$0xFFFFFF60] =	vst v2;
	v2 =	vmul.f32 $1.131370830e+01, v3;
	v3 =	vld [tilespmem:s7+$0xFFFFFFD0]  }
0x7f: {  	[tilespmem:s7+$0xFFFFFF70] =	vst v0;
	v0 =	vmul.f32 $1.131370830e+01, v4;
	v4 =	vld [tilespmem:s7+$0xFFFFFFE0]  }
0x80: {  	[tilespmem:s7+$0xFFFFFF80] =	vst v2;
	v1 =	vmul.f32 $1.131370830e+01, v1;
	v2 =	vld [tilespmem:s7+$0xFFFFFFF0]  }
0x81: {  	[tilespmem:s7+$0xFFFFFF90] =	vst v0;
	v0 =	vmul.f32 $1.131370830e+01, v5;
	v5 =	vld [tilespmem:s7+$0x0]  }
0x82: {  	[tilespmem:s7+$0xFFFFFFA0] =	vst v1;
	v1 =	vmul.f32 $1.131370830e+01, v6;
	v6 =	vld [tilespmem:s7+$0x10]  }
0x83: {  	[tilespmem:s7+$0xFFFFFFB0] =	vst v0;
	v0 =	vmul.f32 $1.131370830e+01, v3;
	v3 =	vld [tilespmem:s7+$0x20]  }
0x84: {  	[tilespmem:s7+$0xFFFFFFC0] =	vst v1;
	v1 =	vmul.f32 $1.131370830e+01, v4;
	v4 =	vld [tilespmem:s7+$0x30]  }
0x85: {  	[tilespmem:s7+$0xFFFFFFD0] =	vst v0;
	v0 =	vmul.f32 $1.131370830e+01, v2;
	v2 =	vld [tilespmem:s7+$0x40]  }
0x86: {  	[tilespmem:s7+$0xFFFFFFE0] =	vst v1;
	v1 =	vmul.f32 $1.131370830e+01, v5;
	v5 =	vld [tilespmem:s7+$0x50]  }
0x87: {  	[tilespmem:s7+$0xFFFFFFF0] =	vst v0;
	v0 =	vmul.f32 $1.131370830e+01, v6;
	v6 =	vld [tilespmem:s7+$0x60]  }
0x88: {  	[tilespmem:s7+$0x0] =	vst v1;
	v1 =	vmul.f32 $1.131370830e+01, v3;
	v3 =	vld [tilespmem:s7+$0x70]  }
0x89: {  	[tilespmem:s7+$0x10] =	vst v0;
	v0 =	vmul.f32 $1.131370830e+01, v4;
	v4 =	vld [tilespmem:s7+$0x80]  }
0x8a: {  	[tilespmem:s7+$0x20] =	vst v1;
	v1 =	vmul.f32 $1.131370830e+01, v2;
	v2 =	vld [tilespmem:s7+$0x90]  }
0x8b: {  	[tilespmem:s7+$0x30] =	vst v0;
	v5 =	vmul.f32 $1.131370830e+01, v5;
	v7 =	vld [tilespmem:s7+$0xA0]  }
.Ltmp2:
0x8c: {  	[tilespmem:s7+$0x40] =	vst v1;
	v6 =	vmul.f32 $1.131370830e+01, v6;
	v0 =	vld [tilespmem:s7+$0xB0];
	(pc) =	sbr.rel @p0 .LBB2_3-.Ltmp2, $4  }
0x8d: {  	[tilespmem:s7+$0x50] =	vst v5;
	v5 =	vmul.f32 $1.131370830e+01, v3;
	v1 =	vld [tilespmem:s7+$0xC0]  }
0x8e: {  	[tilespmem:s7+$0x60] =	vst v6;
	v6 =	vmul.f32 $1.131370830e+01, v4;
	v3 =	vld [tilespmem:s7+$0xD0]  }
0x8f: {  	[tilespmem:s7+$0x70] =	vst v5;
	v5 =	vmul.f32 $1.131370830e+01, v2;
	v2 =	vld [tilespmem:s7+$0xE0]  }
0x90: {  	s7 =	sadd.s32 $0x200, s7;
	v4 =	vld [tilespmem:s20+$0xFFFFFF00];
	[tilespmem:s20+$0x80] =	vst v6;
	v6 =	vmul.f32 $1.131370830e+01, v7  }
0x91: {  	[tilespmem:s20+$0x90] =	vst v5;
	v0 =	vmul.f32 $1.131370830e+01, v0  }
0x92: {  	[tilespmem:s20+$0xA0] =	vst v6;
	v1 =	vmul.f32 $1.131370830e+01, v1  }
0x93: {  	s1 =	smul.u32 $0x280, s28;
	[tilespmem:s20+$0xB0] =	vst v0;
	v0 =	vmul.f32 $1.131370830e+01, v3  }
0x94: {  	[tilespmem:s20+$0xC0] =	vst v1;
	v1 =	vmul.f32 $1.131370830e+01, v2  }
0x95: {  	s7 =	sadd.s32 s5, s1;
	v2 =	vmul.f32 $1.131370830e+01, v4;
	[tilespmem:s20+$0xD0] =	vst v0  }
0x96: {  	s8 =	simm.s32 $0x3400;
	s7 =	sshll.u32 s7, $0x4;
	[tilespmem:s20+$0xE0] =	vst v1  }
0x97: {  	p0 =	seq.s32 s28, $0x0;
	s7 =	sadd.s32 s3, s7;
	[tilespmem:s20+$0xFFFFFF00] =	vst v2;
	s20 =	smul.u32 $0xA, s28  }
0x98: {  	[hbm4b:s7+s4] =	stream.linear.scatter [tilespmem:s8], [sflag:$0xB], $0x2000, $0x38;
	[tilespmem:$0x17400] =	vst v63  }
0x99: {  	s8 =	simm.s32 @!p0 $0x14  }
0x9a: {  	s30 =	sadd.s32 $0x9, s20;
	_ =	swait.ge @!p0 [sflag:s8], $0x2000  }
0x9b: {  	[sflag:s8] =	ssyncset.done @!p0 $0x0;
	s7 =	sshll.u32 s30, $0x7  }
0x9c: {  	[sflag:s8] =	ssyncadd.s32 @!p0 $0xFFFFE000;
	s7 =	sand.u32 $0x3FFFFF80, s7  }
0x9d: {  	[tilespmem:s29], [sflag:$0xA] =	stream.indirect.gather [hbm4b:s2+s18], $0x80, s7, s18, $0xb8;
	[tilespmem:$0x17400] =	vst v63  }
0x9e: {  	_ =	swait.ge [sflag:s31], $0x2000  }
0x9f: {  	[sflag:s31] =	ssyncset.done $0x0  }
0xa0: {  	s20 =	simm.s32 $0x55F0;
	[sflag:s31] =	ssyncadd.s32 $0xFFFFE000  }
0xa1: {  	v0 =	vld [tilespmem:s20+$0x0]  }
0xa2: {  	v1 =	vld [tilespmem:s20+$0xFFFFFE20]  }
0xa3: {  	v2 =	vld [tilespmem:s20+$0xFFFFFE30]  }
0xa4: {  	v3 =	vld [tilespmem:s20+$0xFFFFFE40]  }
0xa5: {  	v6 =	vld [tilespmem:s20+$0xFFFFFE70]  }
0xa6: {  	v4 =	vld [tilespmem:s20+$0xFFFFFE50]  }
0xa7: {  	v5 =	vld [tilespmem:s20+$0xFFFFFE60];
	v0 =	vmul.f32 $1.131370830e+01, v0  }
0xa8: {  	v8 =	vld [tilespmem:s20+$0xFFFFFE90];
	v1 =	vmul.f32 $1.131370830e+01, v1  }
0xa9: {  	v7 =	vld [tilespmem:s20+$0xFFFFFE80];
	v2 =	vmul.f32 $1.131370830e+01, v2;
	[tilespmem:s20+$0x0] =	vst v0  }
0xaa: {  	v6 =	vmul.f32 $1.131370830e+01, v6;
	v0 =	vld [tilespmem:s20+$0xFFFFFEA0];
	[tilespmem:s20+$0xFFFFFE20] =	vst v1  }
0xab: {  	v1 =	vmul.f32 $1.131370830e+01, v3;
	v3 =	vld [tilespmem:s20+$0xFFFFFEB0];
	[tilespmem:s20+$0xFFFFFE30] =	vst v2;
	v2 =	vmul.f32 $1.131370830e+01, v4  }
0xac: {  	[tilespmem:s20+$0xFFFFFE70] =	vst v6;
	v6 =	vld [tilespmem:s20+$0xFFFFFF00]  }
0xad: {  	v4 =	vld [tilespmem:s20+$0xFFFFFEC0];
	[tilespmem:s20+$0xFFFFFE50] =	vst v2;
	v2 =	vmul.f32 $1.131370830e+01, v8  }
0xae: {  	[tilespmem:s20+$0xFFFFFE40] =	vst v1;
	v1 =	vmul.f32 $1.131370830e+01, v5;
	v5 =	vld [tilespmem:s20+$0xFFFFFED0]  }
0xaf: {  	v8 =	vld [tilespmem:s20+$0xFFFFFEE0];
	[tilespmem:s20+$0xFFFFFE90] =	vst v2;
	v2 =	vmul.f32 $1.131370830e+01, v7  }
0xb0: {  	[tilespmem:s20+$0xFFFFFE60] =	vst v1;
	v1 =	vld [tilespmem:s20+$0xFFFFFEF0];
	v0 =	vmul.f32 $1.131370830e+01, v0  }
0xb1: {  	v7 =	vld [tilespmem:s20+$0xFFFFFF40];
	v6 =	vmul.f32 $1.131370830e+01, v6;
	[tilespmem:s20+$0xFFFFFE80] =	vst v2  }
0xb2: {  	v2 =	vmul.f32 $1.131370830e+01, v3;
	v3 =	vld [tilespmem:s20+$0xFFFFFF10];
	[tilespmem:s20+$0xFFFFFEA0] =	vst v0  }
0xb3: {  	v0 =	vmul.f32 $1.131370830e+01, v4;
	v4 =	vld [tilespmem:s20+$0xFFFFFF20];
	[tilespmem:s20+$0xFFFFFF00] =	vst v6  }
0xb4: {  	[tilespmem:s20+$0xFFFFFEB0] =	vst v2;
	v2 =	vmul.f32 $1.131370830e+01, v5;
	v5 =	vld [tilespmem:s20+$0xFFFFFF30]  }
0xb5: {  	v6 =	vld [tilespmem:s20+$0xFFFFFF90];
	[tilespmem:s20+$0xFFFFFEC0] =	vst v0;
	v0 =	vmul.f32 $1.131370830e+01, v8  }
0xb6: {  	v1 =	vmul.f32 $1.131370830e+01, v1;
	[tilespmem:s20+$0xFFFFFED0] =	vst v2;
	v2 =	vld [tilespmem:s20+$0xFFFFFF50]  }
0xb7: {  	[tilespmem:s20+$0xFFFFFEE0] =	vst v0;
	v0 =	vmul.f32 $1.131370830e+01, v3  }
0xb8: {  	v3 =	vld [tilespmem:s20+$0xFFFFFF60];
	[tilespmem:s20+$0xFFFFFEF0] =	vst v1;
	v4 =	vmul.f32 $1.131370830e+01, v4  }
0xb9: {  	v1 =	vld [tilespmem:s20+$0xFFFFFF70];
	[tilespmem:s20+$0xFFFFFF10] =	vst v0;
	v0 =	vmul.f32 $1.131370830e+01, v5  }
0xba: {  	v6 =	vmul.f32 $1.131370830e+01, v6;
	v5 =	vld [tilespmem:s20+$0xFFFFFF80];
	[tilespmem:s20+$0xFFFFFF20] =	vst v4  }
0xbb: {  	v4 =	vmul.f32 $1.131370830e+01, v7;
	v7 =	vld [tilespmem:s20+$0xFFFFFFA0];
	[tilespmem:s20+$0xFFFFFF30] =	vst v0;
	v0 =	vmul.f32 $1.131370830e+01, v2  }
0xbc: {  	v8 =	vld [tilespmem:s20+$0xFFFFFFB0];
	[tilespmem:s20+$0xFFFFFF90] =	vst v6  }
0xbd: {  	v2 =	vmul.f32 $1.131370830e+01, v3;
	[tilespmem:s20+$0xFFFFFF50] =	vst v0;
	v0 =	vld [tilespmem:s20+$0xFFFFFFC0]  }
0xbe: {  	[tilespmem:s20+$0xFFFFFF40] =	vst v4;
	v3 =	vmul.f32 $1.131370830e+01, v1;
	v1 =	vld [tilespmem:s20+$0xFFFFFFD0]  }
0xbf: {  	[tilespmem:s20+$0xFFFFFF60] =	vst v2;
	v4 =	vmul.f32 $1.131370830e+01, v5;
	v2 =	vld [tilespmem:s20+$0xFFFFFFE0]  }
0xc0: {  	[tilespmem:s20+$0xFFFFFF70] =	vst v3;
	v3 =	vld [tilespmem:s20+$0xFFFFFFF0];
	v5 =	vmul.f32 $1.131370830e+01, v7  }
0xc1: {  	s8 =	simm.s32 $0x57F0;
	s7 =	simm.s32 $0x0;
	v6 =	vmul.f32 $1.131370830e+01, v8;
	[tilespmem:s20+$0xFFFFFF80] =	vst v4;
	v4 =	vld [tilespmem:s20+$0xFFFFFE10]  }
.LBB2_5:
0xc2: {  	v7 =	vld [tilespmem:s8+$0x0];
	s7 =	sadd.s32 $0x4, s7;
	[tilespmem:s20+$0xFFFFFFA0] =	vst v5;
	v0 =	vmul.f32 $1.131370830e+01, v0  }
0xc3: {  	v5 =	vld [tilespmem:s8+$0xFFFFFE20];
	p0 =	slt.u32 s7, $0x3C;
	[tilespmem:s20+$0xFFFFFFB0] =	vst v6;
	v1 =	vmul.f32 $1.131370830e+01, v1  }
0xc4: {  	v6 =	vld [tilespmem:s8+$0xFFFFFE30];
	[tilespmem:s20+$0xFFFFFFC0] =	vst v0;
	v0 =	vmul.f32 $1.131370830e+01, v2  }
0xc5: {  	v2 =	vld [tilespmem:s8+$0xFFFFFE40];
	[tilespmem:s20+$0xFFFFFFD0] =	vst v1;
	v1 =	vmul.f32 $1.131370830e+01, v3  }
0xc6: {  	v3 =	vld [tilespmem:s8+$0xFFFFFE50];
	v4 =	vmul.f32 $1.131370830e+01, v4;
	[tilespmem:s20+$0xFFFFFFE0] =	vst v0  }
0xc7: {  	v0 =	vld [tilespmem:s8+$0xFFFFFE60];
	v7 =	vmul.f32 $1.131370830e+01, v7;
	[tilespmem:s20+$0xFFFFFFF0] =	vst v1  }
0xc8: {  	v1 =	vmul.f32 $1.131370830e+01, v5;
	v5 =	vld [tilespmem:s8+$0xFFFFFE70];
	[tilespmem:s20+$0xFFFFFE10] =	vst v4;
	s20 =	smov.u32 s8  }
0xc9: {  	v4 =	vmul.f32 $1.131370830e+01, v6;
	v6 =	vld [tilespmem:s8+$0xFFFFFE80];
	[tilespmem:s8+$0x0] =	vst v7  }
0xca: {  	[tilespmem:s8+$0xFFFFFE20] =	vst v1;
	v1 =	vmul.f32 $1.131370830e+01, v2;
	v2 =	vld [tilespmem:s8+$0xFFFFFE90]  }
0xcb: {  	[tilespmem:s8+$0xFFFFFE30] =	vst v4;
	v3 =	vmul.f32 $1.131370830e+01, v3;
	v4 =	vld [tilespmem:s8+$0xFFFFFEA0]  }
0xcc: {  	[tilespmem:s8+$0xFFFFFE40] =	vst v1;
	v0 =	vmul.f32 $1.131370830e+01, v0;
	v1 =	vld [tilespmem:s8+$0xFFFFFEB0]  }
0xcd: {  	[tilespmem:s8+$0xFFFFFE50] =	vst v3;
	v3 =	vmul.f32 $1.131370830e+01, v5;
	v5 =	vld [tilespmem:s8+$0xFFFFFEC0]  }
0xce: {  	[tilespmem:s8+$0xFFFFFE60] =	vst v0;
	v0 =	vmul.f32 $1.131370830e+01, v6;
	v6 =	vld [tilespmem:s8+$0xFFFFFED0]  }
0xcf: {  	[tilespmem:s8+$0xFFFFFE70] =	vst v3;
	v2 =	vmul.f32 $1.131370830e+01, v2;
	v3 =	vld [tilespmem:s8+$0xFFFFFEE0]  }
0xd0: {  	[tilespmem:s8+$0xFFFFFE80] =	vst v0;
	v0 =	vmul.f32 $1.131370830e+01, v4;
	v4 =	vld [tilespmem:s8+$0xFFFFFEF0]  }
0xd1: {  	[tilespmem:s8+$0xFFFFFE90] =	vst v2;
	v1 =	vmul.f32 $1.131370830e+01, v1;
	v2 =	vld [tilespmem:s8+$0xFFFFFF00]  }
0xd2: {  	[tilespmem:s8+$0xFFFFFEA0] =	vst v0;
	v0 =	vmul.f32 $1.131370830e+01, v5;
	v5 =	vld [tilespmem:s8+$0xFFFFFF10]  }
0xd3: {  	[tilespmem:s8+$0xFFFFFEB0] =	vst v1;
	v1 =	vmul.f32 $1.131370830e+01, v6;
	v6 =	vld [tilespmem:s8+$0xFFFFFF20]  }
0xd4: {  	[tilespmem:s8+$0xFFFFFEC0] =	vst v0;
	v0 =	vmul.f32 $1.131370830e+01, v3;
	v3 =	vld [tilespmem:s8+$0xFFFFFF30]  }
0xd5: {  	[tilespmem:s8+$0xFFFFFED0] =	vst v1;
	v1 =	vmul.f32 $1.131370830e+01, v4;
	v4 =	vld [tilespmem:s8+$0xFFFFFF40]  }
0xd6: {  	[tilespmem:s8+$0xFFFFFEE0] =	vst v0;
	v0 =	vmul.f32 $1.131370830e+01, v2;
	v2 =	vld [tilespmem:s8+$0xFFFFFF50]  }
0xd7: {  	[tilespmem:s8+$0xFFFFFEF0] =	vst v1;
	v1 =	vmul.f32 $1.131370830e+01, v5;
	v5 =	vld [tilespmem:s8+$0xFFFFFF60]  }
0xd8: {  	[tilespmem:s8+$0xFFFFFF00] =	vst v0;
	v0 =	vmul.f32 $1.131370830e+01, v6;
	v6 =	vld [tilespmem:s8+$0xFFFFFF70]  }
0xd9: {  	[tilespmem:s8+$0xFFFFFF10] =	vst v1;
	v1 =	vmul.f32 $1.131370830e+01, v3;
	v3 =	vld [tilespmem:s8+$0xFFFFFF80]  }
0xda: {  	[tilespmem:s8+$0xFFFFFF20] =	vst v0;
	v0 =	vmul.f32 $1.131370830e+01, v4;
	v4 =	vld [tilespmem:s8+$0xFFFFFF90]  }
0xdb: {  	[tilespmem:s8+$0xFFFFFF30] =	vst v1;
	v1 =	vmul.f32 $1.131370830e+01, v2;
	v7 =	vld [tilespmem:s8+$0xFFFFFFA0]  }
0xdc: {  	[tilespmem:s8+$0xFFFFFF40] =	vst v0;
	v2 =	vmul.f32 $1.131370830e+01, v5;
	v8 =	vld [tilespmem:s8+$0xFFFFFFB0]  }
.Ltmp3:
0xdd: {  	[tilespmem:s8+$0xFFFFFF50] =	vst v1;
	v5 =	vmul.f32 $1.131370830e+01, v6;
	v0 =	vld [tilespmem:s8+$0xFFFFFFC0];
	(pc) =	sbr.rel @p0 .LBB2_5-.Ltmp3, $4  }
0xde: {  	[tilespmem:s8+$0xFFFFFF60] =	vst v2;
	v3 =	vmul.f32 $1.131370830e+01, v3;
	v1 =	vld [tilespmem:s8+$0xFFFFFFD0]  }
0xdf: {  	[tilespmem:s8+$0xFFFFFF70] =	vst v5;
	v6 =	vmul.f32 $1.131370830e+01, v4;
	v2 =	vld [tilespmem:s8+$0xFFFFFFE0]  }
0xe0: {  	[tilespmem:s8+$0xFFFFFF80] =	vst v3;
	v5 =	vmul.f32 $1.131370830e+01, v7;
	v3 =	vld [tilespmem:s8+$0xFFFFFFF0]  }
0xe1: {  	s8 =	sadd.s32 $0x200, s8;
	v4 =	vld [tilespmem:s20+$0xFFFFFE10];
	[tilespmem:s20+$0xFFFFFF90] =	vst v6;
	v6 =	vmul.f32 $1.131370830e+01, v8  }
0xe2: {  	[tilespmem:s20+$0xFFFFFFA0] =	vst v5;
	v0 =	vmul.f32 $1.131370830e+01, v0  }
0xe3: {  	[tilespmem:s20+$0xFFFFFFB0] =	vst v6;
	v1 =	vmul.f32 $1.131370830e+01, v1  }
0xe4: {  	[tilespmem:s20+$0xFFFFFFC0] =	vst v0;
	v0 =	vmul.f32 $1.131370830e+01, v2  }
0xe5: {  	[tilespmem:s20+$0xFFFFFFD0] =	vst v1  }
0xe6: {  	[tilespmem:s20+$0xFFFFFFE0] =	vst v0  }
0xe7: {  	v1 =	vmul.f32 $1.131370830e+01, v3;
	s7 =	rddreg [dreg:$0x5]  }
0xe8: {  	v2 =	vmul.f32 $1.131370830e+01, v4;
	s7 =	sadd.s32 s1, s7  }
0xe9: {  	[tilespmem:s20+$0xFFFFFFF0] =	vst v1;
	s7 =	sshll.u32 s7, $0x4  }
0xea: {  	s8 =	simm.s32 $0x5400;
	p0 =	seq.s32 s28, $0x9;
	[tilespmem:s20+$0xFFFFFE10] =	vst v2;
	s7 =	sadd.s32 s3, s7  }
0xeb: {  	[hbm4b:s7+s4] =	stream.linear.scatter [tilespmem:s8], [sflag:$0xC], $0x2000, $0x38;
	[tilespmem:$0x17400] =	vst v63  }
0xec: {  	s7 =	simm.s32 @!p0 $0xB;
	s8 =	smul.u32 @!p0 $0x1400, s28  }
0xed: {  	_ =	swait.ge @!p0 [sflag:s7], $0x2000  }
0xee: {  	s9 =	simm.s32 @!p0 $0x3400;
	[sflag:s7] =	ssyncset.done @!p0 $0x0;
	s20 =	sshra.s32 @!p0 s8, $0x2  }
0xef: {  	s8 =	simm.s32 @!p0 $0x40;
	[sflag:s7] =	ssyncadd.s32 @!p0 $0xFFFFE000;
	s7 =	sadd.s32 @!p0 $0x500, s20  }
0xf0: {  	[tilespmem:s9], [sflag:$0x1] =	stream.indirect.gather @!p0 [hbm4b:s2+s8], $0x80, s7, s8, $0xb8;
	[tilespmem:$0x17400] =	vst v63  }
0xf1: {  	_ =	swait.ge [sflag:s0], $0x2000  }
0xf2: {  	[sflag:s0] =	ssyncset.done $0x0  }
0xf3: {  	s7 =	simm.s32 $0x7400;
	[sflag:s0] =	ssyncadd.s32 $0xFFFFE000  }
0xf4: {  	v0 =	vld [tilespmem:s7+$0x1F0]  }
0xf5: {  	v1 =	vld [tilespmem:s7+$0x10]  }
0xf6: {  	v2 =	vld [tilespmem:s7+$0x20]  }
0xf7: {  	v3 =	vld [tilespmem:s7+$0x30]  }
0xf8: {  	v6 =	vld [tilespmem:s7+$0x60]  }
0xf9: {  	v4 =	vld [tilespmem:s7+$0x40]  }
0xfa: {  	v5 =	vld [tilespmem:s7+$0x50];
	v0 =	vmul.f32 $1.131370830e+01, v0  }
0xfb: {  	v8 =	vld [tilespmem:s7+$0x80];
	v1 =	vmul.f32 $1.131370830e+01, v1  }
0xfc: {  	v7 =	vld [tilespmem:s7+$0x70];
	v2 =	vmul.f32 $1.131370830e+01, v2;
	[tilespmem:s7+$0x1F0] =	vst v0  }
0xfd: {  	v6 =	vmul.f32 $1.131370830e+01, v6;
	v0 =	vld [tilespmem:s7+$0x90];
	[tilespmem:s7+$0x10] =	vst v1  }
0xfe: {  	v1 =	vmul.f32 $1.131370830e+01, v3;
	v3 =	vld [tilespmem:s7+$0xA0];
	[tilespmem:s7+$0x20] =	vst v2;
	v2 =	vmul.f32 $1.131370830e+01, v4  }
0xff: {  	[tilespmem:s7+$0x60] =	vst v6;
	v6 =	vld [tilespmem:s7+$0xF0]  }
0x100: {  	v4 =	vld [tilespmem:s7+$0xB0];
	[tilespmem:s7+$0x40] =	vst v2;
	v2 =	vmul.f32 $1.131370830e+01, v8  }
0x101: {  	[tilespmem:s7+$0x30] =	vst v1;
	v1 =	vmul.f32 $1.131370830e+01, v5;
	v5 =	vld [tilespmem:s7+$0xC0]  }
0x102: {  	v8 =	vld [tilespmem:s7+$0xD0];
	[tilespmem:s7+$0x80] =	vst v2;
	v2 =	vmul.f32 $1.131370830e+01, v7  }
0x103: {  	[tilespmem:s7+$0x50] =	vst v1;
	v1 =	vld [tilespmem:s7+$0xE0];
	v0 =	vmul.f32 $1.131370830e+01, v0  }
0x104: {  	v7 =	vld [tilespmem:s7+$0x130];
	v6 =	vmul.f32 $1.131370830e+01, v6;
	[tilespmem:s7+$0x70] =	vst v2  }
0x105: {  	v2 =	vmul.f32 $1.131370830e+01, v3;
	v3 =	vld [tilespmem:s7+$0x100];
	[tilespmem:s7+$0x90] =	vst v0  }
0x106: {  	v0 =	vmul.f32 $1.131370830e+01, v4;
	v4 =	vld [tilespmem:s7+$0x110];
	[tilespmem:s7+$0xF0] =	vst v6  }
0x107: {  	[tilespmem:s7+$0xA0] =	vst v2;
	v2 =	vmul.f32 $1.131370830e+01, v5;
	v5 =	vld [tilespmem:s7+$0x120]  }
0x108: {  	v6 =	vld [tilespmem:s7+$0x180];
	[tilespmem:s7+$0xB0] =	vst v0;
	v0 =	vmul.f32 $1.131370830e+01, v8  }
0x109: {  	v1 =	vmul.f32 $1.131370830e+01, v1;
	[tilespmem:s7+$0xC0] =	vst v2;
	v2 =	vld [tilespmem:s7+$0x140]  }
0x10a: {  	[tilespmem:s7+$0xD0] =	vst v0;
	v0 =	vmul.f32 $1.131370830e+01, v3  }
0x10b: {  	v3 =	vld [tilespmem:s7+$0x150];
	[tilespmem:s7+$0xE0] =	vst v1;
	v4 =	vmul.f32 $1.131370830e+01, v4  }
0x10c: {  	v1 =	vld [tilespmem:s7+$0x160];
	[tilespmem:s7+$0x100] =	vst v0;
	v0 =	vmul.f32 $1.131370830e+01, v5  }
0x10d: {  	v6 =	vmul.f32 $1.131370830e+01, v6;
	v5 =	vld [tilespmem:s7+$0x170];
	[tilespmem:s7+$0x110] =	vst v4  }
0x10e: {  	v4 =	vmul.f32 $1.131370830e+01, v7;
	v7 =	vld [tilespmem:s7+$0x190];
	[tilespmem:s7+$0x120] =	vst v0;
	v0 =	vmul.f32 $1.131370830e+01, v2  }
0x10f: {  	v8 =	vld [tilespmem:s7+$0x1A0];
	[tilespmem:s7+$0x180] =	vst v6  }
0x110: {  	v2 =	vmul.f32 $1.131370830e+01, v3;
	[tilespmem:s7+$0x140] =	vst v0;
	v0 =	vld [tilespmem:s7+$0x1B0]  }
0x111: {  	[tilespmem:s7+$0x130] =	vst v4;
	v3 =	vmul.f32 $1.131370830e+01, v1;
	v1 =	vld [tilespmem:s7+$0x1C0]  }
0x112: {  	[tilespmem:s7+$0x150] =	vst v2;
	v4 =	vmul.f32 $1.131370830e+01, v5;
	v2 =	vld [tilespmem:s7+$0x1D0]  }
0x113: {  	[tilespmem:s7+$0x160] =	vst v3;
	v3 =	vld [tilespmem:s7+$0x1E0];
	v5 =	vmul.f32 $1.131370830e+01, v7  }
0x114: {  	s8 =	simm.s32 $0x0;
	s9 =	simm.s32 $0x7600;
	v6 =	vmul.f32 $1.131370830e+01, v8;
	[tilespmem:s7+$0x170] =	vst v4;
	v4 =	vld [tilespmem:s7+$0x0]  }
.LBB2_7:
0x115: {  	v7 =	vld [tilespmem:s9+$0x1F0];
	s8 =	sadd.s32 $0x4, s8;
	[tilespmem:s7+$0x190] =	vst v5;
	v0 =	vmul.f32 $1.131370830e+01, v0  }
0x116: {  	v5 =	vld [tilespmem:s9+$0x10];
	p1 =	slt.u32 s8, $0x3C;
	[tilespmem:s7+$0x1A0] =	vst v6;
	v1 =	vmul.f32 $1.131370830e+01, v1  }
0x117: {  	v6 =	vld [tilespmem:s9+$0x20];
	[tilespmem:s7+$0x1B0] =	vst v0;
	v0 =	vmul.f32 $1.131370830e+01, v2  }
0x118: {  	v2 =	vld [tilespmem:s9+$0x30];
	[tilespmem:s7+$0x1C0] =	vst v1;
	v1 =	vmul.f32 $1.131370830e+01, v3  }
0x119: {  	v3 =	vld [tilespmem:s9+$0x40];
	v4 =	vmul.f32 $1.131370830e+01, v4;
	[tilespmem:s7+$0x1D0] =	vst v0  }
0x11a: {  	v0 =	vld [tilespmem:s9+$0x50];
	v7 =	vmul.f32 $1.131370830e+01, v7;
	[tilespmem:s7+$0x1E0] =	vst v1  }
0x11b: {  	v1 =	vmul.f32 $1.131370830e+01, v5;
	v5 =	vld [tilespmem:s9+$0x60];
	[tilespmem:s7+$0x0] =	vst v4;
	s7 =	smov.u32 s9  }
0x11c: {  	v4 =	vmul.f32 $1.131370830e+01, v6;
	v6 =	vld [tilespmem:s9+$0x70];
	[tilespmem:s9+$0x1F0] =	vst v7  }
0x11d: {  	[tilespmem:s9+$0x10] =	vst v1;
	v1 =	vmul.f32 $1.131370830e+01, v2;
	v2 =	vld [tilespmem:s9+$0x80]  }
0x11e: {  	[tilespmem:s9+$0x20] =	vst v4;
	v3 =	vmul.f32 $1.131370830e+01, v3;
	v4 =	vld [tilespmem:s9+$0x90]  }
0x11f: {  	[tilespmem:s9+$0x30] =	vst v1;
	v0 =	vmul.f32 $1.131370830e+01, v0;
	v1 =	vld [tilespmem:s9+$0xA0]  }
0x120: {  	[tilespmem:s9+$0x40] =	vst v3;
	v3 =	vmul.f32 $1.131370830e+01, v5;
	v5 =	vld [tilespmem:s9+$0xB0]  }
0x121: {  	[tilespmem:s9+$0x50] =	vst v0;
	v0 =	vmul.f32 $1.131370830e+01, v6;
	v6 =	vld [tilespmem:s9+$0xC0]  }
0x122: {  	[tilespmem:s9+$0x60] =	vst v3;
	v2 =	vmul.f32 $1.131370830e+01, v2;
	v3 =	vld [tilespmem:s9+$0xD0]  }
0x123: {  	[tilespmem:s9+$0x70] =	vst v0;
	v0 =	vmul.f32 $1.131370830e+01, v4;
	v4 =	vld [tilespmem:s9+$0xE0]  }
0x124: {  	[tilespmem:s9+$0x80] =	vst v2;
	v1 =	vmul.f32 $1.131370830e+01, v1;
	v2 =	vld [tilespmem:s9+$0xF0]  }
0x125: {  	[tilespmem:s9+$0x90] =	vst v0;
	v0 =	vmul.f32 $1.131370830e+01, v5;
	v5 =	vld [tilespmem:s9+$0x100]  }
0x126: {  	[tilespmem:s9+$0xA0] =	vst v1;
	v1 =	vmul.f32 $1.131370830e+01, v6;
	v6 =	vld [tilespmem:s9+$0x110]  }
0x127: {  	[tilespmem:s9+$0xB0] =	vst v0;
	v0 =	vmul.f32 $1.131370830e+01, v3;
	v3 =	vld [tilespmem:s9+$0x120]  }
0x128: {  	[tilespmem:s9+$0xC0] =	vst v1;
	v1 =	vmul.f32 $1.131370830e+01, v4;
	v4 =	vld [tilespmem:s9+$0x130]  }
0x129: {  	[tilespmem:s9+$0xD0] =	vst v0;
	v0 =	vmul.f32 $1.131370830e+01, v2;
	v2 =	vld [tilespmem:s9+$0x140]  }
0x12a: {  	[tilespmem:s9+$0xE0] =	vst v1;
	v1 =	vmul.f32 $1.131370830e+01, v5;
	v5 =	vld [tilespmem:s9+$0x150]  }
0x12b: {  	[tilespmem:s9+$0xF0] =	vst v0;
	v0 =	vmul.f32 $1.131370830e+01, v6;
	v6 =	vld [tilespmem:s9+$0x160]  }
0x12c: {  	[tilespmem:s9+$0x100] =	vst v1;
	v1 =	vmul.f32 $1.131370830e+01, v3;
	v3 =	vld [tilespmem:s9+$0x170]  }
0x12d: {  	[tilespmem:s9+$0x110] =	vst v0;
	v0 =	vmul.f32 $1.131370830e+01, v4;
	v4 =	vld [tilespmem:s9+$0x180]  }
0x12e: {  	[tilespmem:s9+$0x120] =	vst v1;
	v1 =	vmul.f32 $1.131370830e+01, v2;
	v7 =	vld [tilespmem:s9+$0x190]  }
0x12f: {  	[tilespmem:s9+$0x130] =	vst v0;
	v2 =	vmul.f32 $1.131370830e+01, v5;
	v8 =	vld [tilespmem:s9+$0x1A0]  }
.Ltmp4:
0x130: {  	[tilespmem:s9+$0x140] =	vst v1;
	v5 =	vmul.f32 $1.131370830e+01, v6;
	v0 =	vld [tilespmem:s9+$0x1B0];
	(pc) =	sbr.rel @p1 .LBB2_7-.Ltmp4, $4  }
0x131: {  	[tilespmem:s9+$0x150] =	vst v2;
	v3 =	vmul.f32 $1.131370830e+01, v3;
	v1 =	vld [tilespmem:s9+$0x1C0]  }
0x132: {  	[tilespmem:s9+$0x160] =	vst v5;
	v6 =	vmul.f32 $1.131370830e+01, v4;
	v2 =	vld [tilespmem:s9+$0x1D0]  }
0x133: {  	[tilespmem:s9+$0x170] =	vst v3;
	v5 =	vmul.f32 $1.131370830e+01, v7;
	v3 =	vld [tilespmem:s9+$0x1E0]  }
0x134: {  	s9 =	sadd.s32 $0x200, s9;
	v4 =	vld [tilespmem:s7+$0x0];
	[tilespmem:s7+$0x180] =	vst v6;
	v6 =	vmul.f32 $1.131370830e+01, v8  }
0x135: {  	[tilespmem:s7+$0x190] =	vst v5;
	v0 =	vmul.f32 $1.131370830e+01, v0  }
0x136: {  	[tilespmem:s7+$0x1A0] =	vst v6;
	v1 =	vmul.f32 $1.131370830e+01, v1  }
0x137: {  	[tilespmem:s7+$0x1B0] =	vst v0;
	v0 =	vmul.f32 $1.131370830e+01, v2  }
0x138: {  	[tilespmem:s7+$0x1C0] =	vst v1  }
0x139: {  	[tilespmem:s7+$0x1D0] =	vst v0  }
0x13a: {  	v1 =	vmul.f32 $1.131370830e+01, v3;
	s8 =	rddreg [dreg:$0x6]  }
0x13b: {  	v2 =	vmul.f32 $1.131370830e+01, v4;
	s8 =	sadd.s32 s1, s8  }
0x13c: {  	[tilespmem:s7+$0x1E0] =	vst v1;
	s8 =	sshll.u32 s8, $0x4  }
0x13d: {  	s9 =	simm.s32 $0x7400;
	[tilespmem:s7+$0x0] =	vst v2;
	s7 =	simm.s32 @!p0 $0xC;
	s8 =	sadd.s32 s3, s8  }
0x13e: {  	[hbm4b:s8+s4] =	stream.linear.scatter [tilespmem:s9], [sflag:$0xD], $0x2000, $0x38;
	[tilespmem:$0x17400] =	vst v63  }
0x13f: {  	_ =	swait.ge @!p0 [sflag:s7], $0x2000  }
0x140: {  	s8 =	simm.s32 @!p0 $0x40;
	[sflag:s7] =	ssyncset.done @!p0 $0x0  }
0x141: {  	s9 =	simm.s32 @!p0 $0x5400;
	[sflag:s7] =	ssyncadd.s32 @!p0 $0xFFFFE000;
	s7 =	sadd.s32 @!p0 $0x580, s20  }
0x142: {  	[tilespmem:s9], [sflag:$0x2] =	stream.indirect.gather @!p0 [hbm4b:s2+s8], $0x80, s7, s8, $0xb8;
	[tilespmem:$0x17400] =	vst v63  }
0x143: {  	_ =	swait.ge [sflag:s22], $0x2000  }
0x144: {  	[sflag:s22] =	ssyncset.done $0x0  }
0x145: {  	s7 =	simm.s32 $0x9400;
	[sflag:s22] =	ssyncadd.s32 $0xFFFFE000  }
0x146: {  	v0 =	vld [tilespmem:s7+$0x1F0]  }
0x147: {  	v1 =	vld [tilespmem:s7+$0x10]  }
0x148: {  	v2 =	vld [tilespmem:s7+$0x20]  }
0x149: {  	v3 =	vld [tilespmem:s7+$0x30]  }
0x14a: {  	v6 =	vld [tilespmem:s7+$0x60]  }
0x14b: {  	v4 =	vld [tilespmem:s7+$0x40]  }
0x14c: {  	v5 =	vld [tilespmem:s7+$0x50];
	v0 =	vmul.f32 $1.131370830e+01, v0  }
0x14d: {  	v8 =	vld [tilespmem:s7+$0x80];
	v1 =	vmul.f32 $1.131370830e+01, v1  }
0x14e: {  	v7 =	vld [tilespmem:s7+$0x70];
	v2 =	vmul.f32 $1.131370830e+01, v2;
	[tilespmem:s7+$0x1F0] =	vst v0  }
0x14f: {  	v6 =	vmul.f32 $1.131370830e+01, v6;
	v0 =	vld [tilespmem:s7+$0x90];
	[tilespmem:s7+$0x10] =	vst v1  }
0x150: {  	v1 =	vmul.f32 $1.131370830e+01, v3;
	v3 =	vld [tilespmem:s7+$0xA0];
	[tilespmem:s7+$0x20] =	vst v2;
	v2 =	vmul.f32 $1.131370830e+01, v4  }
0x151: {  	[tilespmem:s7+$0x60] =	vst v6;
	v6 =	vld [tilespmem:s7+$0xF0]  }
0x152: {  	v4 =	vld [tilespmem:s7+$0xB0];
	[tilespmem:s7+$0x40] =	vst v2;
	v2 =	vmul.f32 $1.131370830e+01, v8  }
0x153: {  	[tilespmem:s7+$0x30] =	vst v1;
	v1 =	vmul.f32 $1.131370830e+01, v5;
	v5 =	vld [tilespmem:s7+$0xC0]  }
0x154: {  	v8 =	vld [tilespmem:s7+$0xD0];
	[tilespmem:s7+$0x80] =	vst v2;
	v2 =	vmul.f32 $1.131370830e+01, v7  }
0x155: {  	[tilespmem:s7+$0x50] =	vst v1;
	v1 =	vld [tilespmem:s7+$0xE0];
	v0 =	vmul.f32 $1.131370830e+01, v0  }
0x156: {  	v7 =	vld [tilespmem:s7+$0x130];
	v6 =	vmul.f32 $1.131370830e+01, v6;
	[tilespmem:s7+$0x70] =	vst v2  }
0x157: {  	v2 =	vmul.f32 $1.131370830e+01, v3;
	v3 =	vld [tilespmem:s7+$0x100];
	[tilespmem:s7+$0x90] =	vst v0  }
0x158: {  	v0 =	vmul.f32 $1.131370830e+01, v4;
	v4 =	vld [tilespmem:s7+$0x110];
	[tilespmem:s7+$0xF0] =	vst v6  }
0x159: {  	[tilespmem:s7+$0xA0] =	vst v2;
	v2 =	vmul.f32 $1.131370830e+01, v5;
	v5 =	vld [tilespmem:s7+$0x120]  }
0x15a: {  	v6 =	vld [tilespmem:s7+$0x180];
	[tilespmem:s7+$0xB0] =	vst v0;
	v0 =	vmul.f32 $1.131370830e+01, v8  }
0x15b: {  	v1 =	vmul.f32 $1.131370830e+01, v1;
	[tilespmem:s7+$0xC0] =	vst v2;
	v2 =	vld [tilespmem:s7+$0x140]  }
0x15c: {  	[tilespmem:s7+$0xD0] =	vst v0;
	v0 =	vmul.f32 $1.131370830e+01, v3  }
0x15d: {  	v3 =	vld [tilespmem:s7+$0x150];
	[tilespmem:s7+$0xE0] =	vst v1;
	v4 =	vmul.f32 $1.131370830e+01, v4  }
0x15e: {  	v1 =	vld [tilespmem:s7+$0x160];
	[tilespmem:s7+$0x100] =	vst v0;
	v0 =	vmul.f32 $1.131370830e+01, v5  }
0x15f: {  	v6 =	vmul.f32 $1.131370830e+01, v6;
	v5 =	vld [tilespmem:s7+$0x170];
	[tilespmem:s7+$0x110] =	vst v4  }
0x160: {  	v4 =	vmul.f32 $1.131370830e+01, v7;
	v7 =	vld [tilespmem:s7+$0x190];
	[tilespmem:s7+$0x120] =	vst v0;
	v0 =	vmul.f32 $1.131370830e+01, v2  }
0x161: {  	v8 =	vld [tilespmem:s7+$0x1A0];
	[tilespmem:s7+$0x180] =	vst v6  }
0x162: {  	v2 =	vmul.f32 $1.131370830e+01, v3;
	[tilespmem:s7+$0x140] =	vst v0;
	v0 =	vld [tilespmem:s7+$0x1B0]  }
0x163: {  	[tilespmem:s7+$0x130] =	vst v4;
	v3 =	vmul.f32 $1.131370830e+01, v1;
	v1 =	vld [tilespmem:s7+$0x1C0]  }
0x164: {  	[tilespmem:s7+$0x150] =	vst v2;
	v4 =	vmul.f32 $1.131370830e+01, v5;
	v2 =	vld [tilespmem:s7+$0x1D0]  }
0x165: {  	[tilespmem:s7+$0x160] =	vst v3;
	v3 =	vld [tilespmem:s7+$0x1E0];
	v5 =	vmul.f32 $1.131370830e+01, v7  }
0x166: {  	s8 =	simm.s32 $0x0;
	s9 =	simm.s32 $0x9600;
	v6 =	vmul.f32 $1.131370830e+01, v8;
	[tilespmem:s7+$0x170] =	vst v4;
	v4 =	vld [tilespmem:s7+$0x0]  }
.LBB2_9:
0x167: {  	v7 =	vld [tilespmem:s9+$0x1F0];
	s8 =	sadd.s32 $0x4, s8;
	[tilespmem:s7+$0x190] =	vst v5;
	v0 =	vmul.f32 $1.131370830e+01, v0  }
0x168: {  	v5 =	vld [tilespmem:s9+$0x10];
	p1 =	slt.u32 s8, $0x3C;
	[tilespmem:s7+$0x1A0] =	vst v6;
	v1 =	vmul.f32 $1.131370830e+01, v1  }
0x169: {  	v6 =	vld [tilespmem:s9+$0x20];
	[tilespmem:s7+$0x1B0] =	vst v0;
	v0 =	vmul.f32 $1.131370830e+01, v2  }
0x16a: {  	v2 =	vld [tilespmem:s9+$0x30];
	[tilespmem:s7+$0x1C0] =	vst v1;
	v1 =	vmul.f32 $1.131370830e+01, v3  }
0x16b: {  	v3 =	vld [tilespmem:s9+$0x40];
	v4 =	vmul.f32 $1.131370830e+01, v4;
	[tilespmem:s7+$0x1D0] =	vst v0  }
0x16c: {  	v0 =	vld [tilespmem:s9+$0x50];
	v7 =	vmul.f32 $1.131370830e+01, v7;
	[tilespmem:s7+$0x1E0] =	vst v1  }
0x16d: {  	v1 =	vmul.f32 $1.131370830e+01, v5;
	v5 =	vld [tilespmem:s9+$0x60];
	[tilespmem:s7+$0x0] =	vst v4;
	s7 =	smov.u32 s9  }
0x16e: {  	v4 =	vmul.f32 $1.131370830e+01, v6;
	v6 =	vld [tilespmem:s9+$0x70];
	[tilespmem:s9+$0x1F0] =	vst v7  }
0x16f: {  	[tilespmem:s9+$0x10] =	vst v1;
	v1 =	vmul.f32 $1.131370830e+01, v2;
	v2 =	vld [tilespmem:s9+$0x80]  }
0x170: {  	[tilespmem:s9+$0x20] =	vst v4;
	v3 =	vmul.f32 $1.131370830e+01, v3;
	v4 =	vld [tilespmem:s9+$0x90]  }
0x171: {  	[tilespmem:s9+$0x30] =	vst v1;
	v0 =	vmul.f32 $1.131370830e+01, v0;
	v1 =	vld [tilespmem:s9+$0xA0]  }
0x172: {  	[tilespmem:s9+$0x40] =	vst v3;
	v3 =	vmul.f32 $1.131370830e+01, v5;
	v5 =	vld [tilespmem:s9+$0xB0]  }
0x173: {  	[tilespmem:s9+$0x50] =	vst v0;
	v0 =	vmul.f32 $1.131370830e+01, v6;
	v6 =	vld [tilespmem:s9+$0xC0]  }
0x174: {  	[tilespmem:s9+$0x60] =	vst v3;
	v2 =	vmul.f32 $1.131370830e+01, v2;
	v3 =	vld [tilespmem:s9+$0xD0]  }
0x175: {  	[tilespmem:s9+$0x70] =	vst v0;
	v0 =	vmul.f32 $1.131370830e+01, v4;
	v4 =	vld [tilespmem:s9+$0xE0]  }
0x176: {  	[tilespmem:s9+$0x80] =	vst v2;
	v1 =	vmul.f32 $1.131370830e+01, v1;
	v2 =	vld [tilespmem:s9+$0xF0]  }
0x177: {  	[tilespmem:s9+$0x90] =	vst v0;
	v0 =	vmul.f32 $1.131370830e+01, v5;
	v5 =	vld [tilespmem:s9+$0x100]  }
0x178: {  	[tilespmem:s9+$0xA0] =	vst v1;
	v1 =	vmul.f32 $1.131370830e+01, v6;
	v6 =	vld [tilespmem:s9+$0x110]  }
0x179: {  	[tilespmem:s9+$0xB0] =	vst v0;
	v0 =	vmul.f32 $1.131370830e+01, v3;
	v3 =	vld [tilespmem:s9+$0x120]  }
0x17a: {  	[tilespmem:s9+$0xC0] =	vst v1;
	v1 =	vmul.f32 $1.131370830e+01, v4;
	v4 =	vld [tilespmem:s9+$0x130]  }
0x17b: {  	[tilespmem:s9+$0xD0] =	vst v0;
	v0 =	vmul.f32 $1.131370830e+01, v2;
	v2 =	vld [tilespmem:s9+$0x140]  }
0x17c: {  	[tilespmem:s9+$0xE0] =	vst v1;
	v1 =	vmul.f32 $1.131370830e+01, v5;
	v5 =	vld [tilespmem:s9+$0x150]  }
0x17d: {  	[tilespmem:s9+$0xF0] =	vst v0;
	v0 =	vmul.f32 $1.131370830e+01, v6;
	v6 =	vld [tilespmem:s9+$0x160]  }
0x17e: {  	[tilespmem:s9+$0x100] =	vst v1;
	v1 =	vmul.f32 $1.131370830e+01, v3;
	v3 =	vld [tilespmem:s9+$0x170]  }
0x17f: {  	[tilespmem:s9+$0x110] =	vst v0;
	v0 =	vmul.f32 $1.131370830e+01, v4;
	v4 =	vld [tilespmem:s9+$0x180]  }
0x180: {  	[tilespmem:s9+$0x120] =	vst v1;
	v1 =	vmul.f32 $1.131370830e+01, v2;
	v7 =	vld [tilespmem:s9+$0x190]  }
0x181: {  	[tilespmem:s9+$0x130] =	vst v0;
	v2 =	vmul.f32 $1.131370830e+01, v5;
	v8 =	vld [tilespmem:s9+$0x1A0]  }
.Ltmp5:
0x182: {  	[tilespmem:s9+$0x140] =	vst v1;
	v5 =	vmul.f32 $1.131370830e+01, v6;
	v0 =	vld [tilespmem:s9+$0x1B0];
	(pc) =	sbr.rel @p1 .LBB2_9-.Ltmp5, $4  }
0x183: {  	[tilespmem:s9+$0x150] =	vst v2;
	v3 =	vmul.f32 $1.131370830e+01, v3;
	v1 =	vld [tilespmem:s9+$0x1C0]  }
0x184: {  	[tilespmem:s9+$0x160] =	vst v5;
	v6 =	vmul.f32 $1.131370830e+01, v4;
	v2 =	vld [tilespmem:s9+$0x1D0]  }
0x185: {  	[tilespmem:s9+$0x170] =	vst v3;
	v5 =	vmul.f32 $1.131370830e+01, v7;
	v3 =	vld [tilespmem:s9+$0x1E0]  }
0x186: {  	s9 =	sadd.s32 $0x200, s9;
	v4 =	vld [tilespmem:s7+$0x0];
	[tilespmem:s7+$0x180] =	vst v6;
	v6 =	vmul.f32 $1.131370830e+01, v8  }
0x187: {  	[tilespmem:s7+$0x190] =	vst v5;
	v0 =	vmul.f32 $1.131370830e+01, v0  }
0x188: {  	[tilespmem:s7+$0x1A0] =	vst v6;
	v1 =	vmul.f32 $1.131370830e+01, v1  }
0x189: {  	[tilespmem:s7+$0x1B0] =	vst v0;
	v0 =	vmul.f32 $1.131370830e+01, v2  }
0x18a: {  	[tilespmem:s7+$0x1C0] =	vst v1  }
0x18b: {  	[tilespmem:s7+$0x1D0] =	vst v0  }
0x18c: {  	v1 =	vmul.f32 $1.131370830e+01, v3;
	s8 =	rddreg [dreg:$0x7]  }
0x18d: {  	v2 =	vmul.f32 $1.131370830e+01, v4;
	s8 =	sadd.s32 s1, s8  }
0x18e: {  	[tilespmem:s7+$0x1E0] =	vst v1;
	s8 =	sshll.u32 s8, $0x4  }
0x18f: {  	s9 =	simm.s32 $0x9400;
	[tilespmem:s7+$0x0] =	vst v2;
	s7 =	simm.s32 @!p0 $0xD;
	s8 =	sadd.s32 s3, s8  }
0x190: {  	[hbm4b:s8+s4] =	stream.linear.scatter [tilespmem:s9], [sflag:$0xE], $0x2000, $0x38;
	[tilespmem:$0x17400] =	vst v63  }
0x191: {  	_ =	swait.ge @!p0 [sflag:s7], $0x2000  }
0x192: {  	s8 =	simm.s32 @!p0 $0x40;
	[sflag:s7] =	ssyncset.done @!p0 $0x0  }
0x193: {  	s9 =	simm.s32 @!p0 $0x7400;
	[sflag:s7] =	ssyncadd.s32 @!p0 $0xFFFFE000;
	s7 =	sadd.s32 @!p0 $0x600, s20  }
0x194: {  	[tilespmem:s9], [sflag:$0x3] =	stream.indirect.gather @!p0 [hbm4b:s2+s8], $0x80, s7, s8, $0xb8;
	[tilespmem:$0x17400] =	vst v63  }
0x195: {  	_ =	swait.ge [sflag:s6], $0x2000  }
0x196: {  	[sflag:s6] =	ssyncset.done $0x0  }
0x197: {  	s7 =	simm.s32 $0xB400;
	[sflag:s6] =	ssyncadd.s32 $0xFFFFE000  }
0x198: {  	v0 =	vld [tilespmem:s7+$0x1F0]  }
0x199: {  	v1 =	vld [tilespmem:s7+$0x10]  }
0x19a: {  	v2 =	vld [tilespmem:s7+$0x20]  }
0x19b: {  	v3 =	vld [tilespmem:s7+$0x30]  }
0x19c: {  	v6 =	vld [tilespmem:s7+$0x60]  }
0x19d: {  	v4 =	vld [tilespmem:s7+$0x40]  }
0x19e: {  	v5 =	vld [tilespmem:s7+$0x50];
	v0 =	vmul.f32 $1.131370830e+01, v0  }
0x19f: {  	v8 =	vld [tilespmem:s7+$0x80];
	v1 =	vmul.f32 $1.131370830e+01, v1  }
0x1a0: {  	v7 =	vld [tilespmem:s7+$0x70];
	v2 =	vmul.f32 $1.131370830e+01, v2;
	[tilespmem:s7+$0x1F0] =	vst v0  }
0x1a1: {  	v6 =	vmul.f32 $1.131370830e+01, v6;
	v0 =	vld [tilespmem:s7+$0x90];
	[tilespmem:s7+$0x10] =	vst v1  }
0x1a2: {  	v1 =	vmul.f32 $1.131370830e+01, v3;
	v3 =	vld [tilespmem:s7+$0xA0];
	[tilespmem:s7+$0x20] =	vst v2;
	v2 =	vmul.f32 $1.131370830e+01, v4  }
0x1a3: {  	[tilespmem:s7+$0x60] =	vst v6;
	v6 =	vld [tilespmem:s7+$0xF0]  }
0x1a4: {  	v4 =	vld [tilespmem:s7+$0xB0];
	[tilespmem:s7+$0x40] =	vst v2;
	v2 =	vmul.f32 $1.131370830e+01, v8  }
0x1a5: {  	[tilespmem:s7+$0x30] =	vst v1;
	v1 =	vmul.f32 $1.131370830e+01, v5;
	v5 =	vld [tilespmem:s7+$0xC0]  }
0x1a6: {  	v8 =	vld [tilespmem:s7+$0xD0];
	[tilespmem:s7+$0x80] =	vst v2;
	v2 =	vmul.f32 $1.131370830e+01, v7  }
0x1a7: {  	[tilespmem:s7+$0x50] =	vst v1;
	v1 =	vld [tilespmem:s7+$0xE0];
	v0 =	vmul.f32 $1.131370830e+01, v0  }
0x1a8: {  	v7 =	vld [tilespmem:s7+$0x130];
	v6 =	vmul.f32 $1.131370830e+01, v6;
	[tilespmem:s7+$0x70] =	vst v2  }
0x1a9: {  	v2 =	vmul.f32 $1.131370830e+01, v3;
	v3 =	vld [tilespmem:s7+$0x100];
	[tilespmem:s7+$0x90] =	vst v0  }
0x1aa: {  	v0 =	vmul.f32 $1.131370830e+01, v4;
	v4 =	vld [tilespmem:s7+$0x110];
	[tilespmem:s7+$0xF0] =	vst v6  }
0x1ab: {  	[tilespmem:s7+$0xA0] =	vst v2;
	v2 =	vmul.f32 $1.131370830e+01, v5;
	v5 =	vld [tilespmem:s7+$0x120]  }
0x1ac: {  	v6 =	vld [tilespmem:s7+$0x180];
	[tilespmem:s7+$0xB0] =	vst v0;
	v0 =	vmul.f32 $1.131370830e+01, v8  }
0x1ad: {  	v1 =	vmul.f32 $1.131370830e+01, v1;
	[tilespmem:s7+$0xC0] =	vst v2;
	v2 =	vld [tilespmem:s7+$0x140]  }
0x1ae: {  	[tilespmem:s7+$0xD0] =	vst v0;
	v0 =	vmul.f32 $1.131370830e+01, v3  }
0x1af: {  	v3 =	vld [tilespmem:s7+$0x150];
	[tilespmem:s7+$0xE0] =	vst v1;
	v4 =	vmul.f32 $1.131370830e+01, v4  }
0x1b0: {  	v1 =	vld [tilespmem:s7+$0x160];
	[tilespmem:s7+$0x100] =	vst v0;
	v0 =	vmul.f32 $1.131370830e+01, v5  }
0x1b1: {  	v6 =	vmul.f32 $1.131370830e+01, v6;
	v5 =	vld [tilespmem:s7+$0x170];
	[tilespmem:s7+$0x110] =	vst v4  }
0x1b2: {  	v4 =	vmul.f32 $1.131370830e+01, v7;
	v7 =	vld [tilespmem:s7+$0x190];
	[tilespmem:s7+$0x120] =	vst v0;
	v0 =	vmul.f32 $1.131370830e+01, v2  }
0x1b3: {  	v8 =	vld [tilespmem:s7+$0x1A0];
	[tilespmem:s7+$0x180] =	vst v6  }
0x1b4: {  	v2 =	vmul.f32 $1.131370830e+01, v3;
	[tilespmem:s7+$0x140] =	vst v0;
	v0 =	vld [tilespmem:s7+$0x1B0]  }
0x1b5: {  	[tilespmem:s7+$0x130] =	vst v4;
	v3 =	vmul.f32 $1.131370830e+01, v1;
	v1 =	vld [tilespmem:s7+$0x1C0]  }
0x1b6: {  	[tilespmem:s7+$0x150] =	vst v2;
	v4 =	vmul.f32 $1.131370830e+01, v5;
	v2 =	vld [tilespmem:s7+$0x1D0]  }
0x1b7: {  	[tilespmem:s7+$0x160] =	vst v3;
	v3 =	vld [tilespmem:s7+$0x1E0];
	v5 =	vmul.f32 $1.131370830e+01, v7  }
0x1b8: {  	s8 =	simm.s32 $0x0;
	s9 =	simm.s32 $0xB600;
	v6 =	vmul.f32 $1.131370830e+01, v8;
	[tilespmem:s7+$0x170] =	vst v4;
	v4 =	vld [tilespmem:s7+$0x0]  }
.LBB2_11:
0x1b9: {  	v7 =	vld [tilespmem:s9+$0x1F0];
	s8 =	sadd.s32 $0x4, s8;
	[tilespmem:s7+$0x190] =	vst v5;
	v0 =	vmul.f32 $1.131370830e+01, v0  }
0x1ba: {  	v5 =	vld [tilespmem:s9+$0x10];
	p1 =	slt.u32 s8, $0x3C;
	[tilespmem:s7+$0x1A0] =	vst v6;
	v1 =	vmul.f32 $1.131370830e+01, v1  }
0x1bb: {  	v6 =	vld [tilespmem:s9+$0x20];
	[tilespmem:s7+$0x1B0] =	vst v0;
	v0 =	vmul.f32 $1.131370830e+01, v2  }
0x1bc: {  	v2 =	vld [tilespmem:s9+$0x30];
	[tilespmem:s7+$0x1C0] =	vst v1;
	v1 =	vmul.f32 $1.131370830e+01, v3  }
0x1bd: {  	v3 =	vld [tilespmem:s9+$0x40];
	v4 =	vmul.f32 $1.131370830e+01, v4;
	[tilespmem:s7+$0x1D0] =	vst v0  }
0x1be: {  	v0 =	vld [tilespmem:s9+$0x50];
	v7 =	vmul.f32 $1.131370830e+01, v7;
	[tilespmem:s7+$0x1E0] =	vst v1  }
0x1bf: {  	v1 =	vmul.f32 $1.131370830e+01, v5;
	v5 =	vld [tilespmem:s9+$0x60];
	[tilespmem:s7+$0x0] =	vst v4;
	s7 =	smov.u32 s9  }
0x1c0: {  	v4 =	vmul.f32 $1.131370830e+01, v6;
	v6 =	vld [tilespmem:s9+$0x70];
	[tilespmem:s9+$0x1F0] =	vst v7  }
0x1c1: {  	[tilespmem:s9+$0x10] =	vst v1;
	v1 =	vmul.f32 $1.131370830e+01, v2;
	v2 =	vld [tilespmem:s9+$0x80]  }
0x1c2: {  	[tilespmem:s9+$0x20] =	vst v4;
	v3 =	vmul.f32 $1.131370830e+01, v3;
	v4 =	vld [tilespmem:s9+$0x90]  }
0x1c3: {  	[tilespmem:s9+$0x30] =	vst v1;
	v0 =	vmul.f32 $1.131370830e+01, v0;
	v1 =	vld [tilespmem:s9+$0xA0]  }
0x1c4: {  	[tilespmem:s9+$0x40] =	vst v3;
	v3 =	vmul.f32 $1.131370830e+01, v5;
	v5 =	vld [tilespmem:s9+$0xB0]  }
0x1c5: {  	[tilespmem:s9+$0x50] =	vst v0;
	v0 =	vmul.f32 $1.131370830e+01, v6;
	v6 =	vld [tilespmem:s9+$0xC0]  }
0x1c6: {  	[tilespmem:s9+$0x60] =	vst v3;
	v2 =	vmul.f32 $1.131370830e+01, v2;
	v3 =	vld [tilespmem:s9+$0xD0]  }
0x1c7: {  	[tilespmem:s9+$0x70] =	vst v0;
	v0 =	vmul.f32 $1.131370830e+01, v4;
	v4 =	vld [tilespmem:s9+$0xE0]  }
0x1c8: {  	[tilespmem:s9+$0x80] =	vst v2;
	v1 =	vmul.f32 $1.131370830e+01, v1;
	v2 =	vld [tilespmem:s9+$0xF0]  }
0x1c9: {  	[tilespmem:s9+$0x90] =	vst v0;
	v0 =	vmul.f32 $1.131370830e+01, v5;
	v5 =	vld [tilespmem:s9+$0x100]  }
0x1ca: {  	[tilespmem:s9+$0xA0] =	vst v1;
	v1 =	vmul.f32 $1.131370830e+01, v6;
	v6 =	vld [tilespmem:s9+$0x110]  }
0x1cb: {  	[tilespmem:s9+$0xB0] =	vst v0;
	v0 =	vmul.f32 $1.131370830e+01, v3;
	v3 =	vld [tilespmem:s9+$0x120]  }
0x1cc: {  	[tilespmem:s9+$0xC0] =	vst v1;
	v1 =	vmul.f32 $1.131370830e+01, v4;
	v4 =	vld [tilespmem:s9+$0x130]  }
0x1cd: {  	[tilespmem:s9+$0xD0] =	vst v0;
	v0 =	vmul.f32 $1.131370830e+01, v2;
	v2 =	vld [tilespmem:s9+$0x140]  }
0x1ce: {  	[tilespmem:s9+$0xE0] =	vst v1;
	v1 =	vmul.f32 $1.131370830e+01, v5;
	v5 =	vld [tilespmem:s9+$0x150]  }
0x1cf: {  	[tilespmem:s9+$0xF0] =	vst v0;
	v0 =	vmul.f32 $1.131370830e+01, v6;
	v6 =	vld [tilespmem:s9+$0x160]  }
0x1d0: {  	[tilespmem:s9+$0x100] =	vst v1;
	v1 =	vmul.f32 $1.131370830e+01, v3;
	v3 =	vld [tilespmem:s9+$0x170]  }
0x1d1: {  	[tilespmem:s9+$0x110] =	vst v0;
	v0 =	vmul.f32 $1.131370830e+01, v4;
	v4 =	vld [tilespmem:s9+$0x180]  }
0x1d2: {  	[tilespmem:s9+$0x120] =	vst v1;
	v1 =	vmul.f32 $1.131370830e+01, v2;
	v7 =	vld [tilespmem:s9+$0x190]  }
0x1d3: {  	[tilespmem:s9+$0x130] =	vst v0;
	v2 =	vmul.f32 $1.131370830e+01, v5;
	v8 =	vld [tilespmem:s9+$0x1A0]  }
.Ltmp6:
0x1d4: {  	[tilespmem:s9+$0x140] =	vst v1;
	v5 =	vmul.f32 $1.131370830e+01, v6;
	v0 =	vld [tilespmem:s9+$0x1B0];
	(pc) =	sbr.rel @p1 .LBB2_11-.Ltmp6, $4  }
0x1d5: {  	[tilespmem:s9+$0x150] =	vst v2;
	v3 =	vmul.f32 $1.131370830e+01, v3;
	v1 =	vld [tilespmem:s9+$0x1C0]  }
0x1d6: {  	[tilespmem:s9+$0x160] =	vst v5;
	v6 =	vmul.f32 $1.131370830e+01, v4;
	v2 =	vld [tilespmem:s9+$0x1D0]  }
0x1d7: {  	[tilespmem:s9+$0x170] =	vst v3;
	v5 =	vmul.f32 $1.131370830e+01, v7;
	v3 =	vld [tilespmem:s9+$0x1E0]  }
0x1d8: {  	s9 =	sadd.s32 $0x200, s9;
	v4 =	vld [tilespmem:s7+$0x0];
	[tilespmem:s7+$0x180] =	vst v6;
	v6 =	vmul.f32 $1.131370830e+01, v8  }
0x1d9: {  	[tilespmem:s7+$0x190] =	vst v5;
	v0 =	vmul.f32 $1.131370830e+01, v0  }
0x1da: {  	[tilespmem:s7+$0x1A0] =	vst v6;
	v1 =	vmul.f32 $1.131370830e+01, v1  }
0x1db: {  	[tilespmem:s7+$0x1B0] =	vst v0;
	v0 =	vmul.f32 $1.131370830e+01, v2  }
0x1dc: {  	[tilespmem:s7+$0x1C0] =	vst v1;
	v1 =	vmul.f32 $1.131370830e+01, v3  }
0x1dd: {  	s8 =	sadd.s32 s1, s10;
	v2 =	vmul.f32 $1.131370830e+01, v4;
	[tilespmem:s7+$0x1D0] =	vst v0  }
0x1de: {  	s8 =	sshll.u32 s8, $0x4;
	[tilespmem:s7+$0x1E0] =	vst v1  }
0x1df: {  	s9 =	simm.s32 $0xB400;
	s8 =	sadd.s32 s3, s8;
	[tilespmem:s7+$0x0] =	vst v2;
	s7 =	simm.s32 @!p0 $0xE  }
0x1e0: {  	[hbm4b:s8+s4] =	stream.linear.scatter [tilespmem:s9], [sflag:$0xF], $0x2000, $0x38;
	[tilespmem:$0x17400] =	vst v63  }
0x1e1: {  	_ =	swait.ge @!p0 [sflag:s7], $0x2000  }
0x1e2: {  	s8 =	simm.s32 @!p0 $0x40;
	[sflag:s7] =	ssyncset.done @!p0 $0x0  }
0x1e3: {  	s9 =	simm.s32 @!p0 $0x9400;
	[sflag:s7] =	ssyncadd.s32 @!p0 $0xFFFFE000;
	s7 =	sadd.s32 @!p0 $0x680, s20  }
0x1e4: {  	[tilespmem:s9], [sflag:$0x4] =	stream.indirect.gather @!p0 [hbm4b:s2+s8], $0x80, s7, s8, $0xb8;
	[tilespmem:$0x17400] =	vst v63  }
0x1e5: {  	_ =	swait.ge [sflag:s16], $0x2000  }
0x1e6: {  	[sflag:s16] =	ssyncset.done $0x0  }
0x1e7: {  	s7 =	simm.s32 $0xD400;
	[sflag:s16] =	ssyncadd.s32 $0xFFFFE000  }
0x1e8: {  	v0 =	vld [tilespmem:s7+$0x1F0]  }
0x1e9: {  	v1 =	vld [tilespmem:s7+$0x10]  }
0x1ea: {  	v2 =	vld [tilespmem:s7+$0x20]  }
0x1eb: {  	v3 =	vld [tilespmem:s7+$0x30]  }
0x1ec: {  	v6 =	vld [tilespmem:s7+$0x60]  }
0x1ed: {  	v4 =	vld [tilespmem:s7+$0x40]  }
0x1ee: {  	v5 =	vld [tilespmem:s7+$0x50];
	v0 =	vmul.f32 $1.131370830e+01, v0  }
0x1ef: {  	v8 =	vld [tilespmem:s7+$0x80];
	v1 =	vmul.f32 $1.131370830e+01, v1  }
0x1f0: {  	v7 =	vld [tilespmem:s7+$0x70];
	v2 =	vmul.f32 $1.131370830e+01, v2;
	[tilespmem:s7+$0x1F0] =	vst v0  }
0x1f1: {  	v6 =	vmul.f32 $1.131370830e+01, v6;
	v0 =	vld [tilespmem:s7+$0x90];
	[tilespmem:s7+$0x10] =	vst v1  }
0x1f2: {  	v1 =	vmul.f32 $1.131370830e+01, v3;
	v3 =	vld [tilespmem:s7+$0xA0];
	[tilespmem:s7+$0x20] =	vst v2;
	v2 =	vmul.f32 $1.131370830e+01, v4  }
0x1f3: {  	[tilespmem:s7+$0x60] =	vst v6;
	v6 =	vld [tilespmem:s7+$0xF0]  }
0x1f4: {  	v4 =	vld [tilespmem:s7+$0xB0];
	[tilespmem:s7+$0x40] =	vst v2;
	v2 =	vmul.f32 $1.131370830e+01, v8  }
0x1f5: {  	[tilespmem:s7+$0x30] =	vst v1;
	v1 =	vmul.f32 $1.131370830e+01, v5;
	v5 =	vld [tilespmem:s7+$0xC0]  }
0x1f6: {  	v8 =	vld [tilespmem:s7+$0xD0];
	[tilespmem:s7+$0x80] =	vst v2;
	v2 =	vmul.f32 $1.131370830e+01, v7  }
0x1f7: {  	[tilespmem:s7+$0x50] =	vst v1;
	v1 =	vld [tilespmem:s7+$0xE0];
	v0 =	vmul.f32 $1.131370830e+01, v0  }
0x1f8: {  	v7 =	vld [tilespmem:s7+$0x130];
	v6 =	vmul.f32 $1.131370830e+01, v6;
	[tilespmem:s7+$0x70] =	vst v2  }
0x1f9: {  	v2 =	vmul.f32 $1.131370830e+01, v3;
	v3 =	vld [tilespmem:s7+$0x100];
	[tilespmem:s7+$0x90] =	vst v0  }
0x1fa: {  	v0 =	vmul.f32 $1.131370830e+01, v4;
	v4 =	vld [tilespmem:s7+$0x110];
	[tilespmem:s7+$0xF0] =	vst v6  }
0x1fb: {  	[tilespmem:s7+$0xA0] =	vst v2;
	v2 =	vmul.f32 $1.131370830e+01, v5;
	v5 =	vld [tilespmem:s7+$0x120]  }
0x1fc: {  	v6 =	vld [tilespmem:s7+$0x180];
	[tilespmem:s7+$0xB0] =	vst v0;
	v0 =	vmul.f32 $1.131370830e+01, v8  }
0x1fd: {  	v1 =	vmul.f32 $1.131370830e+01, v1;
	[tilespmem:s7+$0xC0] =	vst v2;
	v2 =	vld [tilespmem:s7+$0x140]  }
0x1fe: {  	[tilespmem:s7+$0xD0] =	vst v0;
	v0 =	vmul.f32 $1.131370830e+01, v3  }
0x1ff: {  	v3 =	vld [tilespmem:s7+$0x150];
	[tilespmem:s7+$0xE0] =	vst v1;
	v4 =	vmul.f32 $1.131370830e+01, v4  }
0x200: {  	v1 =	vld [tilespmem:s7+$0x160];
	[tilespmem:s7+$0x100] =	vst v0;
	v0 =	vmul.f32 $1.131370830e+01, v5  }
0x201: {  	v6 =	vmul.f32 $1.131370830e+01, v6;
	v5 =	vld [tilespmem:s7+$0x170];
	[tilespmem:s7+$0x110] =	vst v4  }
0x202: {  	v4 =	vmul.f32 $1.131370830e+01, v7;
	v7 =	vld [tilespmem:s7+$0x190];
	[tilespmem:s7+$0x120] =	vst v0;
	v0 =	vmul.f32 $1.131370830e+01, v2  }
0x203: {  	v8 =	vld [tilespmem:s7+$0x1A0];
	[tilespmem:s7+$0x180] =	vst v6  }
0x204: {  	v2 =	vmul.f32 $1.131370830e+01, v3;
	[tilespmem:s7+$0x140] =	vst v0;
	v0 =	vld [tilespmem:s7+$0x1B0]  }
0x205: {  	[tilespmem:s7+$0x130] =	vst v4;
	v3 =	vmul.f32 $1.131370830e+01, v1;
	v1 =	vld [tilespmem:s7+$0x1C0]  }
0x206: {  	[tilespmem:s7+$0x150] =	vst v2;
	v4 =	vmul.f32 $1.131370830e+01, v5;
	v2 =	vld [tilespmem:s7+$0x1D0]  }
0x207: {  	[tilespmem:s7+$0x160] =	vst v3;
	v3 =	vld [tilespmem:s7+$0x1E0];
	v5 =	vmul.f32 $1.131370830e+01, v7  }
0x208: {  	s8 =	simm.s32 $0x0;
	s9 =	simm.s32 $0xD600;
	v6 =	vmul.f32 $1.131370830e+01, v8;
	[tilespmem:s7+$0x170] =	vst v4;
	v4 =	vld [tilespmem:s7+$0x0]  }
.LBB2_13:
0x209: {  	v7 =	vld [tilespmem:s9+$0x1F0];
	s8 =	sadd.s32 $0x4, s8;
	[tilespmem:s7+$0x190] =	vst v5;
	v0 =	vmul.f32 $1.131370830e+01, v0  }
0x20a: {  	v5 =	vld [tilespmem:s9+$0x10];
	p1 =	slt.u32 s8, $0x3C;
	[tilespmem:s7+$0x1A0] =	vst v6;
	v1 =	vmul.f32 $1.131370830e+01, v1  }
0x20b: {  	v6 =	vld [tilespmem:s9+$0x20];
	[tilespmem:s7+$0x1B0] =	vst v0;
	v0 =	vmul.f32 $1.131370830e+01, v2  }
0x20c: {  	v2 =	vld [tilespmem:s9+$0x30];
	[tilespmem:s7+$0x1C0] =	vst v1;
	v1 =	vmul.f32 $1.131370830e+01, v3  }
0x20d: {  	v3 =	vld [tilespmem:s9+$0x40];
	v4 =	vmul.f32 $1.131370830e+01, v4;
	[tilespmem:s7+$0x1D0] =	vst v0  }
0x20e: {  	v0 =	vld [tilespmem:s9+$0x50];
	v7 =	vmul.f32 $1.131370830e+01, v7;
	[tilespmem:s7+$0x1E0] =	vst v1  }
0x20f: {  	v1 =	vmul.f32 $1.131370830e+01, v5;
	v5 =	vld [tilespmem:s9+$0x60];
	[tilespmem:s7+$0x0] =	vst v4;
	s7 =	smov.u32 s9  }
0x210: {  	v4 =	vmul.f32 $1.131370830e+01, v6;
	v6 =	vld [tilespmem:s9+$0x70];
	[tilespmem:s9+$0x1F0] =	vst v7  }
0x211: {  	[tilespmem:s9+$0x10] =	vst v1;
	v1 =	vmul.f32 $1.131370830e+01, v2;
	v2 =	vld [tilespmem:s9+$0x80]  }
0x212: {  	[tilespmem:s9+$0x20] =	vst v4;
	v3 =	vmul.f32 $1.131370830e+01, v3;
	v4 =	vld [tilespmem:s9+$0x90]  }
0x213: {  	[tilespmem:s9+$0x30] =	vst v1;
	v0 =	vmul.f32 $1.131370830e+01, v0;
	v1 =	vld [tilespmem:s9+$0xA0]  }
0x214: {  	[tilespmem:s9+$0x40] =	vst v3;
	v3 =	vmul.f32 $1.131370830e+01, v5;
	v5 =	vld [tilespmem:s9+$0xB0]  }
0x215: {  	[tilespmem:s9+$0x50] =	vst v0;
	v0 =	vmul.f32 $1.131370830e+01, v6;
	v6 =	vld [tilespmem:s9+$0xC0]  }
0x216: {  	[tilespmem:s9+$0x60] =	vst v3;
	v2 =	vmul.f32 $1.131370830e+01, v2;
	v3 =	vld [tilespmem:s9+$0xD0]  }
0x217: {  	[tilespmem:s9+$0x70] =	vst v0;
	v0 =	vmul.f32 $1.131370830e+01, v4;
	v4 =	vld [tilespmem:s9+$0xE0]  }
0x218: {  	[tilespmem:s9+$0x80] =	vst v2;
	v1 =	vmul.f32 $1.131370830e+01, v1;
	v2 =	vld [tilespmem:s9+$0xF0]  }
0x219: {  	[tilespmem:s9+$0x90] =	vst v0;
	v0 =	vmul.f32 $1.131370830e+01, v5;
	v5 =	vld [tilespmem:s9+$0x100]  }
0x21a: {  	[tilespmem:s9+$0xA0] =	vst v1;
	v1 =	vmul.f32 $1.131370830e+01, v6;
	v6 =	vld [tilespmem:s9+$0x110]  }
0x21b: {  	[tilespmem:s9+$0xB0] =	vst v0;
	v0 =	vmul.f32 $1.131370830e+01, v3;
	v3 =	vld [tilespmem:s9+$0x120]  }
0x21c: {  	[tilespmem:s9+$0xC0] =	vst v1;
	v1 =	vmul.f32 $1.131370830e+01, v4;
	v4 =	vld [tilespmem:s9+$0x130]  }
0x21d: {  	[tilespmem:s9+$0xD0] =	vst v0;
	v0 =	vmul.f32 $1.131370830e+01, v2;
	v2 =	vld [tilespmem:s9+$0x140]  }
0x21e: {  	[tilespmem:s9+$0xE0] =	vst v1;
	v1 =	vmul.f32 $1.131370830e+01, v5;
	v5 =	vld [tilespmem:s9+$0x150]  }
0x21f: {  	[tilespmem:s9+$0xF0] =	vst v0;
	v0 =	vmul.f32 $1.131370830e+01, v6;
	v6 =	vld [tilespmem:s9+$0x160]  }
0x220: {  	[tilespmem:s9+$0x100] =	vst v1;
	v1 =	vmul.f32 $1.131370830e+01, v3;
	v3 =	vld [tilespmem:s9+$0x170]  }
0x221: {  	[tilespmem:s9+$0x110] =	vst v0;
	v0 =	vmul.f32 $1.131370830e+01, v4;
	v4 =	vld [tilespmem:s9+$0x180]  }
0x222: {  	[tilespmem:s9+$0x120] =	vst v1;
	v1 =	vmul.f32 $1.131370830e+01, v2;
	v7 =	vld [tilespmem:s9+$0x190]  }
0x223: {  	[tilespmem:s9+$0x130] =	vst v0;
	v2 =	vmul.f32 $1.131370830e+01, v5;
	v8 =	vld [tilespmem:s9+$0x1A0]  }
.Ltmp7:
0x224: {  	[tilespmem:s9+$0x140] =	vst v1;
	v5 =	vmul.f32 $1.131370830e+01, v6;
	v0 =	vld [tilespmem:s9+$0x1B0];
	(pc) =	sbr.rel @p1 .LBB2_13-.Ltmp7, $4  }
0x225: {  	[tilespmem:s9+$0x150] =	vst v2;
	v3 =	vmul.f32 $1.131370830e+01, v3;
	v1 =	vld [tilespmem:s9+$0x1C0]  }
0x226: {  	[tilespmem:s9+$0x160] =	vst v5;
	v6 =	vmul.f32 $1.131370830e+01, v4;
	v2 =	vld [tilespmem:s9+$0x1D0]  }
0x227: {  	[tilespmem:s9+$0x170] =	vst v3;
	v5 =	vmul.f32 $1.131370830e+01, v7;
	v3 =	vld [tilespmem:s9+$0x1E0]  }
0x228: {  	s9 =	sadd.s32 $0x200, s9;
	v4 =	vld [tilespmem:s7+$0x0];
	[tilespmem:s7+$0x180] =	vst v6;
	v6 =	vmul.f32 $1.131370830e+01, v8  }
0x229: {  	[tilespmem:s7+$0x190] =	vst v5;
	v0 =	vmul.f32 $1.131370830e+01, v0  }
0x22a: {  	[tilespmem:s7+$0x1A0] =	vst v6;
	v1 =	vmul.f32 $1.131370830e+01, v1  }
0x22b: {  	[tilespmem:s7+$0x1B0] =	vst v0;
	v0 =	vmul.f32 $1.131370830e+01, v2  }
0x22c: {  	[tilespmem:s7+$0x1C0] =	vst v1;
	v1 =	vmul.f32 $1.131370830e+01, v3  }
0x22d: {  	s8 =	sadd.s32 s1, s11;
	v2 =	vmul.f32 $1.131370830e+01, v4;
	[tilespmem:s7+$0x1D0] =	vst v0  }
0x22e: {  	s8 =	sshll.u32 s8, $0x4;
	[tilespmem:s7+$0x1E0] =	vst v1  }
0x22f: {  	s9 =	simm.s32 $0xD400;
	s8 =	sadd.s32 s3, s8;
	[tilespmem:s7+$0x0] =	vst v2;
	s7 =	simm.s32 @!p0 $0xF  }
0x230: {  	[hbm4b:s8+s4] =	stream.linear.scatter [tilespmem:s9], [sflag:$0x10], $0x2000, $0x38;
	[tilespmem:$0x17400] =	vst v63  }
0x231: {  	_ =	swait.ge @!p0 [sflag:s7], $0x2000  }
0x232: {  	s8 =	simm.s32 @!p0 $0x40;
	[sflag:s7] =	ssyncset.done @!p0 $0x0  }
0x233: {  	s9 =	simm.s32 @!p0 $0xB400;
	[sflag:s7] =	ssyncadd.s32 @!p0 $0xFFFFE000;
	s7 =	sadd.s32 @!p0 $0x700, s20  }
0x234: {  	[tilespmem:s9], [sflag:$0x5] =	stream.indirect.gather @!p0 [hbm4b:s2+s8], $0x80, s7, s8, $0xb8;
	[tilespmem:$0x17400] =	vst v63  }
0x235: {  	_ =	swait.ge [sflag:s17], $0x2000  }
0x236: {  	[sflag:s17] =	ssyncset.done $0x0  }
0x237: {  	s7 =	simm.s32 $0xF400;
	[sflag:s17] =	ssyncadd.s32 $0xFFFFE000  }
0x238: {  	v0 =	vld [tilespmem:s7+$0x1F0]  }
0x239: {  	v1 =	vld [tilespmem:s7+$0x10]  }
0x23a: {  	v2 =	vld [tilespmem:s7+$0x20]  }
0x23b: {  	v3 =	vld [tilespmem:s7+$0x30]  }
0x23c: {  	v6 =	vld [tilespmem:s7+$0x60]  }
0x23d: {  	v4 =	vld [tilespmem:s7+$0x40]  }
0x23e: {  	v5 =	vld [tilespmem:s7+$0x50];
	v0 =	vmul.f32 $1.131370830e+01, v0  }
0x23f: {  	v8 =	vld [tilespmem:s7+$0x80];
	v1 =	vmul.f32 $1.131370830e+01, v1  }
0x240: {  	v7 =	vld [tilespmem:s7+$0x70];
	v2 =	vmul.f32 $1.131370830e+01, v2;
	[tilespmem:s7+$0x1F0] =	vst v0  }
0x241: {  	v6 =	vmul.f32 $1.131370830e+01, v6;
	v0 =	vld [tilespmem:s7+$0x90];
	[tilespmem:s7+$0x10] =	vst v1  }
0x242: {  	v1 =	vmul.f32 $1.131370830e+01, v3;
	v3 =	vld [tilespmem:s7+$0xA0];
	[tilespmem:s7+$0x20] =	vst v2;
	v2 =	vmul.f32 $1.131370830e+01, v4  }
0x243: {  	[tilespmem:s7+$0x60] =	vst v6;
	v6 =	vld [tilespmem:s7+$0xF0]  }
0x244: {  	v4 =	vld [tilespmem:s7+$0xB0];
	[tilespmem:s7+$0x40] =	vst v2;
	v2 =	vmul.f32 $1.131370830e+01, v8  }
0x245: {  	[tilespmem:s7+$0x30] =	vst v1;
	v1 =	vmul.f32 $1.131370830e+01, v5;
	v5 =	vld [tilespmem:s7+$0xC0]  }
0x246: {  	v8 =	vld [tilespmem:s7+$0xD0];
	[tilespmem:s7+$0x80] =	vst v2;
	v2 =	vmul.f32 $1.131370830e+01, v7  }
0x247: {  	[tilespmem:s7+$0x50] =	vst v1;
	v1 =	vld [tilespmem:s7+$0xE0];
	v0 =	vmul.f32 $1.131370830e+01, v0  }
0x248: {  	v7 =	vld [tilespmem:s7+$0x130];
	v6 =	vmul.f32 $1.131370830e+01, v6;
	[tilespmem:s7+$0x70] =	vst v2  }
0x249: {  	v2 =	vmul.f32 $1.131370830e+01, v3;
	v3 =	vld [tilespmem:s7+$0x100];
	[tilespmem:s7+$0x90] =	vst v0  }
0x24a: {  	v0 =	vmul.f32 $1.131370830e+01, v4;
	v4 =	vld [tilespmem:s7+$0x110];
	[tilespmem:s7+$0xF0] =	vst v6  }
0x24b: {  	[tilespmem:s7+$0xA0] =	vst v2;
	v2 =	vmul.f32 $1.131370830e+01, v5;
	v5 =	vld [tilespmem:s7+$0x120]  }
0x24c: {  	v6 =	vld [tilespmem:s7+$0x180];
	[tilespmem:s7+$0xB0] =	vst v0;
	v0 =	vmul.f32 $1.131370830e+01, v8  }
0x24d: {  	v1 =	vmul.f32 $1.131370830e+01, v1;
	[tilespmem:s7+$0xC0] =	vst v2;
	v2 =	vld [tilespmem:s7+$0x140]  }
0x24e: {  	[tilespmem:s7+$0xD0] =	vst v0;
	v0 =	vmul.f32 $1.131370830e+01, v3  }
0x24f: {  	v3 =	vld [tilespmem:s7+$0x150];
	[tilespmem:s7+$0xE0] =	vst v1;
	v4 =	vmul.f32 $1.131370830e+01, v4  }
0x250: {  	v1 =	vld [tilespmem:s7+$0x160];
	[tilespmem:s7+$0x100] =	vst v0;
	v0 =	vmul.f32 $1.131370830e+01, v5  }
0x251: {  	v6 =	vmul.f32 $1.131370830e+01, v6;
	v5 =	vld [tilespmem:s7+$0x170];
	[tilespmem:s7+$0x110] =	vst v4  }
0x252: {  	v4 =	vmul.f32 $1.131370830e+01, v7;
	v7 =	vld [tilespmem:s7+$0x190];
	[tilespmem:s7+$0x120] =	vst v0;
	v0 =	vmul.f32 $1.131370830e+01, v2  }
0x253: {  	v8 =	vld [tilespmem:s7+$0x1A0];
	[tilespmem:s7+$0x180] =	vst v6  }
0x254: {  	v2 =	vmul.f32 $1.131370830e+01, v3;
	[tilespmem:s7+$0x140] =	vst v0;
	v0 =	vld [tilespmem:s7+$0x1B0]  }
0x255: {  	[tilespmem:s7+$0x130] =	vst v4;
	v3 =	vmul.f32 $1.131370830e+01, v1;
	v1 =	vld [tilespmem:s7+$0x1C0]  }
0x256: {  	[tilespmem:s7+$0x150] =	vst v2;
	v4 =	vmul.f32 $1.131370830e+01, v5;
	v2 =	vld [tilespmem:s7+$0x1D0]  }
0x257: {  	[tilespmem:s7+$0x160] =	vst v3;
	v3 =	vld [tilespmem:s7+$0x1E0];
	v5 =	vmul.f32 $1.131370830e+01, v7  }
0x258: {  	s8 =	simm.s32 $0x0;
	s9 =	simm.s32 $0xF600;
	v6 =	vmul.f32 $1.131370830e+01, v8;
	[tilespmem:s7+$0x170] =	vst v4;
	v4 =	vld [tilespmem:s7+$0x0]  }
.LBB2_15:
0x259: {  	v7 =	vld [tilespmem:s9+$0x1F0];
	s8 =	sadd.s32 $0x4, s8;
	[tilespmem:s7+$0x190] =	vst v5;
	v0 =	vmul.f32 $1.131370830e+01, v0  }
0x25a: {  	v5 =	vld [tilespmem:s9+$0x10];
	p1 =	slt.u32 s8, $0x3C;
	[tilespmem:s7+$0x1A0] =	vst v6;
	v1 =	vmul.f32 $1.131370830e+01, v1  }
0x25b: {  	v6 =	vld [tilespmem:s9+$0x20];
	[tilespmem:s7+$0x1B0] =	vst v0;
	v0 =	vmul.f32 $1.131370830e+01, v2  }
0x25c: {  	v2 =	vld [tilespmem:s9+$0x30];
	[tilespmem:s7+$0x1C0] =	vst v1;
	v1 =	vmul.f32 $1.131370830e+01, v3  }
0x25d: {  	v3 =	vld [tilespmem:s9+$0x40];
	v4 =	vmul.f32 $1.131370830e+01, v4;
	[tilespmem:s7+$0x1D0] =	vst v0  }
0x25e: {  	v0 =	vld [tilespmem:s9+$0x50];
	v7 =	vmul.f32 $1.131370830e+01, v7;
	[tilespmem:s7+$0x1E0] =	vst v1  }
0x25f: {  	v1 =	vmul.f32 $1.131370830e+01, v5;
	v5 =	vld [tilespmem:s9+$0x60];
	[tilespmem:s7+$0x0] =	vst v4;
	s7 =	smov.u32 s9  }
0x260: {  	v4 =	vmul.f32 $1.131370830e+01, v6;
	v6 =	vld [tilespmem:s9+$0x70];
	[tilespmem:s9+$0x1F0] =	vst v7  }
0x261: {  	[tilespmem:s9+$0x10] =	vst v1;
	v1 =	vmul.f32 $1.131370830e+01, v2;
	v2 =	vld [tilespmem:s9+$0x80]  }
0x262: {  	[tilespmem:s9+$0x20] =	vst v4;
	v3 =	vmul.f32 $1.131370830e+01, v3;
	v4 =	vld [tilespmem:s9+$0x90]  }
0x263: {  	[tilespmem:s9+$0x30] =	vst v1;
	v0 =	vmul.f32 $1.131370830e+01, v0;
	v1 =	vld [tilespmem:s9+$0xA0]  }
0x264: {  	[tilespmem:s9+$0x40] =	vst v3;
	v3 =	vmul.f32 $1.131370830e+01, v5;
	v5 =	vld [tilespmem:s9+$0xB0]  }
0x265: {  	[tilespmem:s9+$0x50] =	vst v0;
	v0 =	vmul.f32 $1.131370830e+01, v6;
	v6 =	vld [tilespmem:s9+$0xC0]  }
0x266: {  	[tilespmem:s9+$0x60] =	vst v3;
	v2 =	vmul.f32 $1.131370830e+01, v2;
	v3 =	vld [tilespmem:s9+$0xD0]  }
0x267: {  	[tilespmem:s9+$0x70] =	vst v0;
	v0 =	vmul.f32 $1.131370830e+01, v4;
	v4 =	vld [tilespmem:s9+$0xE0]  }
0x268: {  	[tilespmem:s9+$0x80] =	vst v2;
	v1 =	vmul.f32 $1.131370830e+01, v1;
	v2 =	vld [tilespmem:s9+$0xF0]  }
0x269: {  	[tilespmem:s9+$0x90] =	vst v0;
	v0 =	vmul.f32 $1.131370830e+01, v5;
	v5 =	vld [tilespmem:s9+$0x100]  }
0x26a: {  	[tilespmem:s9+$0xA0] =	vst v1;
	v1 =	vmul.f32 $1.131370830e+01, v6;
	v6 =	vld [tilespmem:s9+$0x110]  }
0x26b: {  	[tilespmem:s9+$0xB0] =	vst v0;
	v0 =	vmul.f32 $1.131370830e+01, v3;
	v3 =	vld [tilespmem:s9+$0x120]  }
0x26c: {  	[tilespmem:s9+$0xC0] =	vst v1;
	v1 =	vmul.f32 $1.131370830e+01, v4;
	v4 =	vld [tilespmem:s9+$0x130]  }
0x26d: {  	[tilespmem:s9+$0xD0] =	vst v0;
	v0 =	vmul.f32 $1.131370830e+01, v2;
	v2 =	vld [tilespmem:s9+$0x140]  }
0x26e: {  	[tilespmem:s9+$0xE0] =	vst v1;
	v1 =	vmul.f32 $1.131370830e+01, v5;
	v5 =	vld [tilespmem:s9+$0x150]  }
0x26f: {  	[tilespmem:s9+$0xF0] =	vst v0;
	v0 =	vmul.f32 $1.131370830e+01, v6;
	v6 =	vld [tilespmem:s9+$0x160]  }
0x270: {  	[tilespmem:s9+$0x100] =	vst v1;
	v1 =	vmul.f32 $1.131370830e+01, v3;
	v3 =	vld [tilespmem:s9+$0x170]  }
0x271: {  	[tilespmem:s9+$0x110] =	vst v0;
	v0 =	vmul.f32 $1.131370830e+01, v4;
	v4 =	vld [tilespmem:s9+$0x180]  }
0x272: {  	[tilespmem:s9+$0x120] =	vst v1;
	v1 =	vmul.f32 $1.131370830e+01, v2;
	v7 =	vld [tilespmem:s9+$0x190]  }
0x273: {  	[tilespmem:s9+$0x130] =	vst v0;
	v2 =	vmul.f32 $1.131370830e+01, v5;
	v8 =	vld [tilespmem:s9+$0x1A0]  }
.Ltmp8:
0x274: {  	[tilespmem:s9+$0x140] =	vst v1;
	v5 =	vmul.f32 $1.131370830e+01, v6;
	v0 =	vld [tilespmem:s9+$0x1B0];
	(pc) =	sbr.rel @p1 .LBB2_15-.Ltmp8, $4  }
0x275: {  	[tilespmem:s9+$0x150] =	vst v2;
	v3 =	vmul.f32 $1.131370830e+01, v3;
	v1 =	vld [tilespmem:s9+$0x1C0]  }
0x276: {  	[tilespmem:s9+$0x160] =	vst v5;
	v6 =	vmul.f32 $1.131370830e+01, v4;
	v2 =	vld [tilespmem:s9+$0x1D0]  }
0x277: {  	[tilespmem:s9+$0x170] =	vst v3;
	v5 =	vmul.f32 $1.131370830e+01, v7;
	v3 =	vld [tilespmem:s9+$0x1E0]  }
0x278: {  	s9 =	sadd.s32 $0x200, s9;
	v4 =	vld [tilespmem:s7+$0x0];
	[tilespmem:s7+$0x180] =	vst v6;
	v6 =	vmul.f32 $1.131370830e+01, v8  }
0x279: {  	[tilespmem:s7+$0x190] =	vst v5;
	v0 =	vmul.f32 $1.131370830e+01, v0  }
0x27a: {  	[tilespmem:s7+$0x1A0] =	vst v6;
	v1 =	vmul.f32 $1.131370830e+01, v1  }
0x27b: {  	[tilespmem:s7+$0x1B0] =	vst v0;
	v0 =	vmul.f32 $1.131370830e+01, v2  }
0x27c: {  	[tilespmem:s7+$0x1C0] =	vst v1;
	v1 =	vmul.f32 $1.131370830e+01, v3  }
0x27d: {  	s8 =	sadd.s32 s1, s12;
	v2 =	vmul.f32 $1.131370830e+01, v4;
	[tilespmem:s7+$0x1D0] =	vst v0  }
0x27e: {  	s8 =	sshll.u32 s8, $0x4;
	[tilespmem:s7+$0x1E0] =	vst v1  }
0x27f: {  	s9 =	simm.s32 $0xF400;
	s8 =	sadd.s32 s3, s8;
	[tilespmem:s7+$0x0] =	vst v2;
	s7 =	simm.s32 @!p0 $0x10  }
0x280: {  	[hbm4b:s8+s4] =	stream.linear.scatter [tilespmem:s9], [sflag:$0x11], $0x2000, $0x38;
	[tilespmem:$0x17400] =	vst v63  }
0x281: {  	_ =	swait.ge @!p0 [sflag:s7], $0x2000  }
0x282: {  	s8 =	simm.s32 @!p0 $0x40;
	[sflag:s7] =	ssyncset.done @!p0 $0x0  }
0x283: {  	s9 =	simm.s32 @!p0 $0xD400;
	[sflag:s7] =	ssyncadd.s32 @!p0 $0xFFFFE000;
	s7 =	sadd.s32 @!p0 $0x780, s20  }
0x284: {  	[tilespmem:s9], [sflag:$0x6] =	stream.indirect.gather @!p0 [hbm4b:s2+s8], $0x80, s7, s8, $0xb8;
	[tilespmem:$0x17400] =	vst v63  }
0x285: {  	_ =	swait.ge [sflag:s19], $0x2000  }
0x286: {  	[sflag:s19] =	ssyncset.done $0x0  }
0x287: {  	s7 =	simm.s32 $0x11400;
	[sflag:s19] =	ssyncadd.s32 $0xFFFFE000  }
0x288: {  	v0 =	vld [tilespmem:s7+$0x1F0]  }
0x289: {  	v1 =	vld [tilespmem:s7+$0x10]  }
0x28a: {  	v2 =	vld [tilespmem:s7+$0x20]  }
0x28b: {  	v3 =	vld [tilespmem:s7+$0x30]  }
0x28c: {  	v6 =	vld [tilespmem:s7+$0x60]  }
0x28d: {  	v4 =	vld [tilespmem:s7+$0x40]  }
0x28e: {  	v5 =	vld [tilespmem:s7+$0x50];
	v0 =	vmul.f32 $1.131370830e+01, v0  }
0x28f: {  	v8 =	vld [tilespmem:s7+$0x80];
	v1 =	vmul.f32 $1.131370830e+01, v1  }
0x290: {  	v7 =	vld [tilespmem:s7+$0x70];
	v2 =	vmul.f32 $1.131370830e+01, v2;
	[tilespmem:s7+$0x1F0] =	vst v0  }
0x291: {  	v6 =	vmul.f32 $1.131370830e+01, v6;
	v0 =	vld [tilespmem:s7+$0x90];
	[tilespmem:s7+$0x10] =	vst v1  }
0x292: {  	v1 =	vmul.f32 $1.131370830e+01, v3;
	v3 =	vld [tilespmem:s7+$0xA0];
	[tilespmem:s7+$0x20] =	vst v2;
	v2 =	vmul.f32 $1.131370830e+01, v4  }
0x293: {  	[tilespmem:s7+$0x60] =	vst v6;
	v6 =	vld [tilespmem:s7+$0xF0]  }
0x294: {  	v4 =	vld [tilespmem:s7+$0xB0];
	[tilespmem:s7+$0x40] =	vst v2;
	v2 =	vmul.f32 $1.131370830e+01, v8  }
0x295: {  	[tilespmem:s7+$0x30] =	vst v1;
	v1 =	vmul.f32 $1.131370830e+01, v5;
	v5 =	vld [tilespmem:s7+$0xC0]  }
0x296: {  	v8 =	vld [tilespmem:s7+$0xD0];
	[tilespmem:s7+$0x80] =	vst v2;
	v2 =	vmul.f32 $1.131370830e+01, v7  }
0x297: {  	[tilespmem:s7+$0x50] =	vst v1;
	v1 =	vld [tilespmem:s7+$0xE0];
	v0 =	vmul.f32 $1.131370830e+01, v0  }
0x298: {  	v7 =	vld [tilespmem:s7+$0x130];
	v6 =	vmul.f32 $1.131370830e+01, v6;
	[tilespmem:s7+$0x70] =	vst v2  }
0x299: {  	v2 =	vmul.f32 $1.131370830e+01, v3;
	v3 =	vld [tilespmem:s7+$0x100];
	[tilespmem:s7+$0x90] =	vst v0  }
0x29a: {  	v0 =	vmul.f32 $1.131370830e+01, v4;
	v4 =	vld [tilespmem:s7+$0x110];
	[tilespmem:s7+$0xF0] =	vst v6  }
0x29b: {  	[tilespmem:s7+$0xA0] =	vst v2;
	v2 =	vmul.f32 $1.131370830e+01, v5;
	v5 =	vld [tilespmem:s7+$0x120]  }
0x29c: {  	v6 =	vld [tilespmem:s7+$0x180];
	[tilespmem:s7+$0xB0] =	vst v0;
	v0 =	vmul.f32 $1.131370830e+01, v8  }
0x29d: {  	v1 =	vmul.f32 $1.131370830e+01, v1;
	[tilespmem:s7+$0xC0] =	vst v2;
	v2 =	vld [tilespmem:s7+$0x140]  }
0x29e: {  	[tilespmem:s7+$0xD0] =	vst v0;
	v0 =	vmul.f32 $1.131370830e+01, v3  }
0x29f: {  	v3 =	vld [tilespmem:s7+$0x150];
	[tilespmem:s7+$0xE0] =	vst v1;
	v4 =	vmul.f32 $1.131370830e+01, v4  }
0x2a0: {  	v1 =	vld [tilespmem:s7+$0x160];
	[tilespmem:s7+$0x100] =	vst v0;
	v0 =	vmul.f32 $1.131370830e+01, v5  }
0x2a1: {  	v6 =	vmul.f32 $1.131370830e+01, v6;
	v5 =	vld [tilespmem:s7+$0x170];
	[tilespmem:s7+$0x110] =	vst v4  }
0x2a2: {  	v4 =	vmul.f32 $1.131370830e+01, v7;
	v7 =	vld [tilespmem:s7+$0x190];
	[tilespmem:s7+$0x120] =	vst v0;
	v0 =	vmul.f32 $1.131370830e+01, v2  }
0x2a3: {  	v8 =	vld [tilespmem:s7+$0x1A0];
	[tilespmem:s7+$0x180] =	vst v6  }
0x2a4: {  	v2 =	vmul.f32 $1.131370830e+01, v3;
	[tilespmem:s7+$0x140] =	vst v0;
	v0 =	vld [tilespmem:s7+$0x1B0]  }
0x2a5: {  	[tilespmem:s7+$0x130] =	vst v4;
	v3 =	vmul.f32 $1.131370830e+01, v1;
	v1 =	vld [tilespmem:s7+$0x1C0]  }
0x2a6: {  	[tilespmem:s7+$0x150] =	vst v2;
	v4 =	vmul.f32 $1.131370830e+01, v5;
	v2 =	vld [tilespmem:s7+$0x1D0]  }
0x2a7: {  	[tilespmem:s7+$0x160] =	vst v3;
	v3 =	vld [tilespmem:s7+$0x1E0];
	v5 =	vmul.f32 $1.131370830e+01, v7  }
0x2a8: {  	s8 =	simm.s32 $0x0;
	s9 =	simm.s32 $0x11600;
	v6 =	vmul.f32 $1.131370830e+01, v8;
	[tilespmem:s7+$0x170] =	vst v4;
	v4 =	vld [tilespmem:s7+$0x0]  }
.LBB2_17:
0x2a9: {  	v7 =	vld [tilespmem:s9+$0x1F0];
	s8 =	sadd.s32 $0x4, s8;
	[tilespmem:s7+$0x190] =	vst v5;
	v0 =	vmul.f32 $1.131370830e+01, v0  }
0x2aa: {  	v5 =	vld [tilespmem:s9+$0x10];
	p1 =	slt.u32 s8, $0x3C;
	[tilespmem:s7+$0x1A0] =	vst v6;
	v1 =	vmul.f32 $1.131370830e+01, v1  }
0x2ab: {  	v6 =	vld [tilespmem:s9+$0x20];
	[tilespmem:s7+$0x1B0] =	vst v0;
	v0 =	vmul.f32 $1.131370830e+01, v2  }
0x2ac: {  	v2 =	vld [tilespmem:s9+$0x30];
	[tilespmem:s7+$0x1C0] =	vst v1;
	v1 =	vmul.f32 $1.131370830e+01, v3  }
0x2ad: {  	v3 =	vld [tilespmem:s9+$0x40];
	v4 =	vmul.f32 $1.131370830e+01, v4;
	[tilespmem:s7+$0x1D0] =	vst v0  }
0x2ae: {  	v0 =	vld [tilespmem:s9+$0x50];
	v7 =	vmul.f32 $1.131370830e+01, v7;
	[tilespmem:s7+$0x1E0] =	vst v1  }
0x2af: {  	v1 =	vmul.f32 $1.131370830e+01, v5;
	v5 =	vld [tilespmem:s9+$0x60];
	[tilespmem:s7+$0x0] =	vst v4;
	s7 =	smov.u32 s9  }
0x2b0: {  	v4 =	vmul.f32 $1.131370830e+01, v6;
	v6 =	vld [tilespmem:s9+$0x70];
	[tilespmem:s9+$0x1F0] =	vst v7  }
0x2b1: {  	[tilespmem:s9+$0x10] =	vst v1;
	v1 =	vmul.f32 $1.131370830e+01, v2;
	v2 =	vld [tilespmem:s9+$0x80]  }
0x2b2: {  	[tilespmem:s9+$0x20] =	vst v4;
	v3 =	vmul.f32 $1.131370830e+01, v3;
	v4 =	vld [tilespmem:s9+$0x90]  }
0x2b3: {  	[tilespmem:s9+$0x30] =	vst v1;
	v0 =	vmul.f32 $1.131370830e+01, v0;
	v1 =	vld [tilespmem:s9+$0xA0]  }
0x2b4: {  	[tilespmem:s9+$0x40] =	vst v3;
	v3 =	vmul.f32 $1.131370830e+01, v5;
	v5 =	vld [tilespmem:s9+$0xB0]  }
0x2b5: {  	[tilespmem:s9+$0x50] =	vst v0;
	v0 =	vmul.f32 $1.131370830e+01, v6;
	v6 =	vld [tilespmem:s9+$0xC0]  }
0x2b6: {  	[tilespmem:s9+$0x60] =	vst v3;
	v2 =	vmul.f32 $1.131370830e+01, v2;
	v3 =	vld [tilespmem:s9+$0xD0]  }
0x2b7: {  	[tilespmem:s9+$0x70] =	vst v0;
	v0 =	vmul.f32 $1.131370830e+01, v4;
	v4 =	vld [tilespmem:s9+$0xE0]  }
0x2b8: {  	[tilespmem:s9+$0x80] =	vst v2;
	v1 =	vmul.f32 $1.131370830e+01, v1;
	v2 =	vld [tilespmem:s9+$0xF0]  }
0x2b9: {  	[tilespmem:s9+$0x90] =	vst v0;
	v0 =	vmul.f32 $1.131370830e+01, v5;
	v5 =	vld [tilespmem:s9+$0x100]  }
0x2ba: {  	[tilespmem:s9+$0xA0] =	vst v1;
	v1 =	vmul.f32 $1.131370830e+01, v6;
	v6 =	vld [tilespmem:s9+$0x110]  }
0x2bb: {  	[tilespmem:s9+$0xB0] =	vst v0;
	v0 =	vmul.f32 $1.131370830e+01, v3;
	v3 =	vld [tilespmem:s9+$0x120]  }
0x2bc: {  	[tilespmem:s9+$0xC0] =	vst v1;
	v1 =	vmul.f32 $1.131370830e+01, v4;
	v4 =	vld [tilespmem:s9+$0x130]  }
0x2bd: {  	[tilespmem:s9+$0xD0] =	vst v0;
	v0 =	vmul.f32 $1.131370830e+01, v2;
	v2 =	vld [tilespmem:s9+$0x140]  }
0x2be: {  	[tilespmem:s9+$0xE0] =	vst v1;
	v1 =	vmul.f32 $1.131370830e+01, v5;
	v5 =	vld [tilespmem:s9+$0x150]  }
0x2bf: {  	[tilespmem:s9+$0xF0] =	vst v0;
	v0 =	vmul.f32 $1.131370830e+01, v6;
	v6 =	vld [tilespmem:s9+$0x160]  }
0x2c0: {  	[tilespmem:s9+$0x100] =	vst v1;
	v1 =	vmul.f32 $1.131370830e+01, v3;
	v3 =	vld [tilespmem:s9+$0x170]  }
0x2c1: {  	[tilespmem:s9+$0x110] =	vst v0;
	v0 =	vmul.f32 $1.131370830e+01, v4;
	v4 =	vld [tilespmem:s9+$0x180]  }
0x2c2: {  	[tilespmem:s9+$0x120] =	vst v1;
	v1 =	vmul.f32 $1.131370830e+01, v2;
	v7 =	vld [tilespmem:s9+$0x190]  }
0x2c3: {  	[tilespmem:s9+$0x130] =	vst v0;
	v2 =	vmul.f32 $1.131370830e+01, v5;
	v8 =	vld [tilespmem:s9+$0x1A0]  }
.Ltmp9:
0x2c4: {  	[tilespmem:s9+$0x140] =	vst v1;
	v5 =	vmul.f32 $1.131370830e+01, v6;
	v0 =	vld [tilespmem:s9+$0x1B0];
	(pc) =	sbr.rel @p1 .LBB2_17-.Ltmp9, $4  }
0x2c5: {  	[tilespmem:s9+$0x150] =	vst v2;
	v3 =	vmul.f32 $1.131370830e+01, v3;
	v1 =	vld [tilespmem:s9+$0x1C0]  }
0x2c6: {  	[tilespmem:s9+$0x160] =	vst v5;
	v6 =	vmul.f32 $1.131370830e+01, v4;
	v2 =	vld [tilespmem:s9+$0x1D0]  }
0x2c7: {  	[tilespmem:s9+$0x170] =	vst v3;
	v5 =	vmul.f32 $1.131370830e+01, v7;
	v3 =	vld [tilespmem:s9+$0x1E0]  }
0x2c8: {  	s9 =	sadd.s32 $0x200, s9;
	v4 =	vld [tilespmem:s7+$0x0];
	[tilespmem:s7+$0x180] =	vst v6;
	v6 =	vmul.f32 $1.131370830e+01, v8  }
0x2c9: {  	[tilespmem:s7+$0x190] =	vst v5;
	v0 =	vmul.f32 $1.131370830e+01, v0  }
0x2ca: {  	[tilespmem:s7+$0x1A0] =	vst v6;
	v1 =	vmul.f32 $1.131370830e+01, v1  }
0x2cb: {  	[tilespmem:s7+$0x1B0] =	vst v0;
	v0 =	vmul.f32 $1.131370830e+01, v2  }
0x2cc: {  	[tilespmem:s7+$0x1C0] =	vst v1;
	v1 =	vmul.f32 $1.131370830e+01, v3  }
0x2cd: {  	s8 =	sadd.s32 s1, s13;
	v2 =	vmul.f32 $1.131370830e+01, v4;
	[tilespmem:s7+$0x1D0] =	vst v0  }
0x2ce: {  	s8 =	sshll.u32 s8, $0x4;
	[tilespmem:s7+$0x1E0] =	vst v1  }
0x2cf: {  	s9 =	simm.s32 $0x11400;
	s8 =	sadd.s32 s3, s8;
	[tilespmem:s7+$0x0] =	vst v2;
	s7 =	simm.s32 @!p0 $0x11  }
0x2d0: {  	[hbm4b:s8+s4] =	stream.linear.scatter [tilespmem:s9], [sflag:$0x12], $0x2000, $0x38;
	[tilespmem:$0x17400] =	vst v63  }
0x2d1: {  	_ =	swait.ge @!p0 [sflag:s7], $0x2000  }
0x2d2: {  	s8 =	simm.s32 @!p0 $0x40;
	[sflag:s7] =	ssyncset.done @!p0 $0x0  }
0x2d3: {  	s9 =	simm.s32 @!p0 $0xF400;
	[sflag:s7] =	ssyncadd.s32 @!p0 $0xFFFFE000;
	s7 =	sadd.s32 @!p0 $0x800, s20  }
0x2d4: {  	[tilespmem:s9], [sflag:$0x7] =	stream.indirect.gather @!p0 [hbm4b:s2+s8], $0x80, s7, s8, $0xb8;
	[tilespmem:$0x17400] =	vst v63  }
0x2d5: {  	_ =	swait.ge [sflag:s21], $0x2000  }
0x2d6: {  	[sflag:s21] =	ssyncset.done $0x0  }
0x2d7: {  	s7 =	simm.s32 $0x13400;
	[sflag:s21] =	ssyncadd.s32 $0xFFFFE000  }
0x2d8: {  	v0 =	vld [tilespmem:s7+$0x1F0]  }
0x2d9: {  	v1 =	vld [tilespmem:s7+$0x10]  }
0x2da: {  	v2 =	vld [tilespmem:s7+$0x20]  }
0x2db: {  	v3 =	vld [tilespmem:s7+$0x30]  }
0x2dc: {  	v6 =	vld [tilespmem:s7+$0x60]  }
0x2dd: {  	v4 =	vld [tilespmem:s7+$0x40]  }
0x2de: {  	v5 =	vld [tilespmem:s7+$0x50];
	v0 =	vmul.f32 $1.131370830e+01, v0  }
0x2df: {  	v8 =	vld [tilespmem:s7+$0x80];
	v1 =	vmul.f32 $1.131370830e+01, v1  }
0x2e0: {  	v7 =	vld [tilespmem:s7+$0x70];
	v2 =	vmul.f32 $1.131370830e+01, v2;
	[tilespmem:s7+$0x1F0] =	vst v0  }
0x2e1: {  	v6 =	vmul.f32 $1.131370830e+01, v6;
	v0 =	vld [tilespmem:s7+$0x90];
	[tilespmem:s7+$0x10] =	vst v1  }
0x2e2: {  	v1 =	vmul.f32 $1.131370830e+01, v3;
	v3 =	vld [tilespmem:s7+$0xA0];
	[tilespmem:s7+$0x20] =	vst v2;
	v2 =	vmul.f32 $1.131370830e+01, v4  }
0x2e3: {  	[tilespmem:s7+$0x60] =	vst v6;
	v6 =	vld [tilespmem:s7+$0xF0]  }
0x2e4: {  	v4 =	vld [tilespmem:s7+$0xB0];
	[tilespmem:s7+$0x40] =	vst v2;
	v2 =	vmul.f32 $1.131370830e+01, v8  }
0x2e5: {  	[tilespmem:s7+$0x30] =	vst v1;
	v1 =	vmul.f32 $1.131370830e+01, v5;
	v5 =	vld [tilespmem:s7+$0xC0]  }
0x2e6: {  	v8 =	vld [tilespmem:s7+$0xD0];
	[tilespmem:s7+$0x80] =	vst v2;
	v2 =	vmul.f32 $1.131370830e+01, v7  }
0x2e7: {  	[tilespmem:s7+$0x50] =	vst v1;
	v1 =	vld [tilespmem:s7+$0xE0];
	v0 =	vmul.f32 $1.131370830e+01, v0  }
0x2e8: {  	v7 =	vld [tilespmem:s7+$0x130];
	v6 =	vmul.f32 $1.131370830e+01, v6;
	[tilespmem:s7+$0x70] =	vst v2  }
0x2e9: {  	v2 =	vmul.f32 $1.131370830e+01, v3;
	v3 =	vld [tilespmem:s7+$0x100];
	[tilespmem:s7+$0x90] =	vst v0  }
0x2ea: {  	v0 =	vmul.f32 $1.131370830e+01, v4;
	v4 =	vld [tilespmem:s7+$0x110];
	[tilespmem:s7+$0xF0] =	vst v6  }
0x2eb: {  	[tilespmem:s7+$0xA0] =	vst v2;
	v2 =	vmul.f32 $1.131370830e+01, v5;
	v5 =	vld [tilespmem:s7+$0x120]  }
0x2ec: {  	v6 =	vld [tilespmem:s7+$0x180];
	[tilespmem:s7+$0xB0] =	vst v0;
	v0 =	vmul.f32 $1.131370830e+01, v8  }
0x2ed: {  	v1 =	vmul.f32 $1.131370830e+01, v1;
	[tilespmem:s7+$0xC0] =	vst v2;
	v2 =	vld [tilespmem:s7+$0x140]  }
0x2ee: {  	[tilespmem:s7+$0xD0] =	vst v0;
	v0 =	vmul.f32 $1.131370830e+01, v3  }
0x2ef: {  	v3 =	vld [tilespmem:s7+$0x150];
	[tilespmem:s7+$0xE0] =	vst v1;
	v4 =	vmul.f32 $1.131370830e+01, v4  }
0x2f0: {  	v1 =	vld [tilespmem:s7+$0x160];
	[tilespmem:s7+$0x100] =	vst v0;
	v0 =	vmul.f32 $1.131370830e+01, v5  }
0x2f1: {  	v6 =	vmul.f32 $1.131370830e+01, v6;
	v5 =	vld [tilespmem:s7+$0x170];
	[tilespmem:s7+$0x110] =	vst v4  }
0x2f2: {  	v4 =	vmul.f32 $1.131370830e+01, v7;
	v7 =	vld [tilespmem:s7+$0x190];
	[tilespmem:s7+$0x120] =	vst v0;
	v0 =	vmul.f32 $1.131370830e+01, v2  }
0x2f3: {  	v8 =	vld [tilespmem:s7+$0x1A0];
	[tilespmem:s7+$0x180] =	vst v6  }
0x2f4: {  	v2 =	vmul.f32 $1.131370830e+01, v3;
	[tilespmem:s7+$0x140] =	vst v0;
	v0 =	vld [tilespmem:s7+$0x1B0]  }
0x2f5: {  	[tilespmem:s7+$0x130] =	vst v4;
	v3 =	vmul.f32 $1.131370830e+01, v1;
	v1 =	vld [tilespmem:s7+$0x1C0]  }
0x2f6: {  	[tilespmem:s7+$0x150] =	vst v2;
	v4 =	vmul.f32 $1.131370830e+01, v5;
	v2 =	vld [tilespmem:s7+$0x1D0]  }
0x2f7: {  	[tilespmem:s7+$0x160] =	vst v3;
	v3 =	vld [tilespmem:s7+$0x1E0];
	v5 =	vmul.f32 $1.131370830e+01, v7  }
0x2f8: {  	s8 =	simm.s32 $0x0;
	s9 =	simm.s32 $0x13600;
	v6 =	vmul.f32 $1.131370830e+01, v8;
	[tilespmem:s7+$0x170] =	vst v4;
	v4 =	vld [tilespmem:s7+$0x0]  }
.LBB2_19:
0x2f9: {  	v7 =	vld [tilespmem:s9+$0x1F0];
	s8 =	sadd.s32 $0x4, s8;
	[tilespmem:s7+$0x190] =	vst v5;
	v0 =	vmul.f32 $1.131370830e+01, v0  }
0x2fa: {  	v5 =	vld [tilespmem:s9+$0x10];
	p1 =	slt.u32 s8, $0x3C;
	[tilespmem:s7+$0x1A0] =	vst v6;
	v1 =	vmul.f32 $1.131370830e+01, v1  }
0x2fb: {  	v6 =	vld [tilespmem:s9+$0x20];
	[tilespmem:s7+$0x1B0] =	vst v0;
	v0 =	vmul.f32 $1.131370830e+01, v2  }
0x2fc: {  	v2 =	vld [tilespmem:s9+$0x30];
	[tilespmem:s7+$0x1C0] =	vst v1;
	v1 =	vmul.f32 $1.131370830e+01, v3  }
0x2fd: {  	v3 =	vld [tilespmem:s9+$0x40];
	v4 =	vmul.f32 $1.131370830e+01, v4;
	[tilespmem:s7+$0x1D0] =	vst v0  }
0x2fe: {  	v0 =	vld [tilespmem:s9+$0x50];
	v7 =	vmul.f32 $1.131370830e+01, v7;
	[tilespmem:s7+$0x1E0] =	vst v1  }
0x2ff: {  	v1 =	vmul.f32 $1.131370830e+01, v5;
	v5 =	vld [tilespmem:s9+$0x60];
	[tilespmem:s7+$0x0] =	vst v4;
	s7 =	smov.u32 s9  }
0x300: {  	v4 =	vmul.f32 $1.131370830e+01, v6;
	v6 =	vld [tilespmem:s9+$0x70];
	[tilespmem:s9+$0x1F0] =	vst v7  }
0x301: {  	[tilespmem:s9+$0x10] =	vst v1;
	v1 =	vmul.f32 $1.131370830e+01, v2;
	v2 =	vld [tilespmem:s9+$0x80]  }
0x302: {  	[tilespmem:s9+$0x20] =	vst v4;
	v3 =	vmul.f32 $1.131370830e+01, v3;
	v4 =	vld [tilespmem:s9+$0x90]  }
0x303: {  	[tilespmem:s9+$0x30] =	vst v1;
	v0 =	vmul.f32 $1.131370830e+01, v0;
	v1 =	vld [tilespmem:s9+$0xA0]  }
0x304: {  	[tilespmem:s9+$0x40] =	vst v3;
	v3 =	vmul.f32 $1.131370830e+01, v5;
	v5 =	vld [tilespmem:s9+$0xB0]  }
0x305: {  	[tilespmem:s9+$0x50] =	vst v0;
	v0 =	vmul.f32 $1.131370830e+01, v6;
	v6 =	vld [tilespmem:s9+$0xC0]  }
0x306: {  	[tilespmem:s9+$0x60] =	vst v3;
	v2 =	vmul.f32 $1.131370830e+01, v2;
	v3 =	vld [tilespmem:s9+$0xD0]  }
0x307: {  	[tilespmem:s9+$0x70] =	vst v0;
	v0 =	vmul.f32 $1.131370830e+01, v4;
	v4 =	vld [tilespmem:s9+$0xE0]  }
0x308: {  	[tilespmem:s9+$0x80] =	vst v2;
	v1 =	vmul.f32 $1.131370830e+01, v1;
	v2 =	vld [tilespmem:s9+$0xF0]  }
0x309: {  	[tilespmem:s9+$0x90] =	vst v0;
	v0 =	vmul.f32 $1.131370830e+01, v5;
	v5 =	vld [tilespmem:s9+$0x100]  }
0x30a: {  	[tilespmem:s9+$0xA0] =	vst v1;
	v1 =	vmul.f32 $1.131370830e+01, v6;
	v6 =	vld [tilespmem:s9+$0x110]  }
0x30b: {  	[tilespmem:s9+$0xB0] =	vst v0;
	v0 =	vmul.f32 $1.131370830e+01, v3;
	v3 =	vld [tilespmem:s9+$0x120]  }
0x30c: {  	[tilespmem:s9+$0xC0] =	vst v1;
	v1 =	vmul.f32 $1.131370830e+01, v4;
	v4 =	vld [tilespmem:s9+$0x130]  }
0x30d: {  	[tilespmem:s9+$0xD0] =	vst v0;
	v0 =	vmul.f32 $1.131370830e+01, v2;
	v2 =	vld [tilespmem:s9+$0x140]  }
0x30e: {  	[tilespmem:s9+$0xE0] =	vst v1;
	v1 =	vmul.f32 $1.131370830e+01, v5;
	v5 =	vld [tilespmem:s9+$0x150]  }
0x30f: {  	[tilespmem:s9+$0xF0] =	vst v0;
	v0 =	vmul.f32 $1.131370830e+01, v6;
	v6 =	vld [tilespmem:s9+$0x160]  }
0x310: {  	[tilespmem:s9+$0x100] =	vst v1;
	v1 =	vmul.f32 $1.131370830e+01, v3;
	v3 =	vld [tilespmem:s9+$0x170]  }
0x311: {  	[tilespmem:s9+$0x110] =	vst v0;
	v0 =	vmul.f32 $1.131370830e+01, v4;
	v4 =	vld [tilespmem:s9+$0x180]  }
0x312: {  	[tilespmem:s9+$0x120] =	vst v1;
	v1 =	vmul.f32 $1.131370830e+01, v2;
	v7 =	vld [tilespmem:s9+$0x190]  }
0x313: {  	[tilespmem:s9+$0x130] =	vst v0;
	v2 =	vmul.f32 $1.131370830e+01, v5;
	v8 =	vld [tilespmem:s9+$0x1A0]  }
.Ltmp10:
0x314: {  	[tilespmem:s9+$0x140] =	vst v1;
	v5 =	vmul.f32 $1.131370830e+01, v6;
	v0 =	vld [tilespmem:s9+$0x1B0];
	(pc) =	sbr.rel @p1 .LBB2_19-.Ltmp10, $4  }
0x315: {  	[tilespmem:s9+$0x150] =	vst v2;
	v3 =	vmul.f32 $1.131370830e+01, v3;
	v1 =	vld [tilespmem:s9+$0x1C0]  }
0x316: {  	[tilespmem:s9+$0x160] =	vst v5;
	v6 =	vmul.f32 $1.131370830e+01, v4;
	v2 =	vld [tilespmem:s9+$0x1D0]  }
0x317: {  	[tilespmem:s9+$0x170] =	vst v3;
	v5 =	vmul.f32 $1.131370830e+01, v7;
	v3 =	vld [tilespmem:s9+$0x1E0]  }
0x318: {  	s9 =	sadd.s32 $0x200, s9;
	v4 =	vld [tilespmem:s7+$0x0];
	[tilespmem:s7+$0x180] =	vst v6;
	v6 =	vmul.f32 $1.131370830e+01, v8  }
0x319: {  	[tilespmem:s7+$0x190] =	vst v5;
	v0 =	vmul.f32 $1.131370830e+01, v0  }
0x31a: {  	[tilespmem:s7+$0x1A0] =	vst v6;
	v1 =	vmul.f32 $1.131370830e+01, v1  }
0x31b: {  	[tilespmem:s7+$0x1B0] =	vst v0;
	v0 =	vmul.f32 $1.131370830e+01, v2  }
0x31c: {  	[tilespmem:s7+$0x1C0] =	vst v1;
	v1 =	vmul.f32 $1.131370830e+01, v3  }
0x31d: {  	s1 =	sadd.s32 s1, s14;
	v2 =	vmul.f32 $1.131370830e+01, v4;
	[tilespmem:s7+$0x1D0] =	vst v0  }
0x31e: {  	s1 =	sshll.u32 s1, $0x4;
	[tilespmem:s7+$0x1E0] =	vst v1  }
0x31f: {  	s1 =	sadd.s32 s3, s1;
	[tilespmem:s7+$0x0] =	vst v2  }
0x320: {  	[hbm4b:s1+s4] =	stream.linear.scatter [tilespmem:s24], [sflag:$0x13], $0x2000, $0x38;
	[tilespmem:$0x17400] =	vst v63  }
0x321: {  	s1 =	simm.s32 @!p0 $0x12  }
0x322: {  	_ =	swait.ge @!p0 [sflag:s1], $0x2000  }
0x323: {  	s8 =	simm.s32 @!p0 $0x11400;
	[sflag:s1] =	ssyncset.done @!p0 $0x0  }
0x324: {  	s7 =	simm.s32 @!p0 $0x40;
	[sflag:s1] =	ssyncadd.s32 @!p0 $0xFFFFE000;
	s1 =	sadd.s32 @!p0 $0x880, s20  }
0x325: {  	[tilespmem:s8], [sflag:$0x8] =	stream.indirect.gather @!p0 [hbm4b:s2+s7], $0x80, s1, s7, $0xb8;
	[tilespmem:$0x17400] =	vst v63  }
0x326: {  	_ =	swait.ge [sflag:s23], $0x2000  }
0x327: {  	[sflag:s23] =	ssyncset.done $0x0  }
0x328: {  	s1 =	simm.s32 $0x15400;
	[sflag:s23] =	ssyncadd.s32 $0xFFFFE000  }
0x329: {  	v0 =	vld [tilespmem:s1+$0x1F0]  }
0x32a: {  	v1 =	vld [tilespmem:s1+$0x10]  }
0x32b: {  	v2 =	vld [tilespmem:s1+$0x20]  }
0x32c: {  	v3 =	vld [tilespmem:s1+$0x30]  }
0x32d: {  	v6 =	vld [tilespmem:s1+$0x60]  }
0x32e: {  	v4 =	vld [tilespmem:s1+$0x40]  }
0x32f: {  	v5 =	vld [tilespmem:s1+$0x50];
	v0 =	vmul.f32 $1.131370830e+01, v0  }
0x330: {  	v8 =	vld [tilespmem:s1+$0x80];
	v1 =	vmul.f32 $1.131370830e+01, v1  }
0x331: {  	v7 =	vld [tilespmem:s1+$0x70];
	v2 =	vmul.f32 $1.131370830e+01, v2;
	[tilespmem:s1+$0x1F0] =	vst v0  }
0x332: {  	v6 =	vmul.f32 $1.131370830e+01, v6;
	v0 =	vld [tilespmem:s1+$0x90];
	[tilespmem:s1+$0x10] =	vst v1  }
0x333: {  	v1 =	vmul.f32 $1.131370830e+01, v3;
	v3 =	vld [tilespmem:s1+$0xA0];
	[tilespmem:s1+$0x20] =	vst v2;
	v2 =	vmul.f32 $1.131370830e+01, v4  }
0x334: {  	[tilespmem:s1+$0x60] =	vst v6;
	v6 =	vld [tilespmem:s1+$0xF0]  }
0x335: {  	v4 =	vld [tilespmem:s1+$0xB0];
	[tilespmem:s1+$0x40] =	vst v2;
	v2 =	vmul.f32 $1.131370830e+01, v8  }
0x336: {  	[tilespmem:s1+$0x30] =	vst v1;
	v1 =	vmul.f32 $1.131370830e+01, v5;
	v5 =	vld [tilespmem:s1+$0xC0]  }
0x337: {  	v8 =	vld [tilespmem:s1+$0xD0];
	[tilespmem:s1+$0x80] =	vst v2;
	v2 =	vmul.f32 $1.131370830e+01, v7  }
0x338: {  	[tilespmem:s1+$0x50] =	vst v1;
	v1 =	vld [tilespmem:s1+$0xE0];
	v0 =	vmul.f32 $1.131370830e+01, v0  }
0x339: {  	v7 =	vld [tilespmem:s1+$0x130];
	v6 =	vmul.f32 $1.131370830e+01, v6;
	[tilespmem:s1+$0x70] =	vst v2  }
0x33a: {  	v2 =	vmul.f32 $1.131370830e+01, v3;
	v3 =	vld [tilespmem:s1+$0x100];
	[tilespmem:s1+$0x90] =	vst v0  }
0x33b: {  	v0 =	vmul.f32 $1.131370830e+01, v4;
	v4 =	vld [tilespmem:s1+$0x110];
	[tilespmem:s1+$0xF0] =	vst v6  }
0x33c: {  	[tilespmem:s1+$0xA0] =	vst v2;
	v2 =	vmul.f32 $1.131370830e+01, v5;
	v5 =	vld [tilespmem:s1+$0x120]  }
0x33d: {  	v6 =	vld [tilespmem:s1+$0x180];
	[tilespmem:s1+$0xB0] =	vst v0;
	v0 =	vmul.f32 $1.131370830e+01, v8  }
0x33e: {  	v1 =	vmul.f32 $1.131370830e+01, v1;
	[tilespmem:s1+$0xC0] =	vst v2;
	v2 =	vld [tilespmem:s1+$0x140]  }
0x33f: {  	[tilespmem:s1+$0xD0] =	vst v0;
	v0 =	vmul.f32 $1.131370830e+01, v3  }
0x340: {  	v3 =	vld [tilespmem:s1+$0x150];
	[tilespmem:s1+$0xE0] =	vst v1;
	v4 =	vmul.f32 $1.131370830e+01, v4  }
0x341: {  	v1 =	vld [tilespmem:s1+$0x160];
	[tilespmem:s1+$0x100] =	vst v0;
	v0 =	vmul.f32 $1.131370830e+01, v5  }
0x342: {  	v6 =	vmul.f32 $1.131370830e+01, v6;
	v5 =	vld [tilespmem:s1+$0x170];
	[tilespmem:s1+$0x110] =	vst v4  }
0x343: {  	v4 =	vmul.f32 $1.131370830e+01, v7;
	v7 =	vld [tilespmem:s1+$0x190];
	[tilespmem:s1+$0x120] =	vst v0;
	v0 =	vmul.f32 $1.131370830e+01, v2  }
0x344: {  	v8 =	vld [tilespmem:s1+$0x1A0];
	[tilespmem:s1+$0x180] =	vst v6  }
0x345: {  	v2 =	vmul.f32 $1.131370830e+01, v3;
	[tilespmem:s1+$0x140] =	vst v0;
	v0 =	vld [tilespmem:s1+$0x1B0]  }
0x346: {  	[tilespmem:s1+$0x130] =	vst v4;
	v3 =	vmul.f32 $1.131370830e+01, v1;
	v1 =	vld [tilespmem:s1+$0x1C0]  }
0x347: {  	[tilespmem:s1+$0x150] =	vst v2;
	v4 =	vmul.f32 $1.131370830e+01, v5;
	v2 =	vld [tilespmem:s1+$0x1D0]  }
0x348: {  	[tilespmem:s1+$0x160] =	vst v3;
	v3 =	vld [tilespmem:s1+$0x1E0];
	v5 =	vmul.f32 $1.131370830e+01, v7  }
0x349: {  	s7 =	simm.s32 $0x0;
	s8 =	simm.s32 $0x15600;
	v6 =	vmul.f32 $1.131370830e+01, v8;
	[tilespmem:s1+$0x170] =	vst v4;
	v4 =	vld [tilespmem:s1+$0x0]  }
.LBB2_21:
0x34a: {  	v7 =	vld [tilespmem:s8+$0x1F0];
	s7 =	sadd.s32 $0x4, s7;
	[tilespmem:s1+$0x190] =	vst v5;
	v0 =	vmul.f32 $1.131370830e+01, v0  }
0x34b: {  	v5 =	vld [tilespmem:s8+$0x10];
	p1 =	slt.u32 s7, $0x3C;
	[tilespmem:s1+$0x1A0] =	vst v6;
	v1 =	vmul.f32 $1.131370830e+01, v1  }
0x34c: {  	v6 =	vld [tilespmem:s8+$0x20];
	[tilespmem:s1+$0x1B0] =	vst v0;
	v0 =	vmul.f32 $1.131370830e+01, v2  }
0x34d: {  	v2 =	vld [tilespmem:s8+$0x30];
	[tilespmem:s1+$0x1C0] =	vst v1;
	v1 =	vmul.f32 $1.131370830e+01, v3  }
0x34e: {  	v3 =	vld [tilespmem:s8+$0x40];
	v4 =	vmul.f32 $1.131370830e+01, v4;
	[tilespmem:s1+$0x1D0] =	vst v0  }
0x34f: {  	v0 =	vld [tilespmem:s8+$0x50];
	v7 =	vmul.f32 $1.131370830e+01, v7;
	[tilespmem:s1+$0x1E0] =	vst v1  }
0x350: {  	v1 =	vmul.f32 $1.131370830e+01, v5;
	v5 =	vld [tilespmem:s8+$0x60];
	[tilespmem:s1+$0x0] =	vst v4;
	s1 =	smov.u32 s8  }
0x351: {  	v4 =	vmul.f32 $1.131370830e+01, v6;
	v6 =	vld [tilespmem:s8+$0x70];
	[tilespmem:s8+$0x1F0] =	vst v7  }
0x352: {  	[tilespmem:s8+$0x10] =	vst v1;
	v1 =	vmul.f32 $1.131370830e+01, v2;
	v2 =	vld [tilespmem:s8+$0x80]  }
0x353: {  	[tilespmem:s8+$0x20] =	vst v4;
	v3 =	vmul.f32 $1.131370830e+01, v3;
	v4 =	vld [tilespmem:s8+$0x90]  }
0x354: {  	[tilespmem:s8+$0x30] =	vst v1;
	v0 =	vmul.f32 $1.131370830e+01, v0;
	v1 =	vld [tilespmem:s8+$0xA0]  }
0x355: {  	[tilespmem:s8+$0x40] =	vst v3;
	v3 =	vmul.f32 $1.131370830e+01, v5;
	v5 =	vld [tilespmem:s8+$0xB0]  }
0x356: {  	[tilespmem:s8+$0x50] =	vst v0;
	v0 =	vmul.f32 $1.131370830e+01, v6;
	v6 =	vld [tilespmem:s8+$0xC0]  }
0x357: {  	[tilespmem:s8+$0x60] =	vst v3;
	v2 =	vmul.f32 $1.131370830e+01, v2;
	v3 =	vld [tilespmem:s8+$0xD0]  }
0x358: {  	[tilespmem:s8+$0x70] =	vst v0;
	v0 =	vmul.f32 $1.131370830e+01, v4;
	v4 =	vld [tilespmem:s8+$0xE0]  }
0x359: {  	[tilespmem:s8+$0x80] =	vst v2;
	v1 =	vmul.f32 $1.131370830e+01, v1;
	v2 =	vld [tilespmem:s8+$0xF0]  }
0x35a: {  	[tilespmem:s8+$0x90] =	vst v0;
	v0 =	vmul.f32 $1.131370830e+01, v5;
	v5 =	vld [tilespmem:s8+$0x100]  }
0x35b: {  	[tilespmem:s8+$0xA0] =	vst v1;
	v1 =	vmul.f32 $1.131370830e+01, v6;
	v6 =	vld [tilespmem:s8+$0x110]  }
0x35c: {  	[tilespmem:s8+$0xB0] =	vst v0;
	v0 =	vmul.f32 $1.131370830e+01, v3;
	v3 =	vld [tilespmem:s8+$0x120]  }
0x35d: {  	[tilespmem:s8+$0xC0] =	vst v1;
	v1 =	vmul.f32 $1.131370830e+01, v4;
	v4 =	vld [tilespmem:s8+$0x130]  }
0x35e: {  	[tilespmem:s8+$0xD0] =	vst v0;
	v0 =	vmul.f32 $1.131370830e+01, v2;
	v2 =	vld [tilespmem:s8+$0x140]  }
0x35f: {  	[tilespmem:s8+$0xE0] =	vst v1;
	v1 =	vmul.f32 $1.131370830e+01, v5;
	v5 =	vld [tilespmem:s8+$0x150]  }
0x360: {  	[tilespmem:s8+$0xF0] =	vst v0;
	v0 =	vmul.f32 $1.131370830e+01, v6;
	v6 =	vld [tilespmem:s8+$0x160]  }
0x361: {  	[tilespmem:s8+$0x100] =	vst v1;
	v1 =	vmul.f32 $1.131370830e+01, v3;
	v3 =	vld [tilespmem:s8+$0x170]  }
0x362: {  	[tilespmem:s8+$0x110] =	vst v0;
	v0 =	vmul.f32 $1.131370830e+01, v4;
	v4 =	vld [tilespmem:s8+$0x180]  }
0x363: {  	[tilespmem:s8+$0x120] =	vst v1;
	v1 =	vmul.f32 $1.131370830e+01, v2;
	v7 =	vld [tilespmem:s8+$0x190]  }
0x364: {  	[tilespmem:s8+$0x130] =	vst v0;
	v2 =	vmul.f32 $1.131370830e+01, v5;
	v8 =	vld [tilespmem:s8+$0x1A0]  }
.Ltmp11:
0x365: {  	[tilespmem:s8+$0x140] =	vst v1;
	v5 =	vmul.f32 $1.131370830e+01, v6;
	v0 =	vld [tilespmem:s8+$0x1B0];
	(pc) =	sbr.rel @p1 .LBB2_21-.Ltmp11, $4  }
0x366: {  	[tilespmem:s8+$0x150] =	vst v2;
	v3 =	vmul.f32 $1.131370830e+01, v3;
	v1 =	vld [tilespmem:s8+$0x1C0]  }
0x367: {  	[tilespmem:s8+$0x160] =	vst v5;
	v6 =	vmul.f32 $1.131370830e+01, v4;
	v2 =	vld [tilespmem:s8+$0x1D0]  }
0x368: {  	[tilespmem:s8+$0x170] =	vst v3;
	v5 =	vmul.f32 $1.131370830e+01, v7;
	v3 =	vld [tilespmem:s8+$0x1E0]  }
0x369: {  	s8 =	sadd.s32 $0x200, s8;
	v4 =	vld [tilespmem:s1+$0x0];
	[tilespmem:s1+$0x180] =	vst v6;
	v6 =	vmul.f32 $1.131370830e+01, v8  }
0x36a: {  	[tilespmem:s1+$0x190] =	vst v5;
	v0 =	vmul.f32 $1.131370830e+01, v0  }
0x36b: {  	[tilespmem:s1+$0x1A0] =	vst v6;
	v1 =	vmul.f32 $1.131370830e+01, v1  }
0x36c: {  	[tilespmem:s1+$0x1B0] =	vst v0;
	v61 =	vmul.f32 $1.131370830e+01, v2  }
.Ltmp12:
0x36d: {  	s7 =	sshll.u32 s30, $0xD;
	[tilespmem:s1+$0x1C0] =	vst v1;
	v62 =	vmul.f32 $1.131370830e+01, v3;
	(pc) =	sbr.rel @p0 .LBB2_24-.Ltmp12, $4  }
0x36e: {  	s7 =	sadd.s32 s15, s7;
	v63 =	vmul.f32 $1.131370830e+01, v4;
	[tilespmem:s1+$0x1D0] =	vst v61  }
0x36f: {  	s7 =	sshrl.u32 s7, $0x3;
	[tilespmem:s1+$0x1E0] =	vst v62  }
0x370: {  	s30 =	sadd.s32 s3, s7;
	[tilespmem:s1+$0x0] =	vst v63  }
0x371: {  	[hbm4b:s30+s4] =	stream.linear.scatter [tilespmem:s29], [sflag:$0x14], $0x2000, $0x38;
	[tilespmem:$0x17400] =	vst v63  }
0x372: {  	s1 =	smul.u32 $0x1400, s28  }
.Ltmp13:
0x373: {  	_ = 	snop;
	(pc) =	sbr.rel .LBB2_2-.Ltmp13, $4  }
0x374: {  	_ =	swait.ge [sflag:s25], $0x2000  }
0x375: {  	[sflag:s25] =	ssyncset.done $0x0;
	s1 =	sshra.s32 s1, $0x2  }
0x376: {  	s28 =	sadd.s32 $0x1, s28;
	[sflag:s25] =	ssyncadd.s32 $0xFFFFE000;
	s1 =	sadd.s32 $0x900, s1  }
0x377: {  	[tilespmem:s24], [sflag:$0x9] =	stream.indirect.gather [hbm4b:s2+s18], $0x80, s1, s18, $0xb8;
	[tilespmem:$0x17400] =	vst v63  }
.LBB2_25:
0x378: {  	_ =	sfence.sel $0x180000  }
0x379: {  	[bflag:$0x0] =	sbarrier.arrive $0xFFFF  }
0x37a: {  	_ =	strace $0x90000047  }
0x37b: {  	s0 =	stileid.u32;
	[bflag:$0x2] =	sbarrier.arrive $0xFFFF  }
0x37c: {  	p0 =	sne.s32 s0, $0x0;
	s0 =	rddreg [dreg:$0x3]  }
0x37d: {  	s0 =	sadd.s32 @!p0 $0x100000, s0  }
0x37e: {  	[sflag:s0] =	ssyncadd.tile.s32 @!p0 $0x1;
	_ =	shalt  }
.Lfunc_end2:
_tile_overlayer_lowered:
.L_overlay_start_2:
0x37f: {  	(tag) =	ssettag $0x2  }
0x380: {  	s0 =	rddreg [dreg:$0x0];
	s2 =	stileid.u32  }
0x381: {  	s1 =	rddreg [dreg:$0x1];
	p0 =	sne.s32 s2, $0x0  }
0x382: {  	s3 =	rddreg [dreg:$0x2];
	[bflag:$0x3] =	sbarrier.arrive $0xFFFF;
	s2 =	simm.s32 @!p0 $0x1C15  }
0x383: {  	[timem:s3], [sflag:s2] =	dma.local @!p0 [hbm:s0], s1  }
0x384: {  	s0 =	simm.s32 @!p0 $0x15  }
0x385: {  	_ =	swait.ge @!p0 [sflag:s0], s1  }
0x386: {  	s1 =	ssub.s32 @!p0 $0x0, s1;
	[sflag:s0] =	ssyncset.done @!p0 $0x0  }
0x387: {  	[sflag:s0] =	ssyncadd.s32 @!p0 s1  }
0x388: {  	[bflag:$0x3] =	sbarrier.arrive $0xFFFF  }
0x389: {  	_ =	shalt  }

</sc_bundles>
